<compile_context>
chip_gen: v7x
topology: tpu7x:2x2x1
jax: 0.10.2.dev20260603
libtpu: 0.0.44.dev20260713+nightly
codegen_flags: <defaults>
</compile_context>

<pallas_src>
import functools

import jax
import jax.numpy as jnp
from jax import lax
from jax.experimental import pallas as pl
from jax.experimental.pallas import tpu as pltpu
from jax.experimental.pallas import tpu_sc as plsc

_NC = 2
_NS = 16
_NW = _NC * _NS
_G = 128
_WIN = 400
_PDIM = 128


def _sc_gather(idx_flat, table, seq, pseq):
    n = idx_flat.shape[0]
    batch = n // seq
    bpw = _WIN // seq
    ids_per_worker = n // _NW
    batches_per_worker = batch // _NW
    n_win = ids_per_worker // _WIN
    n_out = batch * pseq
    chunks = []
    off = 0
    while off < _WIN:
        c = min(_G, _WIN - off)
        chunks.append((off, c))
        off += c
    mesh = plsc.VectorSubcoreMesh(core_axis_name="c", subcore_axis_name="s")

    @functools.partial(
        pl.kernel,
        mesh=mesh,
        out_type=jax.ShapeDtypeStruct((n_out, _PDIM), jnp.float32),
        scratch_types=[
            pltpu.VMEM((2, _WIN), jnp.int32),
            pltpu.VMEM((2, _WIN, _PDIM), jnp.float32),
            pltpu.SemaphoreType.DMA((2,)),
            pltpu.SemaphoreType.DMA((2,)),
            pltpu.SemaphoreType.DMA((2,)),
        ],
        compiler_params=pltpu.CompilerParams(use_tc_tiling_on_sc=False),
    )
    def gather_kernel(idx_hbm, table_hbm, out_hbm, idx_v, rows_v, sem_i,
                      sem_g, sem_o):
        wid = lax.axis_index("s") * _NC + lax.axis_index("c")
        id_base = wid * ids_per_worker
        batch_base = wid * batches_per_worker

        def issue_idx(w, b):
            pltpu.async_copy(
                idx_hbm.at[pl.ds(id_base + w * _WIN, _WIN)],
                idx_v.at[b], sem_i.at[b])

        def wait_idx(b):
            pltpu.make_async_copy(
                idx_hbm.at[pl.ds(0, _WIN)], idx_v.at[b], sem_i.at[b]).wait()

        def issue_gathers(b):
            for (o, c) in chunks:
                pltpu.async_copy(
                    table_hbm.at[idx_v.at[b, pl.ds(o, c)]],
                    rows_v.at[b, pl.ds(o, c)], sem_g.at[b])

        def wait_gathers(b):
            for (o, c) in chunks:
                pltpu.make_async_copy(
                    table_hbm.at[pl.ds(0, c)],
                    rows_v.at[b, pl.ds(o, c)], sem_g.at[b]).wait()

        def issue_out(w, b):
            for j in range(bpw):
                pltpu.async_copy(
                    rows_v.at[b, pl.ds(j * seq, seq)],
                    out_hbm.at[pl.ds((batch_base + w * bpw + j) * pseq, seq)],
                    sem_o.at[b])

        def wait_out(b):
            for j in range(bpw):
                pltpu.make_async_copy(
                    rows_v.at[b, pl.ds(j * seq, seq)],
                    out_hbm.at[pl.ds(0, seq)], sem_o.at[b]).wait()

        issue_idx(0, 0)
        issue_idx(1, 1)
        wait_idx(0)
        issue_gathers(0)

        @pl.loop(0, n_win - 2, step=2)
        def _(g):
            wait_idx(1)

            @pl.when(g > 0)
            def _():
                wait_out(1)

            issue_gathers(1)
            wait_gathers(0)
            issue_out(g, 0)
            issue_idx(g + 2, 0)

            wait_idx(0)
            wait_out(0)
            issue_gathers(0)
            wait_gathers(1)
            issue_out(g + 1, 1)
            issue_idx(g + 3, 1)

        wait_idx(1)
        wait_out(1)
        issue_gathers(1)
        wait_gathers(0)
        issue_out(n_win - 2, 0)
        wait_gathers(1)
        issue_out(n_win - 1, 1)
        wait_out(0)
        wait_out(1)

    return gather_kernel(idx_flat, table)


_PSEQ = 56


def kernel(x, weight):
    b, s = x.shape
    dim = weight.shape[1]
    idx_flat = x.reshape(b * s).astype(jnp.int32)
    table = jnp.broadcast_to(
        weight[:, None, :], (weight.shape[0], _PDIM // dim, dim)
    ).reshape(weight.shape[0], _PDIM)
    flat = _sc_gather(idx_flat, table, s, _PSEQ)
    return flat.reshape(b, _PSEQ, _PDIM)[:, :s, :dim]

# --- scband reference (transcript-rebuilt; emitter-appended) ---
"""Pipeline reference for scband-llama-embedding-26697516712264 (READ-ONLY COPY).

The authoritative reference and input builder live on the scoring server;
editing this copy changes nothing except your own understanding.
"""

import jax, jax.numpy as jnp
import numpy as np

NUM_EMBEDDINGS = 1000000
EMBEDDING_DIM = 64

def setup_inputs(seed: int = 0) -> dict:
    key = jax.random.key(seed)
    k_idx, k_w = jax.random.split(key)
    x = jax.random.randint(k_idx, (16384, 50), 0, NUM_EMBEDDINGS, dtype=jnp.int64 if jax.config.jax_enable_x64 else jnp.int32)
    weight = jax.random.normal(k_w, (NUM_EMBEDDINGS, EMBEDDING_DIM), dtype=jnp.float32)
    return {"x": x, "weight": weight}

def reference(x, weight):
    return jnp.take(weight, x, axis=0)

if __name__ == "__main__":
    import jax
    _d = setup_inputs()
    print(jax.jit(kernel)(*tuple(_d.values())))

</pallas_src>

<mosaic_0001>
#map = affine_map<(d0, d1) -> (0)>
#map1 = affine_map<(d0, d1) -> (0, 0)>
module attributes {stable_mosaic.version = 14 : i64} {
  func.func @gather_kernel(%arg0: i32, %arg1: i32, %arg2: memref<819200xi32, #tpu.memory_space<hbm>>, %arg3: memref<1000000x128xf32, #tpu.memory_space<hbm>>, %arg4: memref<917504x128xf32, #tpu.memory_space<hbm>>, %arg5: memref<2x400xi32, #tpu.memory_space<vmem>>, %arg6: memref<2x400x128xf32, #tpu.memory_space<vmem>>, %arg7: memref<2x!tpu.dma_semaphore, #tpu.memory_space<semaphore_mem>>, %arg8: memref<2x!tpu.dma_semaphore, #tpu.memory_space<semaphore_mem>>, %arg9: memref<2x!tpu.dma_semaphore, #tpu.memory_space<semaphore_mem>>) attributes {dimension_semantics = [#tpu.dimension_semantics<core_parallel>, #tpu.dimension_semantics<subcore_parallel>], iteration_bounds = array<i64: 2, 16>, scalar_prefetch = 0 : i64, scratch_operands = 5 : i64, tpu.core_type = #tpu.core_type<sc_vector_subcore>, window_params = [{transform_indices = #map}, {transform_indices = #map1}, {transform_indices = #map1}]} {
    %mul3A = arith.constant 2 : i32
    %mul3A_0 = arith.muli %arg1, %mul3A : i32
    %add3A = arith.addi %mul3A_0, %arg0 : i32
    %mul3A_1 = arith.constant 25600 : i32
    %mul3A_2 = arith.muli %add3A, %mul3A_1 : i32
    %mul3A_3 = arith.constant 512 : i32
    %mul3A_4 = arith.muli %add3A, %mul3A_3 : i32
    %add3A_5 = arith.constant 0 : i32
    %add3A_6 = arith.addi %mul3A_2, %add3A_5 : i32
    %dma_start3A = arith.constant 0 : i32
    %dma_start3A_7 = arith.constant 0 : i32
    %dma_start3A_8 = arith.constant 0 : i32
    %dma_start3A_9 = tpu.memref_slice %arg5[%dma_start3A, %dma_start3A_8] : memref<2x400xi32, #tpu.memory_space<vmem>> -> memref<1x400xi32, #tpu.memory_space<vmem>>
    %dma_start3A_10 = tpu.memref_squeeze %dma_start3A_9 : memref<1x400xi32, #tpu.memory_space<vmem>> -> memref<400xi32, #tpu.memory_space<vmem>>
    %dma_start3A_11 = tpu.memref_slice %arg2[%add3A_6] : memref<819200xi32, #tpu.memory_space<hbm>> -> memref<400xi32, #tpu.memory_space<hbm>>
    %dma_start3A_12 = tpu.memref_slice %arg7[%dma_start3A_7] : memref<2x!tpu.dma_semaphore, #tpu.memory_space<semaphore_mem>> -> memref<1x!tpu.dma_semaphore, #tpu.memory_space<semaphore_mem>>
    %dma_start3A_13 = tpu.memref_squeeze %dma_start3A_12 : memref<1x!tpu.dma_semaphore, #tpu.memory_space<semaphore_mem>> -> memref<!tpu.dma_semaphore, #tpu.memory_space<semaphore_mem>>
    %dma_start3A_14 = arith.constant 0 : i32
    %dma_start3A_15 = tpu.memref_slice %arg5[%dma_start3A, %dma_start3A_14] : memref<2x400xi32, #tpu.memory_space<vmem>> -> memref<1x400xi32, #tpu.memory_space<vmem>>
    %dma_start3A_16 = tpu.memref_squeeze %dma_start3A_15 : memref<1x400xi32, #tpu.memory_space<vmem>> -> memref<400xi32, #tpu.memory_space<vmem>>
    %dma_start3A_17 = tpu.memref_slice %arg2[%add3A_6] : memref<819200xi32, #tpu.memory_space<hbm>> -> memref<400xi32, #tpu.memory_space<hbm>>
    tpu.enqueue_dma source(%dma_start3A_17 : memref<400xi32, #tpu.memory_space<hbm>>) target(%dma_start3A_16 : memref<400xi32, #tpu.memory_space<vmem>>) target_semaphore(%dma_start3A_13 : memref<!tpu.dma_semaphore, #tpu.memory_space<semaphore_mem>>)
    %add3A_18 = arith.constant 400 : i32
    %add3A_19 = arith.addi %mul3A_2, %add3A_18 : i32
    %dma_start3A_20 = arith.constant 1 : i32
    %dma_start3A_21 = arith.constant 1 : i32
    %dma_start3A_22 = arith.constant 0 : i32
    %dma_start3A_23 = tpu.memref_slice %arg5[%dma_start3A_20, %dma_start3A_22] : memref<2x400xi32, #tpu.memory_space<vmem>> -> memref<1x400xi32, #tpu.memory_space<vmem>>
    %dma_start3A_24 = tpu.memref_squeeze %dma_start3A_23 : memref<1x400xi32, #tpu.memory_space<vmem>> -> memref<400xi32, #tpu.memory_space<vmem>>
    %dma_start3A_25 = tpu.memref_slice %arg2[%add3A_19] : memref<819200xi32, #tpu.memory_space<hbm>> -> memref<400xi32, #tpu.memory_space<hbm>>
    %dma_start3A_26 = tpu.memref_slice %arg7[%dma_start3A_21] : memref<2x!tpu.dma_semaphore, #tpu.memory_space<semaphore_mem>> -> memref<1x!tpu.dma_semaphore, #tpu.memory_space<semaphore_mem>>
    %dma_start3A_27 = tpu.memref_squeeze %dma_start3A_26 : memref<1x!tpu.dma_semaphore, #tpu.memory_space<semaphore_mem>> -> memref<!tpu.dma_semaphore, #tpu.memory_space<semaphore_mem>>
    %dma_start3A_28 = arith.constant 0 : i32
    %dma_start3A_29 = tpu.memref_slice %arg5[%dma_start3A_20, %dma_start3A_28] : memref<2x400xi32, #tpu.memory_space<vmem>> -> memref<1x400xi32, #tpu.memory_space<vmem>>
    %dma_start3A_30 = tpu.memref_squeeze %dma_start3A_29 : memref<1x400xi32, #tpu.memory_space<vmem>> -> memref<400xi32, #tpu.memory_space<vmem>>
    %dma_start3A_31 = tpu.memref_slice %arg2[%add3A_19] : memref<819200xi32, #tpu.memory_space<hbm>> -> memref<400xi32, #tpu.memory_space<hbm>>
    tpu.enqueue_dma source(%dma_start3A_31 : memref<400xi32, #tpu.memory_space<hbm>>) target(%dma_start3A_30 : memref<400xi32, #tpu.memory_space<vmem>>) target_semaphore(%dma_start3A_27 : memref<!tpu.dma_semaphore, #tpu.memory_space<semaphore_mem>>)
    %dma_wait3A = arith.constant 0 : i32
    %dma_wait3A_32 = arith.constant 0 : i32
    %dma_wait3A_33 = arith.constant 0 : i32
    %dma_wait3A_34 = tpu.memref_slice %arg5[%dma_wait3A, %dma_wait3A_33] : memref<2x400xi32, #tpu.memory_space<vmem>> -> memref<1x400xi32, #tpu.memory_space<vmem>>
    %dma_wait3A_35 = tpu.memref_squeeze %dma_wait3A_34 : memref<1x400xi32, #tpu.memory_space<vmem>> -> memref<400xi32, #tpu.memory_space<vmem>>
    %dma_wait3A_36 = arith.constant 0 : i32
    %dma_wait3A_37 = tpu.memref_slice %arg2[%dma_wait3A_36] : memref<819200xi32, #tpu.memory_space<hbm>> -> memref<400xi32, #tpu.memory_space<hbm>>
    %dma_wait3A_38 = tpu.memref_slice %arg7[%dma_wait3A_32] : memref<2x!tpu.dma_semaphore, #tpu.memory_space<semaphore_mem>> -> memref<1x!tpu.dma_semaphore, #tpu.memory_space<semaphore_mem>>
    %dma_wait3A_39 = tpu.memref_squeeze %dma_wait3A_38 : memref<1x!tpu.dma_semaphore, #tpu.memory_space<semaphore_mem>> -> memref<!tpu.dma_semaphore, #tpu.memory_space<semaphore_mem>>
    %dma_wait3A_40 = arith.constant 0 : i32
    %dma_wait3A_41 = tpu.memref_slice %arg5[%dma_wait3A, %dma_wait3A_40] : memref<2x400xi32, #tpu.memory_space<vmem>> -> memref<1x400xi32, #tpu.memory_space<vmem>>
    %dma_wait3A_42 = tpu.memref_squeeze %dma_wait3A_41 : memref<1x400xi32, #tpu.memory_space<vmem>> -> memref<400xi32, #tpu.memory_space<vmem>>
    %dma_wait3A_43 = arith.constant 0 : i32
    %dma_wait3A_44 = tpu.memref_slice %arg2[%dma_wait3A_43] : memref<819200xi32, #tpu.memory_space<hbm>> -> memref<400xi32, #tpu.memory_space<hbm>>
    tpu.wait_dma2 semaphore(%dma_wait3A_39 : memref<!tpu.dma_semaphore, #tpu.memory_space<semaphore_mem>>) src(%dma_wait3A_44 : memref<400xi32, #tpu.memory_space<hbm>>) dst(%dma_wait3A_42 : memref<400xi32, #tpu.memory_space<vmem>>)
    %dma_start3A_45 = arith.constant 0 : i32
    %dma_start3A_46 = arith.constant 0 : i32
    %dma_start3A_47 = arith.constant 0 : i32
    %dma_start3A_48 = arith.constant 0 : i32
    %dma_start3A_49 = arith.constant 0 : i32
    %dma_start3A_50 = tpu.memref_slice %arg6[%dma_start3A_46, %dma_start3A_48, %dma_start3A_49] : memref<2x400x128xf32, #tpu.memory_space<vmem>> -> memref<1x128x128xf32, #tpu.memory_space<vmem>>
    %dma_start3A_51 = tpu.memref_squeeze %dma_start3A_50 : memref<1x128x128xf32, #tpu.memory_space<vmem>> -> memref<128x128xf32, #tpu.memory_space<vmem>>
    %dma_start3A_52 = arith.constant 0 : i32
    %dma_start3A_53 = tpu.memref_slice %arg5[%dma_start3A_45, %dma_start3A_52] : memref<2x400xi32, #tpu.memory_space<vmem>> -> memref<1x128xi32, #tpu.memory_space<vmem>>
    %dma_start3A_54 = tpu.memref_squeeze %dma_start3A_53 : memref<1x128xi32, #tpu.memory_space<vmem>> -> memref<128xi32, #tpu.memory_space<vmem>>
    %dma_start3A_55 = arith.constant 0 : i32
    %dma_start3A_56 = arith.constant 0 : i32
    %dma_start3A_57 = tpu.memref_slice %arg3[%dma_start3A_55, %dma_start3A_56] : memref<1000000x128xf32, #tpu.memory_space<hbm>> -> memref<1000000x128xf32, #tpu.memory_space<hbm>>
    %dma_start3A_58 = tpu.memref_slice %arg8[%dma_start3A_47] : memref<2x!tpu.dma_semaphore, #tpu.memory_space<semaphore_mem>> -> memref<1x!tpu.dma_semaphore, #tpu.memory_space<semaphore_mem>>
    %dma_start3A_59 = tpu.memref_squeeze %dma_start3A_58 : memref<1x!tpu.dma_semaphore, #tpu.memory_space<semaphore_mem>> -> memref<!tpu.dma_semaphore, #tpu.memory_space<semaphore_mem>>
    tpu.enqueue_indirect_dma source(%dma_start3A_57 : memref<1000000x128xf32, #tpu.memory_space<hbm>>) target(%dma_start3A_51 : memref<128x128xf32, #tpu.memory_space<vmem>>) offsets(%dma_start3A_54 : memref<128xi32, #tpu.memory_space<vmem>>) semaphore(%dma_start3A_59 : memref<!tpu.dma_semaphore, #tpu.memory_space<semaphore_mem>>)
    %dma_start3A_60 = arith.constant 0 : i32
    %dma_start3A_61 = arith.constant 0 : i32
    %dma_start3A_62 = arith.constant 0 : i32
    %dma_start3A_63 = arith.constant 128 : i32
    %dma_start3A_64 = arith.constant 0 : i32
    %dma_start3A_65 = tpu.memref_slice %arg6[%dma_start3A_61, %dma_start3A_63, %dma_start3A_64] : memref<2x400x128xf32, #tpu.memory_space<vmem>> -> memref<1x128x128xf32, #tpu.memory_space<vmem>>
    %dma_start3A_66 = tpu.memref_squeeze %dma_start3A_65 : memref<1x128x128xf32, #tpu.memory_space<vmem>> -> memref<128x128xf32, #tpu.memory_space<vmem>>
    %dma_start3A_67 = arith.constant 128 : i32
    %dma_start3A_68 = tpu.memref_slice %arg5[%dma_start3A_60, %dma_start3A_67] : memref<2x400xi32, #tpu.memory_space<vmem>> -> memref<1x128xi32, #tpu.memory_space<vmem>>
    %dma_start3A_69 = tpu.memref_squeeze %dma_start3A_68 : memref<1x128xi32, #tpu.memory_space<vmem>> -> memref<128xi32, #tpu.memory_space<vmem>>
    %dma_start3A_70 = arith.constant 0 : i32
    %dma_start3A_71 = arith.constant 0 : i32
    %dma_start3A_72 = tpu.memref_slice %arg3[%dma_start3A_70, %dma_start3A_71] : memref<1000000x128xf32, #tpu.memory_space<hbm>> -> memref<1000000x128xf32, #tpu.memory_space<hbm>>
    %dma_start3A_73 = tpu.memref_slice %arg8[%dma_start3A_62] : memref<2x!tpu.dma_semaphore, #tpu.memory_space<semaphore_mem>> -> memref<1x!tpu.dma_semaphore, #tpu.memory_space<semaphore_mem>>
    %dma_start3A_74 = tpu.memref_squeeze %dma_start3A_73 : memref<1x!tpu.dma_semaphore, #tpu.memory_space<semaphore_mem>> -> memref<!tpu.dma_semaphore, #tpu.memory_space<semaphore_mem>>
    tpu.enqueue_indirect_dma source(%dma_start3A_72 : memref<1000000x128xf32, #tpu.memory_space<hbm>>) target(%dma_start3A_66 : memref<128x128xf32, #tpu.memory_space<vmem>>) offsets(%dma_start3A_69 : memref<128xi32, #tpu.memory_space<vmem>>) semaphore(%dma_start3A_74 : memref<!tpu.dma_semaphore, #tpu.memory_space<semaphore_mem>>)
    %dma_start3A_75 = arith.constant 0 : i32
    %dma_start3A_76 = arith.constant 0 : i32
    %dma_start3A_77 = arith.constant 0 : i32
    %dma_start3A_78 = arith.constant 256 : i32
    %dma_start3A_79 = arith.constant 0 : i32
    %dma_start3A_80 = tpu.memref_slice %arg6[%dma_start3A_76, %dma_start3A_78, %dma_start3A_79] : memref<2x400x128xf32, #tpu.memory_space<vmem>> -> memref<1x128x128xf32, #tpu.memory_space<vmem>>
    %dma_start3A_81 = tpu.memref_squeeze %dma_start3A_80 : memref<1x128x128xf32, #tpu.memory_space<vmem>> -> memref<128x128xf32, #tpu.memory_space<vmem>>
    %dma_start3A_82 = arith.constant 256 : i32
    %dma_start3A_83 = tpu.memref_slice %arg5[%dma_start3A_75, %dma_start3A_82] : memref<2x400xi32, #tpu.memory_space<vmem>> -> memref<1x128xi32, #tpu.memory_space<vmem>>
    %dma_start3A_84 = tpu.memref_squeeze %dma_start3A_83 : memref<1x128xi32, #tpu.memory_space<vmem>> -> memref<128xi32, #tpu.memory_space<vmem>>
    %dma_start3A_85 = arith.constant 0 : i32
    %dma_start3A_86 = arith.constant 0 : i32
    %dma_start3A_87 = tpu.memref_slice %arg3[%dma_start3A_85, %dma_start3A_86] : memref<1000000x128xf32, #tpu.memory_space<hbm>> -> memref<1000000x128xf32, #tpu.memory_space<hbm>>
    %dma_start3A_88 = tpu.memref_slice %arg8[%dma_start3A_77] : memref<2x!tpu.dma_semaphore, #tpu.memory_space<semaphore_mem>> -> memref<1x!tpu.dma_semaphore, #tpu.memory_space<semaphore_mem>>
    %dma_start3A_89 = tpu.memref_squeeze %dma_start3A_88 : memref<1x!tpu.dma_semaphore, #tpu.memory_space<semaphore_mem>> -> memref<!tpu.dma_semaphore, #tpu.memory_space<semaphore_mem>>
    tpu.enqueue_indirect_dma source(%dma_start3A_87 : memref<1000000x128xf32, #tpu.memory_space<hbm>>) target(%dma_start3A_81 : memref<128x128xf32, #tpu.memory_space<vmem>>) offsets(%dma_start3A_84 : memref<128xi32, #tpu.memory_space<vmem>>) semaphore(%dma_start3A_89 : memref<!tpu.dma_semaphore, #tpu.memory_space<semaphore_mem>>)
    %dma_start3A_90 = arith.constant 0 : i32
    %dma_start3A_91 = arith.constant 0 : i32
    %dma_start3A_92 = arith.constant 0 : i32
    %dma_start3A_93 = arith.constant 384 : i32
    %dma_start3A_94 = arith.constant 0 : i32
    %dma_start3A_95 = tpu.memref_slice %arg6[%dma_start3A_91, %dma_start3A_93, %dma_start3A_94] : memref<2x400x128xf32, #tpu.memory_space<vmem>> -> memref<1x16x128xf32, #tpu.memory_space<vmem>>
    %dma_start3A_96 = tpu.memref_squeeze %dma_start3A_95 : memref<1x16x128xf32, #tpu.memory_space<vmem>> -> memref<16x128xf32, #tpu.memory_space<vmem>>
    %dma_start3A_97 = arith.constant 384 : i32
    %dma_start3A_98 = tpu.memref_slice %arg5[%dma_start3A_90, %dma_start3A_97] : memref<2x400xi32, #tpu.memory_space<vmem>> -> memref<1x16xi32, #tpu.memory_space<vmem>>
    %dma_start3A_99 = tpu.memref_squeeze %dma_start3A_98 : memref<1x16xi32, #tpu.memory_space<vmem>> -> memref<16xi32, #tpu.memory_space<vmem>>
    %dma_start3A_100 = arith.constant 0 : i32
    %dma_start3A_101 = arith.constant 0 : i32
    %dma_start3A_102 = tpu.memref_slice %arg3[%dma_start3A_100, %dma_start3A_101] : memref<1000000x128xf32, #tpu.memory_space<hbm>> -> memref<1000000x128xf32, #tpu.memory_space<hbm>>
    %dma_start3A_103 = tpu.memref_slice %arg8[%dma_start3A_92] : memref<2x!tpu.dma_semaphore, #tpu.memory_space<semaphore_mem>> -> memref<1x!tpu.dma_semaphore, #tpu.memory_space<semaphore_mem>>
    %dma_start3A_104 = tpu.memref_squeeze %dma_start3A_103 : memref<1x!tpu.dma_semaphore, #tpu.memory_space<semaphore_mem>> -> memref<!tpu.dma_semaphore, #tpu.memory_space<semaphore_mem>>
    tpu.enqueue_indirect_dma source(%dma_start3A_102 : memref<1000000x128xf32, #tpu.memory_space<hbm>>) target(%dma_start3A_96 : memref<16x128xf32, #tpu.memory_space<vmem>>) offsets(%dma_start3A_99 : memref<16xi32, #tpu.memory_space<vmem>>) semaphore(%dma_start3A_104 : memref<!tpu.dma_semaphore, #tpu.memory_space<semaphore_mem>>)
    %scan3A = arith.constant 0 : i32
    %scan3A_105 = arith.constant 31 : i32
    %scan3A_106 = arith.addi %scan3A, %scan3A_105 : i32
    %scan3A_107 = arith.constant 1 : i32
    scf.for %scan3A_1111 = %scan3A to %scan3A_106 step %scan3A_107  : i32 {
      %mul3A_1112 = arith.constant 2 : i32
      %mul3A_1113 = arith.muli %scan3A_1111, %mul3A_1112 : i32
      %add3A_1114 = arith.constant 0 : i32
      %add3A_1115 = arith.addi %add3A_1114, %mul3A_1113 : i32
      %dma_wait3A_1116 = arith.constant 1 : i32
      %dma_wait3A_1117 = arith.constant 1 : i32
      %dma_wait3A_1118 = arith.constant 0 : i32
      %dma_wait3A_1119 = tpu.memref_slice %arg5[%dma_wait3A_1116, %dma_wait3A_1118] : memref<2x400xi32, #tpu.memory_space<vmem>> -> memref<1x400xi32, #tpu.memory_space<vmem>>
      %dma_wait3A_1120 = tpu.memref_squeeze %dma_wait3A_1119 : memref<1x400xi32, #tpu.memory_space<vmem>> -> memref<400xi32, #tpu.memory_space<vmem>>
      %dma_wait3A_1121 = arith.constant 0 : i32
      %dma_wait3A_1122 = tpu.memref_slice %arg2[%dma_wait3A_1121] : memref<819200xi32, #tpu.memory_space<hbm>> -> memref<400xi32, #tpu.memory_space<hbm>>
      %dma_wait3A_1123 = tpu.memref_slice %arg7[%dma_wait3A_1117] : memref<2x!tpu.dma_semaphore, #tpu.memory_space<semaphore_mem>> -> memref<1x!tpu.dma_semaphore, #tpu.memory_space<semaphore_mem>>
      %dma_wait3A_1124 = tpu.memref_squeeze %dma_wait3A_1123 : memref<1x!tpu.dma_semaphore, #tpu.memory_space<semaphore_mem>> -> memref<!tpu.dma_semaphore, #tpu.memory_space<semaphore_mem>>
      %dma_wait3A_1125 = arith.constant 0 : i32
      %dma_wait3A_1126 = tpu.memref_slice %arg5[%dma_wait3A_1116, %dma_wait3A_1125] : memref<2x400xi32, #tpu.memory_space<vmem>> -> memref<1x400xi32, #tpu.memory_space<vmem>>
      %dma_wait3A_1127 = tpu.memref_squeeze %dma_wait3A_1126 : memref<1x400xi32, #tpu.memory_space<vmem>> -> memref<400xi32, #tpu.memory_space<vmem>>
      %dma_wait3A_1128 = arith.constant 0 : i32
      %dma_wait3A_1129 = tpu.memref_slice %arg2[%dma_wait3A_1128] : memref<819200xi32, #tpu.memory_space<hbm>> -> memref<400xi32, #tpu.memory_space<hbm>>
      tpu.wait_dma2 semaphore(%dma_wait3A_1124 : memref<!tpu.dma_semaphore, #tpu.memory_space<semaphore_mem>>) src(%dma_wait3A_1129 : memref<400xi32, #tpu.memory_space<hbm>>) dst(%dma_wait3A_1127 : memref<400xi32, #tpu.memory_space<vmem>>)
      %gt3A = arith.constant 0 : i32
      %gt3A_1130 = arith.cmpi sgt, %add3A_1115, %gt3A : i32
      %convert_element_type3A = arith.extui %gt3A_1130 : i1 to i32
      %cond3A = arith.constant 0 : i32
      %cond3A_1131 = arith.cmpi ne, %convert_element_type3A, %cond3A : i32
      scf.if %cond3A_1131 {
        %dma_wait3A_1958 = arith.constant 1 : i32
        %dma_wait3A_1959 = arith.constant 1 : i32
        %dma_wait3A_1960 = arith.constant 0 : i32
        %dma_wait3A_1961 = arith.constant 0 : i32
        %dma_wait3A_1962 = tpu.memref_slice %arg6[%dma_wait3A_1958, %dma_wait3A_1960, %dma_wait3A_1961] : memref<2x400x128xf32, #tpu.memory_space<vmem>> -> memref<1x50x128xf32, #tpu.memory_space<vmem>>
        %dma_wait3A_1963 = tpu.memref_squeeze %dma_wait3A_1962 : memref<1x50x128xf32, #tpu.memory_space<vmem>> -> memref<50x128xf32, #tpu.memory_space<vmem>>
        %dma_wait3A_1964 = arith.constant 0 : i32
        %dma_wait3A_1965 = arith.constant 0 : i32
        %dma_wait3A_1966 = tpu.memref_slice %arg4[%dma_wait3A_1964, %dma_wait3A_1965] : memref<917504x128xf32, #tpu.memory_space<hbm>> -> memref<50x128xf32, #tpu.memory_space<hbm>>
        %dma_wait3A_1967 = tpu.memref_slice %arg9[%dma_wait3A_1959] : memref<2x!tpu.dma_semaphore, #tpu.memory_space<semaphore_mem>> -> memref<1x!tpu.dma_semaphore, #tpu.memory_space<semaphore_mem>>
        %dma_wait3A_1968 = tpu.memref_squeeze %dma_wait3A_1967 : memref<1x!tpu.dma_semaphore, #tpu.memory_space<semaphore_mem>> -> memref<!tpu.dma_semaphore, #tpu.memory_space<semaphore_mem>>
        %dma_wait3A_1969 = arith.constant 0 : i32
        %dma_wait3A_1970 = arith.constant 0 : i32
        %dma_wait3A_1971 = tpu.memref_slice %arg4[%dma_wait3A_1969, %dma_wait3A_1970] : memref<917504x128xf32, #tpu.memory_space<hbm>> -> memref<50x128xf32, #tpu.memory_space<hbm>>
        %dma_wait3A_1972 = arith.constant 0 : i32
        %dma_wait3A_1973 = arith.constant 0 : i32
        %dma_wait3A_1974 = tpu.memref_slice %arg6[%dma_wait3A_1958, %dma_wait3A_1972, %dma_wait3A_1973] : memref<2x400x128xf32, #tpu.memory_space<vmem>> -> memref<1x50x128xf32, #tpu.memory_space<vmem>>
        %dma_wait3A_1975 = tpu.memref_squeeze %dma_wait3A_1974 : memref<1x50x128xf32, #tpu.memory_space<vmem>> -> memref<50x128xf32, #tpu.memory_space<vmem>>
        tpu.wait_dma2 semaphore(%dma_wait3A_1968 : memref<!tpu.dma_semaphore, #tpu.memory_space<semaphore_mem>>) src(%dma_wait3A_1975 : memref<50x128xf32, #tpu.memory_space<vmem>>) dst(%dma_wait3A_1971 : memref<50x128xf32, #tpu.memory_space<hbm>>)
        %dma_wait3A_1976 = arith.constant 1 : i32
        %dma_wait3A_1977 = arith.constant 1 : i32
        %dma_wait3A_1978 = arith.constant 50 : i32
        %dma_wait3A_1979 = arith.constant 0 : i32
        %dma_wait3A_1980 = tpu.memref_slice %arg6[%dma_wait3A_1976, %dma_wait3A_1978, %dma_wait3A_1979] : memref<2x400x128xf32, #tpu.memory_space<vmem>> -> memref<1x50x128xf32, #tpu.memory_space<vmem>>
        %dma_wait3A_1981 = tpu.memref_squeeze %dma_wait3A_1980 : memref<1x50x128xf32, #tpu.memory_space<vmem>> -> memref<50x128xf32, #tpu.memory_space<vmem>>
        %dma_wait3A_1982 = arith.constant 0 : i32
        %dma_wait3A_1983 = arith.constant 0 : i32
        %dma_wait3A_1984 = tpu.memref_slice %arg4[%dma_wait3A_1982, %dma_wait3A_1983] : memref<917504x128xf32, #tpu.memory_space<hbm>> -> memref<50x128xf32, #tpu.memory_space<hbm>>
        %dma_wait3A_1985 = tpu.memref_slice %arg9[%dma_wait3A_1977] : memref<2x!tpu.dma_semaphore, #tpu.memory_space<semaphore_mem>> -> memref<1x!tpu.dma_semaphore, #tpu.memory_space<semaphore_mem>>
        %dma_wait3A_1986 = tpu.memref_squeeze %dma_wait3A_1985 : memref<1x!tpu.dma_semaphore, #tpu.memory_space<semaphore_mem>> -> memref<!tpu.dma_semaphore, #tpu.memory_space<semaphore_mem>>
        %dma_wait3A_1987 = arith.constant 0 : i32
        %dma_wait3A_1988 = arith.constant 0 : i32
        %dma_wait3A_1989 = tpu.memref_slice %arg4[%dma_wait3A_1987, %dma_wait3A_1988] : memref<917504x128xf32, #tpu.memory_space<hbm>> -> memref<50x128xf32, #tpu.memory_space<hbm>>
        %dma_wait3A_1990 = arith.constant 50 : i32
        %dma_wait3A_1991 = arith.constant 0 : i32
        %dma_wait3A_1992 = tpu.memref_slice %arg6[%dma_wait3A_1976, %dma_wait3A_1990, %dma_wait3A_1991] : memref<2x400x128xf32, #tpu.memory_space<vmem>> -> memref<1x50x128xf32, #tpu.memory_space<vmem>>
        %dma_wait3A_1993 = tpu.memref_squeeze %dma_wait3A_1992 : memref<1x50x128xf32, #tpu.memory_space<vmem>> -> memref<50x128xf32, #tpu.memory_space<vmem>>
        tpu.wait_dma2 semaphore(%dma_wait3A_1986 : memref<!tpu.dma_semaphore, #tpu.memory_space<semaphore_mem>>) src(%dma_wait3A_1993 : memref<50x128xf32, #tpu.memory_space<vmem>>) dst(%dma_wait3A_1989 : memref<50x128xf32, #tpu.memory_space<hbm>>)
        %dma_wait3A_1994 = arith.constant 1 : i32
        %dma_wait3A_1995 = arith.constant 1 : i32
        %dma_wait3A_1996 = arith.constant 100 : i32
        %dma_wait3A_1997 = arith.constant 0 : i32
        %dma_wait3A_1998 = tpu.memref_slice %arg6[%dma_wait3A_1994, %dma_wait3A_1996, %dma_wait3A_1997] : memref<2x400x128xf32, #tpu.memory_space<vmem>> -> memref<1x50x128xf32, #tpu.memory_space<vmem>>
        %dma_wait3A_1999 = tpu.memref_squeeze %dma_wait3A_1998 : memref<1x50x128xf32, #tpu.memory_space<vmem>> -> memref<50x128xf32, #tpu.memory_space<vmem>>
        %dma_wait3A_2000 = arith.constant 0 : i32
        %dma_wait3A_2001 = arith.constant 0 : i32
        %dma_wait3A_2002 = tpu.memref_slice %arg4[%dma_wait3A_2000, %dma_wait3A_2001] : memref<917504x128xf32, #tpu.memory_space<hbm>> -> memref<50x128xf32, #tpu.memory_space<hbm>>
        %dma_wait3A_2003 = tpu.memref_slice %arg9[%dma_wait3A_1995] : memref<2x!tpu.dma_semaphore, #tpu.memory_space<semaphore_mem>> -> memref<1x!tpu.dma_semaphore, #tpu.memory_space<semaphore_mem>>
        %dma_wait3A_2004 = tpu.memref_squeeze %dma_wait3A_2003 : memref<1x!tpu.dma_semaphore, #tpu.memory_space<semaphore_mem>> -> memref<!tpu.dma_semaphore, #tpu.memory_space<semaphore_mem>>
        %dma_wait3A_2005 = arith.constant 0 : i32
        %dma_wait3A_2006 = arith.constant 0 : i32
        %dma_wait3A_2007 = tpu.memref_slice %arg4[%dma_wait3A_2005, %dma_wait3A_2006] : memref<917504x128xf32, #tpu.memory_space<hbm>> -> memref<50x128xf32, #tpu.memory_space<hbm>>
        %dma_wait3A_2008 = arith.constant 100 : i32
        %dma_wait3A_2009 = arith.constant 0 : i32
        %dma_wait3A_2010 = tpu.memref_slice %arg6[%dma_wait3A_1994, %dma_wait3A_2008, %dma_wait3A_2009] : memref<2x400x128xf32, #tpu.memory_space<vmem>> -> memref<1x50x128xf32, #tpu.memory_space<vmem>>
        %dma_wait3A_2011 = tpu.memref_squeeze %dma_wait3A_2010 : memref<1x50x128xf32, #tpu.memory_space<vmem>> -> memref<50x128xf32, #tpu.memory_space<vmem>>
        tpu.wait_dma2 semaphore(%dma_wait3A_2004 : memref<!tpu.dma_semaphore, #tpu.memory_space<semaphore_mem>>) src(%dma_wait3A_2011 : memref<50x128xf32, #tpu.memory_space<vmem>>) dst(%dma_wait3A_2007 : memref<50x128xf32, #tpu.memory_space<hbm>>)
        %dma_wait3A_2012 = arith.constant 1 : i32
        %dma_wait3A_2013 = arith.constant 1 : i32
        %dma_wait3A_2014 = arith.constant 150 : i32
        %dma_wait3A_2015 = arith.constant 0 : i32
        %dma_wait3A_2016 = tpu.memref_slice %arg6[%dma_wait3A_2012, %dma_wait3A_2014, %dma_wait3A_2015] : memref<2x400x128xf32, #tpu.memory_space<vmem>> -> memref<1x50x128xf32, #tpu.memory_space<vmem>>
        %dma_wait3A_2017 = tpu.memref_squeeze %dma_wait3A_2016 : memref<1x50x128xf32, #tpu.memory_space<vmem>> -> memref<50x128xf32, #tpu.memory_space<vmem>>
        %dma_wait3A_2018 = arith.constant 0 : i32
        %dma_wait3A_2019 = arith.constant 0 : i32
        %dma_wait3A_2020 = tpu.memref_slice %arg4[%dma_wait3A_2018, %dma_wait3A_2019] : memref<917504x128xf32, #tpu.memory_space<hbm>> -> memref<50x128xf32, #tpu.memory_space<hbm>>
        %dma_wait3A_2021 = tpu.memref_slice %arg9[%dma_wait3A_2013] : memref<2x!tpu.dma_semaphore, #tpu.memory_space<semaphore_mem>> -> memref<1x!tpu.dma_semaphore, #tpu.memory_space<semaphore_mem>>
        %dma_wait3A_2022 = tpu.memref_squeeze %dma_wait3A_2021 : memref<1x!tpu.dma_semaphore, #tpu.memory_space<semaphore_mem>> -> memref<!tpu.dma_semaphore, #tpu.memory_space<semaphore_mem>>
        %dma_wait3A_2023 = arith.constant 0 : i32
        %dma_wait3A_2024 = arith.constant 0 : i32
        %dma_wait3A_2025 = tpu.memref_slice %arg4[%dma_wait3A_2023, %dma_wait3A_2024] : memref<917504x128xf32, #tpu.memory_space<hbm>> -> memref<50x128xf32, #tpu.memory_space<hbm>>
        %dma_wait3A_2026 = arith.constant 150 : i32
        %dma_wait3A_2027 = arith.constant 0 : i32
        %dma_wait3A_2028 = tpu.memref_slice %arg6[%dma_wait3A_2012, %dma_wait3A_2026, %dma_wait3A_2027] : memref<2x400x128xf32, #tpu.memory_space<vmem>> -> memref<1x50x128xf32, #tpu.memory_space<vmem>>
        %dma_wait3A_2029 = tpu.memref_squeeze %dma_wait3A_2028 : memref<1x50x128xf32, #tpu.memory_space<vmem>> -> memref<50x128xf32, #tpu.memory_space<vmem>>
        tpu.wait_dma2 semaphore(%dma_wait3A_2022 : memref<!tpu.dma_semaphore, #tpu.memory_space<semaphore_mem>>) src(%dma_wait3A_2029 : memref<50x128xf32, #tpu.memory_space<vmem>>) dst(%dma_wait3A_2025 : memref<50x128xf32, #tpu.memory_space<hbm>>)
        %dma_wait3A_2030 = arith.constant 1 : i32
        %dma_wait3A_2031 = arith.constant 1 : i32
        %dma_wait3A_2032 = arith.constant 200 : i32
        %dma_wait3A_2033 = arith.constant 0 : i32
        %dma_wait3A_2034 = tpu.memref_slice %arg6[%dma_wait3A_2030, %dma_wait3A_2032, %dma_wait3A_2033] : memref<2x400x128xf32, #tpu.memory_space<vmem>> -> memref<1x50x128xf32, #tpu.memory_space<vmem>>
        %dma_wait3A_2035 = tpu.memref_squeeze %dma_wait3A_2034 : memref<1x50x128xf32, #tpu.memory_space<vmem>> -> memref<50x128xf32, #tpu.memory_space<vmem>>
        %dma_wait3A_2036 = arith.constant 0 : i32
        %dma_wait3A_2037 = arith.constant 0 : i32
        %dma_wait3A_2038 = tpu.memref_slice %arg4[%dma_wait3A_2036, %dma_wait3A_2037] : memref<917504x128xf32, #tpu.memory_space<hbm>> -> memref<50x128xf32, #tpu.memory_space<hbm>>
        %dma_wait3A_2039 = tpu.memref_slice %arg9[%dma_wait3A_2031] : memref<2x!tpu.dma_semaphore, #tpu.memory_space<semaphore_mem>> -> memref<1x!tpu.dma_semaphore, #tpu.memory_space<semaphore_mem>>
        %dma_wait3A_2040 = tpu.memref_squeeze %dma_wait3A_2039 : memref<1x!tpu.dma_semaphore, #tpu.memory_space<semaphore_mem>> -> memref<!tpu.dma_semaphore, #tpu.memory_space<semaphore_mem>>
        %dma_wait3A_2041 = arith.constant 0 : i32
        %dma_wait3A_2042 = arith.constant 0 : i32
        %dma_wait3A_2043 = tpu.memref_slice %arg4[%dma_wait3A_2041, %dma_wait3A_2042] : memref<917504x128xf32, #tpu.memory_space<hbm>> -> memref<50x128xf32, #tpu.memory_space<hbm>>
        %dma_wait3A_2044 = arith.constant 200 : i32
        %dma_wait3A_2045 = arith.constant 0 : i32
        %dma_wait3A_2046 = tpu.memref_slice %arg6[%dma_wait3A_2030, %dma_wait3A_2044, %dma_wait3A_2045] : memref<2x400x128xf32, #tpu.memory_space<vmem>> -> memref<1x50x128xf32, #tpu.memory_space<vmem>>
        %dma_wait3A_2047 = tpu.memref_squeeze %dma_wait3A_2046 : memref<1x50x128xf32, #tpu.memory_space<vmem>> -> memref<50x128xf32, #tpu.memory_space<vmem>>
        tpu.wait_dma2 semaphore(%dma_wait3A_2040 : memref<!tpu.dma_semaphore, #tpu.memory_space<semaphore_mem>>) src(%dma_wait3A_2047 : memref<50x128xf32, #tpu.memory_space<vmem>>) dst(%dma_wait3A_2043 : memref<50x128xf32, #tpu.memory_space<hbm>>)
        %dma_wait3A_2048 = arith.constant 1 : i32
        %dma_wait3A_2049 = arith.constant 1 : i32
        %dma_wait3A_2050 = arith.constant 250 : i32
        %dma_wait3A_2051 = arith.constant 0 : i32
        %dma_wait3A_2052 = tpu.memref_slice %arg6[%dma_wait3A_2048, %dma_wait3A_2050, %dma_wait3A_2051] : memref<2x400x128xf32, #tpu.memory_space<vmem>> -> memref<1x50x128xf32, #tpu.memory_space<vmem>>
        %dma_wait3A_2053 = tpu.memref_squeeze %dma_wait3A_2052 : memref<1x50x128xf32, #tpu.memory_space<vmem>> -> memref<50x128xf32, #tpu.memory_space<vmem>>
        %dma_wait3A_2054 = arith.constant 0 : i32
        %dma_wait3A_2055 = arith.constant 0 : i32
        %dma_wait3A_2056 = tpu.memref_slice %arg4[%dma_wait3A_2054, %dma_wait3A_2055] : memref<917504x128xf32, #tpu.memory_space<hbm>> -> memref<50x128xf32, #tpu.memory_space<hbm>>
        %dma_wait3A_2057 = tpu.memref_slice %arg9[%dma_wait3A_2049] : memref<2x!tpu.dma_semaphore, #tpu.memory_space<semaphore_mem>> -> memref<1x!tpu.dma_semaphore, #tpu.memory_space<semaphore_mem>>
        %dma_wait3A_2058 = tpu.memref_squeeze %dma_wait3A_2057 : memref<1x!tpu.dma_semaphore, #tpu.memory_space<semaphore_mem>> -> memref<!tpu.dma_semaphore, #tpu.memory_space<semaphore_mem>>
        %dma_wait3A_2059 = arith.constant 0 : i32
        %dma_wait3A_2060 = arith.constant 0 : i32
        %dma_wait3A_2061 = tpu.memref_slice %arg4[%dma_wait3A_2059, %dma_wait3A_2060] : memref<917504x128xf32, #tpu.memory_space<hbm>> -> memref<50x128xf32, #tpu.memory_space<hbm>>
        %dma_wait3A_2062 = arith.constant 250 : i32
        %dma_wait3A_2063 = arith.constant 0 : i32
        %dma_wait3A_2064 = tpu.memref_slice %arg6[%dma_wait3A_2048, %dma_wait3A_2062, %dma_wait3A_2063] : memref<2x400x128xf32, #tpu.memory_space<vmem>> -> memref<1x50x128xf32, #tpu.memory_space<vmem>>
        %dma_wait3A_2065 = tpu.memref_squeeze %dma_wait3A_2064 : memref<1x50x128xf32, #tpu.memory_space<vmem>> -> memref<50x128xf32, #tpu.memory_space<vmem>>
        tpu.wait_dma2 semaphore(%dma_wait3A_2058 : memref<!tpu.dma_semaphore, #tpu.memory_space<semaphore_mem>>) src(%dma_wait3A_2065 : memref<50x128xf32, #tpu.memory_space<vmem>>) dst(%dma_wait3A_2061 : memref<50x128xf32, #tpu.memory_space<hbm>>)
        %dma_wait3A_2066 = arith.constant 1 : i32
        %dma_wait3A_2067 = arith.constant 1 : i32
        %dma_wait3A_2068 = arith.constant 300 : i32
        %dma_wait3A_2069 = arith.constant 0 : i32
        %dma_wait3A_2070 = tpu.memref_slice %arg6[%dma_wait3A_2066, %dma_wait3A_2068, %dma_wait3A_2069] : memref<2x400x128xf32, #tpu.memory_space<vmem>> -> memref<1x50x128xf32, #tpu.memory_space<vmem>>
        %dma_wait3A_2071 = tpu.memref_squeeze %dma_wait3A_2070 : memref<1x50x128xf32, #tpu.memory_space<vmem>> -> memref<50x128xf32, #tpu.memory_space<vmem>>
        %dma_wait3A_2072 = arith.constant 0 : i32
        %dma_wait3A_2073 = arith.constant 0 : i32
        %dma_wait3A_2074 = tpu.memref_slice %arg4[%dma_wait3A_2072, %dma_wait3A_2073] : memref<917504x128xf32, #tpu.memory_space<hbm>> -> memref<50x128xf32, #tpu.memory_space<hbm>>
        %dma_wait3A_2075 = tpu.memref_slice %arg9[%dma_wait3A_2067] : memref<2x!tpu.dma_semaphore, #tpu.memory_space<semaphore_mem>> -> memref<1x!tpu.dma_semaphore, #tpu.memory_space<semaphore_mem>>
        %dma_wait3A_2076 = tpu.memref_squeeze %dma_wait3A_2075 : memref<1x!tpu.dma_semaphore, #tpu.memory_space<semaphore_mem>> -> memref<!tpu.dma_semaphore, #tpu.memory_space<semaphore_mem>>
        %dma_wait3A_2077 = arith.constant 0 : i32
        %dma_wait3A_2078 = arith.constant 0 : i32
        %dma_wait3A_2079 = tpu.memref_slice %arg4[%dma_wait3A_2077, %dma_wait3A_2078] : memref<917504x128xf32, #tpu.memory_space<hbm>> -> memref<50x128xf32, #tpu.memory_space<hbm>>
        %dma_wait3A_2080 = arith.constant 300 : i32
        %dma_wait3A_2081 = arith.constant 0 : i32
        %dma_wait3A_2082 = tpu.memref_slice %arg6[%dma_wait3A_2066, %dma_wait3A_2080, %dma_wait3A_2081] : memref<2x400x128xf32, #tpu.memory_space<vmem>> -> memref<1x50x128xf32, #tpu.memory_space<vmem>>
        %dma_wait3A_2083 = tpu.memref_squeeze %dma_wait3A_2082 : memref<1x50x128xf32, #tpu.memory_space<vmem>> -> memref<50x128xf32, #tpu.memory_space<vmem>>
        tpu.wait_dma2 semaphore(%dma_wait3A_2076 : memref<!tpu.dma_semaphore, #tpu.memory_space<semaphore_mem>>) src(%dma_wait3A_2083 : memref<50x128xf32, #tpu.memory_space<vmem>>) dst(%dma_wait3A_2079 : memref<50x128xf32, #tpu.memory_space<hbm>>)
        %dma_wait3A_2084 = arith.constant 1 : i32
        %dma_wait3A_2085 = arith.constant 1 : i32
        %dma_wait3A_2086 = arith.constant 350 : i32
        %dma_wait3A_2087 = arith.constant 0 : i32
        %dma_wait3A_2088 = tpu.memref_slice %arg6[%dma_wait3A_2084, %dma_wait3A_2086, %dma_wait3A_2087] : memref<2x400x128xf32, #tpu.memory_space<vmem>> -> memref<1x50x128xf32, #tpu.memory_space<vmem>>
        %dma_wait3A_2089 = tpu.memref_squeeze %dma_wait3A_2088 : memref<1x50x128xf32, #tpu.memory_space<vmem>> -> memref<50x128xf32, #tpu.memory_space<vmem>>
        %dma_wait3A_2090 = arith.constant 0 : i32
        %dma_wait3A_2091 = arith.constant 0 : i32
        %dma_wait3A_2092 = tpu.memref_slice %arg4[%dma_wait3A_2090, %dma_wait3A_2091] : memref<917504x128xf32, #tpu.memory_space<hbm>> -> memref<50x128xf32, #tpu.memory_space<hbm>>
        %dma_wait3A_2093 = tpu.memref_slice %arg9[%dma_wait3A_2085] : memref<2x!tpu.dma_semaphore, #tpu.memory_space<semaphore_mem>> -> memref<1x!tpu.dma_semaphore, #tpu.memory_space<semaphore_mem>>
        %dma_wait3A_2094 = tpu.memref_squeeze %dma_wait3A_2093 : memref<1x!tpu.dma_semaphore, #tpu.memory_space<semaphore_mem>> -> memref<!tpu.dma_semaphore, #tpu.memory_space<semaphore_mem>>
        %dma_wait3A_2095 = arith.constant 0 : i32
        %dma_wait3A_2096 = arith.constant 0 : i32
        %dma_wait3A_2097 = tpu.memref_slice %arg4[%dma_wait3A_2095, %dma_wait3A_2096] : memref<917504x128xf32, #tpu.memory_space<hbm>> -> memref<50x128xf32, #tpu.memory_space<hbm>>
        %dma_wait3A_2098 = arith.constant 350 : i32
        %dma_wait3A_2099 = arith.constant 0 : i32
        %dma_wait3A_2100 = tpu.memref_slice %arg6[%dma_wait3A_2084, %dma_wait3A_2098, %dma_wait3A_2099] : memref<2x400x128xf32, #tpu.memory_space<vmem>> -> memref<1x50x128xf32, #tpu.memory_space<vmem>>
        %dma_wait3A_2101 = tpu.memref_squeeze %dma_wait3A_2100 : memref<1x50x128xf32, #tpu.memory_space<vmem>> -> memref<50x128xf32, #tpu.memory_space<vmem>>
        tpu.wait_dma2 semaphore(%dma_wait3A_2094 : memref<!tpu.dma_semaphore, #tpu.memory_space<semaphore_mem>>) src(%dma_wait3A_2101 : memref<50x128xf32, #tpu.memory_space<vmem>>) dst(%dma_wait3A_2097 : memref<50x128xf32, #tpu.memory_space<hbm>>)
      } else {
      }
      %dma_start3A_1132 = arith.constant 1 : i32
      %dma_start3A_1133 = arith.constant 1 : i32
      %dma_start3A_1134 = arith.constant 1 : i32
      %dma_start3A_1135 = arith.constant 0 : i32
      %dma_start3A_1136 = arith.constant 0 : i32
      %dma_start3A_1137 = tpu.memref_slice %arg6[%dma_start3A_1133, %dma_start3A_1135, %dma_start3A_1136] : memref<2x400x128xf32, #tpu.memory_space<vmem>> -> memref<1x128x128xf32, #tpu.memory_space<vmem>>
      %dma_start3A_1138 = tpu.memref_squeeze %dma_start3A_1137 : memref<1x128x128xf32, #tpu.memory_space<vmem>> -> memref<128x128xf32, #tpu.memory_space<vmem>>
      %dma_start3A_1139 = arith.constant 0 : i32
      %dma_start3A_1140 = tpu.memref_slice %arg5[%dma_start3A_1132, %dma_start3A_1139] : memref<2x400xi32, #tpu.memory_space<vmem>> -> memref<1x128xi32, #tpu.memory_space<vmem>>
      %dma_start3A_1141 = tpu.memref_squeeze %dma_start3A_1140 : memref<1x128xi32, #tpu.memory_space<vmem>> -> memref<128xi32, #tpu.memory_space<vmem>>
      %dma_start3A_1142 = arith.constant 0 : i32
      %dma_start3A_1143 = arith.constant 0 : i32
      %dma_start3A_1144 = tpu.memref_slice %arg3[%dma_start3A_1142, %dma_start3A_1143] : memref<1000000x128xf32, #tpu.memory_space<hbm>> -> memref<1000000x128xf32, #tpu.memory_space<hbm>>
      %dma_start3A_1145 = tpu.memref_slice %arg8[%dma_start3A_1134] : memref<2x!tpu.dma_semaphore, #tpu.memory_space<semaphore_mem>> -> memref<1x!tpu.dma_semaphore, #tpu.memory_space<semaphore_mem>>
      %dma_start3A_1146 = tpu.memref_squeeze %dma_start3A_1145 : memref<1x!tpu.dma_semaphore, #tpu.memory_space<semaphore_mem>> -> memref<!tpu.dma_semaphore, #tpu.memory_space<semaphore_mem>>
      tpu.enqueue_indirect_dma source(%dma_start3A_1144 : memref<1000000x128xf32, #tpu.memory_space<hbm>>) target(%dma_start3A_1138 : memref<128x128xf32, #tpu.memory_space<vmem>>) offsets(%dma_start3A_1141 : memref<128xi32, #tpu.memory_space<vmem>>) semaphore(%dma_start3A_1146 : memref<!tpu.dma_semaphore, #tpu.memory_space<semaphore_mem>>)
      %dma_start3A_1147 = arith.constant 1 : i32
      %dma_start3A_1148 = arith.constant 1 : i32
      %dma_start3A_1149 = arith.constant 1 : i32
      %dma_start3A_1150 = arith.constant 128 : i32
      %dma_start3A_1151 = arith.constant 0 : i32
      %dma_start3A_1152 = tpu.memref_slice %arg6[%dma_start3A_1148, %dma_start3A_1150, %dma_start3A_1151] : memref<2x400x128xf32, #tpu.memory_space<vmem>> -> memref<1x128x128xf32, #tpu.memory_space<vmem>>
      %dma_start3A_1153 = tpu.memref_squeeze %dma_start3A_1152 : memref<1x128x128xf32, #tpu.memory_space<vmem>> -> memref<128x128xf32, #tpu.memory_space<vmem>>
      %dma_start3A_1154 = arith.constant 128 : i32
      %dma_start3A_1155 = tpu.memref_slice %arg5[%dma_start3A_1147, %dma_start3A_1154] : memref<2x400xi32, #tpu.memory_space<vmem>> -> memref<1x128xi32, #tpu.memory_space<vmem>>
      %dma_start3A_1156 = tpu.memref_squeeze %dma_start3A_1155 : memref<1x128xi32, #tpu.memory_space<vmem>> -> memref<128xi32, #tpu.memory_space<vmem>>
      %dma_start3A_1157 = arith.constant 0 : i32
      %dma_start3A_1158 = arith.constant 0 : i32
      %dma_start3A_1159 = tpu.memref_slice %arg3[%dma_start3A_1157, %dma_start3A_1158] : memref<1000000x128xf32, #tpu.memory_space<hbm>> -> memref<1000000x128xf32, #tpu.memory_space<hbm>>
      %dma_start3A_1160 = tpu.memref_slice %arg8[%dma_start3A_1149] : memref<2x!tpu.dma_semaphore, #tpu.memory_space<semaphore_mem>> -> memref<1x!tpu.dma_semaphore, #tpu.memory_space<semaphore_mem>>
      %dma_start3A_1161 = tpu.memref_squeeze %dma_start3A_1160 : memref<1x!tpu.dma_semaphore, #tpu.memory_space<semaphore_mem>> -> memref<!tpu.dma_semaphore, #tpu.memory_space<semaphore_mem>>
      tpu.enqueue_indirect_dma source(%dma_start3A_1159 : memref<1000000x128xf32, #tpu.memory_space<hbm>>) target(%dma_start3A_1153 : memref<128x128xf32, #tpu.memory_space<vmem>>) offsets(%dma_start3A_1156 : memref<128xi32, #tpu.memory_space<vmem>>) semaphore(%dma_start3A_1161 : memref<!tpu.dma_semaphore, #tpu.memory_space<semaphore_mem>>)
      %dma_start3A_1162 = arith.constant 1 : i32
      %dma_start3A_1163 = arith.constant 1 : i32
      %dma_start3A_1164 = arith.constant 1 : i32
      %dma_start3A_1165 = arith.constant 256 : i32
      %dma_start3A_1166 = arith.constant 0 : i32
      %dma_start3A_1167 = tpu.memref_slice %arg6[%dma_start3A_1163, %dma_start3A_1165, %dma_start3A_1166] : memref<2x400x128xf32, #tpu.memory_space<vmem>> -> memref<1x128x128xf32, #tpu.memory_space<vmem>>
      %dma_start3A_1168 = tpu.memref_squeeze %dma_start3A_1167 : memref<1x128x128xf32, #tpu.memory_space<vmem>> -> memref<128x128xf32, #tpu.memory_space<vmem>>
      %dma_start3A_1169 = arith.constant 256 : i32
      %dma_start3A_1170 = tpu.memref_slice %arg5[%dma_start3A_1162, %dma_start3A_1169] : memref<2x400xi32, #tpu.memory_space<vmem>> -> memref<1x128xi32, #tpu.memory_space<vmem>>
      %dma_start3A_1171 = tpu.memref_squeeze %dma_start3A_1170 : memref<1x128xi32, #tpu.memory_space<vmem>> -> memref<128xi32, #tpu.memory_space<vmem>>
      %dma_start3A_1172 = arith.constant 0 : i32
      %dma_start3A_1173 = arith.constant 0 : i32
      %dma_start3A_1174 = tpu.memref_slice %arg3[%dma_start3A_1172, %dma_start3A_1173] : memref<1000000x128xf32, #tpu.memory_space<hbm>> -> memref<1000000x128xf32, #tpu.memory_space<hbm>>
      %dma_start3A_1175 = tpu.memref_slice %arg8[%dma_start3A_1164] : memref<2x!tpu.dma_semaphore, #tpu.memory_space<semaphore_mem>> -> memref<1x!tpu.dma_semaphore, #tpu.memory_space<semaphore_mem>>
      %dma_start3A_1176 = tpu.memref_squeeze %dma_start3A_1175 : memref<1x!tpu.dma_semaphore, #tpu.memory_space<semaphore_mem>> -> memref<!tpu.dma_semaphore, #tpu.memory_space<semaphore_mem>>
      tpu.enqueue_indirect_dma source(%dma_start3A_1174 : memref<1000000x128xf32, #tpu.memory_space<hbm>>) target(%dma_start3A_1168 : memref<128x128xf32, #tpu.memory_space<vmem>>) offsets(%dma_start3A_1171 : memref<128xi32, #tpu.memory_space<vmem>>) semaphore(%dma_start3A_1176 : memref<!tpu.dma_semaphore, #tpu.memory_space<semaphore_mem>>)
      %dma_start3A_1177 = arith.constant 1 : i32
      %dma_start3A_1178 = arith.constant 1 : i32
      %dma_start3A_1179 = arith.constant 1 : i32
      %dma_start3A_1180 = arith.constant 384 : i32
      %dma_start3A_1181 = arith.constant 0 : i32
      %dma_start3A_1182 = tpu.memref_slice %arg6[%dma_start3A_1178, %dma_start3A_1180, %dma_start3A_1181] : memref<2x400x128xf32, #tpu.memory_space<vmem>> -> memref<1x16x128xf32, #tpu.memory_space<vmem>>
      %dma_start3A_1183 = tpu.memref_squeeze %dma_start3A_1182 : memref<1x16x128xf32, #tpu.memory_space<vmem>> -> memref<16x128xf32, #tpu.memory_space<vmem>>
      %dma_start3A_1184 = arith.constant 384 : i32
      %dma_start3A_1185 = tpu.memref_slice %arg5[%dma_start3A_1177, %dma_start3A_1184] : memref<2x400xi32, #tpu.memory_space<vmem>> -> memref<1x16xi32, #tpu.memory_space<vmem>>
      %dma_start3A_1186 = tpu.memref_squeeze %dma_start3A_1185 : memref<1x16xi32, #tpu.memory_space<vmem>> -> memref<16xi32, #tpu.memory_space<vmem>>
      %dma_start3A_1187 = arith.constant 0 : i32
      %dma_start3A_1188 = arith.constant 0 : i32
      %dma_start3A_1189 = tpu.memref_slice %arg3[%dma_start3A_1187, %dma_start3A_1188] : memref<1000000x128xf32, #tpu.memory_space<hbm>> -> memref<1000000x128xf32, #tpu.memory_space<hbm>>
      %dma_start3A_1190 = tpu.memref_slice %arg8[%dma_start3A_1179] : memref<2x!tpu.dma_semaphore, #tpu.memory_space<semaphore_mem>> -> memref<1x!tpu.dma_semaphore, #tpu.memory_space<semaphore_mem>>
      %dma_start3A_1191 = tpu.memref_squeeze %dma_start3A_1190 : memref<1x!tpu.dma_semaphore, #tpu.memory_space<semaphore_mem>> -> memref<!tpu.dma_semaphore, #tpu.memory_space<semaphore_mem>>
      tpu.enqueue_indirect_dma source(%dma_start3A_1189 : memref<1000000x128xf32, #tpu.memory_space<hbm>>) target(%dma_start3A_1183 : memref<16x128xf32, #tpu.memory_space<vmem>>) offsets(%dma_start3A_1186 : memref<16xi32, #tpu.memory_space<vmem>>) semaphore(%dma_start3A_1191 : memref<!tpu.dma_semaphore, #tpu.memory_space<semaphore_mem>>)
      %dma_wait3A_1192 = arith.constant 0 : i32
      %dma_wait3A_1193 = arith.constant 0 : i32
      %dma_wait3A_1194 = arith.constant 0 : i32
      %dma_wait3A_1195 = arith.constant 0 : i32
      %dma_wait3A_1196 = tpu.memref_slice %arg6[%dma_wait3A_1192, %dma_wait3A_1194, %dma_wait3A_1195] : memref<2x400x128xf32, #tpu.memory_space<vmem>> -> memref<1x128x128xf32, #tpu.memory_space<vmem>>
      %dma_wait3A_1197 = tpu.memref_squeeze %dma_wait3A_1196 : memref<1x128x128xf32, #tpu.memory_space<vmem>> -> memref<128x128xf32, #tpu.memory_space<vmem>>
      %dma_wait3A_1198 = arith.constant 0 : i32
      %dma_wait3A_1199 = arith.constant 0 : i32
      %dma_wait3A_1200 = tpu.memref_slice %arg3[%dma_wait3A_1198, %dma_wait3A_1199] : memref<1000000x128xf32, #tpu.memory_space<hbm>> -> memref<128x128xf32, #tpu.memory_space<hbm>>
      %dma_wait3A_1201 = tpu.memref_slice %arg8[%dma_wait3A_1193] : memref<2x!tpu.dma_semaphore, #tpu.memory_space<semaphore_mem>> -> memref<1x!tpu.dma_semaphore, #tpu.memory_space<semaphore_mem>>
      %dma_wait3A_1202 = tpu.memref_squeeze %dma_wait3A_1201 : memref<1x!tpu.dma_semaphore, #tpu.memory_space<semaphore_mem>> -> memref<!tpu.dma_semaphore, #tpu.memory_space<semaphore_mem>>
      %dma_wait3A_1203 = arith.constant 0 : i32
      %dma_wait3A_1204 = arith.constant 0 : i32
      %dma_wait3A_1205 = tpu.memref_slice %arg6[%dma_wait3A_1192, %dma_wait3A_1203, %dma_wait3A_1204] : memref<2x400x128xf32, #tpu.memory_space<vmem>> -> memref<1x128x128xf32, #tpu.memory_space<vmem>>
      %dma_wait3A_1206 = tpu.memref_squeeze %dma_wait3A_1205 : memref<1x128x128xf32, #tpu.memory_space<vmem>> -> memref<128x128xf32, #tpu.memory_space<vmem>>
      %dma_wait3A_1207 = arith.constant 0 : i32
      %dma_wait3A_1208 = arith.constant 0 : i32
      %dma_wait3A_1209 = tpu.memref_slice %arg3[%dma_wait3A_1207, %dma_wait3A_1208] : memref<1000000x128xf32, #tpu.memory_space<hbm>> -> memref<128x128xf32, #tpu.memory_space<hbm>>
      tpu.wait_dma2 semaphore(%dma_wait3A_1202 : memref<!tpu.dma_semaphore, #tpu.memory_space<semaphore_mem>>) src(%dma_wait3A_1209 : memref<128x128xf32, #tpu.memory_space<hbm>>) dst(%dma_wait3A_1206 : memref<128x128xf32, #tpu.memory_space<vmem>>)
      %dma_wait3A_1210 = arith.constant 0 : i32
      %dma_wait3A_1211 = arith.constant 0 : i32
      %dma_wait3A_1212 = arith.constant 128 : i32
      %dma_wait3A_1213 = arith.constant 0 : i32
      %dma_wait3A_1214 = tpu.memref_slice %arg6[%dma_wait3A_1210, %dma_wait3A_1212, %dma_wait3A_1213] : memref<2x400x128xf32, #tpu.memory_space<vmem>> -> memref<1x128x128xf32, #tpu.memory_space<vmem>>
      %dma_wait3A_1215 = tpu.memref_squeeze %dma_wait3A_1214 : memref<1x128x128xf32, #tpu.memory_space<vmem>> -> memref<128x128xf32, #tpu.memory_space<vmem>>
      %dma_wait3A_1216 = arith.constant 0 : i32
      %dma_wait3A_1217 = arith.constant 0 : i32
      %dma_wait3A_1218 = tpu.memref_slice %arg3[%dma_wait3A_1216, %dma_wait3A_1217] : memref<1000000x128xf32, #tpu.memory_space<hbm>> -> memref<128x128xf32, #tpu.memory_space<hbm>>
      %dma_wait3A_1219 = tpu.memref_slice %arg8[%dma_wait3A_1211] : memref<2x!tpu.dma_semaphore, #tpu.memory_space<semaphore_mem>> -> memref<1x!tpu.dma_semaphore, #tpu.memory_space<semaphore_mem>>
      %dma_wait3A_1220 = tpu.memref_squeeze %dma_wait3A_1219 : memref<1x!tpu.dma_semaphore, #tpu.memory_space<semaphore_mem>> -> memref<!tpu.dma_semaphore, #tpu.memory_space<semaphore_mem>>
      %dma_wait3A_1221 = arith.constant 128 : i32
      %dma_wait3A_1222 = arith.constant 0 : i32
      %dma_wait3A_1223 = tpu.memref_slice %arg6[%dma_wait3A_1210, %dma_wait3A_1221, %dma_wait3A_1222] : memref<2x400x128xf32, #tpu.memory_space<vmem>> -> memref<1x128x128xf32, #tpu.memory_space<vmem>>
      %dma_wait3A_1224 = tpu.memref_squeeze %dma_wait3A_1223 : memref<1x128x128xf32, #tpu.memory_space<vmem>> -> memref<128x128xf32, #tpu.memory_space<vmem>>
      %dma_wait3A_1225 = arith.constant 0 : i32
      %dma_wait3A_1226 = arith.constant 0 : i32
      %dma_wait3A_1227 = tpu.memref_slice %arg3[%dma_wait3A_1225, %dma_wait3A_1226] : memref<1000000x128xf32, #tpu.memory_space<hbm>> -> memref<128x128xf32, #tpu.memory_space<hbm>>
      tpu.wait_dma2 semaphore(%dma_wait3A_1220 : memref<!tpu.dma_semaphore, #tpu.memory_space<semaphore_mem>>) src(%dma_wait3A_1227 : memref<128x128xf32, #tpu.memory_space<hbm>>) dst(%dma_wait3A_1224 : memref<128x128xf32, #tpu.memory_space<vmem>>)
      %dma_wait3A_1228 = arith.constant 0 : i32
      %dma_wait3A_1229 = arith.constant 0 : i32
      %dma_wait3A_1230 = arith.constant 256 : i32
      %dma_wait3A_1231 = arith.constant 0 : i32
      %dma_wait3A_1232 = tpu.memref_slice %arg6[%dma_wait3A_1228, %dma_wait3A_1230, %dma_wait3A_1231] : memref<2x400x128xf32, #tpu.memory_space<vmem>> -> memref<1x128x128xf32, #tpu.memory_space<vmem>>
      %dma_wait3A_1233 = tpu.memref_squeeze %dma_wait3A_1232 : memref<1x128x128xf32, #tpu.memory_space<vmem>> -> memref<128x128xf32, #tpu.memory_space<vmem>>
      %dma_wait3A_1234 = arith.constant 0 : i32
      %dma_wait3A_1235 = arith.constant 0 : i32
      %dma_wait3A_1236 = tpu.memref_slice %arg3[%dma_wait3A_1234, %dma_wait3A_1235] : memref<1000000x128xf32, #tpu.memory_space<hbm>> -> memref<128x128xf32, #tpu.memory_space<hbm>>
      %dma_wait3A_1237 = tpu.memref_slice %arg8[%dma_wait3A_1229] : memref<2x!tpu.dma_semaphore, #tpu.memory_space<semaphore_mem>> -> memref<1x!tpu.dma_semaphore, #tpu.memory_space<semaphore_mem>>
      %dma_wait3A_1238 = tpu.memref_squeeze %dma_wait3A_1237 : memref<1x!tpu.dma_semaphore, #tpu.memory_space<semaphore_mem>> -> memref<!tpu.dma_semaphore, #tpu.memory_space<semaphore_mem>>
      %dma_wait3A_1239 = arith.constant 256 : i32
      %dma_wait3A_1240 = arith.constant 0 : i32
      %dma_wait3A_1241 = tpu.memref_slice %arg6[%dma_wait3A_1228, %dma_wait3A_1239, %dma_wait3A_1240] : memref<2x400x128xf32, #tpu.memory_space<vmem>> -> memref<1x128x128xf32, #tpu.memory_space<vmem>>
      %dma_wait3A_1242 = tpu.memref_squeeze %dma_wait3A_1241 : memref<1x128x128xf32, #tpu.memory_space<vmem>> -> memref<128x128xf32, #tpu.memory_space<vmem>>
      %dma_wait3A_1243 = arith.constant 0 : i32
      %dma_wait3A_1244 = arith.constant 0 : i32
      %dma_wait3A_1245 = tpu.memref_slice %arg3[%dma_wait3A_1243, %dma_wait3A_1244] : memref<1000000x128xf32, #tpu.memory_space<hbm>> -> memref<128x128xf32, #tpu.memory_space<hbm>>
      tpu.wait_dma2 semaphore(%dma_wait3A_1238 : memref<!tpu.dma_semaphore, #tpu.memory_space<semaphore_mem>>) src(%dma_wait3A_1245 : memref<128x128xf32, #tpu.memory_space<hbm>>) dst(%dma_wait3A_1242 : memref<128x128xf32, #tpu.memory_space<vmem>>)
      %dma_wait3A_1246 = arith.constant 0 : i32
      %dma_wait3A_1247 = arith.constant 0 : i32
      %dma_wait3A_1248 = arith.constant 384 : i32
      %dma_wait3A_1249 = arith.constant 0 : i32
      %dma_wait3A_1250 = tpu.memref_slice %arg6[%dma_wait3A_1246, %dma_wait3A_1248, %dma_wait3A_1249] : memref<2x400x128xf32, #tpu.memory_space<vmem>> -> memref<1x16x128xf32, #tpu.memory_space<vmem>>
      %dma_wait3A_1251 = tpu.memref_squeeze %dma_wait3A_1250 : memref<1x16x128xf32, #tpu.memory_space<vmem>> -> memref<16x128xf32, #tpu.memory_space<vmem>>
      %dma_wait3A_1252 = arith.constant 0 : i32
      %dma_wait3A_1253 = arith.constant 0 : i32
      %dma_wait3A_1254 = tpu.memref_slice %arg3[%dma_wait3A_1252, %dma_wait3A_1253] : memref<1000000x128xf32, #tpu.memory_space<hbm>> -> memref<16x128xf32, #tpu.memory_space<hbm>>
      %dma_wait3A_1255 = tpu.memref_slice %arg8[%dma_wait3A_1247] : memref<2x!tpu.dma_semaphore, #tpu.memory_space<semaphore_mem>> -> memref<1x!tpu.dma_semaphore, #tpu.memory_space<semaphore_mem>>
      %dma_wait3A_1256 = tpu.memref_squeeze %dma_wait3A_1255 : memref<1x!tpu.dma_semaphore, #tpu.memory_space<semaphore_mem>> -> memref<!tpu.dma_semaphore, #tpu.memory_space<semaphore_mem>>
      %dma_wait3A_1257 = arith.constant 384 : i32
      %dma_wait3A_1258 = arith.constant 0 : i32
      %dma_wait3A_1259 = tpu.memref_slice %arg6[%dma_wait3A_1246, %dma_wait3A_1257, %dma_wait3A_1258] : memref<2x400x128xf32, #tpu.memory_space<vmem>> -> memref<1x16x128xf32, #tpu.memory_space<vmem>>
      %dma_wait3A_1260 = tpu.memref_squeeze %dma_wait3A_1259 : memref<1x16x128xf32, #tpu.memory_space<vmem>> -> memref<16x128xf32, #tpu.memory_space<vmem>>
      %dma_wait3A_1261 = arith.constant 0 : i32
      %dma_wait3A_1262 = arith.constant 0 : i32
      %dma_wait3A_1263 = tpu.memref_slice %arg3[%dma_wait3A_1261, %dma_wait3A_1262] : memref<1000000x128xf32, #tpu.memory_space<hbm>> -> memref<16x128xf32, #tpu.memory_space<hbm>>
      tpu.wait_dma2 semaphore(%dma_wait3A_1256 : memref<!tpu.dma_semaphore, #tpu.memory_space<semaphore_mem>>) src(%dma_wait3A_1263 : memref<16x128xf32, #tpu.memory_space<hbm>>) dst(%dma_wait3A_1260 : memref<16x128xf32, #tpu.memory_space<vmem>>)
      %mul3A_1264 = arith.constant 8 : i32
      %mul3A_1265 = arith.muli %add3A_1115, %mul3A_1264 : i32
      %add3A_1266 = arith.addi %mul3A_4, %mul3A_1265 : i32
      %add3A_1267 = arith.constant 0 : i32
      %add3A_1268 = arith.addi %add3A_1266, %add3A_1267 : i32
      %mul3A_1269 = arith.constant 56 : i32
      %mul3A_1270 = arith.muli %add3A_1268, %mul3A_1269 : i32
      %dma_start3A_1271 = arith.constant 0 : i32
      %dma_start3A_1272 = arith.constant 0 : i32
      %dma_start3A_1273 = arith.constant 0 : i32
      %dma_start3A_1274 = arith.constant 0 : i32
      %dma_start3A_1275 = tpu.memref_slice %arg6[%dma_start3A_1271, %dma_start3A_1273, %dma_start3A_1274] : memref<2x400x128xf32, #tpu.memory_space<vmem>> -> memref<1x50x128xf32, #tpu.memory_space<vmem>>
      %dma_start3A_1276 = tpu.memref_squeeze %dma_start3A_1275 : memref<1x50x128xf32, #tpu.memory_space<vmem>> -> memref<50x128xf32, #tpu.memory_space<vmem>>
      %dma_start3A_1277 = arith.constant 0 : i32
      %dma_start3A_1278 = tpu.memref_slice %arg4[%mul3A_1270, %dma_start3A_1277] : memref<917504x128xf32, #tpu.memory_space<hbm>> -> memref<50x128xf32, #tpu.memory_space<hbm>>
      %dma_start3A_1279 = tpu.memref_slice %arg9[%dma_start3A_1272] : memref<2x!tpu.dma_semaphore, #tpu.memory_space<semaphore_mem>> -> memref<1x!tpu.dma_semaphore, #tpu.memory_space<semaphore_mem>>
      %dma_start3A_1280 = tpu.memref_squeeze %dma_start3A_1279 : memref<1x!tpu.dma_semaphore, #tpu.memory_space<semaphore_mem>> -> memref<!tpu.dma_semaphore, #tpu.memory_space<semaphore_mem>>
      %dma_start3A_1281 = arith.constant 0 : i32
      %dma_start3A_1282 = tpu.memref_slice %arg4[%mul3A_1270, %dma_start3A_1281] : memref<917504x128xf32, #tpu.memory_space<hbm>> -> memref<50x128xf32, #tpu.memory_space<hbm>>
      %dma_start3A_1283 = arith.constant 0 : i32
      %dma_start3A_1284 = arith.constant 0 : i32
      %dma_start3A_1285 = tpu.memref_slice %arg6[%dma_start3A_1271, %dma_start3A_1283, %dma_start3A_1284] : memref<2x400x128xf32, #tpu.memory_space<vmem>> -> memref<1x50x128xf32, #tpu.memory_space<vmem>>
      %dma_start3A_1286 = tpu.memref_squeeze %dma_start3A_1285 : memref<1x50x128xf32, #tpu.memory_space<vmem>> -> memref<50x128xf32, #tpu.memory_space<vmem>>
      tpu.enqueue_dma source(%dma_start3A_1286 : memref<50x128xf32, #tpu.memory_space<vmem>>) target(%dma_start3A_1282 : memref<50x128xf32, #tpu.memory_space<hbm>>) target_semaphore(%dma_start3A_1280 : memref<!tpu.dma_semaphore, #tpu.memory_space<semaphore_mem>>)
      %mul3A_1287 = arith.constant 8 : i32
      %mul3A_1288 = arith.muli %add3A_1115, %mul3A_1287 : i32
      %add3A_1289 = arith.addi %mul3A_4, %mul3A_1288 : i32
      %add3A_1290 = arith.constant 1 : i32
      %add3A_1291 = arith.addi %add3A_1289, %add3A_1290 : i32
      %mul3A_1292 = arith.constant 56 : i32
      %mul3A_1293 = arith.muli %add3A_1291, %mul3A_1292 : i32
      %dma_start3A_1294 = arith.constant 0 : i32
      %dma_start3A_1295 = arith.constant 0 : i32
      %dma_start3A_1296 = arith.constant 50 : i32
      %dma_start3A_1297 = arith.constant 0 : i32
      %dma_start3A_1298 = tpu.memref_slice %arg6[%dma_start3A_1294, %dma_start3A_1296, %dma_start3A_1297] : memref<2x400x128xf32, #tpu.memory_space<vmem>> -> memref<1x50x128xf32, #tpu.memory_space<vmem>>
      %dma_start3A_1299 = tpu.memref_squeeze %dma_start3A_1298 : memref<1x50x128xf32, #tpu.memory_space<vmem>> -> memref<50x128xf32, #tpu.memory_space<vmem>>
      %dma_start3A_1300 = arith.constant 0 : i32
      %dma_start3A_1301 = tpu.memref_slice %arg4[%mul3A_1293, %dma_start3A_1300] : memref<917504x128xf32, #tpu.memory_space<hbm>> -> memref<50x128xf32, #tpu.memory_space<hbm>>
      %dma_start3A_1302 = tpu.memref_slice %arg9[%dma_start3A_1295] : memref<2x!tpu.dma_semaphore, #tpu.memory_space<semaphore_mem>> -> memref<1x!tpu.dma_semaphore, #tpu.memory_space<semaphore_mem>>
      %dma_start3A_1303 = tpu.memref_squeeze %dma_start3A_1302 : memref<1x!tpu.dma_semaphore, #tpu.memory_space<semaphore_mem>> -> memref<!tpu.dma_semaphore, #tpu.memory_space<semaphore_mem>>
      %dma_start3A_1304 = arith.constant 0 : i32
      %dma_start3A_1305 = tpu.memref_slice %arg4[%mul3A_1293, %dma_start3A_1304] : memref<917504x128xf32, #tpu.memory_space<hbm>> -> memref<50x128xf32, #tpu.memory_space<hbm>>
      %dma_start3A_1306 = arith.constant 50 : i32
      %dma_start3A_1307 = arith.constant 0 : i32
      %dma_start3A_1308 = tpu.memref_slice %arg6[%dma_start3A_1294, %dma_start3A_1306, %dma_start3A_1307] : memref<2x400x128xf32, #tpu.memory_space<vmem>> -> memref<1x50x128xf32, #tpu.memory_space<vmem>>
      %dma_start3A_1309 = tpu.memref_squeeze %dma_start3A_1308 : memref<1x50x128xf32, #tpu.memory_space<vmem>> -> memref<50x128xf32, #tpu.memory_space<vmem>>
      tpu.enqueue_dma source(%dma_start3A_1309 : memref<50x128xf32, #tpu.memory_space<vmem>>) target(%dma_start3A_1305 : memref<50x128xf32, #tpu.memory_space<hbm>>) target_semaphore(%dma_start3A_1303 : memref<!tpu.dma_semaphore, #tpu.memory_space<semaphore_mem>>)
      %mul3A_1310 = arith.constant 8 : i32
      %mul3A_1311 = arith.muli %add3A_1115, %mul3A_1310 : i32
      %add3A_1312 = arith.addi %mul3A_4, %mul3A_1311 : i32
      %add3A_1313 = arith.constant 2 : i32
      %add3A_1314 = arith.addi %add3A_1312, %add3A_1313 : i32
      %mul3A_1315 = arith.constant 56 : i32
      %mul3A_1316 = arith.muli %add3A_1314, %mul3A_1315 : i32
      %dma_start3A_1317 = arith.constant 0 : i32
      %dma_start3A_1318 = arith.constant 0 : i32
      %dma_start3A_1319 = arith.constant 100 : i32
      %dma_start3A_1320 = arith.constant 0 : i32
      %dma_start3A_1321 = tpu.memref_slice %arg6[%dma_start3A_1317, %dma_start3A_1319, %dma_start3A_1320] : memref<2x400x128xf32, #tpu.memory_space<vmem>> -> memref<1x50x128xf32, #tpu.memory_space<vmem>>
      %dma_start3A_1322 = tpu.memref_squeeze %dma_start3A_1321 : memref<1x50x128xf32, #tpu.memory_space<vmem>> -> memref<50x128xf32, #tpu.memory_space<vmem>>
      %dma_start3A_1323 = arith.constant 0 : i32
      %dma_start3A_1324 = tpu.memref_slice %arg4[%mul3A_1316, %dma_start3A_1323] : memref<917504x128xf32, #tpu.memory_space<hbm>> -> memref<50x128xf32, #tpu.memory_space<hbm>>
      %dma_start3A_1325 = tpu.memref_slice %arg9[%dma_start3A_1318] : memref<2x!tpu.dma_semaphore, #tpu.memory_space<semaphore_mem>> -> memref<1x!tpu.dma_semaphore, #tpu.memory_space<semaphore_mem>>
      %dma_start3A_1326 = tpu.memref_squeeze %dma_start3A_1325 : memref<1x!tpu.dma_semaphore, #tpu.memory_space<semaphore_mem>> -> memref<!tpu.dma_semaphore, #tpu.memory_space<semaphore_mem>>
      %dma_start3A_1327 = arith.constant 0 : i32
      %dma_start3A_1328 = tpu.memref_slice %arg4[%mul3A_1316, %dma_start3A_1327] : memref<917504x128xf32, #tpu.memory_space<hbm>> -> memref<50x128xf32, #tpu.memory_space<hbm>>
      %dma_start3A_1329 = arith.constant 100 : i32
      %dma_start3A_1330 = arith.constant 0 : i32
      %dma_start3A_1331 = tpu.memref_slice %arg6[%dma_start3A_1317, %dma_start3A_1329, %dma_start3A_1330] : memref<2x400x128xf32, #tpu.memory_space<vmem>> -> memref<1x50x128xf32, #tpu.memory_space<vmem>>
      %dma_start3A_1332 = tpu.memref_squeeze %dma_start3A_1331 : memref<1x50x128xf32, #tpu.memory_space<vmem>> -> memref<50x128xf32, #tpu.memory_space<vmem>>
      tpu.enqueue_dma source(%dma_start3A_1332 : memref<50x128xf32, #tpu.memory_space<vmem>>) target(%dma_start3A_1328 : memref<50x128xf32, #tpu.memory_space<hbm>>) target_semaphore(%dma_start3A_1326 : memref<!tpu.dma_semaphore, #tpu.memory_space<semaphore_mem>>)
      %mul3A_1333 = arith.constant 8 : i32
      %mul3A_1334 = arith.muli %add3A_1115, %mul3A_1333 : i32
      %add3A_1335 = arith.addi %mul3A_4, %mul3A_1334 : i32
      %add3A_1336 = arith.constant 3 : i32
      %add3A_1337 = arith.addi %add3A_1335, %add3A_1336 : i32
      %mul3A_1338 = arith.constant 56 : i32
      %mul3A_1339 = arith.muli %add3A_1337, %mul3A_1338 : i32
      %dma_start3A_1340 = arith.constant 0 : i32
      %dma_start3A_1341 = arith.constant 0 : i32
      %dma_start3A_1342 = arith.constant 150 : i32
      %dma_start3A_1343 = arith.constant 0 : i32
      %dma_start3A_1344 = tpu.memref_slice %arg6[%dma_start3A_1340, %dma_start3A_1342, %dma_start3A_1343] : memref<2x400x128xf32, #tpu.memory_space<vmem>> -> memref<1x50x128xf32, #tpu.memory_space<vmem>>
      %dma_start3A_1345 = tpu.memref_squeeze %dma_start3A_1344 : memref<1x50x128xf32, #tpu.memory_space<vmem>> -> memref<50x128xf32, #tpu.memory_space<vmem>>
      %dma_start3A_1346 = arith.constant 0 : i32
      %dma_start3A_1347 = tpu.memref_slice %arg4[%mul3A_1339, %dma_start3A_1346] : memref<917504x128xf32, #tpu.memory_space<hbm>> -> memref<50x128xf32, #tpu.memory_space<hbm>>
      %dma_start3A_1348 = tpu.memref_slice %arg9[%dma_start3A_1341] : memref<2x!tpu.dma_semaphore, #tpu.memory_space<semaphore_mem>> -> memref<1x!tpu.dma_semaphore, #tpu.memory_space<semaphore_mem>>
      %dma_start3A_1349 = tpu.memref_squeeze %dma_start3A_1348 : memref<1x!tpu.dma_semaphore, #tpu.memory_space<semaphore_mem>> -> memref<!tpu.dma_semaphore, #tpu.memory_space<semaphore_mem>>
      %dma_start3A_1350 = arith.constant 0 : i32
      %dma_start3A_1351 = tpu.memref_slice %arg4[%mul3A_1339, %dma_start3A_1350] : memref<917504x128xf32, #tpu.memory_space<hbm>> -> memref<50x128xf32, #tpu.memory_space<hbm>>
      %dma_start3A_1352 = arith.constant 150 : i32
      %dma_start3A_1353 = arith.constant 0 : i32
      %dma_start3A_1354 = tpu.memref_slice %arg6[%dma_start3A_1340, %dma_start3A_1352, %dma_start3A_1353] : memref<2x400x128xf32, #tpu.memory_space<vmem>> -> memref<1x50x128xf32, #tpu.memory_space<vmem>>
      %dma_start3A_1355 = tpu.memref_squeeze %dma_start3A_1354 : memref<1x50x128xf32, #tpu.memory_space<vmem>> -> memref<50x128xf32, #tpu.memory_space<vmem>>
      tpu.enqueue_dma source(%dma_start3A_1355 : memref<50x128xf32, #tpu.memory_space<vmem>>) target(%dma_start3A_1351 : memref<50x128xf32, #tpu.memory_space<hbm>>) target_semaphore(%dma_start3A_1349 : memref<!tpu.dma_semaphore, #tpu.memory_space<semaphore_mem>>)
      %mul3A_1356 = arith.constant 8 : i32
      %mul3A_1357 = arith.muli %add3A_1115, %mul3A_1356 : i32
      %add3A_1358 = arith.addi %mul3A_4, %mul3A_1357 : i32
      %add3A_1359 = arith.constant 4 : i32
      %add3A_1360 = arith.addi %add3A_1358, %add3A_1359 : i32
      %mul3A_1361 = arith.constant 56 : i32
      %mul3A_1362 = arith.muli %add3A_1360, %mul3A_1361 : i32
      %dma_start3A_1363 = arith.constant 0 : i32
      %dma_start3A_1364 = arith.constant 0 : i32
      %dma_start3A_1365 = arith.constant 200 : i32
      %dma_start3A_1366 = arith.constant 0 : i32
      %dma_start3A_1367 = tpu.memref_slice %arg6[%dma_start3A_1363, %dma_start3A_1365, %dma_start3A_1366] : memref<2x400x128xf32, #tpu.memory_space<vmem>> -> memref<1x50x128xf32, #tpu.memory_space<vmem>>
      %dma_start3A_1368 = tpu.memref_squeeze %dma_start3A_1367 : memref<1x50x128xf32, #tpu.memory_space<vmem>> -> memref<50x128xf32, #tpu.memory_space<vmem>>
      %dma_start3A_1369 = arith.constant 0 : i32
      %dma_start3A_1370 = tpu.memref_slice %arg4[%mul3A_1362, %dma_start3A_1369] : memref<917504x128xf32, #tpu.memory_space<hbm>> -> memref<50x128xf32, #tpu.memory_space<hbm>>
      %dma_start3A_1371 = tpu.memref_slice %arg9[%dma_start3A_1364] : memref<2x!tpu.dma_semaphore, #tpu.memory_space<semaphore_mem>> -> memref<1x!tpu.dma_semaphore, #tpu.memory_space<semaphore_mem>>
      %dma_start3A_1372 = tpu.memref_squeeze %dma_start3A_1371 : memref<1x!tpu.dma_semaphore, #tpu.memory_space<semaphore_mem>> -> memref<!tpu.dma_semaphore, #tpu.memory_space<semaphore_mem>>
      %dma_start3A_1373 = arith.constant 0 : i32
      %dma_start3A_1374 = tpu.memref_slice %arg4[%mul3A_1362, %dma_start3A_1373] : memref<917504x128xf32, #tpu.memory_space<hbm>> -> memref<50x128xf32, #tpu.memory_space<hbm>>
      %dma_start3A_1375 = arith.constant 200 : i32
      %dma_start3A_1376 = arith.constant 0 : i32
      %dma_start3A_1377 = tpu.memref_slice %arg6[%dma_start3A_1363, %dma_start3A_1375, %dma_start3A_1376] : memref<2x400x128xf32, #tpu.memory_space<vmem>> -> memref<1x50x128xf32, #tpu.memory_space<vmem>>
      %dma_start3A_1378 = tpu.memref_squeeze %dma_start3A_1377 : memref<1x50x128xf32, #tpu.memory_space<vmem>> -> memref<50x128xf32, #tpu.memory_space<vmem>>
      tpu.enqueue_dma source(%dma_start3A_1378 : memref<50x128xf32, #tpu.memory_space<vmem>>) target(%dma_start3A_1374 : memref<50x128xf32, #tpu.memory_space<hbm>>) target_semaphore(%dma_start3A_1372 : memref<!tpu.dma_semaphore, #tpu.memory_space<semaphore_mem>>)
      %mul3A_1379 = arith.constant 8 : i32
      %mul3A_1380 = arith.muli %add3A_1115, %mul3A_1379 : i32
      %add3A_1381 = arith.addi %mul3A_4, %mul3A_1380 : i32
      %add3A_1382 = arith.constant 5 : i32
      %add3A_1383 = arith.addi %add3A_1381, %add3A_1382 : i32
      %mul3A_1384 = arith.constant 56 : i32
      %mul3A_1385 = arith.muli %add3A_1383, %mul3A_1384 : i32
      %dma_start3A_1386 = arith.constant 0 : i32
      %dma_start3A_1387 = arith.constant 0 : i32
      %dma_start3A_1388 = arith.constant 250 : i32
      %dma_start3A_1389 = arith.constant 0 : i32
      %dma_start3A_1390 = tpu.memref_slice %arg6[%dma_start3A_1386, %dma_start3A_1388, %dma_start3A_1389] : memref<2x400x128xf32, #tpu.memory_space<vmem>> -> memref<1x50x128xf32, #tpu.memory_space<vmem>>
      %dma_start3A_1391 = tpu.memref_squeeze %dma_start3A_1390 : memref<1x50x128xf32, #tpu.memory_space<vmem>> -> memref<50x128xf32, #tpu.memory_space<vmem>>
      %dma_start3A_1392 = arith.constant 0 : i32
      %dma_start3A_1393 = tpu.memref_slice %arg4[%mul3A_1385, %dma_start3A_1392] : memref<917504x128xf32, #tpu.memory_space<hbm>> -> memref<50x128xf32, #tpu.memory_space<hbm>>
      %dma_start3A_1394 = tpu.memref_slice %arg9[%dma_start3A_1387] : memref<2x!tpu.dma_semaphore, #tpu.memory_space<semaphore_mem>> -> memref<1x!tpu.dma_semaphore, #tpu.memory_space<semaphore_mem>>
      %dma_start3A_1395 = tpu.memref_squeeze %dma_start3A_1394 : memref<1x!tpu.dma_semaphore, #tpu.memory_space<semaphore_mem>> -> memref<!tpu.dma_semaphore, #tpu.memory_space<semaphore_mem>>
      %dma_start3A_1396 = arith.constant 0 : i32
      %dma_start3A_1397 = tpu.memref_slice %arg4[%mul3A_1385, %dma_start3A_1396] : memref<917504x128xf32, #tpu.memory_space<hbm>> -> memref<50x128xf32, #tpu.memory_space<hbm>>
      %dma_start3A_1398 = arith.constant 250 : i32
      %dma_start3A_1399 = arith.constant 0 : i32
      %dma_start3A_1400 = tpu.memref_slice %arg6[%dma_start3A_1386, %dma_start3A_1398, %dma_start3A_1399] : memref<2x400x128xf32, #tpu.memory_space<vmem>> -> memref<1x50x128xf32, #tpu.memory_space<vmem>>
      %dma_start3A_1401 = tpu.memref_squeeze %dma_start3A_1400 : memref<1x50x128xf32, #tpu.memory_space<vmem>> -> memref<50x128xf32, #tpu.memory_space<vmem>>
      tpu.enqueue_dma source(%dma_start3A_1401 : memref<50x128xf32, #tpu.memory_space<vmem>>) target(%dma_start3A_1397 : memref<50x128xf32, #tpu.memory_space<hbm>>) target_semaphore(%dma_start3A_1395 : memref<!tpu.dma_semaphore, #tpu.memory_space<semaphore_mem>>)
      %mul3A_1402 = arith.constant 8 : i32
      %mul3A_1403 = arith.muli %add3A_1115, %mul3A_1402 : i32
      %add3A_1404 = arith.addi %mul3A_4, %mul3A_1403 : i32
      %add3A_1405 = arith.constant 6 : i32
      %add3A_1406 = arith.addi %add3A_1404, %add3A_1405 : i32
      %mul3A_1407 = arith.constant 56 : i32
      %mul3A_1408 = arith.muli %add3A_1406, %mul3A_1407 : i32
      %dma_start3A_1409 = arith.constant 0 : i32
      %dma_start3A_1410 = arith.constant 0 : i32
      %dma_start3A_1411 = arith.constant 300 : i32
      %dma_start3A_1412 = arith.constant 0 : i32
      %dma_start3A_1413 = tpu.memref_slice %arg6[%dma_start3A_1409, %dma_start3A_1411, %dma_start3A_1412] : memref<2x400x128xf32, #tpu.memory_space<vmem>> -> memref<1x50x128xf32, #tpu.memory_space<vmem>>
      %dma_start3A_1414 = tpu.memref_squeeze %dma_start3A_1413 : memref<1x50x128xf32, #tpu.memory_space<vmem>> -> memref<50x128xf32, #tpu.memory_space<vmem>>
      %dma_start3A_1415 = arith.constant 0 : i32
      %dma_start3A_1416 = tpu.memref_slice %arg4[%mul3A_1408, %dma_start3A_1415] : memref<917504x128xf32, #tpu.memory_space<hbm>> -> memref<50x128xf32, #tpu.memory_space<hbm>>
      %dma_start3A_1417 = tpu.memref_slice %arg9[%dma_start3A_1410] : memref<2x!tpu.dma_semaphore, #tpu.memory_space<semaphore_mem>> -> memref<1x!tpu.dma_semaphore, #tpu.memory_space<semaphore_mem>>
      %dma_start3A_1418 = tpu.memref_squeeze %dma_start3A_1417 : memref<1x!tpu.dma_semaphore, #tpu.memory_space<semaphore_mem>> -> memref<!tpu.dma_semaphore, #tpu.memory_space<semaphore_mem>>
      %dma_start3A_1419 = arith.constant 0 : i32
      %dma_start3A_1420 = tpu.memref_slice %arg4[%mul3A_1408, %dma_start3A_1419] : memref<917504x128xf32, #tpu.memory_space<hbm>> -> memref<50x128xf32, #tpu.memory_space<hbm>>
      %dma_start3A_1421 = arith.constant 300 : i32
      %dma_start3A_1422 = arith.constant 0 : i32
      %dma_start3A_1423 = tpu.memref_slice %arg6[%dma_start3A_1409, %dma_start3A_1421, %dma_start3A_1422] : memref<2x400x128xf32, #tpu.memory_space<vmem>> -> memref<1x50x128xf32, #tpu.memory_space<vmem>>
      %dma_start3A_1424 = tpu.memref_squeeze %dma_start3A_1423 : memref<1x50x128xf32, #tpu.memory_space<vmem>> -> memref<50x128xf32, #tpu.memory_space<vmem>>
      tpu.enqueue_dma source(%dma_start3A_1424 : memref<50x128xf32, #tpu.memory_space<vmem>>) target(%dma_start3A_1420 : memref<50x128xf32, #tpu.memory_space<hbm>>) target_semaphore(%dma_start3A_1418 : memref<!tpu.dma_semaphore, #tpu.memory_space<semaphore_mem>>)
      %mul3A_1425 = arith.constant 8 : i32
      %mul3A_1426 = arith.muli %add3A_1115, %mul3A_1425 : i32
      %add3A_1427 = arith.addi %mul3A_4, %mul3A_1426 : i32
      %add3A_1428 = arith.constant 7 : i32
      %add3A_1429 = arith.addi %add3A_1427, %add3A_1428 : i32
      %mul3A_1430 = arith.constant 56 : i32
      %mul3A_1431 = arith.muli %add3A_1429, %mul3A_1430 : i32
      %dma_start3A_1432 = arith.constant 0 : i32
      %dma_start3A_1433 = arith.constant 0 : i32
      %dma_start3A_1434 = arith.constant 350 : i32
      %dma_start3A_1435 = arith.constant 0 : i32
      %dma_start3A_1436 = tpu.memref_slice %arg6[%dma_start3A_1432, %dma_start3A_1434, %dma_start3A_1435] : memref<2x400x128xf32, #tpu.memory_space<vmem>> -> memref<1x50x128xf32, #tpu.memory_space<vmem>>
      %dma_start3A_1437 = tpu.memref_squeeze %dma_start3A_1436 : memref<1x50x128xf32, #tpu.memory_space<vmem>> -> memref<50x128xf32, #tpu.memory_space<vmem>>
      %dma_start3A_1438 = arith.constant 0 : i32
      %dma_start3A_1439 = tpu.memref_slice %arg4[%mul3A_1431, %dma_start3A_1438] : memref<917504x128xf32, #tpu.memory_space<hbm>> -> memref<50x128xf32, #tpu.memory_space<hbm>>
      %dma_start3A_1440 = tpu.memref_slice %arg9[%dma_start3A_1433] : memref<2x!tpu.dma_semaphore, #tpu.memory_space<semaphore_mem>> -> memref<1x!tpu.dma_semaphore, #tpu.memory_space<semaphore_mem>>
      %dma_start3A_1441 = tpu.memref_squeeze %dma_start3A_1440 : memref<1x!tpu.dma_semaphore, #tpu.memory_space<semaphore_mem>> -> memref<!tpu.dma_semaphore, #tpu.memory_space<semaphore_mem>>
      %dma_start3A_1442 = arith.constant 0 : i32
      %dma_start3A_1443 = tpu.memref_slice %arg4[%mul3A_1431, %dma_start3A_1442] : memref<917504x128xf32, #tpu.memory_space<hbm>> -> memref<50x128xf32, #tpu.memory_space<hbm>>
      %dma_start3A_1444 = arith.constant 350 : i32
      %dma_start3A_1445 = arith.constant 0 : i32
      %dma_start3A_1446 = tpu.memref_slice %arg6[%dma_start3A_1432, %dma_start3A_1444, %dma_start3A_1445] : memref<2x400x128xf32, #tpu.memory_space<vmem>> -> memref<1x50x128xf32, #tpu.memory_space<vmem>>
      %dma_start3A_1447 = tpu.memref_squeeze %dma_start3A_1446 : memref<1x50x128xf32, #tpu.memory_space<vmem>> -> memref<50x128xf32, #tpu.memory_space<vmem>>
      tpu.enqueue_dma source(%dma_start3A_1447 : memref<50x128xf32, #tpu.memory_space<vmem>>) target(%dma_start3A_1443 : memref<50x128xf32, #tpu.memory_space<hbm>>) target_semaphore(%dma_start3A_1441 : memref<!tpu.dma_semaphore, #tpu.memory_space<semaphore_mem>>)
      %add3A_1448 = arith.constant 2 : i32
      %add3A_1449 = arith.addi %add3A_1115, %add3A_1448 : i32
      %mul3A_1450 = arith.constant 400 : i32
      %mul3A_1451 = arith.muli %add3A_1449, %mul3A_1450 : i32
      %add3A_1452 = arith.addi %mul3A_2, %mul3A_1451 : i32
      %dma_start3A_1453 = arith.constant 0 : i32
      %dma_start3A_1454 = arith.constant 0 : i32
      %dma_start3A_1455 = arith.constant 0 : i32
      %dma_start3A_1456 = tpu.memref_slice %arg5[%dma_start3A_1453, %dma_start3A_1455] : memref<2x400xi32, #tpu.memory_space<vmem>> -> memref<1x400xi32, #tpu.memory_space<vmem>>
      %dma_start3A_1457 = tpu.memref_squeeze %dma_start3A_1456 : memref<1x400xi32, #tpu.memory_space<vmem>> -> memref<400xi32, #tpu.memory_space<vmem>>
      %dma_start3A_1458 = tpu.memref_slice %arg2[%add3A_1452] : memref<819200xi32, #tpu.memory_space<hbm>> -> memref<400xi32, #tpu.memory_space<hbm>>
      %dma_start3A_1459 = tpu.memref_slice %arg7[%dma_start3A_1454] : memref<2x!tpu.dma_semaphore, #tpu.memory_space<semaphore_mem>> -> memref<1x!tpu.dma_semaphore, #tpu.memory_space<semaphore_mem>>
      %dma_start3A_1460 = tpu.memref_squeeze %dma_start3A_1459 : memref<1x!tpu.dma_semaphore, #tpu.memory_space<semaphore_mem>> -> memref<!tpu.dma_semaphore, #tpu.memory_space<semaphore_mem>>
      %dma_start3A_1461 = arith.constant 0 : i32
      %dma_start3A_1462 = tpu.memref_slice %arg5[%dma_start3A_1453, %dma_start3A_1461] : memref<2x400xi32, #tpu.memory_space<vmem>> -> memref<1x400xi32, #tpu.memory_space<vmem>>
      %dma_start3A_1463 = tpu.memref_squeeze %dma_start3A_1462 : memref<1x400xi32, #tpu.memory_space<vmem>> -> memref<400xi32, #tpu.memory_space<vmem>>
      %dma_start3A_1464 = tpu.memref_slice %arg2[%add3A_1452] : memref<819200xi32, #tpu.memory_space<hbm>> -> memref<400xi32, #tpu.memory_space<hbm>>
      tpu.enqueue_dma source(%dma_start3A_1464 : memref<400xi32, #tpu.memory_space<hbm>>) target(%dma_start3A_1463 : memref<400xi32, #tpu.memory_space<vmem>>) target_semaphore(%dma_start3A_1460 : memref<!tpu.dma_semaphore, #tpu.memory_space<semaphore_mem>>)
      %dma_wait3A_1465 = arith.constant 0 : i32
      %dma_wait3A_1466 = arith.constant 0 : i32
      %dma_wait3A_1467 = arith.constant 0 : i32
      %dma_wait3A_1468 = tpu.memref_slice %arg5[%dma_wait3A_1465, %dma_wait3A_1467] : memref<2x400xi32, #tpu.memory_space<vmem>> -> memref<1x400xi32, #tpu.memory_space<vmem>>
      %dma_wait3A_1469 = tpu.memref_squeeze %dma_wait3A_1468 : memref<1x400xi32, #tpu.memory_space<vmem>> -> memref<400xi32, #tpu.memory_space<vmem>>
      %dma_wait3A_1470 = arith.constant 0 : i32
      %dma_wait3A_1471 = tpu.memref_slice %arg2[%dma_wait3A_1470] : memref<819200xi32, #tpu.memory_space<hbm>> -> memref<400xi32, #tpu.memory_space<hbm>>
      %dma_wait3A_1472 = tpu.memref_slice %arg7[%dma_wait3A_1466] : memref<2x!tpu.dma_semaphore, #tpu.memory_space<semaphore_mem>> -> memref<1x!tpu.dma_semaphore, #tpu.memory_space<semaphore_mem>>
      %dma_wait3A_1473 = tpu.memref_squeeze %dma_wait3A_1472 : memref<1x!tpu.dma_semaphore, #tpu.memory_space<semaphore_mem>> -> memref<!tpu.dma_semaphore, #tpu.memory_space<semaphore_mem>>
      %dma_wait3A_1474 = arith.constant 0 : i32
      %dma_wait3A_1475 = tpu.memref_slice %arg5[%dma_wait3A_1465, %dma_wait3A_1474] : memref<2x400xi32, #tpu.memory_space<vmem>> -> memref<1x400xi32, #tpu.memory_space<vmem>>
      %dma_wait3A_1476 = tpu.memref_squeeze %dma_wait3A_1475 : memref<1x400xi32, #tpu.memory_space<vmem>> -> memref<400xi32, #tpu.memory_space<vmem>>
      %dma_wait3A_1477 = arith.constant 0 : i32
      %dma_wait3A_1478 = tpu.memref_slice %arg2[%dma_wait3A_1477] : memref<819200xi32, #tpu.memory_space<hbm>> -> memref<400xi32, #tpu.memory_space<hbm>>
      tpu.wait_dma2 semaphore(%dma_wait3A_1473 : memref<!tpu.dma_semaphore, #tpu.memory_space<semaphore_mem>>) src(%dma_wait3A_1478 : memref<400xi32, #tpu.memory_space<hbm>>) dst(%dma_wait3A_1476 : memref<400xi32, #tpu.memory_space<vmem>>)
      %dma_wait3A_1479 = arith.constant 0 : i32
      %dma_wait3A_1480 = arith.constant 0 : i32
      %dma_wait3A_1481 = arith.constant 0 : i32
      %dma_wait3A_1482 = arith.constant 0 : i32
      %dma_wait3A_1483 = tpu.memref_slice %arg6[%dma_wait3A_1479, %dma_wait3A_1481, %dma_wait3A_1482] : memref<2x400x128xf32, #tpu.memory_space<vmem>> -> memref<1x50x128xf32, #tpu.memory_space<vmem>>
      %dma_wait3A_1484 = tpu.memref_squeeze %dma_wait3A_1483 : memref<1x50x128xf32, #tpu.memory_space<vmem>> -> memref<50x128xf32, #tpu.memory_space<vmem>>
      %dma_wait3A_1485 = arith.constant 0 : i32
      %dma_wait3A_1486 = arith.constant 0 : i32
      %dma_wait3A_1487 = tpu.memref_slice %arg4[%dma_wait3A_1485, %dma_wait3A_1486] : memref<917504x128xf32, #tpu.memory_space<hbm>> -> memref<50x128xf32, #tpu.memory_space<hbm>>
      %dma_wait3A_1488 = tpu.memref_slice %arg9[%dma_wait3A_1480] : memref<2x!tpu.dma_semaphore, #tpu.memory_space<semaphore_mem>> -> memref<1x!tpu.dma_semaphore, #tpu.memory_space<semaphore_mem>>
      %dma_wait3A_1489 = tpu.memref_squeeze %dma_wait3A_1488 : memref<1x!tpu.dma_semaphore, #tpu.memory_space<semaphore_mem>> -> memref<!tpu.dma_semaphore, #tpu.memory_space<semaphore_mem>>
      %dma_wait3A_1490 = arith.constant 0 : i32
      %dma_wait3A_1491 = arith.constant 0 : i32
      %dma_wait3A_1492 = tpu.memref_slice %arg4[%dma_wait3A_1490, %dma_wait3A_1491] : memref<917504x128xf32, #tpu.memory_space<hbm>> -> memref<50x128xf32, #tpu.memory_space<hbm>>
      %dma_wait3A_1493 = arith.constant 0 : i32
      %dma_wait3A_1494 = arith.constant 0 : i32
      %dma_wait3A_1495 = tpu.memref_slice %arg6[%dma_wait3A_1479, %dma_wait3A_1493, %dma_wait3A_1494] : memref<2x400x128xf32, #tpu.memory_space<vmem>> -> memref<1x50x128xf32, #tpu.memory_space<vmem>>
      %dma_wait3A_1496 = tpu.memref_squeeze %dma_wait3A_1495 : memref<1x50x128xf32, #tpu.memory_space<vmem>> -> memref<50x128xf32, #tpu.memory_space<vmem>>
      tpu.wait_dma2 semaphore(%dma_wait3A_1489 : memref<!tpu.dma_semaphore, #tpu.memory_space<semaphore_mem>>) src(%dma_wait3A_1496 : memref<50x128xf32, #tpu.memory_space<vmem>>) dst(%dma_wait3A_1492 : memref<50x128xf32, #tpu.memory_space<hbm>>)
      %dma_wait3A_1497 = arith.constant 0 : i32
      %dma_wait3A_1498 = arith.constant 0 : i32
      %dma_wait3A_1499 = arith.constant 50 : i32
      %dma_wait3A_1500 = arith.constant 0 : i32
      %dma_wait3A_1501 = tpu.memref_slice %arg6[%dma_wait3A_1497, %dma_wait3A_1499, %dma_wait3A_1500] : memref<2x400x128xf32, #tpu.memory_space<vmem>> -> memref<1x50x128xf32, #tpu.memory_space<vmem>>
      %dma_wait3A_1502 = tpu.memref_squeeze %dma_wait3A_1501 : memref<1x50x128xf32, #tpu.memory_space<vmem>> -> memref<50x128xf32, #tpu.memory_space<vmem>>
      %dma_wait3A_1503 = arith.constant 0 : i32
      %dma_wait3A_1504 = arith.constant 0 : i32
      %dma_wait3A_1505 = tpu.memref_slice %arg4[%dma_wait3A_1503, %dma_wait3A_1504] : memref<917504x128xf32, #tpu.memory_space<hbm>> -> memref<50x128xf32, #tpu.memory_space<hbm>>
      %dma_wait3A_1506 = tpu.memref_slice %arg9[%dma_wait3A_1498] : memref<2x!tpu.dma_semaphore, #tpu.memory_space<semaphore_mem>> -> memref<1x!tpu.dma_semaphore, #tpu.memory_space<semaphore_mem>>
      %dma_wait3A_1507 = tpu.memref_squeeze %dma_wait3A_1506 : memref<1x!tpu.dma_semaphore, #tpu.memory_space<semaphore_mem>> -> memref<!tpu.dma_semaphore, #tpu.memory_space<semaphore_mem>>
      %dma_wait3A_1508 = arith.constant 0 : i32
      %dma_wait3A_1509 = arith.constant 0 : i32
      %dma_wait3A_1510 = tpu.memref_slice %arg4[%dma_wait3A_1508, %dma_wait3A_1509] : memref<917504x128xf32, #tpu.memory_space<hbm>> -> memref<50x128xf32, #tpu.memory_space<hbm>>
      %dma_wait3A_1511 = arith.constant 50 : i32
      %dma_wait3A_1512 = arith.constant 0 : i32
      %dma_wait3A_1513 = tpu.memref_slice %arg6[%dma_wait3A_1497, %dma_wait3A_1511, %dma_wait3A_1512] : memref<2x400x128xf32, #tpu.memory_space<vmem>> -> memref<1x50x128xf32, #tpu.memory_space<vmem>>
      %dma_wait3A_1514 = tpu.memref_squeeze %dma_wait3A_1513 : memref<1x50x128xf32, #tpu.memory_space<vmem>> -> memref<50x128xf32, #tpu.memory_space<vmem>>
      tpu.wait_dma2 semaphore(%dma_wait3A_1507 : memref<!tpu.dma_semaphore, #tpu.memory_space<semaphore_mem>>) src(%dma_wait3A_1514 : memref<50x128xf32, #tpu.memory_space<vmem>>) dst(%dma_wait3A_1510 : memref<50x128xf32, #tpu.memory_space<hbm>>)
      %dma_wait3A_1515 = arith.constant 0 : i32
      %dma_wait3A_1516 = arith.constant 0 : i32
      %dma_wait3A_1517 = arith.constant 100 : i32
      %dma_wait3A_1518 = arith.constant 0 : i32
      %dma_wait3A_1519 = tpu.memref_slice %arg6[%dma_wait3A_1515, %dma_wait3A_1517, %dma_wait3A_1518] : memref<2x400x128xf32, #tpu.memory_space<vmem>> -> memref<1x50x128xf32, #tpu.memory_space<vmem>>
      %dma_wait3A_1520 = tpu.memref_squeeze %dma_wait3A_1519 : memref<1x50x128xf32, #tpu.memory_space<vmem>> -> memref<50x128xf32, #tpu.memory_space<vmem>>
      %dma_wait3A_1521 = arith.constant 0 : i32
      %dma_wait3A_1522 = arith.constant 0 : i32
      %dma_wait3A_1523 = tpu.memref_slice %arg4[%dma_wait3A_1521, %dma_wait3A_1522] : memref<917504x128xf32, #tpu.memory_space<hbm>> -> memref<50x128xf32, #tpu.memory_space<hbm>>
      %dma_wait3A_1524 = tpu.memref_slice %arg9[%dma_wait3A_1516] : memref<2x!tpu.dma_semaphore, #tpu.memory_space<semaphore_mem>> -> memref<1x!tpu.dma_semaphore, #tpu.memory_space<semaphore_mem>>
      %dma_wait3A_1525 = tpu.memref_squeeze %dma_wait3A_1524 : memref<1x!tpu.dma_semaphore, #tpu.memory_space<semaphore_mem>> -> memref<!tpu.dma_semaphore, #tpu.memory_space<semaphore_mem>>
      %dma_wait3A_1526 = arith.constant 0 : i32
      %dma_wait3A_1527 = arith.constant 0 : i32
      %dma_wait3A_1528 = tpu.memref_slice %arg4[%dma_wait3A_1526, %dma_wait3A_1527] : memref<917504x128xf32, #tpu.memory_space<hbm>> -> memref<50x128xf32, #tpu.memory_space<hbm>>
      %dma_wait3A_1529 = arith.constant 100 : i32
      %dma_wait3A_1530 = arith.constant 0 : i32
      %dma_wait3A_1531 = tpu.memref_slice %arg6[%dma_wait3A_1515, %dma_wait3A_1529, %dma_wait3A_1530] : memref<2x400x128xf32, #tpu.memory_space<vmem>> -> memref<1x50x128xf32, #tpu.memory_space<vmem>>
      %dma_wait3A_1532 = tpu.memref_squeeze %dma_wait3A_1531 : memref<1x50x128xf32, #tpu.memory_space<vmem>> -> memref<50x128xf32, #tpu.memory_space<vmem>>
      tpu.wait_dma2 semaphore(%dma_wait3A_1525 : memref<!tpu.dma_semaphore, #tpu.memory_space<semaphore_mem>>) src(%dma_wait3A_1532 : memref<50x128xf32, #tpu.memory_space<vmem>>) dst(%dma_wait3A_1528 : memref<50x128xf32, #tpu.memory_space<hbm>>)
      %dma_wait3A_1533 = arith.constant 0 : i32
      %dma_wait3A_1534 = arith.constant 0 : i32
      %dma_wait3A_1535 = arith.constant 150 : i32
      %dma_wait3A_1536 = arith.constant 0 : i32
      %dma_wait3A_1537 = tpu.memref_slice %arg6[%dma_wait3A_1533, %dma_wait3A_1535, %dma_wait3A_1536] : memref<2x400x128xf32, #tpu.memory_space<vmem>> -> memref<1x50x128xf32, #tpu.memory_space<vmem>>
      %dma_wait3A_1538 = tpu.memref_squeeze %dma_wait3A_1537 : memref<1x50x128xf32, #tpu.memory_space<vmem>> -> memref<50x128xf32, #tpu.memory_space<vmem>>
      %dma_wait3A_1539 = arith.constant 0 : i32
      %dma_wait3A_1540 = arith.constant 0 : i32
      %dma_wait3A_1541 = tpu.memref_slice %arg4[%dma_wait3A_1539, %dma_wait3A_1540] : memref<917504x128xf32, #tpu.memory_space<hbm>> -> memref<50x128xf32, #tpu.memory_space<hbm>>
      %dma_wait3A_1542 = tpu.memref_slice %arg9[%dma_wait3A_1534] : memref<2x!tpu.dma_semaphore, #tpu.memory_space<semaphore_mem>> -> memref<1x!tpu.dma_semaphore, #tpu.memory_space<semaphore_mem>>
      %dma_wait3A_1543 = tpu.memref_squeeze %dma_wait3A_1542 : memref<1x!tpu.dma_semaphore, #tpu.memory_space<semaphore_mem>> -> memref<!tpu.dma_semaphore, #tpu.memory_space<semaphore_mem>>
      %dma_wait3A_1544 = arith.constant 0 : i32
      %dma_wait3A_1545 = arith.constant 0 : i32
      %dma_wait3A_1546 = tpu.memref_slice %arg4[%dma_wait3A_1544, %dma_wait3A_1545] : memref<917504x128xf32, #tpu.memory_space<hbm>> -> memref<50x128xf32, #tpu.memory_space<hbm>>
      %dma_wait3A_1547 = arith.constant 150 : i32
      %dma_wait3A_1548 = arith.constant 0 : i32
      %dma_wait3A_1549 = tpu.memref_slice %arg6[%dma_wait3A_1533, %dma_wait3A_1547, %dma_wait3A_1548] : memref<2x400x128xf32, #tpu.memory_space<vmem>> -> memref<1x50x128xf32, #tpu.memory_space<vmem>>
      %dma_wait3A_1550 = tpu.memref_squeeze %dma_wait3A_1549 : memref<1x50x128xf32, #tpu.memory_space<vmem>> -> memref<50x128xf32, #tpu.memory_space<vmem>>
      tpu.wait_dma2 semaphore(%dma_wait3A_1543 : memref<!tpu.dma_semaphore, #tpu.memory_space<semaphore_mem>>) src(%dma_wait3A_1550 : memref<50x128xf32, #tpu.memory_space<vmem>>) dst(%dma_wait3A_1546 : memref<50x128xf32, #tpu.memory_space<hbm>>)
      %dma_wait3A_1551 = arith.constant 0 : i32
      %dma_wait3A_1552 = arith.constant 0 : i32
      %dma_wait3A_1553 = arith.constant 200 : i32
      %dma_wait3A_1554 = arith.constant 0 : i32
      %dma_wait3A_1555 = tpu.memref_slice %arg6[%dma_wait3A_1551, %dma_wait3A_1553, %dma_wait3A_1554] : memref<2x400x128xf32, #tpu.memory_space<vmem>> -> memref<1x50x128xf32, #tpu.memory_space<vmem>>
      %dma_wait3A_1556 = tpu.memref_squeeze %dma_wait3A_1555 : memref<1x50x128xf32, #tpu.memory_space<vmem>> -> memref<50x128xf32, #tpu.memory_space<vmem>>
      %dma_wait3A_1557 = arith.constant 0 : i32
      %dma_wait3A_1558 = arith.constant 0 : i32
      %dma_wait3A_1559 = tpu.memref_slice %arg4[%dma_wait3A_1557, %dma_wait3A_1558] : memref<917504x128xf32, #tpu.memory_space<hbm>> -> memref<50x128xf32, #tpu.memory_space<hbm>>
      %dma_wait3A_1560 = tpu.memref_slice %arg9[%dma_wait3A_1552] : memref<2x!tpu.dma_semaphore, #tpu.memory_space<semaphore_mem>> -> memref<1x!tpu.dma_semaphore, #tpu.memory_space<semaphore_mem>>
      %dma_wait3A_1561 = tpu.memref_squeeze %dma_wait3A_1560 : memref<1x!tpu.dma_semaphore, #tpu.memory_space<semaphore_mem>> -> memref<!tpu.dma_semaphore, #tpu.memory_space<semaphore_mem>>
      %dma_wait3A_1562 = arith.constant 0 : i32
      %dma_wait3A_1563 = arith.constant 0 : i32
      %dma_wait3A_1564 = tpu.memref_slice %arg4[%dma_wait3A_1562, %dma_wait3A_1563] : memref<917504x128xf32, #tpu.memory_space<hbm>> -> memref<50x128xf32, #tpu.memory_space<hbm>>
      %dma_wait3A_1565 = arith.constant 200 : i32
      %dma_wait3A_1566 = arith.constant 0 : i32
      %dma_wait3A_1567 = tpu.memref_slice %arg6[%dma_wait3A_1551, %dma_wait3A_1565, %dma_wait3A_1566] : memref<2x400x128xf32, #tpu.memory_space<vmem>> -> memref<1x50x128xf32, #tpu.memory_space<vmem>>
      %dma_wait3A_1568 = tpu.memref_squeeze %dma_wait3A_1567 : memref<1x50x128xf32, #tpu.memory_space<vmem>> -> memref<50x128xf32, #tpu.memory_space<vmem>>
      tpu.wait_dma2 semaphore(%dma_wait3A_1561 : memref<!tpu.dma_semaphore, #tpu.memory_space<semaphore_mem>>) src(%dma_wait3A_1568 : memref<50x128xf32, #tpu.memory_space<vmem>>) dst(%dma_wait3A_1564 : memref<50x128xf32, #tpu.memory_space<hbm>>)
      %dma_wait3A_1569 = arith.constant 0 : i32
      %dma_wait3A_1570 = arith.constant 0 : i32
      %dma_wait3A_1571 = arith.constant 250 : i32
      %dma_wait3A_1572 = arith.constant 0 : i32
      %dma_wait3A_1573 = tpu.memref_slice %arg6[%dma_wait3A_1569, %dma_wait3A_1571, %dma_wait3A_1572] : memref<2x400x128xf32, #tpu.memory_space<vmem>> -> memref<1x50x128xf32, #tpu.memory_space<vmem>>
      %dma_wait3A_1574 = tpu.memref_squeeze %dma_wait3A_1573 : memref<1x50x128xf32, #tpu.memory_space<vmem>> -> memref<50x128xf32, #tpu.memory_space<vmem>>
      %dma_wait3A_1575 = arith.constant 0 : i32
      %dma_wait3A_1576 = arith.constant 0 : i32
      %dma_wait3A_1577 = tpu.memref_slice %arg4[%dma_wait3A_1575, %dma_wait3A_1576] : memref<917504x128xf32, #tpu.memory_space<hbm>> -> memref<50x128xf32, #tpu.memory_space<hbm>>
      %dma_wait3A_1578 = tpu.memref_slice %arg9[%dma_wait3A_1570] : memref<2x!tpu.dma_semaphore, #tpu.memory_space<semaphore_mem>> -> memref<1x!tpu.dma_semaphore, #tpu.memory_space<semaphore_mem>>
      %dma_wait3A_1579 = tpu.memref_squeeze %dma_wait3A_1578 : memref<1x!tpu.dma_semaphore, #tpu.memory_space<semaphore_mem>> -> memref<!tpu.dma_semaphore, #tpu.memory_space<semaphore_mem>>
      %dma_wait3A_1580 = arith.constant 0 : i32
      %dma_wait3A_1581 = arith.constant 0 : i32
      %dma_wait3A_1582 = tpu.memref_slice %arg4[%dma_wait3A_1580, %dma_wait3A_1581] : memref<917504x128xf32, #tpu.memory_space<hbm>> -> memref<50x128xf32, #tpu.memory_space<hbm>>
      %dma_wait3A_1583 = arith.constant 250 : i32
      %dma_wait3A_1584 = arith.constant 0 : i32
      %dma_wait3A_1585 = tpu.memref_slice %arg6[%dma_wait3A_1569, %dma_wait3A_1583, %dma_wait3A_1584] : memref<2x400x128xf32, #tpu.memory_space<vmem>> -> memref<1x50x128xf32, #tpu.memory_space<vmem>>
      %dma_wait3A_1586 = tpu.memref_squeeze %dma_wait3A_1585 : memref<1x50x128xf32, #tpu.memory_space<vmem>> -> memref<50x128xf32, #tpu.memory_space<vmem>>
      tpu.wait_dma2 semaphore(%dma_wait3A_1579 : memref<!tpu.dma_semaphore, #tpu.memory_space<semaphore_mem>>) src(%dma_wait3A_1586 : memref<50x128xf32, #tpu.memory_space<vmem>>) dst(%dma_wait3A_1582 : memref<50x128xf32, #tpu.memory_space<hbm>>)
      %dma_wait3A_1587 = arith.constant 0 : i32
      %dma_wait3A_1588 = arith.constant 0 : i32
      %dma_wait3A_1589 = arith.constant 300 : i32
      %dma_wait3A_1590 = arith.constant 0 : i32
      %dma_wait3A_1591 = tpu.memref_slice %arg6[%dma_wait3A_1587, %dma_wait3A_1589, %dma_wait3A_1590] : memref<2x400x128xf32, #tpu.memory_space<vmem>> -> memref<1x50x128xf32, #tpu.memory_space<vmem>>
      %dma_wait3A_1592 = tpu.memref_squeeze %dma_wait3A_1591 : memref<1x50x128xf32, #tpu.memory_space<vmem>> -> memref<50x128xf32, #tpu.memory_space<vmem>>
      %dma_wait3A_1593 = arith.constant 0 : i32
      %dma_wait3A_1594 = arith.constant 0 : i32
      %dma_wait3A_1595 = tpu.memref_slice %arg4[%dma_wait3A_1593, %dma_wait3A_1594] : memref<917504x128xf32, #tpu.memory_space<hbm>> -> memref<50x128xf32, #tpu.memory_space<hbm>>
      %dma_wait3A_1596 = tpu.memref_slice %arg9[%dma_wait3A_1588] : memref<2x!tpu.dma_semaphore, #tpu.memory_space<semaphore_mem>> -> memref<1x!tpu.dma_semaphore, #tpu.memory_space<semaphore_mem>>
      %dma_wait3A_1597 = tpu.memref_squeeze %dma_wait3A_1596 : memref<1x!tpu.dma_semaphore, #tpu.memory_space<semaphore_mem>> -> memref<!tpu.dma_semaphore, #tpu.memory_space<semaphore_mem>>
      %dma_wait3A_1598 = arith.constant 0 : i32
      %dma_wait3A_1599 = arith.constant 0 : i32
      %dma_wait3A_1600 = tpu.memref_slice %arg4[%dma_wait3A_1598, %dma_wait3A_1599] : memref<917504x128xf32, #tpu.memory_space<hbm>> -> memref<50x128xf32, #tpu.memory_space<hbm>>
      %dma_wait3A_1601 = arith.constant 300 : i32
      %dma_wait3A_1602 = arith.constant 0 : i32
      %dma_wait3A_1603 = tpu.memref_slice %arg6[%dma_wait3A_1587, %dma_wait3A_1601, %dma_wait3A_1602] : memref<2x400x128xf32, #tpu.memory_space<vmem>> -> memref<1x50x128xf32, #tpu.memory_space<vmem>>
      %dma_wait3A_1604 = tpu.memref_squeeze %dma_wait3A_1603 : memref<1x50x128xf32, #tpu.memory_space<vmem>> -> memref<50x128xf32, #tpu.memory_space<vmem>>
      tpu.wait_dma2 semaphore(%dma_wait3A_1597 : memref<!tpu.dma_semaphore, #tpu.memory_space<semaphore_mem>>) src(%dma_wait3A_1604 : memref<50x128xf32, #tpu.memory_space<vmem>>) dst(%dma_wait3A_1600 : memref<50x128xf32, #tpu.memory_space<hbm>>)
      %dma_wait3A_1605 = arith.constant 0 : i32
      %dma_wait3A_1606 = arith.constant 0 : i32
      %dma_wait3A_1607 = arith.constant 350 : i32
      %dma_wait3A_1608 = arith.constant 0 : i32
      %dma_wait3A_1609 = tpu.memref_slice %arg6[%dma_wait3A_1605, %dma_wait3A_1607, %dma_wait3A_1608] : memref<2x400x128xf32, #tpu.memory_space<vmem>> -> memref<1x50x128xf32, #tpu.memory_space<vmem>>
      %dma_wait3A_1610 = tpu.memref_squeeze %dma_wait3A_1609 : memref<1x50x128xf32, #tpu.memory_space<vmem>> -> memref<50x128xf32, #tpu.memory_space<vmem>>
      %dma_wait3A_1611 = arith.constant 0 : i32
      %dma_wait3A_1612 = arith.constant 0 : i32
      %dma_wait3A_1613 = tpu.memref_slice %arg4[%dma_wait3A_1611, %dma_wait3A_1612] : memref<917504x128xf32, #tpu.memory_space<hbm>> -> memref<50x128xf32, #tpu.memory_space<hbm>>
      %dma_wait3A_1614 = tpu.memref_slice %arg9[%dma_wait3A_1606] : memref<2x!tpu.dma_semaphore, #tpu.memory_space<semaphore_mem>> -> memref<1x!tpu.dma_semaphore, #tpu.memory_space<semaphore_mem>>
      %dma_wait3A_1615 = tpu.memref_squeeze %dma_wait3A_1614 : memref<1x!tpu.dma_semaphore, #tpu.memory_space<semaphore_mem>> -> memref<!tpu.dma_semaphore, #tpu.memory_space<semaphore_mem>>
      %dma_wait3A_1616 = arith.constant 0 : i32
      %dma_wait3A_1617 = arith.constant 0 : i32
      %dma_wait3A_1618 = tpu.memref_slice %arg4[%dma_wait3A_1616, %dma_wait3A_1617] : memref<917504x128xf32, #tpu.memory_space<hbm>> -> memref<50x128xf32, #tpu.memory_space<hbm>>
      %dma_wait3A_1619 = arith.constant 350 : i32
      %dma_wait3A_1620 = arith.constant 0 : i32
      %dma_wait3A_1621 = tpu.memref_slice %arg6[%dma_wait3A_1605, %dma_wait3A_1619, %dma_wait3A_1620] : memref<2x400x128xf32, #tpu.memory_space<vmem>> -> memref<1x50x128xf32, #tpu.memory_space<vmem>>
      %dma_wait3A_1622 = tpu.memref_squeeze %dma_wait3A_1621 : memref<1x50x128xf32, #tpu.memory_space<vmem>> -> memref<50x128xf32, #tpu.memory_space<vmem>>
      tpu.wait_dma2 semaphore(%dma_wait3A_1615 : memref<!tpu.dma_semaphore, #tpu.memory_space<semaphore_mem>>) src(%dma_wait3A_1622 : memref<50x128xf32, #tpu.memory_space<vmem>>) dst(%dma_wait3A_1618 : memref<50x128xf32, #tpu.memory_space<hbm>>)
      %dma_start3A_1623 = arith.constant 0 : i32
      %dma_start3A_1624 = arith.constant 0 : i32
      %dma_start3A_1625 = arith.constant 0 : i32
      %dma_start3A_1626 = arith.constant 0 : i32
      %dma_start3A_1627 = arith.constant 0 : i32
      %dma_start3A_1628 = tpu.memref_slice %arg6[%dma_start3A_1624, %dma_start3A_1626, %dma_start3A_1627] : memref<2x400x128xf32, #tpu.memory_space<vmem>> -> memref<1x128x128xf32, #tpu.memory_space<vmem>>
      %dma_start3A_1629 = tpu.memref_squeeze %dma_start3A_1628 : memref<1x128x128xf32, #tpu.memory_space<vmem>> -> memref<128x128xf32, #tpu.memory_space<vmem>>
      %dma_start3A_1630 = arith.constant 0 : i32
      %dma_start3A_1631 = tpu.memref_slice %arg5[%dma_start3A_1623, %dma_start3A_1630] : memref<2x400xi32, #tpu.memory_space<vmem>> -> memref<1x128xi32, #tpu.memory_space<vmem>>
      %dma_start3A_1632 = tpu.memref_squeeze %dma_start3A_1631 : memref<1x128xi32, #tpu.memory_space<vmem>> -> memref<128xi32, #tpu.memory_space<vmem>>
      %dma_start3A_1633 = arith.constant 0 : i32
      %dma_start3A_1634 = arith.constant 0 : i32
      %dma_start3A_1635 = tpu.memref_slice %arg3[%dma_start3A_1633, %dma_start3A_1634] : memref<1000000x128xf32, #tpu.memory_space<hbm>> -> memref<1000000x128xf32, #tpu.memory_space<hbm>>
      %dma_start3A_1636 = tpu.memref_slice %arg8[%dma_start3A_1625] : memref<2x!tpu.dma_semaphore, #tpu.memory_space<semaphore_mem>> -> memref<1x!tpu.dma_semaphore, #tpu.memory_space<semaphore_mem>>
      %dma_start3A_1637 = tpu.memref_squeeze %dma_start3A_1636 : memref<1x!tpu.dma_semaphore, #tpu.memory_space<semaphore_mem>> -> memref<!tpu.dma_semaphore, #tpu.memory_space<semaphore_mem>>
      tpu.enqueue_indirect_dma source(%dma_start3A_1635 : memref<1000000x128xf32, #tpu.memory_space<hbm>>) target(%dma_start3A_1629 : memref<128x128xf32, #tpu.memory_space<vmem>>) offsets(%dma_start3A_1632 : memref<128xi32, #tpu.memory_space<vmem>>) semaphore(%dma_start3A_1637 : memref<!tpu.dma_semaphore, #tpu.memory_space<semaphore_mem>>)
      %dma_start3A_1638 = arith.constant 0 : i32
      %dma_start3A_1639 = arith.constant 0 : i32
      %dma_start3A_1640 = arith.constant 0 : i32
      %dma_start3A_1641 = arith.constant 128 : i32
      %dma_start3A_1642 = arith.constant 0 : i32
      %dma_start3A_1643 = tpu.memref_slice %arg6[%dma_start3A_1639, %dma_start3A_1641, %dma_start3A_1642] : memref<2x400x128xf32, #tpu.memory_space<vmem>> -> memref<1x128x128xf32, #tpu.memory_space<vmem>>
      %dma_start3A_1644 = tpu.memref_squeeze %dma_start3A_1643 : memref<1x128x128xf32, #tpu.memory_space<vmem>> -> memref<128x128xf32, #tpu.memory_space<vmem>>
      %dma_start3A_1645 = arith.constant 128 : i32
      %dma_start3A_1646 = tpu.memref_slice %arg5[%dma_start3A_1638, %dma_start3A_1645] : memref<2x400xi32, #tpu.memory_space<vmem>> -> memref<1x128xi32, #tpu.memory_space<vmem>>
      %dma_start3A_1647 = tpu.memref_squeeze %dma_start3A_1646 : memref<1x128xi32, #tpu.memory_space<vmem>> -> memref<128xi32, #tpu.memory_space<vmem>>
      %dma_start3A_1648 = arith.constant 0 : i32
      %dma_start3A_1649 = arith.constant 0 : i32
      %dma_start3A_1650 = tpu.memref_slice %arg3[%dma_start3A_1648, %dma_start3A_1649] : memref<1000000x128xf32, #tpu.memory_space<hbm>> -> memref<1000000x128xf32, #tpu.memory_space<hbm>>
      %dma_start3A_1651 = tpu.memref_slice %arg8[%dma_start3A_1640] : memref<2x!tpu.dma_semaphore, #tpu.memory_space<semaphore_mem>> -> memref<1x!tpu.dma_semaphore, #tpu.memory_space<semaphore_mem>>
      %dma_start3A_1652 = tpu.memref_squeeze %dma_start3A_1651 : memref<1x!tpu.dma_semaphore, #tpu.memory_space<semaphore_mem>> -> memref<!tpu.dma_semaphore, #tpu.memory_space<semaphore_mem>>
      tpu.enqueue_indirect_dma source(%dma_start3A_1650 : memref<1000000x128xf32, #tpu.memory_space<hbm>>) target(%dma_start3A_1644 : memref<128x128xf32, #tpu.memory_space<vmem>>) offsets(%dma_start3A_1647 : memref<128xi32, #tpu.memory_space<vmem>>) semaphore(%dma_start3A_1652 : memref<!tpu.dma_semaphore, #tpu.memory_space<semaphore_mem>>)
      %dma_start3A_1653 = arith.constant 0 : i32
      %dma_start3A_1654 = arith.constant 0 : i32
      %dma_start3A_1655 = arith.constant 0 : i32
      %dma_start3A_1656 = arith.constant 256 : i32
      %dma_start3A_1657 = arith.constant 0 : i32
      %dma_start3A_1658 = tpu.memref_slice %arg6[%dma_start3A_1654, %dma_start3A_1656, %dma_start3A_1657] : memref<2x400x128xf32, #tpu.memory_space<vmem>> -> memref<1x128x128xf32, #tpu.memory_space<vmem>>
      %dma_start3A_1659 = tpu.memref_squeeze %dma_start3A_1658 : memref<1x128x128xf32, #tpu.memory_space<vmem>> -> memref<128x128xf32, #tpu.memory_space<vmem>>
      %dma_start3A_1660 = arith.constant 256 : i32
      %dma_start3A_1661 = tpu.memref_slice %arg5[%dma_start3A_1653, %dma_start3A_1660] : memref<2x400xi32, #tpu.memory_space<vmem>> -> memref<1x128xi32, #tpu.memory_space<vmem>>
      %dma_start3A_1662 = tpu.memref_squeeze %dma_start3A_1661 : memref<1x128xi32, #tpu.memory_space<vmem>> -> memref<128xi32, #tpu.memory_space<vmem>>
      %dma_start3A_1663 = arith.constant 0 : i32
      %dma_start3A_1664 = arith.constant 0 : i32
      %dma_start3A_1665 = tpu.memref_slice %arg3[%dma_start3A_1663, %dma_start3A_1664] : memref<1000000x128xf32, #tpu.memory_space<hbm>> -> memref<1000000x128xf32, #tpu.memory_space<hbm>>
      %dma_start3A_1666 = tpu.memref_slice %arg8[%dma_start3A_1655] : memref<2x!tpu.dma_semaphore, #tpu.memory_space<semaphore_mem>> -> memref<1x!tpu.dma_semaphore, #tpu.memory_space<semaphore_mem>>
      %dma_start3A_1667 = tpu.memref_squeeze %dma_start3A_1666 : memref<1x!tpu.dma_semaphore, #tpu.memory_space<semaphore_mem>> -> memref<!tpu.dma_semaphore, #tpu.memory_space<semaphore_mem>>
      tpu.enqueue_indirect_dma source(%dma_start3A_1665 : memref<1000000x128xf32, #tpu.memory_space<hbm>>) target(%dma_start3A_1659 : memref<128x128xf32, #tpu.memory_space<vmem>>) offsets(%dma_start3A_1662 : memref<128xi32, #tpu.memory_space<vmem>>) semaphore(%dma_start3A_1667 : memref<!tpu.dma_semaphore, #tpu.memory_space<semaphore_mem>>)
      %dma_start3A_1668 = arith.constant 0 : i32
      %dma_start3A_1669 = arith.constant 0 : i32
      %dma_start3A_1670 = arith.constant 0 : i32
      %dma_start3A_1671 = arith.constant 384 : i32
      %dma_start3A_1672 = arith.constant 0 : i32
      %dma_start3A_1673 = tpu.memref_slice %arg6[%dma_start3A_1669, %dma_start3A_1671, %dma_start3A_1672] : memref<2x400x128xf32, #tpu.memory_space<vmem>> -> memref<1x16x128xf32, #tpu.memory_space<vmem>>
      %dma_start3A_1674 = tpu.memref_squeeze %dma_start3A_1673 : memref<1x16x128xf32, #tpu.memory_space<vmem>> -> memref<16x128xf32, #tpu.memory_space<vmem>>
      %dma_start3A_1675 = arith.constant 384 : i32
      %dma_start3A_1676 = tpu.memref_slice %arg5[%dma_start3A_1668, %dma_start3A_1675] : memref<2x400xi32, #tpu.memory_space<vmem>> -> memref<1x16xi32, #tpu.memory_space<vmem>>
      %dma_start3A_1677 = tpu.memref_squeeze %dma_start3A_1676 : memref<1x16xi32, #tpu.memory_space<vmem>> -> memref<16xi32, #tpu.memory_space<vmem>>
      %dma_start3A_1678 = arith.constant 0 : i32
      %dma_start3A_1679 = arith.constant 0 : i32
      %dma_start3A_1680 = tpu.memref_slice %arg3[%dma_start3A_1678, %dma_start3A_1679] : memref<1000000x128xf32, #tpu.memory_space<hbm>> -> memref<1000000x128xf32, #tpu.memory_space<hbm>>
      %dma_start3A_1681 = tpu.memref_slice %arg8[%dma_start3A_1670] : memref<2x!tpu.dma_semaphore, #tpu.memory_space<semaphore_mem>> -> memref<1x!tpu.dma_semaphore, #tpu.memory_space<semaphore_mem>>
      %dma_start3A_1682 = tpu.memref_squeeze %dma_start3A_1681 : memref<1x!tpu.dma_semaphore, #tpu.memory_space<semaphore_mem>> -> memref<!tpu.dma_semaphore, #tpu.memory_space<semaphore_mem>>
      tpu.enqueue_indirect_dma source(%dma_start3A_1680 : memref<1000000x128xf32, #tpu.memory_space<hbm>>) target(%dma_start3A_1674 : memref<16x128xf32, #tpu.memory_space<vmem>>) offsets(%dma_start3A_1677 : memref<16xi32, #tpu.memory_space<vmem>>) semaphore(%dma_start3A_1682 : memref<!tpu.dma_semaphore, #tpu.memory_space<semaphore_mem>>)
      %dma_wait3A_1683 = arith.constant 1 : i32
      %dma_wait3A_1684 = arith.constant 1 : i32
      %dma_wait3A_1685 = arith.constant 0 : i32
      %dma_wait3A_1686 = arith.constant 0 : i32
      %dma_wait3A_1687 = tpu.memref_slice %arg6[%dma_wait3A_1683, %dma_wait3A_1685, %dma_wait3A_1686] : memref<2x400x128xf32, #tpu.memory_space<vmem>> -> memref<1x128x128xf32, #tpu.memory_space<vmem>>
      %dma_wait3A_1688 = tpu.memref_squeeze %dma_wait3A_1687 : memref<1x128x128xf32, #tpu.memory_space<vmem>> -> memref<128x128xf32, #tpu.memory_space<vmem>>
      %dma_wait3A_1689 = arith.constant 0 : i32
      %dma_wait3A_1690 = arith.constant 0 : i32
      %dma_wait3A_1691 = tpu.memref_slice %arg3[%dma_wait3A_1689, %dma_wait3A_1690] : memref<1000000x128xf32, #tpu.memory_space<hbm>> -> memref<128x128xf32, #tpu.memory_space<hbm>>
      %dma_wait3A_1692 = tpu.memref_slice %arg8[%dma_wait3A_1684] : memref<2x!tpu.dma_semaphore, #tpu.memory_space<semaphore_mem>> -> memref<1x!tpu.dma_semaphore, #tpu.memory_space<semaphore_mem>>
      %dma_wait3A_1693 = tpu.memref_squeeze %dma_wait3A_1692 : memref<1x!tpu.dma_semaphore, #tpu.memory_space<semaphore_mem>> -> memref<!tpu.dma_semaphore, #tpu.memory_space<semaphore_mem>>
      %dma_wait3A_1694 = arith.constant 0 : i32
      %dma_wait3A_1695 = arith.constant 0 : i32
      %dma_wait3A_1696 = tpu.memref_slice %arg6[%dma_wait3A_1683, %dma_wait3A_1694, %dma_wait3A_1695] : memref<2x400x128xf32, #tpu.memory_space<vmem>> -> memref<1x128x128xf32, #tpu.memory_space<vmem>>
      %dma_wait3A_1697 = tpu.memref_squeeze %dma_wait3A_1696 : memref<1x128x128xf32, #tpu.memory_space<vmem>> -> memref<128x128xf32, #tpu.memory_space<vmem>>
      %dma_wait3A_1698 = arith.constant 0 : i32
      %dma_wait3A_1699 = arith.constant 0 : i32
      %dma_wait3A_1700 = tpu.memref_slice %arg3[%dma_wait3A_1698, %dma_wait3A_1699] : memref<1000000x128xf32, #tpu.memory_space<hbm>> -> memref<128x128xf32, #tpu.memory_space<hbm>>
      tpu.wait_dma2 semaphore(%dma_wait3A_1693 : memref<!tpu.dma_semaphore, #tpu.memory_space<semaphore_mem>>) src(%dma_wait3A_1700 : memref<128x128xf32, #tpu.memory_space<hbm>>) dst(%dma_wait3A_1697 : memref<128x128xf32, #tpu.memory_space<vmem>>)
      %dma_wait3A_1701 = arith.constant 1 : i32
      %dma_wait3A_1702 = arith.constant 1 : i32
      %dma_wait3A_1703 = arith.constant 128 : i32
      %dma_wait3A_1704 = arith.constant 0 : i32
      %dma_wait3A_1705 = tpu.memref_slice %arg6[%dma_wait3A_1701, %dma_wait3A_1703, %dma_wait3A_1704] : memref<2x400x128xf32, #tpu.memory_space<vmem>> -> memref<1x128x128xf32, #tpu.memory_space<vmem>>
      %dma_wait3A_1706 = tpu.memref_squeeze %dma_wait3A_1705 : memref<1x128x128xf32, #tpu.memory_space<vmem>> -> memref<128x128xf32, #tpu.memory_space<vmem>>
      %dma_wait3A_1707 = arith.constant 0 : i32
      %dma_wait3A_1708 = arith.constant 0 : i32
      %dma_wait3A_1709 = tpu.memref_slice %arg3[%dma_wait3A_1707, %dma_wait3A_1708] : memref<1000000x128xf32, #tpu.memory_space<hbm>> -> memref<128x128xf32, #tpu.memory_space<hbm>>
      %dma_wait3A_1710 = tpu.memref_slice %arg8[%dma_wait3A_1702] : memref<2x!tpu.dma_semaphore, #tpu.memory_space<semaphore_mem>> -> memref<1x!tpu.dma_semaphore, #tpu.memory_space<semaphore_mem>>
      %dma_wait3A_1711 = tpu.memref_squeeze %dma_wait3A_1710 : memref<1x!tpu.dma_semaphore, #tpu.memory_space<semaphore_mem>> -> memref<!tpu.dma_semaphore, #tpu.memory_space<semaphore_mem>>
      %dma_wait3A_1712 = arith.constant 128 : i32
      %dma_wait3A_1713 = arith.constant 0 : i32
      %dma_wait3A_1714 = tpu.memref_slice %arg6[%dma_wait3A_1701, %dma_wait3A_1712, %dma_wait3A_1713] : memref<2x400x128xf32, #tpu.memory_space<vmem>> -> memref<1x128x128xf32, #tpu.memory_space<vmem>>
      %dma_wait3A_1715 = tpu.memref_squeeze %dma_wait3A_1714 : memref<1x128x128xf32, #tpu.memory_space<vmem>> -> memref<128x128xf32, #tpu.memory_space<vmem>>
      %dma_wait3A_1716 = arith.constant 0 : i32
      %dma_wait3A_1717 = arith.constant 0 : i32
      %dma_wait3A_1718 = tpu.memref_slice %arg3[%dma_wait3A_1716, %dma_wait3A_1717] : memref<1000000x128xf32, #tpu.memory_space<hbm>> -> memref<128x128xf32, #tpu.memory_space<hbm>>
      tpu.wait_dma2 semaphore(%dma_wait3A_1711 : memref<!tpu.dma_semaphore, #tpu.memory_space<semaphore_mem>>) src(%dma_wait3A_1718 : memref<128x128xf32, #tpu.memory_space<hbm>>) dst(%dma_wait3A_1715 : memref<128x128xf32, #tpu.memory_space<vmem>>)
      %dma_wait3A_1719 = arith.constant 1 : i32
      %dma_wait3A_1720 = arith.constant 1 : i32
      %dma_wait3A_1721 = arith.constant 256 : i32
      %dma_wait3A_1722 = arith.constant 0 : i32
      %dma_wait3A_1723 = tpu.memref_slice %arg6[%dma_wait3A_1719, %dma_wait3A_1721, %dma_wait3A_1722] : memref<2x400x128xf32, #tpu.memory_space<vmem>> -> memref<1x128x128xf32, #tpu.memory_space<vmem>>
      %dma_wait3A_1724 = tpu.memref_squeeze %dma_wait3A_1723 : memref<1x128x128xf32, #tpu.memory_space<vmem>> -> memref<128x128xf32, #tpu.memory_space<vmem>>
      %dma_wait3A_1725 = arith.constant 0 : i32
      %dma_wait3A_1726 = arith.constant 0 : i32
      %dma_wait3A_1727 = tpu.memref_slice %arg3[%dma_wait3A_1725, %dma_wait3A_1726] : memref<1000000x128xf32, #tpu.memory_space<hbm>> -> memref<128x128xf32, #tpu.memory_space<hbm>>
      %dma_wait3A_1728 = tpu.memref_slice %arg8[%dma_wait3A_1720] : memref<2x!tpu.dma_semaphore, #tpu.memory_space<semaphore_mem>> -> memref<1x!tpu.dma_semaphore, #tpu.memory_space<semaphore_mem>>
      %dma_wait3A_1729 = tpu.memref_squeeze %dma_wait3A_1728 : memref<1x!tpu.dma_semaphore, #tpu.memory_space<semaphore_mem>> -> memref<!tpu.dma_semaphore, #tpu.memory_space<semaphore_mem>>
      %dma_wait3A_1730 = arith.constant 256 : i32
      %dma_wait3A_1731 = arith.constant 0 : i32
      %dma_wait3A_1732 = tpu.memref_slice %arg6[%dma_wait3A_1719, %dma_wait3A_1730, %dma_wait3A_1731] : memref<2x400x128xf32, #tpu.memory_space<vmem>> -> memref<1x128x128xf32, #tpu.memory_space<vmem>>
      %dma_wait3A_1733 = tpu.memref_squeeze %dma_wait3A_1732 : memref<1x128x128xf32, #tpu.memory_space<vmem>> -> memref<128x128xf32, #tpu.memory_space<vmem>>
      %dma_wait3A_1734 = arith.constant 0 : i32
      %dma_wait3A_1735 = arith.constant 0 : i32
      %dma_wait3A_1736 = tpu.memref_slice %arg3[%dma_wait3A_1734, %dma_wait3A_1735] : memref<1000000x128xf32, #tpu.memory_space<hbm>> -> memref<128x128xf32, #tpu.memory_space<hbm>>
      tpu.wait_dma2 semaphore(%dma_wait3A_1729 : memref<!tpu.dma_semaphore, #tpu.memory_space<semaphore_mem>>) src(%dma_wait3A_1736 : memref<128x128xf32, #tpu.memory_space<hbm>>) dst(%dma_wait3A_1733 : memref<128x128xf32, #tpu.memory_space<vmem>>)
      %dma_wait3A_1737 = arith.constant 1 : i32
      %dma_wait3A_1738 = arith.constant 1 : i32
      %dma_wait3A_1739 = arith.constant 384 : i32
      %dma_wait3A_1740 = arith.constant 0 : i32
      %dma_wait3A_1741 = tpu.memref_slice %arg6[%dma_wait3A_1737, %dma_wait3A_1739, %dma_wait3A_1740] : memref<2x400x128xf32, #tpu.memory_space<vmem>> -> memref<1x16x128xf32, #tpu.memory_space<vmem>>
      %dma_wait3A_1742 = tpu.memref_squeeze %dma_wait3A_1741 : memref<1x16x128xf32, #tpu.memory_space<vmem>> -> memref<16x128xf32, #tpu.memory_space<vmem>>
      %dma_wait3A_1743 = arith.constant 0 : i32
      %dma_wait3A_1744 = arith.constant 0 : i32
      %dma_wait3A_1745 = tpu.memref_slice %arg3[%dma_wait3A_1743, %dma_wait3A_1744] : memref<1000000x128xf32, #tpu.memory_space<hbm>> -> memref<16x128xf32, #tpu.memory_space<hbm>>
      %dma_wait3A_1746 = tpu.memref_slice %arg8[%dma_wait3A_1738] : memref<2x!tpu.dma_semaphore, #tpu.memory_space<semaphore_mem>> -> memref<1x!tpu.dma_semaphore, #tpu.memory_space<semaphore_mem>>
      %dma_wait3A_1747 = tpu.memref_squeeze %dma_wait3A_1746 : memref<1x!tpu.dma_semaphore, #tpu.memory_space<semaphore_mem>> -> memref<!tpu.dma_semaphore, #tpu.memory_space<semaphore_mem>>
      %dma_wait3A_1748 = arith.constant 384 : i32
      %dma_wait3A_1749 = arith.constant 0 : i32
      %dma_wait3A_1750 = tpu.memref_slice %arg6[%dma_wait3A_1737, %dma_wait3A_1748, %dma_wait3A_1749] : memref<2x400x128xf32, #tpu.memory_space<vmem>> -> memref<1x16x128xf32, #tpu.memory_space<vmem>>
      %dma_wait3A_1751 = tpu.memref_squeeze %dma_wait3A_1750 : memref<1x16x128xf32, #tpu.memory_space<vmem>> -> memref<16x128xf32, #tpu.memory_space<vmem>>
      %dma_wait3A_1752 = arith.constant 0 : i32
      %dma_wait3A_1753 = arith.constant 0 : i32
      %dma_wait3A_1754 = tpu.memref_slice %arg3[%dma_wait3A_1752, %dma_wait3A_1753] : memref<1000000x128xf32, #tpu.memory_space<hbm>> -> memref<16x128xf32, #tpu.memory_space<hbm>>
      tpu.wait_dma2 semaphore(%dma_wait3A_1747 : memref<!tpu.dma_semaphore, #tpu.memory_space<semaphore_mem>>) src(%dma_wait3A_1754 : memref<16x128xf32, #tpu.memory_space<hbm>>) dst(%dma_wait3A_1751 : memref<16x128xf32, #tpu.memory_space<vmem>>)
      %add3A_1755 = arith.constant 1 : i32
      %add3A_1756 = arith.addi %add3A_1115, %add3A_1755 : i32
      %mul3A_1757 = arith.constant 8 : i32
      %mul3A_1758 = arith.muli %add3A_1756, %mul3A_1757 : i32
      %add3A_1759 = arith.addi %mul3A_4, %mul3A_1758 : i32
      %add3A_1760 = arith.constant 0 : i32
      %add3A_1761 = arith.addi %add3A_1759, %add3A_1760 : i32
      %mul3A_1762 = arith.constant 56 : i32
      %mul3A_1763 = arith.muli %add3A_1761, %mul3A_1762 : i32
      %dma_start3A_1764 = arith.constant 1 : i32
      %dma_start3A_1765 = arith.constant 1 : i32
      %dma_start3A_1766 = arith.constant 0 : i32
      %dma_start3A_1767 = arith.constant 0 : i32
      %dma_start3A_1768 = tpu.memref_slice %arg6[%dma_start3A_1764, %dma_start3A_1766, %dma_start3A_1767] : memref<2x400x128xf32, #tpu.memory_space<vmem>> -> memref<1x50x128xf32, #tpu.memory_space<vmem>>
      %dma_start3A_1769 = tpu.memref_squeeze %dma_start3A_1768 : memref<1x50x128xf32, #tpu.memory_space<vmem>> -> memref<50x128xf32, #tpu.memory_space<vmem>>
      %dma_start3A_1770 = arith.constant 0 : i32
      %dma_start3A_1771 = tpu.memref_slice %arg4[%mul3A_1763, %dma_start3A_1770] : memref<917504x128xf32, #tpu.memory_space<hbm>> -> memref<50x128xf32, #tpu.memory_space<hbm>>
      %dma_start3A_1772 = tpu.memref_slice %arg9[%dma_start3A_1765] : memref<2x!tpu.dma_semaphore, #tpu.memory_space<semaphore_mem>> -> memref<1x!tpu.dma_semaphore, #tpu.memory_space<semaphore_mem>>
      %dma_start3A_1773 = tpu.memref_squeeze %dma_start3A_1772 : memref<1x!tpu.dma_semaphore, #tpu.memory_space<semaphore_mem>> -> memref<!tpu.dma_semaphore, #tpu.memory_space<semaphore_mem>>
      %dma_start3A_1774 = arith.constant 0 : i32
      %dma_start3A_1775 = tpu.memref_slice %arg4[%mul3A_1763, %dma_start3A_1774] : memref<917504x128xf32, #tpu.memory_space<hbm>> -> memref<50x128xf32, #tpu.memory_space<hbm>>
      %dma_start3A_1776 = arith.constant 0 : i32
      %dma_start3A_1777 = arith.constant 0 : i32
      %dma_start3A_1778 = tpu.memref_slice %arg6[%dma_start3A_1764, %dma_start3A_1776, %dma_start3A_1777] : memref<2x400x128xf32, #tpu.memory_space<vmem>> -> memref<1x50x128xf32, #tpu.memory_space<vmem>>
      %dma_start3A_1779 = tpu.memref_squeeze %dma_start3A_1778 : memref<1x50x128xf32, #tpu.memory_space<vmem>> -> memref<50x128xf32, #tpu.memory_space<vmem>>
      tpu.enqueue_dma source(%dma_start3A_1779 : memref<50x128xf32, #tpu.memory_space<vmem>>) target(%dma_start3A_1775 : memref<50x128xf32, #tpu.memory_space<hbm>>) target_semaphore(%dma_start3A_1773 : memref<!tpu.dma_semaphore, #tpu.memory_space<semaphore_mem>>)
      %mul3A_1780 = arith.constant 8 : i32
      %mul3A_1781 = arith.muli %add3A_1756, %mul3A_1780 : i32
      %add3A_1782 = arith.addi %mul3A_4, %mul3A_1781 : i32
      %add3A_1783 = arith.constant 1 : i32
      %add3A_1784 = arith.addi %add3A_1782, %add3A_1783 : i32
      %mul3A_1785 = arith.constant 56 : i32
      %mul3A_1786 = arith.muli %add3A_1784, %mul3A_1785 : i32
      %dma_start3A_1787 = arith.constant 1 : i32
      %dma_start3A_1788 = arith.constant 1 : i32
      %dma_start3A_1789 = arith.constant 50 : i32
      %dma_start3A_1790 = arith.constant 0 : i32
      %dma_start3A_1791 = tpu.memref_slice %arg6[%dma_start3A_1787, %dma_start3A_1789, %dma_start3A_1790] : memref<2x400x128xf32, #tpu.memory_space<vmem>> -> memref<1x50x128xf32, #tpu.memory_space<vmem>>
      %dma_start3A_1792 = tpu.memref_squeeze %dma_start3A_1791 : memref<1x50x128xf32, #tpu.memory_space<vmem>> -> memref<50x128xf32, #tpu.memory_space<vmem>>
      %dma_start3A_1793 = arith.constant 0 : i32
      %dma_start3A_1794 = tpu.memref_slice %arg4[%mul3A_1786, %dma_start3A_1793] : memref<917504x128xf32, #tpu.memory_space<hbm>> -> memref<50x128xf32, #tpu.memory_space<hbm>>
      %dma_start3A_1795 = tpu.memref_slice %arg9[%dma_start3A_1788] : memref<2x!tpu.dma_semaphore, #tpu.memory_space<semaphore_mem>> -> memref<1x!tpu.dma_semaphore, #tpu.memory_space<semaphore_mem>>
      %dma_start3A_1796 = tpu.memref_squeeze %dma_start3A_1795 : memref<1x!tpu.dma_semaphore, #tpu.memory_space<semaphore_mem>> -> memref<!tpu.dma_semaphore, #tpu.memory_space<semaphore_mem>>
      %dma_start3A_1797 = arith.constant 0 : i32
      %dma_start3A_1798 = tpu.memref_slice %arg4[%mul3A_1786, %dma_start3A_1797] : memref<917504x128xf32, #tpu.memory_space<hbm>> -> memref<50x128xf32, #tpu.memory_space<hbm>>
      %dma_start3A_1799 = arith.constant 50 : i32
      %dma_start3A_1800 = arith.constant 0 : i32
      %dma_start3A_1801 = tpu.memref_slice %arg6[%dma_start3A_1787, %dma_start3A_1799, %dma_start3A_1800] : memref<2x400x128xf32, #tpu.memory_space<vmem>> -> memref<1x50x128xf32, #tpu.memory_space<vmem>>
      %dma_start3A_1802 = tpu.memref_squeeze %dma_start3A_1801 : memref<1x50x128xf32, #tpu.memory_space<vmem>> -> memref<50x128xf32, #tpu.memory_space<vmem>>
      tpu.enqueue_dma source(%dma_start3A_1802 : memref<50x128xf32, #tpu.memory_space<vmem>>) target(%dma_start3A_1798 : memref<50x128xf32, #tpu.memory_space<hbm>>) target_semaphore(%dma_start3A_1796 : memref<!tpu.dma_semaphore, #tpu.memory_space<semaphore_mem>>)
      %mul3A_1803 = arith.constant 8 : i32
      %mul3A_1804 = arith.muli %add3A_1756, %mul3A_1803 : i32
      %add3A_1805 = arith.addi %mul3A_4, %mul3A_1804 : i32
      %add3A_1806 = arith.constant 2 : i32
      %add3A_1807 = arith.addi %add3A_1805, %add3A_1806 : i32
      %mul3A_1808 = arith.constant 56 : i32
      %mul3A_1809 = arith.muli %add3A_1807, %mul3A_1808 : i32
      %dma_start3A_1810 = arith.constant 1 : i32
      %dma_start3A_1811 = arith.constant 1 : i32
      %dma_start3A_1812 = arith.constant 100 : i32
      %dma_start3A_1813 = arith.constant 0 : i32
      %dma_start3A_1814 = tpu.memref_slice %arg6[%dma_start3A_1810, %dma_start3A_1812, %dma_start3A_1813] : memref<2x400x128xf32, #tpu.memory_space<vmem>> -> memref<1x50x128xf32, #tpu.memory_space<vmem>>
      %dma_start3A_1815 = tpu.memref_squeeze %dma_start3A_1814 : memref<1x50x128xf32, #tpu.memory_space<vmem>> -> memref<50x128xf32, #tpu.memory_space<vmem>>
      %dma_start3A_1816 = arith.constant 0 : i32
      %dma_start3A_1817 = tpu.memref_slice %arg4[%mul3A_1809, %dma_start3A_1816] : memref<917504x128xf32, #tpu.memory_space<hbm>> -> memref<50x128xf32, #tpu.memory_space<hbm>>
      %dma_start3A_1818 = tpu.memref_slice %arg9[%dma_start3A_1811] : memref<2x!tpu.dma_semaphore, #tpu.memory_space<semaphore_mem>> -> memref<1x!tpu.dma_semaphore, #tpu.memory_space<semaphore_mem>>
      %dma_start3A_1819 = tpu.memref_squeeze %dma_start3A_1818 : memref<1x!tpu.dma_semaphore, #tpu.memory_space<semaphore_mem>> -> memref<!tpu.dma_semaphore, #tpu.memory_space<semaphore_mem>>
      %dma_start3A_1820 = arith.constant 0 : i32
      %dma_start3A_1821 = tpu.memref_slice %arg4[%mul3A_1809, %dma_start3A_1820] : memref<917504x128xf32, #tpu.memory_space<hbm>> -> memref<50x128xf32, #tpu.memory_space<hbm>>
      %dma_start3A_1822 = arith.constant 100 : i32
      %dma_start3A_1823 = arith.constant 0 : i32
      %dma_start3A_1824 = tpu.memref_slice %arg6[%dma_start3A_1810, %dma_start3A_1822, %dma_start3A_1823] : memref<2x400x128xf32, #tpu.memory_space<vmem>> -> memref<1x50x128xf32, #tpu.memory_space<vmem>>
      %dma_start3A_1825 = tpu.memref_squeeze %dma_start3A_1824 : memref<1x50x128xf32, #tpu.memory_space<vmem>> -> memref<50x128xf32, #tpu.memory_space<vmem>>
      tpu.enqueue_dma source(%dma_start3A_1825 : memref<50x128xf32, #tpu.memory_space<vmem>>) target(%dma_start3A_1821 : memref<50x128xf32, #tpu.memory_space<hbm>>) target_semaphore(%dma_start3A_1819 : memref<!tpu.dma_semaphore, #tpu.memory_space<semaphore_mem>>)
      %mul3A_1826 = arith.constant 8 : i32
      %mul3A_1827 = arith.muli %add3A_1756, %mul3A_1826 : i32
      %add3A_1828 = arith.addi %mul3A_4, %mul3A_1827 : i32
      %add3A_1829 = arith.constant 3 : i32
      %add3A_1830 = arith.addi %add3A_1828, %add3A_1829 : i32
      %mul3A_1831 = arith.constant 56 : i32
      %mul3A_1832 = arith.muli %add3A_1830, %mul3A_1831 : i32
      %dma_start3A_1833 = arith.constant 1 : i32
      %dma_start3A_1834 = arith.constant 1 : i32
      %dma_start3A_1835 = arith.constant 150 : i32
      %dma_start3A_1836 = arith.constant 0 : i32
      %dma_start3A_1837 = tpu.memref_slice %arg6[%dma_start3A_1833, %dma_start3A_1835, %dma_start3A_1836] : memref<2x400x128xf32, #tpu.memory_space<vmem>> -> memref<1x50x128xf32, #tpu.memory_space<vmem>>
      %dma_start3A_1838 = tpu.memref_squeeze %dma_start3A_1837 : memref<1x50x128xf32, #tpu.memory_space<vmem>> -> memref<50x128xf32, #tpu.memory_space<vmem>>
      %dma_start3A_1839 = arith.constant 0 : i32
      %dma_start3A_1840 = tpu.memref_slice %arg4[%mul3A_1832, %dma_start3A_1839] : memref<917504x128xf32, #tpu.memory_space<hbm>> -> memref<50x128xf32, #tpu.memory_space<hbm>>
      %dma_start3A_1841 = tpu.memref_slice %arg9[%dma_start3A_1834] : memref<2x!tpu.dma_semaphore, #tpu.memory_space<semaphore_mem>> -> memref<1x!tpu.dma_semaphore, #tpu.memory_space<semaphore_mem>>
      %dma_start3A_1842 = tpu.memref_squeeze %dma_start3A_1841 : memref<1x!tpu.dma_semaphore, #tpu.memory_space<semaphore_mem>> -> memref<!tpu.dma_semaphore, #tpu.memory_space<semaphore_mem>>
      %dma_start3A_1843 = arith.constant 0 : i32
      %dma_start3A_1844 = tpu.memref_slice %arg4[%mul3A_1832, %dma_start3A_1843] : memref<917504x128xf32, #tpu.memory_space<hbm>> -> memref<50x128xf32, #tpu.memory_space<hbm>>
      %dma_start3A_1845 = arith.constant 150 : i32
      %dma_start3A_1846 = arith.constant 0 : i32
      %dma_start3A_1847 = tpu.memref_slice %arg6[%dma_start3A_1833, %dma_start3A_1845, %dma_start3A_1846] : memref<2x400x128xf32, #tpu.memory_space<vmem>> -> memref<1x50x128xf32, #tpu.memory_space<vmem>>
      %dma_start3A_1848 = tpu.memref_squeeze %dma_start3A_1847 : memref<1x50x128xf32, #tpu.memory_space<vmem>> -> memref<50x128xf32, #tpu.memory_space<vmem>>
      tpu.enqueue_dma source(%dma_start3A_1848 : memref<50x128xf32, #tpu.memory_space<vmem>>) target(%dma_start3A_1844 : memref<50x128xf32, #tpu.memory_space<hbm>>) target_semaphore(%dma_start3A_1842 : memref<!tpu.dma_semaphore, #tpu.memory_space<semaphore_mem>>)
      %mul3A_1849 = arith.constant 8 : i32
      %mul3A_1850 = arith.muli %add3A_1756, %mul3A_1849 : i32
      %add3A_1851 = arith.addi %mul3A_4, %mul3A_1850 : i32
      %add3A_1852 = arith.constant 4 : i32
      %add3A_1853 = arith.addi %add3A_1851, %add3A_1852 : i32
      %mul3A_1854 = arith.constant 56 : i32
      %mul3A_1855 = arith.muli %add3A_1853, %mul3A_1854 : i32
      %dma_start3A_1856 = arith.constant 1 : i32
      %dma_start3A_1857 = arith.constant 1 : i32
      %dma_start3A_1858 = arith.constant 200 : i32
      %dma_start3A_1859 = arith.constant 0 : i32
      %dma_start3A_1860 = tpu.memref_slice %arg6[%dma_start3A_1856, %dma_start3A_1858, %dma_start3A_1859] : memref<2x400x128xf32, #tpu.memory_space<vmem>> -> memref<1x50x128xf32, #tpu.memory_space<vmem>>
      %dma_start3A_1861 = tpu.memref_squeeze %dma_start3A_1860 : memref<1x50x128xf32, #tpu.memory_space<vmem>> -> memref<50x128xf32, #tpu.memory_space<vmem>>
      %dma_start3A_1862 = arith.constant 0 : i32
      %dma_start3A_1863 = tpu.memref_slice %arg4[%mul3A_1855, %dma_start3A_1862] : memref<917504x128xf32, #tpu.memory_space<hbm>> -> memref<50x128xf32, #tpu.memory_space<hbm>>
      %dma_start3A_1864 = tpu.memref_slice %arg9[%dma_start3A_1857] : memref<2x!tpu.dma_semaphore, #tpu.memory_space<semaphore_mem>> -> memref<1x!tpu.dma_semaphore, #tpu.memory_space<semaphore_mem>>
      %dma_start3A_1865 = tpu.memref_squeeze %dma_start3A_1864 : memref<1x!tpu.dma_semaphore, #tpu.memory_space<semaphore_mem>> -> memref<!tpu.dma_semaphore, #tpu.memory_space<semaphore_mem>>
      %dma_start3A_1866 = arith.constant 0 : i32
      %dma_start3A_1867 = tpu.memref_slice %arg4[%mul3A_1855, %dma_start3A_1866] : memref<917504x128xf32, #tpu.memory_space<hbm>> -> memref<50x128xf32, #tpu.memory_space<hbm>>
      %dma_start3A_1868 = arith.constant 200 : i32
      %dma_start3A_1869 = arith.constant 0 : i32
      %dma_start3A_1870 = tpu.memref_slice %arg6[%dma_start3A_1856, %dma_start3A_1868, %dma_start3A_1869] : memref<2x400x128xf32, #tpu.memory_space<vmem>> -> memref<1x50x128xf32, #tpu.memory_space<vmem>>
      %dma_start3A_1871 = tpu.memref_squeeze %dma_start3A_1870 : memref<1x50x128xf32, #tpu.memory_space<vmem>> -> memref<50x128xf32, #tpu.memory_space<vmem>>
      tpu.enqueue_dma source(%dma_start3A_1871 : memref<50x128xf32, #tpu.memory_space<vmem>>) target(%dma_start3A_1867 : memref<50x128xf32, #tpu.memory_space<hbm>>) target_semaphore(%dma_start3A_1865 : memref<!tpu.dma_semaphore, #tpu.memory_space<semaphore_mem>>)
      %mul3A_1872 = arith.constant 8 : i32
      %mul3A_1873 = arith.muli %add3A_1756, %mul3A_1872 : i32
      %add3A_1874 = arith.addi %mul3A_4, %mul3A_1873 : i32
      %add3A_1875 = arith.constant 5 : i32
      %add3A_1876 = arith.addi %add3A_1874, %add3A_1875 : i32
      %mul3A_1877 = arith.constant 56 : i32
      %mul3A_1878 = arith.muli %add3A_1876, %mul3A_1877 : i32
      %dma_start3A_1879 = arith.constant 1 : i32
      %dma_start3A_1880 = arith.constant 1 : i32
      %dma_start3A_1881 = arith.constant 250 : i32
      %dma_start3A_1882 = arith.constant 0 : i32
      %dma_start3A_1883 = tpu.memref_slice %arg6[%dma_start3A_1879, %dma_start3A_1881, %dma_start3A_1882] : memref<2x400x128xf32, #tpu.memory_space<vmem>> -> memref<1x50x128xf32, #tpu.memory_space<vmem>>
      %dma_start3A_1884 = tpu.memref_squeeze %dma_start3A_1883 : memref<1x50x128xf32, #tpu.memory_space<vmem>> -> memref<50x128xf32, #tpu.memory_space<vmem>>
      %dma_start3A_1885 = arith.constant 0 : i32
      %dma_start3A_1886 = tpu.memref_slice %arg4[%mul3A_1878, %dma_start3A_1885] : memref<917504x128xf32, #tpu.memory_space<hbm>> -> memref<50x128xf32, #tpu.memory_space<hbm>>
      %dma_start3A_1887 = tpu.memref_slice %arg9[%dma_start3A_1880] : memref<2x!tpu.dma_semaphore, #tpu.memory_space<semaphore_mem>> -> memref<1x!tpu.dma_semaphore, #tpu.memory_space<semaphore_mem>>
      %dma_start3A_1888 = tpu.memref_squeeze %dma_start3A_1887 : memref<1x!tpu.dma_semaphore, #tpu.memory_space<semaphore_mem>> -> memref<!tpu.dma_semaphore, #tpu.memory_space<semaphore_mem>>
      %dma_start3A_1889 = arith.constant 0 : i32
      %dma_start3A_1890 = tpu.memref_slice %arg4[%mul3A_1878, %dma_start3A_1889] : memref<917504x128xf32, #tpu.memory_space<hbm>> -> memref<50x128xf32, #tpu.memory_space<hbm>>
      %dma_start3A_1891 = arith.constant 250 : i32
      %dma_start3A_1892 = arith.constant 0 : i32
      %dma_start3A_1893 = tpu.memref_slice %arg6[%dma_start3A_1879, %dma_start3A_1891, %dma_start3A_1892] : memref<2x400x128xf32, #tpu.memory_space<vmem>> -> memref<1x50x128xf32, #tpu.memory_space<vmem>>
      %dma_start3A_1894 = tpu.memref_squeeze %dma_start3A_1893 : memref<1x50x128xf32, #tpu.memory_space<vmem>> -> memref<50x128xf32, #tpu.memory_space<vmem>>
      tpu.enqueue_dma source(%dma_start3A_1894 : memref<50x128xf32, #tpu.memory_space<vmem>>) target(%dma_start3A_1890 : memref<50x128xf32, #tpu.memory_space<hbm>>) target_semaphore(%dma_start3A_1888 : memref<!tpu.dma_semaphore, #tpu.memory_space<semaphore_mem>>)
      %mul3A_1895 = arith.constant 8 : i32
      %mul3A_1896 = arith.muli %add3A_1756, %mul3A_1895 : i32
      %add3A_1897 = arith.addi %mul3A_4, %mul3A_1896 : i32
      %add3A_1898 = arith.constant 6 : i32
      %add3A_1899 = arith.addi %add3A_1897, %add3A_1898 : i32
      %mul3A_1900 = arith.constant 56 : i32
      %mul3A_1901 = arith.muli %add3A_1899, %mul3A_1900 : i32
      %dma_start3A_1902 = arith.constant 1 : i32
      %dma_start3A_1903 = arith.constant 1 : i32
      %dma_start3A_1904 = arith.constant 300 : i32
      %dma_start3A_1905 = arith.constant 0 : i32
      %dma_start3A_1906 = tpu.memref_slice %arg6[%dma_start3A_1902, %dma_start3A_1904, %dma_start3A_1905] : memref<2x400x128xf32, #tpu.memory_space<vmem>> -> memref<1x50x128xf32, #tpu.memory_space<vmem>>
      %dma_start3A_1907 = tpu.memref_squeeze %dma_start3A_1906 : memref<1x50x128xf32, #tpu.memory_space<vmem>> -> memref<50x128xf32, #tpu.memory_space<vmem>>
      %dma_start3A_1908 = arith.constant 0 : i32
      %dma_start3A_1909 = tpu.memref_slice %arg4[%mul3A_1901, %dma_start3A_1908] : memref<917504x128xf32, #tpu.memory_space<hbm>> -> memref<50x128xf32, #tpu.memory_space<hbm>>
      %dma_start3A_1910 = tpu.memref_slice %arg9[%dma_start3A_1903] : memref<2x!tpu.dma_semaphore, #tpu.memory_space<semaphore_mem>> -> memref<1x!tpu.dma_semaphore, #tpu.memory_space<semaphore_mem>>
      %dma_start3A_1911 = tpu.memref_squeeze %dma_start3A_1910 : memref<1x!tpu.dma_semaphore, #tpu.memory_space<semaphore_mem>> -> memref<!tpu.dma_semaphore, #tpu.memory_space<semaphore_mem>>
      %dma_start3A_1912 = arith.constant 0 : i32
      %dma_start3A_1913 = tpu.memref_slice %arg4[%mul3A_1901, %dma_start3A_1912] : memref<917504x128xf32, #tpu.memory_space<hbm>> -> memref<50x128xf32, #tpu.memory_space<hbm>>
      %dma_start3A_1914 = arith.constant 300 : i32
      %dma_start3A_1915 = arith.constant 0 : i32
      %dma_start3A_1916 = tpu.memref_slice %arg6[%dma_start3A_1902, %dma_start3A_1914, %dma_start3A_1915] : memref<2x400x128xf32, #tpu.memory_space<vmem>> -> memref<1x50x128xf32, #tpu.memory_space<vmem>>
      %dma_start3A_1917 = tpu.memref_squeeze %dma_start3A_1916 : memref<1x50x128xf32, #tpu.memory_space<vmem>> -> memref<50x128xf32, #tpu.memory_space<vmem>>
      tpu.enqueue_dma source(%dma_start3A_1917 : memref<50x128xf32, #tpu.memory_space<vmem>>) target(%dma_start3A_1913 : memref<50x128xf32, #tpu.memory_space<hbm>>) target_semaphore(%dma_start3A_1911 : memref<!tpu.dma_semaphore, #tpu.memory_space<semaphore_mem>>)
      %mul3A_1918 = arith.constant 8 : i32
      %mul3A_1919 = arith.muli %add3A_1756, %mul3A_1918 : i32
      %add3A_1920 = arith.addi %mul3A_4, %mul3A_1919 : i32
      %add3A_1921 = arith.constant 7 : i32
      %add3A_1922 = arith.addi %add3A_1920, %add3A_1921 : i32
      %mul3A_1923 = arith.constant 56 : i32
      %mul3A_1924 = arith.muli %add3A_1922, %mul3A_1923 : i32
      %dma_start3A_1925 = arith.constant 1 : i32
      %dma_start3A_1926 = arith.constant 1 : i32
      %dma_start3A_1927 = arith.constant 350 : i32
      %dma_start3A_1928 = arith.constant 0 : i32
      %dma_start3A_1929 = tpu.memref_slice %arg6[%dma_start3A_1925, %dma_start3A_1927, %dma_start3A_1928] : memref<2x400x128xf32, #tpu.memory_space<vmem>> -> memref<1x50x128xf32, #tpu.memory_space<vmem>>
      %dma_start3A_1930 = tpu.memref_squeeze %dma_start3A_1929 : memref<1x50x128xf32, #tpu.memory_space<vmem>> -> memref<50x128xf32, #tpu.memory_space<vmem>>
      %dma_start3A_1931 = arith.constant 0 : i32
      %dma_start3A_1932 = tpu.memref_slice %arg4[%mul3A_1924, %dma_start3A_1931] : memref<917504x128xf32, #tpu.memory_space<hbm>> -> memref<50x128xf32, #tpu.memory_space<hbm>>
      %dma_start3A_1933 = tpu.memref_slice %arg9[%dma_start3A_1926] : memref<2x!tpu.dma_semaphore, #tpu.memory_space<semaphore_mem>> -> memref<1x!tpu.dma_semaphore, #tpu.memory_space<semaphore_mem>>
      %dma_start3A_1934 = tpu.memref_squeeze %dma_start3A_1933 : memref<1x!tpu.dma_semaphore, #tpu.memory_space<semaphore_mem>> -> memref<!tpu.dma_semaphore, #tpu.memory_space<semaphore_mem>>
      %dma_start3A_1935 = arith.constant 0 : i32
      %dma_start3A_1936 = tpu.memref_slice %arg4[%mul3A_1924, %dma_start3A_1935] : memref<917504x128xf32, #tpu.memory_space<hbm>> -> memref<50x128xf32, #tpu.memory_space<hbm>>
      %dma_start3A_1937 = arith.constant 350 : i32
      %dma_start3A_1938 = arith.constant 0 : i32
      %dma_start3A_1939 = tpu.memref_slice %arg6[%dma_start3A_1925, %dma_start3A_1937, %dma_start3A_1938] : memref<2x400x128xf32, #tpu.memory_space<vmem>> -> memref<1x50x128xf32, #tpu.memory_space<vmem>>
      %dma_start3A_1940 = tpu.memref_squeeze %dma_start3A_1939 : memref<1x50x128xf32, #tpu.memory_space<vmem>> -> memref<50x128xf32, #tpu.memory_space<vmem>>
      tpu.enqueue_dma source(%dma_start3A_1940 : memref<50x128xf32, #tpu.memory_space<vmem>>) target(%dma_start3A_1936 : memref<50x128xf32, #tpu.memory_space<hbm>>) target_semaphore(%dma_start3A_1934 : memref<!tpu.dma_semaphore, #tpu.memory_space<semaphore_mem>>)
      %add3A_1941 = arith.constant 3 : i32
      %add3A_1942 = arith.addi %add3A_1115, %add3A_1941 : i32
      %mul3A_1943 = arith.constant 400 : i32
      %mul3A_1944 = arith.muli %add3A_1942, %mul3A_1943 : i32
      %add3A_1945 = arith.addi %mul3A_2, %mul3A_1944 : i32
      %dma_start3A_1946 = arith.constant 1 : i32
      %dma_start3A_1947 = arith.constant 1 : i32
      %dma_start3A_1948 = arith.constant 0 : i32
      %dma_start3A_1949 = tpu.memref_slice %arg5[%dma_start3A_1946, %dma_start3A_1948] : memref<2x400xi32, #tpu.memory_space<vmem>> -> memref<1x400xi32, #tpu.memory_space<vmem>>
      %dma_start3A_1950 = tpu.memref_squeeze %dma_start3A_1949 : memref<1x400xi32, #tpu.memory_space<vmem>> -> memref<400xi32, #tpu.memory_space<vmem>>
      %dma_start3A_1951 = tpu.memref_slice %arg2[%add3A_1945] : memref<819200xi32, #tpu.memory_space<hbm>> -> memref<400xi32, #tpu.memory_space<hbm>>
      %dma_start3A_1952 = tpu.memref_slice %arg7[%dma_start3A_1947] : memref<2x!tpu.dma_semaphore, #tpu.memory_space<semaphore_mem>> -> memref<1x!tpu.dma_semaphore, #tpu.memory_space<semaphore_mem>>
      %dma_start3A_1953 = tpu.memref_squeeze %dma_start3A_1952 : memref<1x!tpu.dma_semaphore, #tpu.memory_space<semaphore_mem>> -> memref<!tpu.dma_semaphore, #tpu.memory_space<semaphore_mem>>
      %dma_start3A_1954 = arith.constant 0 : i32
      %dma_start3A_1955 = tpu.memref_slice %arg5[%dma_start3A_1946, %dma_start3A_1954] : memref<2x400xi32, #tpu.memory_space<vmem>> -> memref<1x400xi32, #tpu.memory_space<vmem>>
      %dma_start3A_1956 = tpu.memref_squeeze %dma_start3A_1955 : memref<1x400xi32, #tpu.memory_space<vmem>> -> memref<400xi32, #tpu.memory_space<vmem>>
      %dma_start3A_1957 = tpu.memref_slice %arg2[%add3A_1945] : memref<819200xi32, #tpu.memory_space<hbm>> -> memref<400xi32, #tpu.memory_space<hbm>>
      tpu.enqueue_dma source(%dma_start3A_1957 : memref<400xi32, #tpu.memory_space<hbm>>) target(%dma_start3A_1956 : memref<400xi32, #tpu.memory_space<vmem>>) target_semaphore(%dma_start3A_1953 : memref<!tpu.dma_semaphore, #tpu.memory_space<semaphore_mem>>)
    }
    %scan3A_108 = arith.constant 31 : i32
    %dma_wait3A_109 = arith.constant 1 : i32
    %dma_wait3A_110 = arith.constant 1 : i32
    %dma_wait3A_111 = arith.constant 0 : i32
    %dma_wait3A_112 = tpu.memref_slice %arg5[%dma_wait3A_109, %dma_wait3A_111] : memref<2x400xi32, #tpu.memory_space<vmem>> -> memref<1x400xi32, #tpu.memory_space<vmem>>
    %dma_wait3A_113 = tpu.memref_squeeze %dma_wait3A_112 : memref<1x400xi32, #tpu.memory_space<vmem>> -> memref<400xi32, #tpu.memory_space<vmem>>
    %dma_wait3A_114 = arith.constant 0 : i32
    %dma_wait3A_115 = tpu.memref_slice %arg2[%dma_wait3A_114] : memref<819200xi32, #tpu.memory_space<hbm>> -> memref<400xi32, #tpu.memory_space<hbm>>
    %dma_wait3A_116 = tpu.memref_slice %arg7[%dma_wait3A_110] : memref<2x!tpu.dma_semaphore, #tpu.memory_space<semaphore_mem>> -> memref<1x!tpu.dma_semaphore, #tpu.memory_space<semaphore_mem>>
    %dma_wait3A_117 = tpu.memref_squeeze %dma_wait3A_116 : memref<1x!tpu.dma_semaphore, #tpu.memory_space<semaphore_mem>> -> memref<!tpu.dma_semaphore, #tpu.memory_space<semaphore_mem>>
    %dma_wait3A_118 = arith.constant 0 : i32
    %dma_wait3A_119 = tpu.memref_slice %arg5[%dma_wait3A_109, %dma_wait3A_118] : memref<2x400xi32, #tpu.memory_space<vmem>> -> memref<1x400xi32, #tpu.memory_space<vmem>>
    %dma_wait3A_120 = tpu.memref_squeeze %dma_wait3A_119 : memref<1x400xi32, #tpu.memory_space<vmem>> -> memref<400xi32, #tpu.memory_space<vmem>>
    %dma_wait3A_121 = arith.constant 0 : i32
    %dma_wait3A_122 = tpu.memref_slice %arg2[%dma_wait3A_121] : memref<819200xi32, #tpu.memory_space<hbm>> -> memref<400xi32, #tpu.memory_space<hbm>>
    tpu.wait_dma2 semaphore(%dma_wait3A_117 : memref<!tpu.dma_semaphore, #tpu.memory_space<semaphore_mem>>) src(%dma_wait3A_122 : memref<400xi32, #tpu.memory_space<hbm>>) dst(%dma_wait3A_120 : memref<400xi32, #tpu.memory_space<vmem>>)
    %dma_wait3A_123 = arith.constant 1 : i32
    %dma_wait3A_124 = arith.constant 1 : i32
    %dma_wait3A_125 = arith.constant 0 : i32
    %dma_wait3A_126 = arith.constant 0 : i32
    %dma_wait3A_127 = tpu.memref_slice %arg6[%dma_wait3A_123, %dma_wait3A_125, %dma_wait3A_126] : memref<2x400x128xf32, #tpu.memory_space<vmem>> -> memref<1x50x128xf32, #tpu.memory_space<vmem>>
    %dma_wait3A_128 = tpu.memref_squeeze %dma_wait3A_127 : memref<1x50x128xf32, #tpu.memory_space<vmem>> -> memref<50x128xf32, #tpu.memory_space<vmem>>
    %dma_wait3A_129 = arith.constant 0 : i32
    %dma_wait3A_130 = arith.constant 0 : i32
    %dma_wait3A_131 = tpu.memref_slice %arg4[%dma_wait3A_129, %dma_wait3A_130] : memref<917504x128xf32, #tpu.memory_space<hbm>> -> memref<50x128xf32, #tpu.memory_space<hbm>>
    %dma_wait3A_132 = tpu.memref_slice %arg9[%dma_wait3A_124] : memref<2x!tpu.dma_semaphore, #tpu.memory_space<semaphore_mem>> -> memref<1x!tpu.dma_semaphore, #tpu.memory_space<semaphore_mem>>
    %dma_wait3A_133 = tpu.memref_squeeze %dma_wait3A_132 : memref<1x!tpu.dma_semaphore, #tpu.memory_space<semaphore_mem>> -> memref<!tpu.dma_semaphore, #tpu.memory_space<semaphore_mem>>
    %dma_wait3A_134 = arith.constant 0 : i32
    %dma_wait3A_135 = arith.constant 0 : i32
    %dma_wait3A_136 = tpu.memref_slice %arg4[%dma_wait3A_134, %dma_wait3A_135] : memref<917504x128xf32, #tpu.memory_space<hbm>> -> memref<50x128xf32, #tpu.memory_space<hbm>>
    %dma_wait3A_137 = arith.constant 0 : i32
    %dma_wait3A_138 = arith.constant 0 : i32
    %dma_wait3A_139 = tpu.memref_slice %arg6[%dma_wait3A_123, %dma_wait3A_137, %dma_wait3A_138] : memref<2x400x128xf32, #tpu.memory_space<vmem>> -> memref<1x50x128xf32, #tpu.memory_space<vmem>>
    %dma_wait3A_140 = tpu.memref_squeeze %dma_wait3A_139 : memref<1x50x128xf32, #tpu.memory_space<vmem>> -> memref<50x128xf32, #tpu.memory_space<vmem>>
    tpu.wait_dma2 semaphore(%dma_wait3A_133 : memref<!tpu.dma_semaphore, #tpu.memory_space<semaphore_mem>>) src(%dma_wait3A_140 : memref<50x128xf32, #tpu.memory_space<vmem>>) dst(%dma_wait3A_136 : memref<50x128xf32, #tpu.memory_space<hbm>>)
    %dma_wait3A_141 = arith.constant 1 : i32
    %dma_wait3A_142 = arith.constant 1 : i32
    %dma_wait3A_143 = arith.constant 50 : i32
    %dma_wait3A_144 = arith.constant 0 : i32
    %dma_wait3A_145 = tpu.memref_slice %arg6[%dma_wait3A_141, %dma_wait3A_143, %dma_wait3A_144] : memref<2x400x128xf32, #tpu.memory_space<vmem>> -> memref<1x50x128xf32, #tpu.memory_space<vmem>>
    %dma_wait3A_146 = tpu.memref_squeeze %dma_wait3A_145 : memref<1x50x128xf32, #tpu.memory_space<vmem>> -> memref<50x128xf32, #tpu.memory_space<vmem>>
    %dma_wait3A_147 = arith.constant 0 : i32
    %dma_wait3A_148 = arith.constant 0 : i32
    %dma_wait3A_149 = tpu.memref_slice %arg4[%dma_wait3A_147, %dma_wait3A_148] : memref<917504x128xf32, #tpu.memory_space<hbm>> -> memref<50x128xf32, #tpu.memory_space<hbm>>
    %dma_wait3A_150 = tpu.memref_slice %arg9[%dma_wait3A_142] : memref<2x!tpu.dma_semaphore, #tpu.memory_space<semaphore_mem>> -> memref<1x!tpu.dma_semaphore, #tpu.memory_space<semaphore_mem>>
    %dma_wait3A_151 = tpu.memref_squeeze %dma_wait3A_150 : memref<1x!tpu.dma_semaphore, #tpu.memory_space<semaphore_mem>> -> memref<!tpu.dma_semaphore, #tpu.memory_space<semaphore_mem>>
    %dma_wait3A_152 = arith.constant 0 : i32
    %dma_wait3A_153 = arith.constant 0 : i32
    %dma_wait3A_154 = tpu.memref_slice %arg4[%dma_wait3A_152, %dma_wait3A_153] : memref<917504x128xf32, #tpu.memory_space<hbm>> -> memref<50x128xf32, #tpu.memory_space<hbm>>
    %dma_wait3A_155 = arith.constant 50 : i32
    %dma_wait3A_156 = arith.constant 0 : i32
    %dma_wait3A_157 = tpu.memref_slice %arg6[%dma_wait3A_141, %dma_wait3A_155, %dma_wait3A_156] : memref<2x400x128xf32, #tpu.memory_space<vmem>> -> memref<1x50x128xf32, #tpu.memory_space<vmem>>
    %dma_wait3A_158 = tpu.memref_squeeze %dma_wait3A_157 : memref<1x50x128xf32, #tpu.memory_space<vmem>> -> memref<50x128xf32, #tpu.memory_space<vmem>>
    tpu.wait_dma2 semaphore(%dma_wait3A_151 : memref<!tpu.dma_semaphore, #tpu.memory_space<semaphore_mem>>) src(%dma_wait3A_158 : memref<50x128xf32, #tpu.memory_space<vmem>>) dst(%dma_wait3A_154 : memref<50x128xf32, #tpu.memory_space<hbm>>)
    %dma_wait3A_159 = arith.constant 1 : i32
    %dma_wait3A_160 = arith.constant 1 : i32
    %dma_wait3A_161 = arith.constant 100 : i32
    %dma_wait3A_162 = arith.constant 0 : i32
    %dma_wait3A_163 = tpu.memref_slice %arg6[%dma_wait3A_159, %dma_wait3A_161, %dma_wait3A_162] : memref<2x400x128xf32, #tpu.memory_space<vmem>> -> memref<1x50x128xf32, #tpu.memory_space<vmem>>
    %dma_wait3A_164 = tpu.memref_squeeze %dma_wait3A_163 : memref<1x50x128xf32, #tpu.memory_space<vmem>> -> memref<50x128xf32, #tpu.memory_space<vmem>>
    %dma_wait3A_165 = arith.constant 0 : i32
    %dma_wait3A_166 = arith.constant 0 : i32
    %dma_wait3A_167 = tpu.memref_slice %arg4[%dma_wait3A_165, %dma_wait3A_166] : memref<917504x128xf32, #tpu.memory_space<hbm>> -> memref<50x128xf32, #tpu.memory_space<hbm>>
    %dma_wait3A_168 = tpu.memref_slice %arg9[%dma_wait3A_160] : memref<2x!tpu.dma_semaphore, #tpu.memory_space<semaphore_mem>> -> memref<1x!tpu.dma_semaphore, #tpu.memory_space<semaphore_mem>>
    %dma_wait3A_169 = tpu.memref_squeeze %dma_wait3A_168 : memref<1x!tpu.dma_semaphore, #tpu.memory_space<semaphore_mem>> -> memref<!tpu.dma_semaphore, #tpu.memory_space<semaphore_mem>>
    %dma_wait3A_170 = arith.constant 0 : i32
    %dma_wait3A_171 = arith.constant 0 : i32
    %dma_wait3A_172 = tpu.memref_slice %arg4[%dma_wait3A_170, %dma_wait3A_171] : memref<917504x128xf32, #tpu.memory_space<hbm>> -> memref<50x128xf32, #tpu.memory_space<hbm>>
    %dma_wait3A_173 = arith.constant 100 : i32
    %dma_wait3A_174 = arith.constant 0 : i32
    %dma_wait3A_175 = tpu.memref_slice %arg6[%dma_wait3A_159, %dma_wait3A_173, %dma_wait3A_174] : memref<2x400x128xf32, #tpu.memory_space<vmem>> -> memref<1x50x128xf32, #tpu.memory_space<vmem>>
    %dma_wait3A_176 = tpu.memref_squeeze %dma_wait3A_175 : memref<1x50x128xf32, #tpu.memory_space<vmem>> -> memref<50x128xf32, #tpu.memory_space<vmem>>
    tpu.wait_dma2 semaphore(%dma_wait3A_169 : memref<!tpu.dma_semaphore, #tpu.memory_space<semaphore_mem>>) src(%dma_wait3A_176 : memref<50x128xf32, #tpu.memory_space<vmem>>) dst(%dma_wait3A_172 : memref<50x128xf32, #tpu.memory_space<hbm>>)
    %dma_wait3A_177 = arith.constant 1 : i32
    %dma_wait3A_178 = arith.constant 1 : i32
    %dma_wait3A_179 = arith.constant 150 : i32
    %dma_wait3A_180 = arith.constant 0 : i32
    %dma_wait3A_181 = tpu.memref_slice %arg6[%dma_wait3A_177, %dma_wait3A_179, %dma_wait3A_180] : memref<2x400x128xf32, #tpu.memory_space<vmem>> -> memref<1x50x128xf32, #tpu.memory_space<vmem>>
    %dma_wait3A_182 = tpu.memref_squeeze %dma_wait3A_181 : memref<1x50x128xf32, #tpu.memory_space<vmem>> -> memref<50x128xf32, #tpu.memory_space<vmem>>
    %dma_wait3A_183 = arith.constant 0 : i32
    %dma_wait3A_184 = arith.constant 0 : i32
    %dma_wait3A_185 = tpu.memref_slice %arg4[%dma_wait3A_183, %dma_wait3A_184] : memref<917504x128xf32, #tpu.memory_space<hbm>> -> memref<50x128xf32, #tpu.memory_space<hbm>>
    %dma_wait3A_186 = tpu.memref_slice %arg9[%dma_wait3A_178] : memref<2x!tpu.dma_semaphore, #tpu.memory_space<semaphore_mem>> -> memref<1x!tpu.dma_semaphore, #tpu.memory_space<semaphore_mem>>
    %dma_wait3A_187 = tpu.memref_squeeze %dma_wait3A_186 : memref<1x!tpu.dma_semaphore, #tpu.memory_space<semaphore_mem>> -> memref<!tpu.dma_semaphore, #tpu.memory_space<semaphore_mem>>
    %dma_wait3A_188 = arith.constant 0 : i32
    %dma_wait3A_189 = arith.constant 0 : i32
    %dma_wait3A_190 = tpu.memref_slice %arg4[%dma_wait3A_188, %dma_wait3A_189] : memref<917504x128xf32, #tpu.memory_space<hbm>> -> memref<50x128xf32, #tpu.memory_space<hbm>>
    %dma_wait3A_191 = arith.constant 150 : i32
    %dma_wait3A_192 = arith.constant 0 : i32
    %dma_wait3A_193 = tpu.memref_slice %arg6[%dma_wait3A_177, %dma_wait3A_191, %dma_wait3A_192] : memref<2x400x128xf32, #tpu.memory_space<vmem>> -> memref<1x50x128xf32, #tpu.memory_space<vmem>>
    %dma_wait3A_194 = tpu.memref_squeeze %dma_wait3A_193 : memref<1x50x128xf32, #tpu.memory_space<vmem>> -> memref<50x128xf32, #tpu.memory_space<vmem>>
    tpu.wait_dma2 semaphore(%dma_wait3A_187 : memref<!tpu.dma_semaphore, #tpu.memory_space<semaphore_mem>>) src(%dma_wait3A_194 : memref<50x128xf32, #tpu.memory_space<vmem>>) dst(%dma_wait3A_190 : memref<50x128xf32, #tpu.memory_space<hbm>>)
    %dma_wait3A_195 = arith.constant 1 : i32
    %dma_wait3A_196 = arith.constant 1 : i32
    %dma_wait3A_197 = arith.constant 200 : i32
    %dma_wait3A_198 = arith.constant 0 : i32
    %dma_wait3A_199 = tpu.memref_slice %arg6[%dma_wait3A_195, %dma_wait3A_197, %dma_wait3A_198] : memref<2x400x128xf32, #tpu.memory_space<vmem>> -> memref<1x50x128xf32, #tpu.memory_space<vmem>>
    %dma_wait3A_200 = tpu.memref_squeeze %dma_wait3A_199 : memref<1x50x128xf32, #tpu.memory_space<vmem>> -> memref<50x128xf32, #tpu.memory_space<vmem>>
    %dma_wait3A_201 = arith.constant 0 : i32
    %dma_wait3A_202 = arith.constant 0 : i32
    %dma_wait3A_203 = tpu.memref_slice %arg4[%dma_wait3A_201, %dma_wait3A_202] : memref<917504x128xf32, #tpu.memory_space<hbm>> -> memref<50x128xf32, #tpu.memory_space<hbm>>
    %dma_wait3A_204 = tpu.memref_slice %arg9[%dma_wait3A_196] : memref<2x!tpu.dma_semaphore, #tpu.memory_space<semaphore_mem>> -> memref<1x!tpu.dma_semaphore, #tpu.memory_space<semaphore_mem>>
    %dma_wait3A_205 = tpu.memref_squeeze %dma_wait3A_204 : memref<1x!tpu.dma_semaphore, #tpu.memory_space<semaphore_mem>> -> memref<!tpu.dma_semaphore, #tpu.memory_space<semaphore_mem>>
    %dma_wait3A_206 = arith.constant 0 : i32
    %dma_wait3A_207 = arith.constant 0 : i32
    %dma_wait3A_208 = tpu.memref_slice %arg4[%dma_wait3A_206, %dma_wait3A_207] : memref<917504x128xf32, #tpu.memory_space<hbm>> -> memref<50x128xf32, #tpu.memory_space<hbm>>
    %dma_wait3A_209 = arith.constant 200 : i32
    %dma_wait3A_210 = arith.constant 0 : i32
    %dma_wait3A_211 = tpu.memref_slice %arg6[%dma_wait3A_195, %dma_wait3A_209, %dma_wait3A_210] : memref<2x400x128xf32, #tpu.memory_space<vmem>> -> memref<1x50x128xf32, #tpu.memory_space<vmem>>
    %dma_wait3A_212 = tpu.memref_squeeze %dma_wait3A_211 : memref<1x50x128xf32, #tpu.memory_space<vmem>> -> memref<50x128xf32, #tpu.memory_space<vmem>>
    tpu.wait_dma2 semaphore(%dma_wait3A_205 : memref<!tpu.dma_semaphore, #tpu.memory_space<semaphore_mem>>) src(%dma_wait3A_212 : memref<50x128xf32, #tpu.memory_space<vmem>>) dst(%dma_wait3A_208 : memref<50x128xf32, #tpu.memory_space<hbm>>)
    %dma_wait3A_213 = arith.constant 1 : i32
    %dma_wait3A_214 = arith.constant 1 : i32
    %dma_wait3A_215 = arith.constant 250 : i32
    %dma_wait3A_216 = arith.constant 0 : i32
    %dma_wait3A_217 = tpu.memref_slice %arg6[%dma_wait3A_213, %dma_wait3A_215, %dma_wait3A_216] : memref<2x400x128xf32, #tpu.memory_space<vmem>> -> memref<1x50x128xf32, #tpu.memory_space<vmem>>
    %dma_wait3A_218 = tpu.memref_squeeze %dma_wait3A_217 : memref<1x50x128xf32, #tpu.memory_space<vmem>> -> memref<50x128xf32, #tpu.memory_space<vmem>>
    %dma_wait3A_219 = arith.constant 0 : i32
    %dma_wait3A_220 = arith.constant 0 : i32
    %dma_wait3A_221 = tpu.memref_slice %arg4[%dma_wait3A_219, %dma_wait3A_220] : memref<917504x128xf32, #tpu.memory_space<hbm>> -> memref<50x128xf32, #tpu.memory_space<hbm>>
    %dma_wait3A_222 = tpu.memref_slice %arg9[%dma_wait3A_214] : memref<2x!tpu.dma_semaphore, #tpu.memory_space<semaphore_mem>> -> memref<1x!tpu.dma_semaphore, #tpu.memory_space<semaphore_mem>>
    %dma_wait3A_223 = tpu.memref_squeeze %dma_wait3A_222 : memref<1x!tpu.dma_semaphore, #tpu.memory_space<semaphore_mem>> -> memref<!tpu.dma_semaphore, #tpu.memory_space<semaphore_mem>>
    %dma_wait3A_224 = arith.constant 0 : i32
    %dma_wait3A_225 = arith.constant 0 : i32
    %dma_wait3A_226 = tpu.memref_slice %arg4[%dma_wait3A_224, %dma_wait3A_225] : memref<917504x128xf32, #tpu.memory_space<hbm>> -> memref<50x128xf32, #tpu.memory_space<hbm>>
    %dma_wait3A_227 = arith.constant 250 : i32
    %dma_wait3A_228 = arith.constant 0 : i32
    %dma_wait3A_229 = tpu.memref_slice %arg6[%dma_wait3A_213, %dma_wait3A_227, %dma_wait3A_228] : memref<2x400x128xf32, #tpu.memory_space<vmem>> -> memref<1x50x128xf32, #tpu.memory_space<vmem>>
    %dma_wait3A_230 = tpu.memref_squeeze %dma_wait3A_229 : memref<1x50x128xf32, #tpu.memory_space<vmem>> -> memref<50x128xf32, #tpu.memory_space<vmem>>
    tpu.wait_dma2 semaphore(%dma_wait3A_223 : memref<!tpu.dma_semaphore, #tpu.memory_space<semaphore_mem>>) src(%dma_wait3A_230 : memref<50x128xf32, #tpu.memory_space<vmem>>) dst(%dma_wait3A_226 : memref<50x128xf32, #tpu.memory_space<hbm>>)
    %dma_wait3A_231 = arith.constant 1 : i32
    %dma_wait3A_232 = arith.constant 1 : i32
    %dma_wait3A_233 = arith.constant 300 : i32
    %dma_wait3A_234 = arith.constant 0 : i32
    %dma_wait3A_235 = tpu.memref_slice %arg6[%dma_wait3A_231, %dma_wait3A_233, %dma_wait3A_234] : memref<2x400x128xf32, #tpu.memory_space<vmem>> -> memref<1x50x128xf32, #tpu.memory_space<vmem>>
    %dma_wait3A_236 = tpu.memref_squeeze %dma_wait3A_235 : memref<1x50x128xf32, #tpu.memory_space<vmem>> -> memref<50x128xf32, #tpu.memory_space<vmem>>
    %dma_wait3A_237 = arith.constant 0 : i32
    %dma_wait3A_238 = arith.constant 0 : i32
    %dma_wait3A_239 = tpu.memref_slice %arg4[%dma_wait3A_237, %dma_wait3A_238] : memref<917504x128xf32, #tpu.memory_space<hbm>> -> memref<50x128xf32, #tpu.memory_space<hbm>>
    %dma_wait3A_240 = tpu.memref_slice %arg9[%dma_wait3A_232] : memref<2x!tpu.dma_semaphore, #tpu.memory_space<semaphore_mem>> -> memref<1x!tpu.dma_semaphore, #tpu.memory_space<semaphore_mem>>
    %dma_wait3A_241 = tpu.memref_squeeze %dma_wait3A_240 : memref<1x!tpu.dma_semaphore, #tpu.memory_space<semaphore_mem>> -> memref<!tpu.dma_semaphore, #tpu.memory_space<semaphore_mem>>
    %dma_wait3A_242 = arith.constant 0 : i32
    %dma_wait3A_243 = arith.constant 0 : i32
    %dma_wait3A_244 = tpu.memref_slice %arg4[%dma_wait3A_242, %dma_wait3A_243] : memref<917504x128xf32, #tpu.memory_space<hbm>> -> memref<50x128xf32, #tpu.memory_space<hbm>>
    %dma_wait3A_245 = arith.constant 300 : i32
    %dma_wait3A_246 = arith.constant 0 : i32
    %dma_wait3A_247 = tpu.memref_slice %arg6[%dma_wait3A_231, %dma_wait3A_245, %dma_wait3A_246] : memref<2x400x128xf32, #tpu.memory_space<vmem>> -> memref<1x50x128xf32, #tpu.memory_space<vmem>>
    %dma_wait3A_248 = tpu.memref_squeeze %dma_wait3A_247 : memref<1x50x128xf32, #tpu.memory_space<vmem>> -> memref<50x128xf32, #tpu.memory_space<vmem>>
    tpu.wait_dma2 semaphore(%dma_wait3A_241 : memref<!tpu.dma_semaphore, #tpu.memory_space<semaphore_mem>>) src(%dma_wait3A_248 : memref<50x128xf32, #tpu.memory_space<vmem>>) dst(%dma_wait3A_244 : memref<50x128xf32, #tpu.memory_space<hbm>>)
    %dma_wait3A_249 = arith.constant 1 : i32
    %dma_wait3A_250 = arith.constant 1 : i32
    %dma_wait3A_251 = arith.constant 350 : i32
    %dma_wait3A_252 = arith.constant 0 : i32
    %dma_wait3A_253 = tpu.memref_slice %arg6[%dma_wait3A_249, %dma_wait3A_251, %dma_wait3A_252] : memref<2x400x128xf32, #tpu.memory_space<vmem>> -> memref<1x50x128xf32, #tpu.memory_space<vmem>>
    %dma_wait3A_254 = tpu.memref_squeeze %dma_wait3A_253 : memref<1x50x128xf32, #tpu.memory_space<vmem>> -> memref<50x128xf32, #tpu.memory_space<vmem>>
    %dma_wait3A_255 = arith.constant 0 : i32
    %dma_wait3A_256 = arith.constant 0 : i32
    %dma_wait3A_257 = tpu.memref_slice %arg4[%dma_wait3A_255, %dma_wait3A_256] : memref<917504x128xf32, #tpu.memory_space<hbm>> -> memref<50x128xf32, #tpu.memory_space<hbm>>
    %dma_wait3A_258 = tpu.memref_slice %arg9[%dma_wait3A_250] : memref<2x!tpu.dma_semaphore, #tpu.memory_space<semaphore_mem>> -> memref<1x!tpu.dma_semaphore, #tpu.memory_space<semaphore_mem>>
    %dma_wait3A_259 = tpu.memref_squeeze %dma_wait3A_258 : memref<1x!tpu.dma_semaphore, #tpu.memory_space<semaphore_mem>> -> memref<!tpu.dma_semaphore, #tpu.memory_space<semaphore_mem>>
    %dma_wait3A_260 = arith.constant 0 : i32
    %dma_wait3A_261 = arith.constant 0 : i32
    %dma_wait3A_262 = tpu.memref_slice %arg4[%dma_wait3A_260, %dma_wait3A_261] : memref<917504x128xf32, #tpu.memory_space<hbm>> -> memref<50x128xf32, #tpu.memory_space<hbm>>
    %dma_wait3A_263 = arith.constant 350 : i32
    %dma_wait3A_264 = arith.constant 0 : i32
    %dma_wait3A_265 = tpu.memref_slice %arg6[%dma_wait3A_249, %dma_wait3A_263, %dma_wait3A_264] : memref<2x400x128xf32, #tpu.memory_space<vmem>> -> memref<1x50x128xf32, #tpu.memory_space<vmem>>
    %dma_wait3A_266 = tpu.memref_squeeze %dma_wait3A_265 : memref<1x50x128xf32, #tpu.memory_space<vmem>> -> memref<50x128xf32, #tpu.memory_space<vmem>>
    tpu.wait_dma2 semaphore(%dma_wait3A_259 : memref<!tpu.dma_semaphore, #tpu.memory_space<semaphore_mem>>) src(%dma_wait3A_266 : memref<50x128xf32, #tpu.memory_space<vmem>>) dst(%dma_wait3A_262 : memref<50x128xf32, #tpu.memory_space<hbm>>)
    %dma_start3A_267 = arith.constant 1 : i32
    %dma_start3A_268 = arith.constant 1 : i32
    %dma_start3A_269 = arith.constant 1 : i32
    %dma_start3A_270 = arith.constant 0 : i32
    %dma_start3A_271 = arith.constant 0 : i32
    %dma_start3A_272 = tpu.memref_slice %arg6[%dma_start3A_268, %dma_start3A_270, %dma_start3A_271] : memref<2x400x128xf32, #tpu.memory_space<vmem>> -> memref<1x128x128xf32, #tpu.memory_space<vmem>>
    %dma_start3A_273 = tpu.memref_squeeze %dma_start3A_272 : memref<1x128x128xf32, #tpu.memory_space<vmem>> -> memref<128x128xf32, #tpu.memory_space<vmem>>
    %dma_start3A_274 = arith.constant 0 : i32
    %dma_start3A_275 = tpu.memref_slice %arg5[%dma_start3A_267, %dma_start3A_274] : memref<2x400xi32, #tpu.memory_space<vmem>> -> memref<1x128xi32, #tpu.memory_space<vmem>>
    %dma_start3A_276 = tpu.memref_squeeze %dma_start3A_275 : memref<1x128xi32, #tpu.memory_space<vmem>> -> memref<128xi32, #tpu.memory_space<vmem>>
    %dma_start3A_277 = arith.constant 0 : i32
    %dma_start3A_278 = arith.constant 0 : i32
    %dma_start3A_279 = tpu.memref_slice %arg3[%dma_start3A_277, %dma_start3A_278] : memref<1000000x128xf32, #tpu.memory_space<hbm>> -> memref<1000000x128xf32, #tpu.memory_space<hbm>>
    %dma_start3A_280 = tpu.memref_slice %arg8[%dma_start3A_269] : memref<2x!tpu.dma_semaphore, #tpu.memory_space<semaphore_mem>> -> memref<1x!tpu.dma_semaphore, #tpu.memory_space<semaphore_mem>>
    %dma_start3A_281 = tpu.memref_squeeze %dma_start3A_280 : memref<1x!tpu.dma_semaphore, #tpu.memory_space<semaphore_mem>> -> memref<!tpu.dma_semaphore, #tpu.memory_space<semaphore_mem>>
    tpu.enqueue_indirect_dma source(%dma_start3A_279 : memref<1000000x128xf32, #tpu.memory_space<hbm>>) target(%dma_start3A_273 : memref<128x128xf32, #tpu.memory_space<vmem>>) offsets(%dma_start3A_276 : memref<128xi32, #tpu.memory_space<vmem>>) semaphore(%dma_start3A_281 : memref<!tpu.dma_semaphore, #tpu.memory_space<semaphore_mem>>)
    %dma_start3A_282 = arith.constant 1 : i32
    %dma_start3A_283 = arith.constant 1 : i32
    %dma_start3A_284 = arith.constant 1 : i32
    %dma_start3A_285 = arith.constant 128 : i32
    %dma_start3A_286 = arith.constant 0 : i32
    %dma_start3A_287 = tpu.memref_slice %arg6[%dma_start3A_283, %dma_start3A_285, %dma_start3A_286] : memref<2x400x128xf32, #tpu.memory_space<vmem>> -> memref<1x128x128xf32, #tpu.memory_space<vmem>>
    %dma_start3A_288 = tpu.memref_squeeze %dma_start3A_287 : memref<1x128x128xf32, #tpu.memory_space<vmem>> -> memref<128x128xf32, #tpu.memory_space<vmem>>
    %dma_start3A_289 = arith.constant 128 : i32
    %dma_start3A_290 = tpu.memref_slice %arg5[%dma_start3A_282, %dma_start3A_289] : memref<2x400xi32, #tpu.memory_space<vmem>> -> memref<1x128xi32, #tpu.memory_space<vmem>>
    %dma_start3A_291 = tpu.memref_squeeze %dma_start3A_290 : memref<1x128xi32, #tpu.memory_space<vmem>> -> memref<128xi32, #tpu.memory_space<vmem>>
    %dma_start3A_292 = arith.constant 0 : i32
    %dma_start3A_293 = arith.constant 0 : i32
    %dma_start3A_294 = tpu.memref_slice %arg3[%dma_start3A_292, %dma_start3A_293] : memref<1000000x128xf32, #tpu.memory_space<hbm>> -> memref<1000000x128xf32, #tpu.memory_space<hbm>>
    %dma_start3A_295 = tpu.memref_slice %arg8[%dma_start3A_284] : memref<2x!tpu.dma_semaphore, #tpu.memory_space<semaphore_mem>> -> memref<1x!tpu.dma_semaphore, #tpu.memory_space<semaphore_mem>>
    %dma_start3A_296 = tpu.memref_squeeze %dma_start3A_295 : memref<1x!tpu.dma_semaphore, #tpu.memory_space<semaphore_mem>> -> memref<!tpu.dma_semaphore, #tpu.memory_space<semaphore_mem>>
    tpu.enqueue_indirect_dma source(%dma_start3A_294 : memref<1000000x128xf32, #tpu.memory_space<hbm>>) target(%dma_start3A_288 : memref<128x128xf32, #tpu.memory_space<vmem>>) offsets(%dma_start3A_291 : memref<128xi32, #tpu.memory_space<vmem>>) semaphore(%dma_start3A_296 : memref<!tpu.dma_semaphore, #tpu.memory_space<semaphore_mem>>)
    %dma_start3A_297 = arith.constant 1 : i32
    %dma_start3A_298 = arith.constant 1 : i32
    %dma_start3A_299 = arith.constant 1 : i32
    %dma_start3A_300 = arith.constant 256 : i32
    %dma_start3A_301 = arith.constant 0 : i32
    %dma_start3A_302 = tpu.memref_slice %arg6[%dma_start3A_298, %dma_start3A_300, %dma_start3A_301] : memref<2x400x128xf32, #tpu.memory_space<vmem>> -> memref<1x128x128xf32, #tpu.memory_space<vmem>>
    %dma_start3A_303 = tpu.memref_squeeze %dma_start3A_302 : memref<1x128x128xf32, #tpu.memory_space<vmem>> -> memref<128x128xf32, #tpu.memory_space<vmem>>
    %dma_start3A_304 = arith.constant 256 : i32
    %dma_start3A_305 = tpu.memref_slice %arg5[%dma_start3A_297, %dma_start3A_304] : memref<2x400xi32, #tpu.memory_space<vmem>> -> memref<1x128xi32, #tpu.memory_space<vmem>>
    %dma_start3A_306 = tpu.memref_squeeze %dma_start3A_305 : memref<1x128xi32, #tpu.memory_space<vmem>> -> memref<128xi32, #tpu.memory_space<vmem>>
    %dma_start3A_307 = arith.constant 0 : i32
    %dma_start3A_308 = arith.constant 0 : i32
    %dma_start3A_309 = tpu.memref_slice %arg3[%dma_start3A_307, %dma_start3A_308] : memref<1000000x128xf32, #tpu.memory_space<hbm>> -> memref<1000000x128xf32, #tpu.memory_space<hbm>>
    %dma_start3A_310 = tpu.memref_slice %arg8[%dma_start3A_299] : memref<2x!tpu.dma_semaphore, #tpu.memory_space<semaphore_mem>> -> memref<1x!tpu.dma_semaphore, #tpu.memory_space<semaphore_mem>>
    %dma_start3A_311 = tpu.memref_squeeze %dma_start3A_310 : memref<1x!tpu.dma_semaphore, #tpu.memory_space<semaphore_mem>> -> memref<!tpu.dma_semaphore, #tpu.memory_space<semaphore_mem>>
    tpu.enqueue_indirect_dma source(%dma_start3A_309 : memref<1000000x128xf32, #tpu.memory_space<hbm>>) target(%dma_start3A_303 : memref<128x128xf32, #tpu.memory_space<vmem>>) offsets(%dma_start3A_306 : memref<128xi32, #tpu.memory_space<vmem>>) semaphore(%dma_start3A_311 : memref<!tpu.dma_semaphore, #tpu.memory_space<semaphore_mem>>)
    %dma_start3A_312 = arith.constant 1 : i32
    %dma_start3A_313 = arith.constant 1 : i32
    %dma_start3A_314 = arith.constant 1 : i32
    %dma_start3A_315 = arith.constant 384 : i32
    %dma_start3A_316 = arith.constant 0 : i32
    %dma_start3A_317 = tpu.memref_slice %arg6[%dma_start3A_313, %dma_start3A_315, %dma_start3A_316] : memref<2x400x128xf32, #tpu.memory_space<vmem>> -> memref<1x16x128xf32, #tpu.memory_space<vmem>>
    %dma_start3A_318 = tpu.memref_squeeze %dma_start3A_317 : memref<1x16x128xf32, #tpu.memory_space<vmem>> -> memref<16x128xf32, #tpu.memory_space<vmem>>
    %dma_start3A_319 = arith.constant 384 : i32
    %dma_start3A_320 = tpu.memref_slice %arg5[%dma_start3A_312, %dma_start3A_319] : memref<2x400xi32, #tpu.memory_space<vmem>> -> memref<1x16xi32, #tpu.memory_space<vmem>>
    %dma_start3A_321 = tpu.memref_squeeze %dma_start3A_320 : memref<1x16xi32, #tpu.memory_space<vmem>> -> memref<16xi32, #tpu.memory_space<vmem>>
    %dma_start3A_322 = arith.constant 0 : i32
    %dma_start3A_323 = arith.constant 0 : i32
    %dma_start3A_324 = tpu.memref_slice %arg3[%dma_start3A_322, %dma_start3A_323] : memref<1000000x128xf32, #tpu.memory_space<hbm>> -> memref<1000000x128xf32, #tpu.memory_space<hbm>>
    %dma_start3A_325 = tpu.memref_slice %arg8[%dma_start3A_314] : memref<2x!tpu.dma_semaphore, #tpu.memory_space<semaphore_mem>> -> memref<1x!tpu.dma_semaphore, #tpu.memory_space<semaphore_mem>>
    %dma_start3A_326 = tpu.memref_squeeze %dma_start3A_325 : memref<1x!tpu.dma_semaphore, #tpu.memory_space<semaphore_mem>> -> memref<!tpu.dma_semaphore, #tpu.memory_space<semaphore_mem>>
    tpu.enqueue_indirect_dma source(%dma_start3A_324 : memref<1000000x128xf32, #tpu.memory_space<hbm>>) target(%dma_start3A_318 : memref<16x128xf32, #tpu.memory_space<vmem>>) offsets(%dma_start3A_321 : memref<16xi32, #tpu.memory_space<vmem>>) semaphore(%dma_start3A_326 : memref<!tpu.dma_semaphore, #tpu.memory_space<semaphore_mem>>)
    %dma_wait3A_327 = arith.constant 0 : i32
    %dma_wait3A_328 = arith.constant 0 : i32
    %dma_wait3A_329 = arith.constant 0 : i32
    %dma_wait3A_330 = arith.constant 0 : i32
    %dma_wait3A_331 = tpu.memref_slice %arg6[%dma_wait3A_327, %dma_wait3A_329, %dma_wait3A_330] : memref<2x400x128xf32, #tpu.memory_space<vmem>> -> memref<1x128x128xf32, #tpu.memory_space<vmem>>
    %dma_wait3A_332 = tpu.memref_squeeze %dma_wait3A_331 : memref<1x128x128xf32, #tpu.memory_space<vmem>> -> memref<128x128xf32, #tpu.memory_space<vmem>>
    %dma_wait3A_333 = arith.constant 0 : i32
    %dma_wait3A_334 = arith.constant 0 : i32
    %dma_wait3A_335 = tpu.memref_slice %arg3[%dma_wait3A_333, %dma_wait3A_334] : memref<1000000x128xf32, #tpu.memory_space<hbm>> -> memref<128x128xf32, #tpu.memory_space<hbm>>
    %dma_wait3A_336 = tpu.memref_slice %arg8[%dma_wait3A_328] : memref<2x!tpu.dma_semaphore, #tpu.memory_space<semaphore_mem>> -> memref<1x!tpu.dma_semaphore, #tpu.memory_space<semaphore_mem>>
    %dma_wait3A_337 = tpu.memref_squeeze %dma_wait3A_336 : memref<1x!tpu.dma_semaphore, #tpu.memory_space<semaphore_mem>> -> memref<!tpu.dma_semaphore, #tpu.memory_space<semaphore_mem>>
    %dma_wait3A_338 = arith.constant 0 : i32
    %dma_wait3A_339 = arith.constant 0 : i32
    %dma_wait3A_340 = tpu.memref_slice %arg6[%dma_wait3A_327, %dma_wait3A_338, %dma_wait3A_339] : memref<2x400x128xf32, #tpu.memory_space<vmem>> -> memref<1x128x128xf32, #tpu.memory_space<vmem>>
    %dma_wait3A_341 = tpu.memref_squeeze %dma_wait3A_340 : memref<1x128x128xf32, #tpu.memory_space<vmem>> -> memref<128x128xf32, #tpu.memory_space<vmem>>
    %dma_wait3A_342 = arith.constant 0 : i32
    %dma_wait3A_343 = arith.constant 0 : i32
    %dma_wait3A_344 = tpu.memref_slice %arg3[%dma_wait3A_342, %dma_wait3A_343] : memref<1000000x128xf32, #tpu.memory_space<hbm>> -> memref<128x128xf32, #tpu.memory_space<hbm>>
    tpu.wait_dma2 semaphore(%dma_wait3A_337 : memref<!tpu.dma_semaphore, #tpu.memory_space<semaphore_mem>>) src(%dma_wait3A_344 : memref<128x128xf32, #tpu.memory_space<hbm>>) dst(%dma_wait3A_341 : memref<128x128xf32, #tpu.memory_space<vmem>>)
    %dma_wait3A_345 = arith.constant 0 : i32
    %dma_wait3A_346 = arith.constant 0 : i32
    %dma_wait3A_347 = arith.constant 128 : i32
    %dma_wait3A_348 = arith.constant 0 : i32
    %dma_wait3A_349 = tpu.memref_slice %arg6[%dma_wait3A_345, %dma_wait3A_347, %dma_wait3A_348] : memref<2x400x128xf32, #tpu.memory_space<vmem>> -> memref<1x128x128xf32, #tpu.memory_space<vmem>>
    %dma_wait3A_350 = tpu.memref_squeeze %dma_wait3A_349 : memref<1x128x128xf32, #tpu.memory_space<vmem>> -> memref<128x128xf32, #tpu.memory_space<vmem>>
    %dma_wait3A_351 = arith.constant 0 : i32
    %dma_wait3A_352 = arith.constant 0 : i32
    %dma_wait3A_353 = tpu.memref_slice %arg3[%dma_wait3A_351, %dma_wait3A_352] : memref<1000000x128xf32, #tpu.memory_space<hbm>> -> memref<128x128xf32, #tpu.memory_space<hbm>>
    %dma_wait3A_354 = tpu.memref_slice %arg8[%dma_wait3A_346] : memref<2x!tpu.dma_semaphore, #tpu.memory_space<semaphore_mem>> -> memref<1x!tpu.dma_semaphore, #tpu.memory_space<semaphore_mem>>
    %dma_wait3A_355 = tpu.memref_squeeze %dma_wait3A_354 : memref<1x!tpu.dma_semaphore, #tpu.memory_space<semaphore_mem>> -> memref<!tpu.dma_semaphore, #tpu.memory_space<semaphore_mem>>
    %dma_wait3A_356 = arith.constant 128 : i32
    %dma_wait3A_357 = arith.constant 0 : i32
    %dma_wait3A_358 = tpu.memref_slice %arg6[%dma_wait3A_345, %dma_wait3A_356, %dma_wait3A_357] : memref<2x400x128xf32, #tpu.memory_space<vmem>> -> memref<1x128x128xf32, #tpu.memory_space<vmem>>
    %dma_wait3A_359 = tpu.memref_squeeze %dma_wait3A_358 : memref<1x128x128xf32, #tpu.memory_space<vmem>> -> memref<128x128xf32, #tpu.memory_space<vmem>>
    %dma_wait3A_360 = arith.constant 0 : i32
    %dma_wait3A_361 = arith.constant 0 : i32
    %dma_wait3A_362 = tpu.memref_slice %arg3[%dma_wait3A_360, %dma_wait3A_361] : memref<1000000x128xf32, #tpu.memory_space<hbm>> -> memref<128x128xf32, #tpu.memory_space<hbm>>
    tpu.wait_dma2 semaphore(%dma_wait3A_355 : memref<!tpu.dma_semaphore, #tpu.memory_space<semaphore_mem>>) src(%dma_wait3A_362 : memref<128x128xf32, #tpu.memory_space<hbm>>) dst(%dma_wait3A_359 : memref<128x128xf32, #tpu.memory_space<vmem>>)
    %dma_wait3A_363 = arith.constant 0 : i32
    %dma_wait3A_364 = arith.constant 0 : i32
    %dma_wait3A_365 = arith.constant 256 : i32
    %dma_wait3A_366 = arith.constant 0 : i32
    %dma_wait3A_367 = tpu.memref_slice %arg6[%dma_wait3A_363, %dma_wait3A_365, %dma_wait3A_366] : memref<2x400x128xf32, #tpu.memory_space<vmem>> -> memref<1x128x128xf32, #tpu.memory_space<vmem>>
    %dma_wait3A_368 = tpu.memref_squeeze %dma_wait3A_367 : memref<1x128x128xf32, #tpu.memory_space<vmem>> -> memref<128x128xf32, #tpu.memory_space<vmem>>
    %dma_wait3A_369 = arith.constant 0 : i32
    %dma_wait3A_370 = arith.constant 0 : i32
    %dma_wait3A_371 = tpu.memref_slice %arg3[%dma_wait3A_369, %dma_wait3A_370] : memref<1000000x128xf32, #tpu.memory_space<hbm>> -> memref<128x128xf32, #tpu.memory_space<hbm>>
    %dma_wait3A_372 = tpu.memref_slice %arg8[%dma_wait3A_364] : memref<2x!tpu.dma_semaphore, #tpu.memory_space<semaphore_mem>> -> memref<1x!tpu.dma_semaphore, #tpu.memory_space<semaphore_mem>>
    %dma_wait3A_373 = tpu.memref_squeeze %dma_wait3A_372 : memref<1x!tpu.dma_semaphore, #tpu.memory_space<semaphore_mem>> -> memref<!tpu.dma_semaphore, #tpu.memory_space<semaphore_mem>>
    %dma_wait3A_374 = arith.constant 256 : i32
    %dma_wait3A_375 = arith.constant 0 : i32
    %dma_wait3A_376 = tpu.memref_slice %arg6[%dma_wait3A_363, %dma_wait3A_374, %dma_wait3A_375] : memref<2x400x128xf32, #tpu.memory_space<vmem>> -> memref<1x128x128xf32, #tpu.memory_space<vmem>>
    %dma_wait3A_377 = tpu.memref_squeeze %dma_wait3A_376 : memref<1x128x128xf32, #tpu.memory_space<vmem>> -> memref<128x128xf32, #tpu.memory_space<vmem>>
    %dma_wait3A_378 = arith.constant 0 : i32
    %dma_wait3A_379 = arith.constant 0 : i32
    %dma_wait3A_380 = tpu.memref_slice %arg3[%dma_wait3A_378, %dma_wait3A_379] : memref<1000000x128xf32, #tpu.memory_space<hbm>> -> memref<128x128xf32, #tpu.memory_space<hbm>>
    tpu.wait_dma2 semaphore(%dma_wait3A_373 : memref<!tpu.dma_semaphore, #tpu.memory_space<semaphore_mem>>) src(%dma_wait3A_380 : memref<128x128xf32, #tpu.memory_space<hbm>>) dst(%dma_wait3A_377 : memref<128x128xf32, #tpu.memory_space<vmem>>)
    %dma_wait3A_381 = arith.constant 0 : i32
    %dma_wait3A_382 = arith.constant 0 : i32
    %dma_wait3A_383 = arith.constant 384 : i32
    %dma_wait3A_384 = arith.constant 0 : i32
    %dma_wait3A_385 = tpu.memref_slice %arg6[%dma_wait3A_381, %dma_wait3A_383, %dma_wait3A_384] : memref<2x400x128xf32, #tpu.memory_space<vmem>> -> memref<1x16x128xf32, #tpu.memory_space<vmem>>
    %dma_wait3A_386 = tpu.memref_squeeze %dma_wait3A_385 : memref<1x16x128xf32, #tpu.memory_space<vmem>> -> memref<16x128xf32, #tpu.memory_space<vmem>>
    %dma_wait3A_387 = arith.constant 0 : i32
    %dma_wait3A_388 = arith.constant 0 : i32
    %dma_wait3A_389 = tpu.memref_slice %arg3[%dma_wait3A_387, %dma_wait3A_388] : memref<1000000x128xf32, #tpu.memory_space<hbm>> -> memref<16x128xf32, #tpu.memory_space<hbm>>
    %dma_wait3A_390 = tpu.memref_slice %arg8[%dma_wait3A_382] : memref<2x!tpu.dma_semaphore, #tpu.memory_space<semaphore_mem>> -> memref<1x!tpu.dma_semaphore, #tpu.memory_space<semaphore_mem>>
    %dma_wait3A_391 = tpu.memref_squeeze %dma_wait3A_390 : memref<1x!tpu.dma_semaphore, #tpu.memory_space<semaphore_mem>> -> memref<!tpu.dma_semaphore, #tpu.memory_space<semaphore_mem>>
    %dma_wait3A_392 = arith.constant 384 : i32
    %dma_wait3A_393 = arith.constant 0 : i32
    %dma_wait3A_394 = tpu.memref_slice %arg6[%dma_wait3A_381, %dma_wait3A_392, %dma_wait3A_393] : memref<2x400x128xf32, #tpu.memory_space<vmem>> -> memref<1x16x128xf32, #tpu.memory_space<vmem>>
    %dma_wait3A_395 = tpu.memref_squeeze %dma_wait3A_394 : memref<1x16x128xf32, #tpu.memory_space<vmem>> -> memref<16x128xf32, #tpu.memory_space<vmem>>
    %dma_wait3A_396 = arith.constant 0 : i32
    %dma_wait3A_397 = arith.constant 0 : i32
    %dma_wait3A_398 = tpu.memref_slice %arg3[%dma_wait3A_396, %dma_wait3A_397] : memref<1000000x128xf32, #tpu.memory_space<hbm>> -> memref<16x128xf32, #tpu.memory_space<hbm>>
    tpu.wait_dma2 semaphore(%dma_wait3A_391 : memref<!tpu.dma_semaphore, #tpu.memory_space<semaphore_mem>>) src(%dma_wait3A_398 : memref<16x128xf32, #tpu.memory_space<hbm>>) dst(%dma_wait3A_395 : memref<16x128xf32, #tpu.memory_space<vmem>>)
    %add3A_399 = arith.constant 496 : i32
    %add3A_400 = arith.addi %mul3A_4, %add3A_399 : i32
    %add3A_401 = arith.constant 0 : i32
    %add3A_402 = arith.addi %add3A_400, %add3A_401 : i32
    %mul3A_403 = arith.constant 56 : i32
    %mul3A_404 = arith.muli %add3A_402, %mul3A_403 : i32
    %dma_start3A_405 = arith.constant 0 : i32
    %dma_start3A_406 = arith.constant 0 : i32
    %dma_start3A_407 = arith.constant 0 : i32
    %dma_start3A_408 = arith.constant 0 : i32
    %dma_start3A_409 = tpu.memref_slice %arg6[%dma_start3A_405, %dma_start3A_407, %dma_start3A_408] : memref<2x400x128xf32, #tpu.memory_space<vmem>> -> memref<1x50x128xf32, #tpu.memory_space<vmem>>
    %dma_start3A_410 = tpu.memref_squeeze %dma_start3A_409 : memref<1x50x128xf32, #tpu.memory_space<vmem>> -> memref<50x128xf32, #tpu.memory_space<vmem>>
    %dma_start3A_411 = arith.constant 0 : i32
    %dma_start3A_412 = tpu.memref_slice %arg4[%mul3A_404, %dma_start3A_411] : memref<917504x128xf32, #tpu.memory_space<hbm>> -> memref<50x128xf32, #tpu.memory_space<hbm>>
    %dma_start3A_413 = tpu.memref_slice %arg9[%dma_start3A_406] : memref<2x!tpu.dma_semaphore, #tpu.memory_space<semaphore_mem>> -> memref<1x!tpu.dma_semaphore, #tpu.memory_space<semaphore_mem>>
    %dma_start3A_414 = tpu.memref_squeeze %dma_start3A_413 : memref<1x!tpu.dma_semaphore, #tpu.memory_space<semaphore_mem>> -> memref<!tpu.dma_semaphore, #tpu.memory_space<semaphore_mem>>
    %dma_start3A_415 = arith.constant 0 : i32
    %dma_start3A_416 = tpu.memref_slice %arg4[%mul3A_404, %dma_start3A_415] : memref<917504x128xf32, #tpu.memory_space<hbm>> -> memref<50x128xf32, #tpu.memory_space<hbm>>
    %dma_start3A_417 = arith.constant 0 : i32
    %dma_start3A_418 = arith.constant 0 : i32
    %dma_start3A_419 = tpu.memref_slice %arg6[%dma_start3A_405, %dma_start3A_417, %dma_start3A_418] : memref<2x400x128xf32, #tpu.memory_space<vmem>> -> memref<1x50x128xf32, #tpu.memory_space<vmem>>
    %dma_start3A_420 = tpu.memref_squeeze %dma_start3A_419 : memref<1x50x128xf32, #tpu.memory_space<vmem>> -> memref<50x128xf32, #tpu.memory_space<vmem>>
    tpu.enqueue_dma source(%dma_start3A_420 : memref<50x128xf32, #tpu.memory_space<vmem>>) target(%dma_start3A_416 : memref<50x128xf32, #tpu.memory_space<hbm>>) target_semaphore(%dma_start3A_414 : memref<!tpu.dma_semaphore, #tpu.memory_space<semaphore_mem>>)
    %add3A_421 = arith.constant 496 : i32
    %add3A_422 = arith.addi %mul3A_4, %add3A_421 : i32
    %add3A_423 = arith.constant 1 : i32
    %add3A_424 = arith.addi %add3A_422, %add3A_423 : i32
    %mul3A_425 = arith.constant 56 : i32
    %mul3A_426 = arith.muli %add3A_424, %mul3A_425 : i32
    %dma_start3A_427 = arith.constant 0 : i32
    %dma_start3A_428 = arith.constant 0 : i32
    %dma_start3A_429 = arith.constant 50 : i32
    %dma_start3A_430 = arith.constant 0 : i32
    %dma_start3A_431 = tpu.memref_slice %arg6[%dma_start3A_427, %dma_start3A_429, %dma_start3A_430] : memref<2x400x128xf32, #tpu.memory_space<vmem>> -> memref<1x50x128xf32, #tpu.memory_space<vmem>>
    %dma_start3A_432 = tpu.memref_squeeze %dma_start3A_431 : memref<1x50x128xf32, #tpu.memory_space<vmem>> -> memref<50x128xf32, #tpu.memory_space<vmem>>
    %dma_start3A_433 = arith.constant 0 : i32
    %dma_start3A_434 = tpu.memref_slice %arg4[%mul3A_426, %dma_start3A_433] : memref<917504x128xf32, #tpu.memory_space<hbm>> -> memref<50x128xf32, #tpu.memory_space<hbm>>
    %dma_start3A_435 = tpu.memref_slice %arg9[%dma_start3A_428] : memref<2x!tpu.dma_semaphore, #tpu.memory_space<semaphore_mem>> -> memref<1x!tpu.dma_semaphore, #tpu.memory_space<semaphore_mem>>
    %dma_start3A_436 = tpu.memref_squeeze %dma_start3A_435 : memref<1x!tpu.dma_semaphore, #tpu.memory_space<semaphore_mem>> -> memref<!tpu.dma_semaphore, #tpu.memory_space<semaphore_mem>>
    %dma_start3A_437 = arith.constant 0 : i32
    %dma_start3A_438 = tpu.memref_slice %arg4[%mul3A_426, %dma_start3A_437] : memref<917504x128xf32, #tpu.memory_space<hbm>> -> memref<50x128xf32, #tpu.memory_space<hbm>>
    %dma_start3A_439 = arith.constant 50 : i32
    %dma_start3A_440 = arith.constant 0 : i32
    %dma_start3A_441 = tpu.memref_slice %arg6[%dma_start3A_427, %dma_start3A_439, %dma_start3A_440] : memref<2x400x128xf32, #tpu.memory_space<vmem>> -> memref<1x50x128xf32, #tpu.memory_space<vmem>>
    %dma_start3A_442 = tpu.memref_squeeze %dma_start3A_441 : memref<1x50x128xf32, #tpu.memory_space<vmem>> -> memref<50x128xf32, #tpu.memory_space<vmem>>
    tpu.enqueue_dma source(%dma_start3A_442 : memref<50x128xf32, #tpu.memory_space<vmem>>) target(%dma_start3A_438 : memref<50x128xf32, #tpu.memory_space<hbm>>) target_semaphore(%dma_start3A_436 : memref<!tpu.dma_semaphore, #tpu.memory_space<semaphore_mem>>)
    %add3A_443 = arith.constant 496 : i32
    %add3A_444 = arith.addi %mul3A_4, %add3A_443 : i32
    %add3A_445 = arith.constant 2 : i32
    %add3A_446 = arith.addi %add3A_444, %add3A_445 : i32
    %mul3A_447 = arith.constant 56 : i32
    %mul3A_448 = arith.muli %add3A_446, %mul3A_447 : i32
    %dma_start3A_449 = arith.constant 0 : i32
    %dma_start3A_450 = arith.constant 0 : i32
    %dma_start3A_451 = arith.constant 100 : i32
    %dma_start3A_452 = arith.constant 0 : i32
    %dma_start3A_453 = tpu.memref_slice %arg6[%dma_start3A_449, %dma_start3A_451, %dma_start3A_452] : memref<2x400x128xf32, #tpu.memory_space<vmem>> -> memref<1x50x128xf32, #tpu.memory_space<vmem>>
    %dma_start3A_454 = tpu.memref_squeeze %dma_start3A_453 : memref<1x50x128xf32, #tpu.memory_space<vmem>> -> memref<50x128xf32, #tpu.memory_space<vmem>>
    %dma_start3A_455 = arith.constant 0 : i32
    %dma_start3A_456 = tpu.memref_slice %arg4[%mul3A_448, %dma_start3A_455] : memref<917504x128xf32, #tpu.memory_space<hbm>> -> memref<50x128xf32, #tpu.memory_space<hbm>>
    %dma_start3A_457 = tpu.memref_slice %arg9[%dma_start3A_450] : memref<2x!tpu.dma_semaphore, #tpu.memory_space<semaphore_mem>> -> memref<1x!tpu.dma_semaphore, #tpu.memory_space<semaphore_mem>>
    %dma_start3A_458 = tpu.memref_squeeze %dma_start3A_457 : memref<1x!tpu.dma_semaphore, #tpu.memory_space<semaphore_mem>> -> memref<!tpu.dma_semaphore, #tpu.memory_space<semaphore_mem>>
    %dma_start3A_459 = arith.constant 0 : i32
    %dma_start3A_460 = tpu.memref_slice %arg4[%mul3A_448, %dma_start3A_459] : memref<917504x128xf32, #tpu.memory_space<hbm>> -> memref<50x128xf32, #tpu.memory_space<hbm>>
    %dma_start3A_461 = arith.constant 100 : i32
    %dma_start3A_462 = arith.constant 0 : i32
    %dma_start3A_463 = tpu.memref_slice %arg6[%dma_start3A_449, %dma_start3A_461, %dma_start3A_462] : memref<2x400x128xf32, #tpu.memory_space<vmem>> -> memref<1x50x128xf32, #tpu.memory_space<vmem>>
    %dma_start3A_464 = tpu.memref_squeeze %dma_start3A_463 : memref<1x50x128xf32, #tpu.memory_space<vmem>> -> memref<50x128xf32, #tpu.memory_space<vmem>>
    tpu.enqueue_dma source(%dma_start3A_464 : memref<50x128xf32, #tpu.memory_space<vmem>>) target(%dma_start3A_460 : memref<50x128xf32, #tpu.memory_space<hbm>>) target_semaphore(%dma_start3A_458 : memref<!tpu.dma_semaphore, #tpu.memory_space<semaphore_mem>>)
    %add3A_465 = arith.constant 496 : i32
    %add3A_466 = arith.addi %mul3A_4, %add3A_465 : i32
    %add3A_467 = arith.constant 3 : i32
    %add3A_468 = arith.addi %add3A_466, %add3A_467 : i32
    %mul3A_469 = arith.constant 56 : i32
    %mul3A_470 = arith.muli %add3A_468, %mul3A_469 : i32
    %dma_start3A_471 = arith.constant 0 : i32
    %dma_start3A_472 = arith.constant 0 : i32
    %dma_start3A_473 = arith.constant 150 : i32
    %dma_start3A_474 = arith.constant 0 : i32
    %dma_start3A_475 = tpu.memref_slice %arg6[%dma_start3A_471, %dma_start3A_473, %dma_start3A_474] : memref<2x400x128xf32, #tpu.memory_space<vmem>> -> memref<1x50x128xf32, #tpu.memory_space<vmem>>
    %dma_start3A_476 = tpu.memref_squeeze %dma_start3A_475 : memref<1x50x128xf32, #tpu.memory_space<vmem>> -> memref<50x128xf32, #tpu.memory_space<vmem>>
    %dma_start3A_477 = arith.constant 0 : i32
    %dma_start3A_478 = tpu.memref_slice %arg4[%mul3A_470, %dma_start3A_477] : memref<917504x128xf32, #tpu.memory_space<hbm>> -> memref<50x128xf32, #tpu.memory_space<hbm>>
    %dma_start3A_479 = tpu.memref_slice %arg9[%dma_start3A_472] : memref<2x!tpu.dma_semaphore, #tpu.memory_space<semaphore_mem>> -> memref<1x!tpu.dma_semaphore, #tpu.memory_space<semaphore_mem>>
    %dma_start3A_480 = tpu.memref_squeeze %dma_start3A_479 : memref<1x!tpu.dma_semaphore, #tpu.memory_space<semaphore_mem>> -> memref<!tpu.dma_semaphore, #tpu.memory_space<semaphore_mem>>
    %dma_start3A_481 = arith.constant 0 : i32
    %dma_start3A_482 = tpu.memref_slice %arg4[%mul3A_470, %dma_start3A_481] : memref<917504x128xf32, #tpu.memory_space<hbm>> -> memref<50x128xf32, #tpu.memory_space<hbm>>
    %dma_start3A_483 = arith.constant 150 : i32
    %dma_start3A_484 = arith.constant 0 : i32
    %dma_start3A_485 = tpu.memref_slice %arg6[%dma_start3A_471, %dma_start3A_483, %dma_start3A_484] : memref<2x400x128xf32, #tpu.memory_space<vmem>> -> memref<1x50x128xf32, #tpu.memory_space<vmem>>
    %dma_start3A_486 = tpu.memref_squeeze %dma_start3A_485 : memref<1x50x128xf32, #tpu.memory_space<vmem>> -> memref<50x128xf32, #tpu.memory_space<vmem>>
    tpu.enqueue_dma source(%dma_start3A_486 : memref<50x128xf32, #tpu.memory_space<vmem>>) target(%dma_start3A_482 : memref<50x128xf32, #tpu.memory_space<hbm>>) target_semaphore(%dma_start3A_480 : memref<!tpu.dma_semaphore, #tpu.memory_space<semaphore_mem>>)
    %add3A_487 = arith.constant 496 : i32
    %add3A_488 = arith.addi %mul3A_4, %add3A_487 : i32
    %add3A_489 = arith.constant 4 : i32
    %add3A_490 = arith.addi %add3A_488, %add3A_489 : i32
    %mul3A_491 = arith.constant 56 : i32
    %mul3A_492 = arith.muli %add3A_490, %mul3A_491 : i32
    %dma_start3A_493 = arith.constant 0 : i32
    %dma_start3A_494 = arith.constant 0 : i32
    %dma_start3A_495 = arith.constant 200 : i32
    %dma_start3A_496 = arith.constant 0 : i32
    %dma_start3A_497 = tpu.memref_slice %arg6[%dma_start3A_493, %dma_start3A_495, %dma_start3A_496] : memref<2x400x128xf32, #tpu.memory_space<vmem>> -> memref<1x50x128xf32, #tpu.memory_space<vmem>>
    %dma_start3A_498 = tpu.memref_squeeze %dma_start3A_497 : memref<1x50x128xf32, #tpu.memory_space<vmem>> -> memref<50x128xf32, #tpu.memory_space<vmem>>
    %dma_start3A_499 = arith.constant 0 : i32
    %dma_start3A_500 = tpu.memref_slice %arg4[%mul3A_492, %dma_start3A_499] : memref<917504x128xf32, #tpu.memory_space<hbm>> -> memref<50x128xf32, #tpu.memory_space<hbm>>
    %dma_start3A_501 = tpu.memref_slice %arg9[%dma_start3A_494] : memref<2x!tpu.dma_semaphore, #tpu.memory_space<semaphore_mem>> -> memref<1x!tpu.dma_semaphore, #tpu.memory_space<semaphore_mem>>
    %dma_start3A_502 = tpu.memref_squeeze %dma_start3A_501 : memref<1x!tpu.dma_semaphore, #tpu.memory_space<semaphore_mem>> -> memref<!tpu.dma_semaphore, #tpu.memory_space<semaphore_mem>>
    %dma_start3A_503 = arith.constant 0 : i32
    %dma_start3A_504 = tpu.memref_slice %arg4[%mul3A_492, %dma_start3A_503] : memref<917504x128xf32, #tpu.memory_space<hbm>> -> memref<50x128xf32, #tpu.memory_space<hbm>>
    %dma_start3A_505 = arith.constant 200 : i32
    %dma_start3A_506 = arith.constant 0 : i32
    %dma_start3A_507 = tpu.memref_slice %arg6[%dma_start3A_493, %dma_start3A_505, %dma_start3A_506] : memref<2x400x128xf32, #tpu.memory_space<vmem>> -> memref<1x50x128xf32, #tpu.memory_space<vmem>>
    %dma_start3A_508 = tpu.memref_squeeze %dma_start3A_507 : memref<1x50x128xf32, #tpu.memory_space<vmem>> -> memref<50x128xf32, #tpu.memory_space<vmem>>
    tpu.enqueue_dma source(%dma_start3A_508 : memref<50x128xf32, #tpu.memory_space<vmem>>) target(%dma_start3A_504 : memref<50x128xf32, #tpu.memory_space<hbm>>) target_semaphore(%dma_start3A_502 : memref<!tpu.dma_semaphore, #tpu.memory_space<semaphore_mem>>)
    %add3A_509 = arith.constant 496 : i32
    %add3A_510 = arith.addi %mul3A_4, %add3A_509 : i32
    %add3A_511 = arith.constant 5 : i32
    %add3A_512 = arith.addi %add3A_510, %add3A_511 : i32
    %mul3A_513 = arith.constant 56 : i32
    %mul3A_514 = arith.muli %add3A_512, %mul3A_513 : i32
    %dma_start3A_515 = arith.constant 0 : i32
    %dma_start3A_516 = arith.constant 0 : i32
    %dma_start3A_517 = arith.constant 250 : i32
    %dma_start3A_518 = arith.constant 0 : i32
    %dma_start3A_519 = tpu.memref_slice %arg6[%dma_start3A_515, %dma_start3A_517, %dma_start3A_518] : memref<2x400x128xf32, #tpu.memory_space<vmem>> -> memref<1x50x128xf32, #tpu.memory_space<vmem>>
    %dma_start3A_520 = tpu.memref_squeeze %dma_start3A_519 : memref<1x50x128xf32, #tpu.memory_space<vmem>> -> memref<50x128xf32, #tpu.memory_space<vmem>>
    %dma_start3A_521 = arith.constant 0 : i32
    %dma_start3A_522 = tpu.memref_slice %arg4[%mul3A_514, %dma_start3A_521] : memref<917504x128xf32, #tpu.memory_space<hbm>> -> memref<50x128xf32, #tpu.memory_space<hbm>>
    %dma_start3A_523 = tpu.memref_slice %arg9[%dma_start3A_516] : memref<2x!tpu.dma_semaphore, #tpu.memory_space<semaphore_mem>> -> memref<1x!tpu.dma_semaphore, #tpu.memory_space<semaphore_mem>>
    %dma_start3A_524 = tpu.memref_squeeze %dma_start3A_523 : memref<1x!tpu.dma_semaphore, #tpu.memory_space<semaphore_mem>> -> memref<!tpu.dma_semaphore, #tpu.memory_space<semaphore_mem>>
    %dma_start3A_525 = arith.constant 0 : i32
    %dma_start3A_526 = tpu.memref_slice %arg4[%mul3A_514, %dma_start3A_525] : memref<917504x128xf32, #tpu.memory_space<hbm>> -> memref<50x128xf32, #tpu.memory_space<hbm>>
    %dma_start3A_527 = arith.constant 250 : i32
    %dma_start3A_528 = arith.constant 0 : i32
    %dma_start3A_529 = tpu.memref_slice %arg6[%dma_start3A_515, %dma_start3A_527, %dma_start3A_528] : memref<2x400x128xf32, #tpu.memory_space<vmem>> -> memref<1x50x128xf32, #tpu.memory_space<vmem>>
    %dma_start3A_530 = tpu.memref_squeeze %dma_start3A_529 : memref<1x50x128xf32, #tpu.memory_space<vmem>> -> memref<50x128xf32, #tpu.memory_space<vmem>>
    tpu.enqueue_dma source(%dma_start3A_530 : memref<50x128xf32, #tpu.memory_space<vmem>>) target(%dma_start3A_526 : memref<50x128xf32, #tpu.memory_space<hbm>>) target_semaphore(%dma_start3A_524 : memref<!tpu.dma_semaphore, #tpu.memory_space<semaphore_mem>>)
    %add3A_531 = arith.constant 496 : i32
    %add3A_532 = arith.addi %mul3A_4, %add3A_531 : i32
    %add3A_533 = arith.constant 6 : i32
    %add3A_534 = arith.addi %add3A_532, %add3A_533 : i32
    %mul3A_535 = arith.constant 56 : i32
    %mul3A_536 = arith.muli %add3A_534, %mul3A_535 : i32
    %dma_start3A_537 = arith.constant 0 : i32
    %dma_start3A_538 = arith.constant 0 : i32
    %dma_start3A_539 = arith.constant 300 : i32
    %dma_start3A_540 = arith.constant 0 : i32
    %dma_start3A_541 = tpu.memref_slice %arg6[%dma_start3A_537, %dma_start3A_539, %dma_start3A_540] : memref<2x400x128xf32, #tpu.memory_space<vmem>> -> memref<1x50x128xf32, #tpu.memory_space<vmem>>
    %dma_start3A_542 = tpu.memref_squeeze %dma_start3A_541 : memref<1x50x128xf32, #tpu.memory_space<vmem>> -> memref<50x128xf32, #tpu.memory_space<vmem>>
    %dma_start3A_543 = arith.constant 0 : i32
    %dma_start3A_544 = tpu.memref_slice %arg4[%mul3A_536, %dma_start3A_543] : memref<917504x128xf32, #tpu.memory_space<hbm>> -> memref<50x128xf32, #tpu.memory_space<hbm>>
    %dma_start3A_545 = tpu.memref_slice %arg9[%dma_start3A_538] : memref<2x!tpu.dma_semaphore, #tpu.memory_space<semaphore_mem>> -> memref<1x!tpu.dma_semaphore, #tpu.memory_space<semaphore_mem>>
    %dma_start3A_546 = tpu.memref_squeeze %dma_start3A_545 : memref<1x!tpu.dma_semaphore, #tpu.memory_space<semaphore_mem>> -> memref<!tpu.dma_semaphore, #tpu.memory_space<semaphore_mem>>
    %dma_start3A_547 = arith.constant 0 : i32
    %dma_start3A_548 = tpu.memref_slice %arg4[%mul3A_536, %dma_start3A_547] : memref<917504x128xf32, #tpu.memory_space<hbm>> -> memref<50x128xf32, #tpu.memory_space<hbm>>
    %dma_start3A_549 = arith.constant 300 : i32
    %dma_start3A_550 = arith.constant 0 : i32
    %dma_start3A_551 = tpu.memref_slice %arg6[%dma_start3A_537, %dma_start3A_549, %dma_start3A_550] : memref<2x400x128xf32, #tpu.memory_space<vmem>> -> memref<1x50x128xf32, #tpu.memory_space<vmem>>
    %dma_start3A_552 = tpu.memref_squeeze %dma_start3A_551 : memref<1x50x128xf32, #tpu.memory_space<vmem>> -> memref<50x128xf32, #tpu.memory_space<vmem>>
    tpu.enqueue_dma source(%dma_start3A_552 : memref<50x128xf32, #tpu.memory_space<vmem>>) target(%dma_start3A_548 : memref<50x128xf32, #tpu.memory_space<hbm>>) target_semaphore(%dma_start3A_546 : memref<!tpu.dma_semaphore, #tpu.memory_space<semaphore_mem>>)
    %add3A_553 = arith.constant 496 : i32
    %add3A_554 = arith.addi %mul3A_4, %add3A_553 : i32
    %add3A_555 = arith.constant 7 : i32
    %add3A_556 = arith.addi %add3A_554, %add3A_555 : i32
    %mul3A_557 = arith.constant 56 : i32
    %mul3A_558 = arith.muli %add3A_556, %mul3A_557 : i32
    %dma_start3A_559 = arith.constant 0 : i32
    %dma_start3A_560 = arith.constant 0 : i32
    %dma_start3A_561 = arith.constant 350 : i32
    %dma_start3A_562 = arith.constant 0 : i32
    %dma_start3A_563 = tpu.memref_slice %arg6[%dma_start3A_559, %dma_start3A_561, %dma_start3A_562] : memref<2x400x128xf32, #tpu.memory_space<vmem>> -> memref<1x50x128xf32, #tpu.memory_space<vmem>>
    %dma_start3A_564 = tpu.memref_squeeze %dma_start3A_563 : memref<1x50x128xf32, #tpu.memory_space<vmem>> -> memref<50x128xf32, #tpu.memory_space<vmem>>
    %dma_start3A_565 = arith.constant 0 : i32
    %dma_start3A_566 = tpu.memref_slice %arg4[%mul3A_558, %dma_start3A_565] : memref<917504x128xf32, #tpu.memory_space<hbm>> -> memref<50x128xf32, #tpu.memory_space<hbm>>
    %dma_start3A_567 = tpu.memref_slice %arg9[%dma_start3A_560] : memref<2x!tpu.dma_semaphore, #tpu.memory_space<semaphore_mem>> -> memref<1x!tpu.dma_semaphore, #tpu.memory_space<semaphore_mem>>
    %dma_start3A_568 = tpu.memref_squeeze %dma_start3A_567 : memref<1x!tpu.dma_semaphore, #tpu.memory_space<semaphore_mem>> -> memref<!tpu.dma_semaphore, #tpu.memory_space<semaphore_mem>>
    %dma_start3A_569 = arith.constant 0 : i32
    %dma_start3A_570 = tpu.memref_slice %arg4[%mul3A_558, %dma_start3A_569] : memref<917504x128xf32, #tpu.memory_space<hbm>> -> memref<50x128xf32, #tpu.memory_space<hbm>>
    %dma_start3A_571 = arith.constant 350 : i32
    %dma_start3A_572 = arith.constant 0 : i32
    %dma_start3A_573 = tpu.memref_slice %arg6[%dma_start3A_559, %dma_start3A_571, %dma_start3A_572] : memref<2x400x128xf32, #tpu.memory_space<vmem>> -> memref<1x50x128xf32, #tpu.memory_space<vmem>>
    %dma_start3A_574 = tpu.memref_squeeze %dma_start3A_573 : memref<1x50x128xf32, #tpu.memory_space<vmem>> -> memref<50x128xf32, #tpu.memory_space<vmem>>
    tpu.enqueue_dma source(%dma_start3A_574 : memref<50x128xf32, #tpu.memory_space<vmem>>) target(%dma_start3A_570 : memref<50x128xf32, #tpu.memory_space<hbm>>) target_semaphore(%dma_start3A_568 : memref<!tpu.dma_semaphore, #tpu.memory_space<semaphore_mem>>)
    %dma_wait3A_575 = arith.constant 1 : i32
    %dma_wait3A_576 = arith.constant 1 : i32
    %dma_wait3A_577 = arith.constant 0 : i32
    %dma_wait3A_578 = arith.constant 0 : i32
    %dma_wait3A_579 = tpu.memref_slice %arg6[%dma_wait3A_575, %dma_wait3A_577, %dma_wait3A_578] : memref<2x400x128xf32, #tpu.memory_space<vmem>> -> memref<1x128x128xf32, #tpu.memory_space<vmem>>
    %dma_wait3A_580 = tpu.memref_squeeze %dma_wait3A_579 : memref<1x128x128xf32, #tpu.memory_space<vmem>> -> memref<128x128xf32, #tpu.memory_space<vmem>>
    %dma_wait3A_581 = arith.constant 0 : i32
    %dma_wait3A_582 = arith.constant 0 : i32
    %dma_wait3A_583 = tpu.memref_slice %arg3[%dma_wait3A_581, %dma_wait3A_582] : memref<1000000x128xf32, #tpu.memory_space<hbm>> -> memref<128x128xf32, #tpu.memory_space<hbm>>
    %dma_wait3A_584 = tpu.memref_slice %arg8[%dma_wait3A_576] : memref<2x!tpu.dma_semaphore, #tpu.memory_space<semaphore_mem>> -> memref<1x!tpu.dma_semaphore, #tpu.memory_space<semaphore_mem>>
    %dma_wait3A_585 = tpu.memref_squeeze %dma_wait3A_584 : memref<1x!tpu.dma_semaphore, #tpu.memory_space<semaphore_mem>> -> memref<!tpu.dma_semaphore, #tpu.memory_space<semaphore_mem>>
    %dma_wait3A_586 = arith.constant 0 : i32
    %dma_wait3A_587 = arith.constant 0 : i32
    %dma_wait3A_588 = tpu.memref_slice %arg6[%dma_wait3A_575, %dma_wait3A_586, %dma_wait3A_587] : memref<2x400x128xf32, #tpu.memory_space<vmem>> -> memref<1x128x128xf32, #tpu.memory_space<vmem>>
    %dma_wait3A_589 = tpu.memref_squeeze %dma_wait3A_588 : memref<1x128x128xf32, #tpu.memory_space<vmem>> -> memref<128x128xf32, #tpu.memory_space<vmem>>
    %dma_wait3A_590 = arith.constant 0 : i32
    %dma_wait3A_591 = arith.constant 0 : i32
    %dma_wait3A_592 = tpu.memref_slice %arg3[%dma_wait3A_590, %dma_wait3A_591] : memref<1000000x128xf32, #tpu.memory_space<hbm>> -> memref<128x128xf32, #tpu.memory_space<hbm>>
    tpu.wait_dma2 semaphore(%dma_wait3A_585 : memref<!tpu.dma_semaphore, #tpu.memory_space<semaphore_mem>>) src(%dma_wait3A_592 : memref<128x128xf32, #tpu.memory_space<hbm>>) dst(%dma_wait3A_589 : memref<128x128xf32, #tpu.memory_space<vmem>>)
    %dma_wait3A_593 = arith.constant 1 : i32
    %dma_wait3A_594 = arith.constant 1 : i32
    %dma_wait3A_595 = arith.constant 128 : i32
    %dma_wait3A_596 = arith.constant 0 : i32
    %dma_wait3A_597 = tpu.memref_slice %arg6[%dma_wait3A_593, %dma_wait3A_595, %dma_wait3A_596] : memref<2x400x128xf32, #tpu.memory_space<vmem>> -> memref<1x128x128xf32, #tpu.memory_space<vmem>>
    %dma_wait3A_598 = tpu.memref_squeeze %dma_wait3A_597 : memref<1x128x128xf32, #tpu.memory_space<vmem>> -> memref<128x128xf32, #tpu.memory_space<vmem>>
    %dma_wait3A_599 = arith.constant 0 : i32
    %dma_wait3A_600 = arith.constant 0 : i32
    %dma_wait3A_601 = tpu.memref_slice %arg3[%dma_wait3A_599, %dma_wait3A_600] : memref<1000000x128xf32, #tpu.memory_space<hbm>> -> memref<128x128xf32, #tpu.memory_space<hbm>>
    %dma_wait3A_602 = tpu.memref_slice %arg8[%dma_wait3A_594] : memref<2x!tpu.dma_semaphore, #tpu.memory_space<semaphore_mem>> -> memref<1x!tpu.dma_semaphore, #tpu.memory_space<semaphore_mem>>
    %dma_wait3A_603 = tpu.memref_squeeze %dma_wait3A_602 : memref<1x!tpu.dma_semaphore, #tpu.memory_space<semaphore_mem>> -> memref<!tpu.dma_semaphore, #tpu.memory_space<semaphore_mem>>
    %dma_wait3A_604 = arith.constant 128 : i32
    %dma_wait3A_605 = arith.constant 0 : i32
    %dma_wait3A_606 = tpu.memref_slice %arg6[%dma_wait3A_593, %dma_wait3A_604, %dma_wait3A_605] : memref<2x400x128xf32, #tpu.memory_space<vmem>> -> memref<1x128x128xf32, #tpu.memory_space<vmem>>
    %dma_wait3A_607 = tpu.memref_squeeze %dma_wait3A_606 : memref<1x128x128xf32, #tpu.memory_space<vmem>> -> memref<128x128xf32, #tpu.memory_space<vmem>>
    %dma_wait3A_608 = arith.constant 0 : i32
    %dma_wait3A_609 = arith.constant 0 : i32
    %dma_wait3A_610 = tpu.memref_slice %arg3[%dma_wait3A_608, %dma_wait3A_609] : memref<1000000x128xf32, #tpu.memory_space<hbm>> -> memref<128x128xf32, #tpu.memory_space<hbm>>
    tpu.wait_dma2 semaphore(%dma_wait3A_603 : memref<!tpu.dma_semaphore, #tpu.memory_space<semaphore_mem>>) src(%dma_wait3A_610 : memref<128x128xf32, #tpu.memory_space<hbm>>) dst(%dma_wait3A_607 : memref<128x128xf32, #tpu.memory_space<vmem>>)
    %dma_wait3A_611 = arith.constant 1 : i32
    %dma_wait3A_612 = arith.constant 1 : i32
    %dma_wait3A_613 = arith.constant 256 : i32
    %dma_wait3A_614 = arith.constant 0 : i32
    %dma_wait3A_615 = tpu.memref_slice %arg6[%dma_wait3A_611, %dma_wait3A_613, %dma_wait3A_614] : memref<2x400x128xf32, #tpu.memory_space<vmem>> -> memref<1x128x128xf32, #tpu.memory_space<vmem>>
    %dma_wait3A_616 = tpu.memref_squeeze %dma_wait3A_615 : memref<1x128x128xf32, #tpu.memory_space<vmem>> -> memref<128x128xf32, #tpu.memory_space<vmem>>
    %dma_wait3A_617 = arith.constant 0 : i32
    %dma_wait3A_618 = arith.constant 0 : i32
    %dma_wait3A_619 = tpu.memref_slice %arg3[%dma_wait3A_617, %dma_wait3A_618] : memref<1000000x128xf32, #tpu.memory_space<hbm>> -> memref<128x128xf32, #tpu.memory_space<hbm>>
    %dma_wait3A_620 = tpu.memref_slice %arg8[%dma_wait3A_612] : memref<2x!tpu.dma_semaphore, #tpu.memory_space<semaphore_mem>> -> memref<1x!tpu.dma_semaphore, #tpu.memory_space<semaphore_mem>>
    %dma_wait3A_621 = tpu.memref_squeeze %dma_wait3A_620 : memref<1x!tpu.dma_semaphore, #tpu.memory_space<semaphore_mem>> -> memref<!tpu.dma_semaphore, #tpu.memory_space<semaphore_mem>>
    %dma_wait3A_622 = arith.constant 256 : i32
    %dma_wait3A_623 = arith.constant 0 : i32
    %dma_wait3A_624 = tpu.memref_slice %arg6[%dma_wait3A_611, %dma_wait3A_622, %dma_wait3A_623] : memref<2x400x128xf32, #tpu.memory_space<vmem>> -> memref<1x128x128xf32, #tpu.memory_space<vmem>>
    %dma_wait3A_625 = tpu.memref_squeeze %dma_wait3A_624 : memref<1x128x128xf32, #tpu.memory_space<vmem>> -> memref<128x128xf32, #tpu.memory_space<vmem>>
    %dma_wait3A_626 = arith.constant 0 : i32
    %dma_wait3A_627 = arith.constant 0 : i32
    %dma_wait3A_628 = tpu.memref_slice %arg3[%dma_wait3A_626, %dma_wait3A_627] : memref<1000000x128xf32, #tpu.memory_space<hbm>> -> memref<128x128xf32, #tpu.memory_space<hbm>>
    tpu.wait_dma2 semaphore(%dma_wait3A_621 : memref<!tpu.dma_semaphore, #tpu.memory_space<semaphore_mem>>) src(%dma_wait3A_628 : memref<128x128xf32, #tpu.memory_space<hbm>>) dst(%dma_wait3A_625 : memref<128x128xf32, #tpu.memory_space<vmem>>)
    %dma_wait3A_629 = arith.constant 1 : i32
    %dma_wait3A_630 = arith.constant 1 : i32
    %dma_wait3A_631 = arith.constant 384 : i32
    %dma_wait3A_632 = arith.constant 0 : i32
    %dma_wait3A_633 = tpu.memref_slice %arg6[%dma_wait3A_629, %dma_wait3A_631, %dma_wait3A_632] : memref<2x400x128xf32, #tpu.memory_space<vmem>> -> memref<1x16x128xf32, #tpu.memory_space<vmem>>
    %dma_wait3A_634 = tpu.memref_squeeze %dma_wait3A_633 : memref<1x16x128xf32, #tpu.memory_space<vmem>> -> memref<16x128xf32, #tpu.memory_space<vmem>>
    %dma_wait3A_635 = arith.constant 0 : i32
    %dma_wait3A_636 = arith.constant 0 : i32
    %dma_wait3A_637 = tpu.memref_slice %arg3[%dma_wait3A_635, %dma_wait3A_636] : memref<1000000x128xf32, #tpu.memory_space<hbm>> -> memref<16x128xf32, #tpu.memory_space<hbm>>
    %dma_wait3A_638 = tpu.memref_slice %arg8[%dma_wait3A_630] : memref<2x!tpu.dma_semaphore, #tpu.memory_space<semaphore_mem>> -> memref<1x!tpu.dma_semaphore, #tpu.memory_space<semaphore_mem>>
    %dma_wait3A_639 = tpu.memref_squeeze %dma_wait3A_638 : memref<1x!tpu.dma_semaphore, #tpu.memory_space<semaphore_mem>> -> memref<!tpu.dma_semaphore, #tpu.memory_space<semaphore_mem>>
    %dma_wait3A_640 = arith.constant 384 : i32
    %dma_wait3A_641 = arith.constant 0 : i32
    %dma_wait3A_642 = tpu.memref_slice %arg6[%dma_wait3A_629, %dma_wait3A_640, %dma_wait3A_641] : memref<2x400x128xf32, #tpu.memory_space<vmem>> -> memref<1x16x128xf32, #tpu.memory_space<vmem>>
    %dma_wait3A_643 = tpu.memref_squeeze %dma_wait3A_642 : memref<1x16x128xf32, #tpu.memory_space<vmem>> -> memref<16x128xf32, #tpu.memory_space<vmem>>
    %dma_wait3A_644 = arith.constant 0 : i32
    %dma_wait3A_645 = arith.constant 0 : i32
    %dma_wait3A_646 = tpu.memref_slice %arg3[%dma_wait3A_644, %dma_wait3A_645] : memref<1000000x128xf32, #tpu.memory_space<hbm>> -> memref<16x128xf32, #tpu.memory_space<hbm>>
    tpu.wait_dma2 semaphore(%dma_wait3A_639 : memref<!tpu.dma_semaphore, #tpu.memory_space<semaphore_mem>>) src(%dma_wait3A_646 : memref<16x128xf32, #tpu.memory_space<hbm>>) dst(%dma_wait3A_643 : memref<16x128xf32, #tpu.memory_space<vmem>>)
    %add3A_647 = arith.constant 504 : i32
    %add3A_648 = arith.addi %mul3A_4, %add3A_647 : i32
    %add3A_649 = arith.constant 0 : i32
    %add3A_650 = arith.addi %add3A_648, %add3A_649 : i32
    %mul3A_651 = arith.constant 56 : i32
    %mul3A_652 = arith.muli %add3A_650, %mul3A_651 : i32
    %dma_start3A_653 = arith.constant 1 : i32
    %dma_start3A_654 = arith.constant 1 : i32
    %dma_start3A_655 = arith.constant 0 : i32
    %dma_start3A_656 = arith.constant 0 : i32
    %dma_start3A_657 = tpu.memref_slice %arg6[%dma_start3A_653, %dma_start3A_655, %dma_start3A_656] : memref<2x400x128xf32, #tpu.memory_space<vmem>> -> memref<1x50x128xf32, #tpu.memory_space<vmem>>
    %dma_start3A_658 = tpu.memref_squeeze %dma_start3A_657 : memref<1x50x128xf32, #tpu.memory_space<vmem>> -> memref<50x128xf32, #tpu.memory_space<vmem>>
    %dma_start3A_659 = arith.constant 0 : i32
    %dma_start3A_660 = tpu.memref_slice %arg4[%mul3A_652, %dma_start3A_659] : memref<917504x128xf32, #tpu.memory_space<hbm>> -> memref<50x128xf32, #tpu.memory_space<hbm>>
    %dma_start3A_661 = tpu.memref_slice %arg9[%dma_start3A_654] : memref<2x!tpu.dma_semaphore, #tpu.memory_space<semaphore_mem>> -> memref<1x!tpu.dma_semaphore, #tpu.memory_space<semaphore_mem>>
    %dma_start3A_662 = tpu.memref_squeeze %dma_start3A_661 : memref<1x!tpu.dma_semaphore, #tpu.memory_space<semaphore_mem>> -> memref<!tpu.dma_semaphore, #tpu.memory_space<semaphore_mem>>
    %dma_start3A_663 = arith.constant 0 : i32
    %dma_start3A_664 = tpu.memref_slice %arg4[%mul3A_652, %dma_start3A_663] : memref<917504x128xf32, #tpu.memory_space<hbm>> -> memref<50x128xf32, #tpu.memory_space<hbm>>
    %dma_start3A_665 = arith.constant 0 : i32
    %dma_start3A_666 = arith.constant 0 : i32
    %dma_start3A_667 = tpu.memref_slice %arg6[%dma_start3A_653, %dma_start3A_665, %dma_start3A_666] : memref<2x400x128xf32, #tpu.memory_space<vmem>> -> memref<1x50x128xf32, #tpu.memory_space<vmem>>
    %dma_start3A_668 = tpu.memref_squeeze %dma_start3A_667 : memref<1x50x128xf32, #tpu.memory_space<vmem>> -> memref<50x128xf32, #tpu.memory_space<vmem>>
    tpu.enqueue_dma source(%dma_start3A_668 : memref<50x128xf32, #tpu.memory_space<vmem>>) target(%dma_start3A_664 : memref<50x128xf32, #tpu.memory_space<hbm>>) target_semaphore(%dma_start3A_662 : memref<!tpu.dma_semaphore, #tpu.memory_space<semaphore_mem>>)
    %add3A_669 = arith.constant 504 : i32
    %add3A_670 = arith.addi %mul3A_4, %add3A_669 : i32
    %add3A_671 = arith.constant 1 : i32
    %add3A_672 = arith.addi %add3A_670, %add3A_671 : i32
    %mul3A_673 = arith.constant 56 : i32
    %mul3A_674 = arith.muli %add3A_672, %mul3A_673 : i32
    %dma_start3A_675 = arith.constant 1 : i32
    %dma_start3A_676 = arith.constant 1 : i32
    %dma_start3A_677 = arith.constant 50 : i32
    %dma_start3A_678 = arith.constant 0 : i32
    %dma_start3A_679 = tpu.memref_slice %arg6[%dma_start3A_675, %dma_start3A_677, %dma_start3A_678] : memref<2x400x128xf32, #tpu.memory_space<vmem>> -> memref<1x50x128xf32, #tpu.memory_space<vmem>>
    %dma_start3A_680 = tpu.memref_squeeze %dma_start3A_679 : memref<1x50x128xf32, #tpu.memory_space<vmem>> -> memref<50x128xf32, #tpu.memory_space<vmem>>
    %dma_start3A_681 = arith.constant 0 : i32
    %dma_start3A_682 = tpu.memref_slice %arg4[%mul3A_674, %dma_start3A_681] : memref<917504x128xf32, #tpu.memory_space<hbm>> -> memref<50x128xf32, #tpu.memory_space<hbm>>
    %dma_start3A_683 = tpu.memref_slice %arg9[%dma_start3A_676] : memref<2x!tpu.dma_semaphore, #tpu.memory_space<semaphore_mem>> -> memref<1x!tpu.dma_semaphore, #tpu.memory_space<semaphore_mem>>
    %dma_start3A_684 = tpu.memref_squeeze %dma_start3A_683 : memref<1x!tpu.dma_semaphore, #tpu.memory_space<semaphore_mem>> -> memref<!tpu.dma_semaphore, #tpu.memory_space<semaphore_mem>>
    %dma_start3A_685 = arith.constant 0 : i32
    %dma_start3A_686 = tpu.memref_slice %arg4[%mul3A_674, %dma_start3A_685] : memref<917504x128xf32, #tpu.memory_space<hbm>> -> memref<50x128xf32, #tpu.memory_space<hbm>>
    %dma_start3A_687 = arith.constant 50 : i32
    %dma_start3A_688 = arith.constant 0 : i32
    %dma_start3A_689 = tpu.memref_slice %arg6[%dma_start3A_675, %dma_start3A_687, %dma_start3A_688] : memref<2x400x128xf32, #tpu.memory_space<vmem>> -> memref<1x50x128xf32, #tpu.memory_space<vmem>>
    %dma_start3A_690 = tpu.memref_squeeze %dma_start3A_689 : memref<1x50x128xf32, #tpu.memory_space<vmem>> -> memref<50x128xf32, #tpu.memory_space<vmem>>
    tpu.enqueue_dma source(%dma_start3A_690 : memref<50x128xf32, #tpu.memory_space<vmem>>) target(%dma_start3A_686 : memref<50x128xf32, #tpu.memory_space<hbm>>) target_semaphore(%dma_start3A_684 : memref<!tpu.dma_semaphore, #tpu.memory_space<semaphore_mem>>)
    %add3A_691 = arith.constant 504 : i32
    %add3A_692 = arith.addi %mul3A_4, %add3A_691 : i32
    %add3A_693 = arith.constant 2 : i32
    %add3A_694 = arith.addi %add3A_692, %add3A_693 : i32
    %mul3A_695 = arith.constant 56 : i32
    %mul3A_696 = arith.muli %add3A_694, %mul3A_695 : i32
    %dma_start3A_697 = arith.constant 1 : i32
    %dma_start3A_698 = arith.constant 1 : i32
    %dma_start3A_699 = arith.constant 100 : i32
    %dma_start3A_700 = arith.constant 0 : i32
    %dma_start3A_701 = tpu.memref_slice %arg6[%dma_start3A_697, %dma_start3A_699, %dma_start3A_700] : memref<2x400x128xf32, #tpu.memory_space<vmem>> -> memref<1x50x128xf32, #tpu.memory_space<vmem>>
    %dma_start3A_702 = tpu.memref_squeeze %dma_start3A_701 : memref<1x50x128xf32, #tpu.memory_space<vmem>> -> memref<50x128xf32, #tpu.memory_space<vmem>>
    %dma_start3A_703 = arith.constant 0 : i32
    %dma_start3A_704 = tpu.memref_slice %arg4[%mul3A_696, %dma_start3A_703] : memref<917504x128xf32, #tpu.memory_space<hbm>> -> memref<50x128xf32, #tpu.memory_space<hbm>>
    %dma_start3A_705 = tpu.memref_slice %arg9[%dma_start3A_698] : memref<2x!tpu.dma_semaphore, #tpu.memory_space<semaphore_mem>> -> memref<1x!tpu.dma_semaphore, #tpu.memory_space<semaphore_mem>>
    %dma_start3A_706 = tpu.memref_squeeze %dma_start3A_705 : memref<1x!tpu.dma_semaphore, #tpu.memory_space<semaphore_mem>> -> memref<!tpu.dma_semaphore, #tpu.memory_space<semaphore_mem>>
    %dma_start3A_707 = arith.constant 0 : i32
    %dma_start3A_708 = tpu.memref_slice %arg4[%mul3A_696, %dma_start3A_707] : memref<917504x128xf32, #tpu.memory_space<hbm>> -> memref<50x128xf32, #tpu.memory_space<hbm>>
    %dma_start3A_709 = arith.constant 100 : i32
    %dma_start3A_710 = arith.constant 0 : i32
    %dma_start3A_711 = tpu.memref_slice %arg6[%dma_start3A_697, %dma_start3A_709, %dma_start3A_710] : memref<2x400x128xf32, #tpu.memory_space<vmem>> -> memref<1x50x128xf32, #tpu.memory_space<vmem>>
    %dma_start3A_712 = tpu.memref_squeeze %dma_start3A_711 : memref<1x50x128xf32, #tpu.memory_space<vmem>> -> memref<50x128xf32, #tpu.memory_space<vmem>>
    tpu.enqueue_dma source(%dma_start3A_712 : memref<50x128xf32, #tpu.memory_space<vmem>>) target(%dma_start3A_708 : memref<50x128xf32, #tpu.memory_space<hbm>>) target_semaphore(%dma_start3A_706 : memref<!tpu.dma_semaphore, #tpu.memory_space<semaphore_mem>>)
    %add3A_713 = arith.constant 504 : i32
    %add3A_714 = arith.addi %mul3A_4, %add3A_713 : i32
    %add3A_715 = arith.constant 3 : i32
    %add3A_716 = arith.addi %add3A_714, %add3A_715 : i32
    %mul3A_717 = arith.constant 56 : i32
    %mul3A_718 = arith.muli %add3A_716, %mul3A_717 : i32
    %dma_start3A_719 = arith.constant 1 : i32
    %dma_start3A_720 = arith.constant 1 : i32
    %dma_start3A_721 = arith.constant 150 : i32
    %dma_start3A_722 = arith.constant 0 : i32
    %dma_start3A_723 = tpu.memref_slice %arg6[%dma_start3A_719, %dma_start3A_721, %dma_start3A_722] : memref<2x400x128xf32, #tpu.memory_space<vmem>> -> memref<1x50x128xf32, #tpu.memory_space<vmem>>
    %dma_start3A_724 = tpu.memref_squeeze %dma_start3A_723 : memref<1x50x128xf32, #tpu.memory_space<vmem>> -> memref<50x128xf32, #tpu.memory_space<vmem>>
    %dma_start3A_725 = arith.constant 0 : i32
    %dma_start3A_726 = tpu.memref_slice %arg4[%mul3A_718, %dma_start3A_725] : memref<917504x128xf32, #tpu.memory_space<hbm>> -> memref<50x128xf32, #tpu.memory_space<hbm>>
    %dma_start3A_727 = tpu.memref_slice %arg9[%dma_start3A_720] : memref<2x!tpu.dma_semaphore, #tpu.memory_space<semaphore_mem>> -> memref<1x!tpu.dma_semaphore, #tpu.memory_space<semaphore_mem>>
    %dma_start3A_728 = tpu.memref_squeeze %dma_start3A_727 : memref<1x!tpu.dma_semaphore, #tpu.memory_space<semaphore_mem>> -> memref<!tpu.dma_semaphore, #tpu.memory_space<semaphore_mem>>
    %dma_start3A_729 = arith.constant 0 : i32
    %dma_start3A_730 = tpu.memref_slice %arg4[%mul3A_718, %dma_start3A_729] : memref<917504x128xf32, #tpu.memory_space<hbm>> -> memref<50x128xf32, #tpu.memory_space<hbm>>
    %dma_start3A_731 = arith.constant 150 : i32
    %dma_start3A_732 = arith.constant 0 : i32
    %dma_start3A_733 = tpu.memref_slice %arg6[%dma_start3A_719, %dma_start3A_731, %dma_start3A_732] : memref<2x400x128xf32, #tpu.memory_space<vmem>> -> memref<1x50x128xf32, #tpu.memory_space<vmem>>
    %dma_start3A_734 = tpu.memref_squeeze %dma_start3A_733 : memref<1x50x128xf32, #tpu.memory_space<vmem>> -> memref<50x128xf32, #tpu.memory_space<vmem>>
    tpu.enqueue_dma source(%dma_start3A_734 : memref<50x128xf32, #tpu.memory_space<vmem>>) target(%dma_start3A_730 : memref<50x128xf32, #tpu.memory_space<hbm>>) target_semaphore(%dma_start3A_728 : memref<!tpu.dma_semaphore, #tpu.memory_space<semaphore_mem>>)
    %add3A_735 = arith.constant 504 : i32
    %add3A_736 = arith.addi %mul3A_4, %add3A_735 : i32
    %add3A_737 = arith.constant 4 : i32
    %add3A_738 = arith.addi %add3A_736, %add3A_737 : i32
    %mul3A_739 = arith.constant 56 : i32
    %mul3A_740 = arith.muli %add3A_738, %mul3A_739 : i32
    %dma_start3A_741 = arith.constant 1 : i32
    %dma_start3A_742 = arith.constant 1 : i32
    %dma_start3A_743 = arith.constant 200 : i32
    %dma_start3A_744 = arith.constant 0 : i32
    %dma_start3A_745 = tpu.memref_slice %arg6[%dma_start3A_741, %dma_start3A_743, %dma_start3A_744] : memref<2x400x128xf32, #tpu.memory_space<vmem>> -> memref<1x50x128xf32, #tpu.memory_space<vmem>>
    %dma_start3A_746 = tpu.memref_squeeze %dma_start3A_745 : memref<1x50x128xf32, #tpu.memory_space<vmem>> -> memref<50x128xf32, #tpu.memory_space<vmem>>
    %dma_start3A_747 = arith.constant 0 : i32
    %dma_start3A_748 = tpu.memref_slice %arg4[%mul3A_740, %dma_start3A_747] : memref<917504x128xf32, #tpu.memory_space<hbm>> -> memref<50x128xf32, #tpu.memory_space<hbm>>
    %dma_start3A_749 = tpu.memref_slice %arg9[%dma_start3A_742] : memref<2x!tpu.dma_semaphore, #tpu.memory_space<semaphore_mem>> -> memref<1x!tpu.dma_semaphore, #tpu.memory_space<semaphore_mem>>
    %dma_start3A_750 = tpu.memref_squeeze %dma_start3A_749 : memref<1x!tpu.dma_semaphore, #tpu.memory_space<semaphore_mem>> -> memref<!tpu.dma_semaphore, #tpu.memory_space<semaphore_mem>>
    %dma_start3A_751 = arith.constant 0 : i32
    %dma_start3A_752 = tpu.memref_slice %arg4[%mul3A_740, %dma_start3A_751] : memref<917504x128xf32, #tpu.memory_space<hbm>> -> memref<50x128xf32, #tpu.memory_space<hbm>>
    %dma_start3A_753 = arith.constant 200 : i32
    %dma_start3A_754 = arith.constant 0 : i32
    %dma_start3A_755 = tpu.memref_slice %arg6[%dma_start3A_741, %dma_start3A_753, %dma_start3A_754] : memref<2x400x128xf32, #tpu.memory_space<vmem>> -> memref<1x50x128xf32, #tpu.memory_space<vmem>>
    %dma_start3A_756 = tpu.memref_squeeze %dma_start3A_755 : memref<1x50x128xf32, #tpu.memory_space<vmem>> -> memref<50x128xf32, #tpu.memory_space<vmem>>
    tpu.enqueue_dma source(%dma_start3A_756 : memref<50x128xf32, #tpu.memory_space<vmem>>) target(%dma_start3A_752 : memref<50x128xf32, #tpu.memory_space<hbm>>) target_semaphore(%dma_start3A_750 : memref<!tpu.dma_semaphore, #tpu.memory_space<semaphore_mem>>)
    %add3A_757 = arith.constant 504 : i32
    %add3A_758 = arith.addi %mul3A_4, %add3A_757 : i32
    %add3A_759 = arith.constant 5 : i32
    %add3A_760 = arith.addi %add3A_758, %add3A_759 : i32
    %mul3A_761 = arith.constant 56 : i32
    %mul3A_762 = arith.muli %add3A_760, %mul3A_761 : i32
    %dma_start3A_763 = arith.constant 1 : i32
    %dma_start3A_764 = arith.constant 1 : i32
    %dma_start3A_765 = arith.constant 250 : i32
    %dma_start3A_766 = arith.constant 0 : i32
    %dma_start3A_767 = tpu.memref_slice %arg6[%dma_start3A_763, %dma_start3A_765, %dma_start3A_766] : memref<2x400x128xf32, #tpu.memory_space<vmem>> -> memref<1x50x128xf32, #tpu.memory_space<vmem>>
    %dma_start3A_768 = tpu.memref_squeeze %dma_start3A_767 : memref<1x50x128xf32, #tpu.memory_space<vmem>> -> memref<50x128xf32, #tpu.memory_space<vmem>>
    %dma_start3A_769 = arith.constant 0 : i32
    %dma_start3A_770 = tpu.memref_slice %arg4[%mul3A_762, %dma_start3A_769] : memref<917504x128xf32, #tpu.memory_space<hbm>> -> memref<50x128xf32, #tpu.memory_space<hbm>>
    %dma_start3A_771 = tpu.memref_slice %arg9[%dma_start3A_764] : memref<2x!tpu.dma_semaphore, #tpu.memory_space<semaphore_mem>> -> memref<1x!tpu.dma_semaphore, #tpu.memory_space<semaphore_mem>>
    %dma_start3A_772 = tpu.memref_squeeze %dma_start3A_771 : memref<1x!tpu.dma_semaphore, #tpu.memory_space<semaphore_mem>> -> memref<!tpu.dma_semaphore, #tpu.memory_space<semaphore_mem>>
    %dma_start3A_773 = arith.constant 0 : i32
    %dma_start3A_774 = tpu.memref_slice %arg4[%mul3A_762, %dma_start3A_773] : memref<917504x128xf32, #tpu.memory_space<hbm>> -> memref<50x128xf32, #tpu.memory_space<hbm>>
    %dma_start3A_775 = arith.constant 250 : i32
    %dma_start3A_776 = arith.constant 0 : i32
    %dma_start3A_777 = tpu.memref_slice %arg6[%dma_start3A_763, %dma_start3A_775, %dma_start3A_776] : memref<2x400x128xf32, #tpu.memory_space<vmem>> -> memref<1x50x128xf32, #tpu.memory_space<vmem>>
    %dma_start3A_778 = tpu.memref_squeeze %dma_start3A_777 : memref<1x50x128xf32, #tpu.memory_space<vmem>> -> memref<50x128xf32, #tpu.memory_space<vmem>>
    tpu.enqueue_dma source(%dma_start3A_778 : memref<50x128xf32, #tpu.memory_space<vmem>>) target(%dma_start3A_774 : memref<50x128xf32, #tpu.memory_space<hbm>>) target_semaphore(%dma_start3A_772 : memref<!tpu.dma_semaphore, #tpu.memory_space<semaphore_mem>>)
    %add3A_779 = arith.constant 504 : i32
    %add3A_780 = arith.addi %mul3A_4, %add3A_779 : i32
    %add3A_781 = arith.constant 6 : i32
    %add3A_782 = arith.addi %add3A_780, %add3A_781 : i32
    %mul3A_783 = arith.constant 56 : i32
    %mul3A_784 = arith.muli %add3A_782, %mul3A_783 : i32
    %dma_start3A_785 = arith.constant 1 : i32
    %dma_start3A_786 = arith.constant 1 : i32
    %dma_start3A_787 = arith.constant 300 : i32
    %dma_start3A_788 = arith.constant 0 : i32
    %dma_start3A_789 = tpu.memref_slice %arg6[%dma_start3A_785, %dma_start3A_787, %dma_start3A_788] : memref<2x400x128xf32, #tpu.memory_space<vmem>> -> memref<1x50x128xf32, #tpu.memory_space<vmem>>
    %dma_start3A_790 = tpu.memref_squeeze %dma_start3A_789 : memref<1x50x128xf32, #tpu.memory_space<vmem>> -> memref<50x128xf32, #tpu.memory_space<vmem>>
    %dma_start3A_791 = arith.constant 0 : i32
    %dma_start3A_792 = tpu.memref_slice %arg4[%mul3A_784, %dma_start3A_791] : memref<917504x128xf32, #tpu.memory_space<hbm>> -> memref<50x128xf32, #tpu.memory_space<hbm>>
    %dma_start3A_793 = tpu.memref_slice %arg9[%dma_start3A_786] : memref<2x!tpu.dma_semaphore, #tpu.memory_space<semaphore_mem>> -> memref<1x!tpu.dma_semaphore, #tpu.memory_space<semaphore_mem>>
    %dma_start3A_794 = tpu.memref_squeeze %dma_start3A_793 : memref<1x!tpu.dma_semaphore, #tpu.memory_space<semaphore_mem>> -> memref<!tpu.dma_semaphore, #tpu.memory_space<semaphore_mem>>
    %dma_start3A_795 = arith.constant 0 : i32
    %dma_start3A_796 = tpu.memref_slice %arg4[%mul3A_784, %dma_start3A_795] : memref<917504x128xf32, #tpu.memory_space<hbm>> -> memref<50x128xf32, #tpu.memory_space<hbm>>
    %dma_start3A_797 = arith.constant 300 : i32
    %dma_start3A_798 = arith.constant 0 : i32
    %dma_start3A_799 = tpu.memref_slice %arg6[%dma_start3A_785, %dma_start3A_797, %dma_start3A_798] : memref<2x400x128xf32, #tpu.memory_space<vmem>> -> memref<1x50x128xf32, #tpu.memory_space<vmem>>
    %dma_start3A_800 = tpu.memref_squeeze %dma_start3A_799 : memref<1x50x128xf32, #tpu.memory_space<vmem>> -> memref<50x128xf32, #tpu.memory_space<vmem>>
    tpu.enqueue_dma source(%dma_start3A_800 : memref<50x128xf32, #tpu.memory_space<vmem>>) target(%dma_start3A_796 : memref<50x128xf32, #tpu.memory_space<hbm>>) target_semaphore(%dma_start3A_794 : memref<!tpu.dma_semaphore, #tpu.memory_space<semaphore_mem>>)
    %add3A_801 = arith.constant 504 : i32
    %add3A_802 = arith.addi %mul3A_4, %add3A_801 : i32
    %add3A_803 = arith.constant 7 : i32
    %add3A_804 = arith.addi %add3A_802, %add3A_803 : i32
    %mul3A_805 = arith.constant 56 : i32
    %mul3A_806 = arith.muli %add3A_804, %mul3A_805 : i32
    %dma_start3A_807 = arith.constant 1 : i32
    %dma_start3A_808 = arith.constant 1 : i32
    %dma_start3A_809 = arith.constant 350 : i32
    %dma_start3A_810 = arith.constant 0 : i32
    %dma_start3A_811 = tpu.memref_slice %arg6[%dma_start3A_807, %dma_start3A_809, %dma_start3A_810] : memref<2x400x128xf32, #tpu.memory_space<vmem>> -> memref<1x50x128xf32, #tpu.memory_space<vmem>>
    %dma_start3A_812 = tpu.memref_squeeze %dma_start3A_811 : memref<1x50x128xf32, #tpu.memory_space<vmem>> -> memref<50x128xf32, #tpu.memory_space<vmem>>
    %dma_start3A_813 = arith.constant 0 : i32
    %dma_start3A_814 = tpu.memref_slice %arg4[%mul3A_806, %dma_start3A_813] : memref<917504x128xf32, #tpu.memory_space<hbm>> -> memref<50x128xf32, #tpu.memory_space<hbm>>
    %dma_start3A_815 = tpu.memref_slice %arg9[%dma_start3A_808] : memref<2x!tpu.dma_semaphore, #tpu.memory_space<semaphore_mem>> -> memref<1x!tpu.dma_semaphore, #tpu.memory_space<semaphore_mem>>
    %dma_start3A_816 = tpu.memref_squeeze %dma_start3A_815 : memref<1x!tpu.dma_semaphore, #tpu.memory_space<semaphore_mem>> -> memref<!tpu.dma_semaphore, #tpu.memory_space<semaphore_mem>>
    %dma_start3A_817 = arith.constant 0 : i32
    %dma_start3A_818 = tpu.memref_slice %arg4[%mul3A_806, %dma_start3A_817] : memref<917504x128xf32, #tpu.memory_space<hbm>> -> memref<50x128xf32, #tpu.memory_space<hbm>>
    %dma_start3A_819 = arith.constant 350 : i32
    %dma_start3A_820 = arith.constant 0 : i32
    %dma_start3A_821 = tpu.memref_slice %arg6[%dma_start3A_807, %dma_start3A_819, %dma_start3A_820] : memref<2x400x128xf32, #tpu.memory_space<vmem>> -> memref<1x50x128xf32, #tpu.memory_space<vmem>>
    %dma_start3A_822 = tpu.memref_squeeze %dma_start3A_821 : memref<1x50x128xf32, #tpu.memory_space<vmem>> -> memref<50x128xf32, #tpu.memory_space<vmem>>
    tpu.enqueue_dma source(%dma_start3A_822 : memref<50x128xf32, #tpu.memory_space<vmem>>) target(%dma_start3A_818 : memref<50x128xf32, #tpu.memory_space<hbm>>) target_semaphore(%dma_start3A_816 : memref<!tpu.dma_semaphore, #tpu.memory_space<semaphore_mem>>)
    %dma_wait3A_823 = arith.constant 0 : i32
    %dma_wait3A_824 = arith.constant 0 : i32
    %dma_wait3A_825 = arith.constant 0 : i32
    %dma_wait3A_826 = arith.constant 0 : i32
    %dma_wait3A_827 = tpu.memref_slice %arg6[%dma_wait3A_823, %dma_wait3A_825, %dma_wait3A_826] : memref<2x400x128xf32, #tpu.memory_space<vmem>> -> memref<1x50x128xf32, #tpu.memory_space<vmem>>
    %dma_wait3A_828 = tpu.memref_squeeze %dma_wait3A_827 : memref<1x50x128xf32, #tpu.memory_space<vmem>> -> memref<50x128xf32, #tpu.memory_space<vmem>>
    %dma_wait3A_829 = arith.constant 0 : i32
    %dma_wait3A_830 = arith.constant 0 : i32
    %dma_wait3A_831 = tpu.memref_slice %arg4[%dma_wait3A_829, %dma_wait3A_830] : memref<917504x128xf32, #tpu.memory_space<hbm>> -> memref<50x128xf32, #tpu.memory_space<hbm>>
    %dma_wait3A_832 = tpu.memref_slice %arg9[%dma_wait3A_824] : memref<2x!tpu.dma_semaphore, #tpu.memory_space<semaphore_mem>> -> memref<1x!tpu.dma_semaphore, #tpu.memory_space<semaphore_mem>>
    %dma_wait3A_833 = tpu.memref_squeeze %dma_wait3A_832 : memref<1x!tpu.dma_semaphore, #tpu.memory_space<semaphore_mem>> -> memref<!tpu.dma_semaphore, #tpu.memory_space<semaphore_mem>>
    %dma_wait3A_834 = arith.constant 0 : i32
    %dma_wait3A_835 = arith.constant 0 : i32
    %dma_wait3A_836 = tpu.memref_slice %arg4[%dma_wait3A_834, %dma_wait3A_835] : memref<917504x128xf32, #tpu.memory_space<hbm>> -> memref<50x128xf32, #tpu.memory_space<hbm>>
    %dma_wait3A_837 = arith.constant 0 : i32
    %dma_wait3A_838 = arith.constant 0 : i32
    %dma_wait3A_839 = tpu.memref_slice %arg6[%dma_wait3A_823, %dma_wait3A_837, %dma_wait3A_838] : memref<2x400x128xf32, #tpu.memory_space<vmem>> -> memref<1x50x128xf32, #tpu.memory_space<vmem>>
    %dma_wait3A_840 = tpu.memref_squeeze %dma_wait3A_839 : memref<1x50x128xf32, #tpu.memory_space<vmem>> -> memref<50x128xf32, #tpu.memory_space<vmem>>
    tpu.wait_dma2 semaphore(%dma_wait3A_833 : memref<!tpu.dma_semaphore, #tpu.memory_space<semaphore_mem>>) src(%dma_wait3A_840 : memref<50x128xf32, #tpu.memory_space<vmem>>) dst(%dma_wait3A_836 : memref<50x128xf32, #tpu.memory_space<hbm>>)
    %dma_wait3A_841 = arith.constant 0 : i32
    %dma_wait3A_842 = arith.constant 0 : i32
    %dma_wait3A_843 = arith.constant 50 : i32
    %dma_wait3A_844 = arith.constant 0 : i32
    %dma_wait3A_845 = tpu.memref_slice %arg6[%dma_wait3A_841, %dma_wait3A_843, %dma_wait3A_844] : memref<2x400x128xf32, #tpu.memory_space<vmem>> -> memref<1x50x128xf32, #tpu.memory_space<vmem>>
    %dma_wait3A_846 = tpu.memref_squeeze %dma_wait3A_845 : memref<1x50x128xf32, #tpu.memory_space<vmem>> -> memref<50x128xf32, #tpu.memory_space<vmem>>
    %dma_wait3A_847 = arith.constant 0 : i32
    %dma_wait3A_848 = arith.constant 0 : i32
    %dma_wait3A_849 = tpu.memref_slice %arg4[%dma_wait3A_847, %dma_wait3A_848] : memref<917504x128xf32, #tpu.memory_space<hbm>> -> memref<50x128xf32, #tpu.memory_space<hbm>>
    %dma_wait3A_850 = tpu.memref_slice %arg9[%dma_wait3A_842] : memref<2x!tpu.dma_semaphore, #tpu.memory_space<semaphore_mem>> -> memref<1x!tpu.dma_semaphore, #tpu.memory_space<semaphore_mem>>
    %dma_wait3A_851 = tpu.memref_squeeze %dma_wait3A_850 : memref<1x!tpu.dma_semaphore, #tpu.memory_space<semaphore_mem>> -> memref<!tpu.dma_semaphore, #tpu.memory_space<semaphore_mem>>
    %dma_wait3A_852 = arith.constant 0 : i32
    %dma_wait3A_853 = arith.constant 0 : i32
    %dma_wait3A_854 = tpu.memref_slice %arg4[%dma_wait3A_852, %dma_wait3A_853] : memref<917504x128xf32, #tpu.memory_space<hbm>> -> memref<50x128xf32, #tpu.memory_space<hbm>>
    %dma_wait3A_855 = arith.constant 50 : i32
    %dma_wait3A_856 = arith.constant 0 : i32
    %dma_wait3A_857 = tpu.memref_slice %arg6[%dma_wait3A_841, %dma_wait3A_855, %dma_wait3A_856] : memref<2x400x128xf32, #tpu.memory_space<vmem>> -> memref<1x50x128xf32, #tpu.memory_space<vmem>>
    %dma_wait3A_858 = tpu.memref_squeeze %dma_wait3A_857 : memref<1x50x128xf32, #tpu.memory_space<vmem>> -> memref<50x128xf32, #tpu.memory_space<vmem>>
    tpu.wait_dma2 semaphore(%dma_wait3A_851 : memref<!tpu.dma_semaphore, #tpu.memory_space<semaphore_mem>>) src(%dma_wait3A_858 : memref<50x128xf32, #tpu.memory_space<vmem>>) dst(%dma_wait3A_854 : memref<50x128xf32, #tpu.memory_space<hbm>>)
    %dma_wait3A_859 = arith.constant 0 : i32
    %dma_wait3A_860 = arith.constant 0 : i32
    %dma_wait3A_861 = arith.constant 100 : i32
    %dma_wait3A_862 = arith.constant 0 : i32
    %dma_wait3A_863 = tpu.memref_slice %arg6[%dma_wait3A_859, %dma_wait3A_861, %dma_wait3A_862] : memref<2x400x128xf32, #tpu.memory_space<vmem>> -> memref<1x50x128xf32, #tpu.memory_space<vmem>>
    %dma_wait3A_864 = tpu.memref_squeeze %dma_wait3A_863 : memref<1x50x128xf32, #tpu.memory_space<vmem>> -> memref<50x128xf32, #tpu.memory_space<vmem>>
    %dma_wait3A_865 = arith.constant 0 : i32
    %dma_wait3A_866 = arith.constant 0 : i32
    %dma_wait3A_867 = tpu.memref_slice %arg4[%dma_wait3A_865, %dma_wait3A_866] : memref<917504x128xf32, #tpu.memory_space<hbm>> -> memref<50x128xf32, #tpu.memory_space<hbm>>
    %dma_wait3A_868 = tpu.memref_slice %arg9[%dma_wait3A_860] : memref<2x!tpu.dma_semaphore, #tpu.memory_space<semaphore_mem>> -> memref<1x!tpu.dma_semaphore, #tpu.memory_space<semaphore_mem>>
    %dma_wait3A_869 = tpu.memref_squeeze %dma_wait3A_868 : memref<1x!tpu.dma_semaphore, #tpu.memory_space<semaphore_mem>> -> memref<!tpu.dma_semaphore, #tpu.memory_space<semaphore_mem>>
    %dma_wait3A_870 = arith.constant 0 : i32
    %dma_wait3A_871 = arith.constant 0 : i32
    %dma_wait3A_872 = tpu.memref_slice %arg4[%dma_wait3A_870, %dma_wait3A_871] : memref<917504x128xf32, #tpu.memory_space<hbm>> -> memref<50x128xf32, #tpu.memory_space<hbm>>
    %dma_wait3A_873 = arith.constant 100 : i32
    %dma_wait3A_874 = arith.constant 0 : i32
    %dma_wait3A_875 = tpu.memref_slice %arg6[%dma_wait3A_859, %dma_wait3A_873, %dma_wait3A_874] : memref<2x400x128xf32, #tpu.memory_space<vmem>> -> memref<1x50x128xf32, #tpu.memory_space<vmem>>
    %dma_wait3A_876 = tpu.memref_squeeze %dma_wait3A_875 : memref<1x50x128xf32, #tpu.memory_space<vmem>> -> memref<50x128xf32, #tpu.memory_space<vmem>>
    tpu.wait_dma2 semaphore(%dma_wait3A_869 : memref<!tpu.dma_semaphore, #tpu.memory_space<semaphore_mem>>) src(%dma_wait3A_876 : memref<50x128xf32, #tpu.memory_space<vmem>>) dst(%dma_wait3A_872 : memref<50x128xf32, #tpu.memory_space<hbm>>)
    %dma_wait3A_877 = arith.constant 0 : i32
    %dma_wait3A_878 = arith.constant 0 : i32
    %dma_wait3A_879 = arith.constant 150 : i32
    %dma_wait3A_880 = arith.constant 0 : i32
    %dma_wait3A_881 = tpu.memref_slice %arg6[%dma_wait3A_877, %dma_wait3A_879, %dma_wait3A_880] : memref<2x400x128xf32, #tpu.memory_space<vmem>> -> memref<1x50x128xf32, #tpu.memory_space<vmem>>
    %dma_wait3A_882 = tpu.memref_squeeze %dma_wait3A_881 : memref<1x50x128xf32, #tpu.memory_space<vmem>> -> memref<50x128xf32, #tpu.memory_space<vmem>>
    %dma_wait3A_883 = arith.constant 0 : i32
    %dma_wait3A_884 = arith.constant 0 : i32
    %dma_wait3A_885 = tpu.memref_slice %arg4[%dma_wait3A_883, %dma_wait3A_884] : memref<917504x128xf32, #tpu.memory_space<hbm>> -> memref<50x128xf32, #tpu.memory_space<hbm>>
    %dma_wait3A_886 = tpu.memref_slice %arg9[%dma_wait3A_878] : memref<2x!tpu.dma_semaphore, #tpu.memory_space<semaphore_mem>> -> memref<1x!tpu.dma_semaphore, #tpu.memory_space<semaphore_mem>>
    %dma_wait3A_887 = tpu.memref_squeeze %dma_wait3A_886 : memref<1x!tpu.dma_semaphore, #tpu.memory_space<semaphore_mem>> -> memref<!tpu.dma_semaphore, #tpu.memory_space<semaphore_mem>>
    %dma_wait3A_888 = arith.constant 0 : i32
    %dma_wait3A_889 = arith.constant 0 : i32
    %dma_wait3A_890 = tpu.memref_slice %arg4[%dma_wait3A_888, %dma_wait3A_889] : memref<917504x128xf32, #tpu.memory_space<hbm>> -> memref<50x128xf32, #tpu.memory_space<hbm>>
    %dma_wait3A_891 = arith.constant 150 : i32
    %dma_wait3A_892 = arith.constant 0 : i32
    %dma_wait3A_893 = tpu.memref_slice %arg6[%dma_wait3A_877, %dma_wait3A_891, %dma_wait3A_892] : memref<2x400x128xf32, #tpu.memory_space<vmem>> -> memref<1x50x128xf32, #tpu.memory_space<vmem>>
    %dma_wait3A_894 = tpu.memref_squeeze %dma_wait3A_893 : memref<1x50x128xf32, #tpu.memory_space<vmem>> -> memref<50x128xf32, #tpu.memory_space<vmem>>
    tpu.wait_dma2 semaphore(%dma_wait3A_887 : memref<!tpu.dma_semaphore, #tpu.memory_space<semaphore_mem>>) src(%dma_wait3A_894 : memref<50x128xf32, #tpu.memory_space<vmem>>) dst(%dma_wait3A_890 : memref<50x128xf32, #tpu.memory_space<hbm>>)
    %dma_wait3A_895 = arith.constant 0 : i32
    %dma_wait3A_896 = arith.constant 0 : i32
    %dma_wait3A_897 = arith.constant 200 : i32
    %dma_wait3A_898 = arith.constant 0 : i32
    %dma_wait3A_899 = tpu.memref_slice %arg6[%dma_wait3A_895, %dma_wait3A_897, %dma_wait3A_898] : memref<2x400x128xf32, #tpu.memory_space<vmem>> -> memref<1x50x128xf32, #tpu.memory_space<vmem>>
    %dma_wait3A_900 = tpu.memref_squeeze %dma_wait3A_899 : memref<1x50x128xf32, #tpu.memory_space<vmem>> -> memref<50x128xf32, #tpu.memory_space<vmem>>
    %dma_wait3A_901 = arith.constant 0 : i32
    %dma_wait3A_902 = arith.constant 0 : i32
    %dma_wait3A_903 = tpu.memref_slice %arg4[%dma_wait3A_901, %dma_wait3A_902] : memref<917504x128xf32, #tpu.memory_space<hbm>> -> memref<50x128xf32, #tpu.memory_space<hbm>>
    %dma_wait3A_904 = tpu.memref_slice %arg9[%dma_wait3A_896] : memref<2x!tpu.dma_semaphore, #tpu.memory_space<semaphore_mem>> -> memref<1x!tpu.dma_semaphore, #tpu.memory_space<semaphore_mem>>
    %dma_wait3A_905 = tpu.memref_squeeze %dma_wait3A_904 : memref<1x!tpu.dma_semaphore, #tpu.memory_space<semaphore_mem>> -> memref<!tpu.dma_semaphore, #tpu.memory_space<semaphore_mem>>
    %dma_wait3A_906 = arith.constant 0 : i32
    %dma_wait3A_907 = arith.constant 0 : i32
    %dma_wait3A_908 = tpu.memref_slice %arg4[%dma_wait3A_906, %dma_wait3A_907] : memref<917504x128xf32, #tpu.memory_space<hbm>> -> memref<50x128xf32, #tpu.memory_space<hbm>>
    %dma_wait3A_909 = arith.constant 200 : i32
    %dma_wait3A_910 = arith.constant 0 : i32
    %dma_wait3A_911 = tpu.memref_slice %arg6[%dma_wait3A_895, %dma_wait3A_909, %dma_wait3A_910] : memref<2x400x128xf32, #tpu.memory_space<vmem>> -> memref<1x50x128xf32, #tpu.memory_space<vmem>>
    %dma_wait3A_912 = tpu.memref_squeeze %dma_wait3A_911 : memref<1x50x128xf32, #tpu.memory_space<vmem>> -> memref<50x128xf32, #tpu.memory_space<vmem>>
    tpu.wait_dma2 semaphore(%dma_wait3A_905 : memref<!tpu.dma_semaphore, #tpu.memory_space<semaphore_mem>>) src(%dma_wait3A_912 : memref<50x128xf32, #tpu.memory_space<vmem>>) dst(%dma_wait3A_908 : memref<50x128xf32, #tpu.memory_space<hbm>>)
    %dma_wait3A_913 = arith.constant 0 : i32
    %dma_wait3A_914 = arith.constant 0 : i32
    %dma_wait3A_915 = arith.constant 250 : i32
    %dma_wait3A_916 = arith.constant 0 : i32
    %dma_wait3A_917 = tpu.memref_slice %arg6[%dma_wait3A_913, %dma_wait3A_915, %dma_wait3A_916] : memref<2x400x128xf32, #tpu.memory_space<vmem>> -> memref<1x50x128xf32, #tpu.memory_space<vmem>>
    %dma_wait3A_918 = tpu.memref_squeeze %dma_wait3A_917 : memref<1x50x128xf32, #tpu.memory_space<vmem>> -> memref<50x128xf32, #tpu.memory_space<vmem>>
    %dma_wait3A_919 = arith.constant 0 : i32
    %dma_wait3A_920 = arith.constant 0 : i32
    %dma_wait3A_921 = tpu.memref_slice %arg4[%dma_wait3A_919, %dma_wait3A_920] : memref<917504x128xf32, #tpu.memory_space<hbm>> -> memref<50x128xf32, #tpu.memory_space<hbm>>
    %dma_wait3A_922 = tpu.memref_slice %arg9[%dma_wait3A_914] : memref<2x!tpu.dma_semaphore, #tpu.memory_space<semaphore_mem>> -> memref<1x!tpu.dma_semaphore, #tpu.memory_space<semaphore_mem>>
    %dma_wait3A_923 = tpu.memref_squeeze %dma_wait3A_922 : memref<1x!tpu.dma_semaphore, #tpu.memory_space<semaphore_mem>> -> memref<!tpu.dma_semaphore, #tpu.memory_space<semaphore_mem>>
    %dma_wait3A_924 = arith.constant 0 : i32
    %dma_wait3A_925 = arith.constant 0 : i32
    %dma_wait3A_926 = tpu.memref_slice %arg4[%dma_wait3A_924, %dma_wait3A_925] : memref<917504x128xf32, #tpu.memory_space<hbm>> -> memref<50x128xf32, #tpu.memory_space<hbm>>
    %dma_wait3A_927 = arith.constant 250 : i32
    %dma_wait3A_928 = arith.constant 0 : i32
    %dma_wait3A_929 = tpu.memref_slice %arg6[%dma_wait3A_913, %dma_wait3A_927, %dma_wait3A_928] : memref<2x400x128xf32, #tpu.memory_space<vmem>> -> memref<1x50x128xf32, #tpu.memory_space<vmem>>
    %dma_wait3A_930 = tpu.memref_squeeze %dma_wait3A_929 : memref<1x50x128xf32, #tpu.memory_space<vmem>> -> memref<50x128xf32, #tpu.memory_space<vmem>>
    tpu.wait_dma2 semaphore(%dma_wait3A_923 : memref<!tpu.dma_semaphore, #tpu.memory_space<semaphore_mem>>) src(%dma_wait3A_930 : memref<50x128xf32, #tpu.memory_space<vmem>>) dst(%dma_wait3A_926 : memref<50x128xf32, #tpu.memory_space<hbm>>)
    %dma_wait3A_931 = arith.constant 0 : i32
    %dma_wait3A_932 = arith.constant 0 : i32
    %dma_wait3A_933 = arith.constant 300 : i32
    %dma_wait3A_934 = arith.constant 0 : i32
    %dma_wait3A_935 = tpu.memref_slice %arg6[%dma_wait3A_931, %dma_wait3A_933, %dma_wait3A_934] : memref<2x400x128xf32, #tpu.memory_space<vmem>> -> memref<1x50x128xf32, #tpu.memory_space<vmem>>
    %dma_wait3A_936 = tpu.memref_squeeze %dma_wait3A_935 : memref<1x50x128xf32, #tpu.memory_space<vmem>> -> memref<50x128xf32, #tpu.memory_space<vmem>>
    %dma_wait3A_937 = arith.constant 0 : i32
    %dma_wait3A_938 = arith.constant 0 : i32
    %dma_wait3A_939 = tpu.memref_slice %arg4[%dma_wait3A_937, %dma_wait3A_938] : memref<917504x128xf32, #tpu.memory_space<hbm>> -> memref<50x128xf32, #tpu.memory_space<hbm>>
    %dma_wait3A_940 = tpu.memref_slice %arg9[%dma_wait3A_932] : memref<2x!tpu.dma_semaphore, #tpu.memory_space<semaphore_mem>> -> memref<1x!tpu.dma_semaphore, #tpu.memory_space<semaphore_mem>>
    %dma_wait3A_941 = tpu.memref_squeeze %dma_wait3A_940 : memref<1x!tpu.dma_semaphore, #tpu.memory_space<semaphore_mem>> -> memref<!tpu.dma_semaphore, #tpu.memory_space<semaphore_mem>>
    %dma_wait3A_942 = arith.constant 0 : i32
    %dma_wait3A_943 = arith.constant 0 : i32
    %dma_wait3A_944 = tpu.memref_slice %arg4[%dma_wait3A_942, %dma_wait3A_943] : memref<917504x128xf32, #tpu.memory_space<hbm>> -> memref<50x128xf32, #tpu.memory_space<hbm>>
    %dma_wait3A_945 = arith.constant 300 : i32
    %dma_wait3A_946 = arith.constant 0 : i32
    %dma_wait3A_947 = tpu.memref_slice %arg6[%dma_wait3A_931, %dma_wait3A_945, %dma_wait3A_946] : memref<2x400x128xf32, #tpu.memory_space<vmem>> -> memref<1x50x128xf32, #tpu.memory_space<vmem>>
    %dma_wait3A_948 = tpu.memref_squeeze %dma_wait3A_947 : memref<1x50x128xf32, #tpu.memory_space<vmem>> -> memref<50x128xf32, #tpu.memory_space<vmem>>
    tpu.wait_dma2 semaphore(%dma_wait3A_941 : memref<!tpu.dma_semaphore, #tpu.memory_space<semaphore_mem>>) src(%dma_wait3A_948 : memref<50x128xf32, #tpu.memory_space<vmem>>) dst(%dma_wait3A_944 : memref<50x128xf32, #tpu.memory_space<hbm>>)
    %dma_wait3A_949 = arith.constant 0 : i32
    %dma_wait3A_950 = arith.constant 0 : i32
    %dma_wait3A_951 = arith.constant 350 : i32
    %dma_wait3A_952 = arith.constant 0 : i32
    %dma_wait3A_953 = tpu.memref_slice %arg6[%dma_wait3A_949, %dma_wait3A_951, %dma_wait3A_952] : memref<2x400x128xf32, #tpu.memory_space<vmem>> -> memref<1x50x128xf32, #tpu.memory_space<vmem>>
    %dma_wait3A_954 = tpu.memref_squeeze %dma_wait3A_953 : memref<1x50x128xf32, #tpu.memory_space<vmem>> -> memref<50x128xf32, #tpu.memory_space<vmem>>
    %dma_wait3A_955 = arith.constant 0 : i32
    %dma_wait3A_956 = arith.constant 0 : i32
    %dma_wait3A_957 = tpu.memref_slice %arg4[%dma_wait3A_955, %dma_wait3A_956] : memref<917504x128xf32, #tpu.memory_space<hbm>> -> memref<50x128xf32, #tpu.memory_space<hbm>>
    %dma_wait3A_958 = tpu.memref_slice %arg9[%dma_wait3A_950] : memref<2x!tpu.dma_semaphore, #tpu.memory_space<semaphore_mem>> -> memref<1x!tpu.dma_semaphore, #tpu.memory_space<semaphore_mem>>
    %dma_wait3A_959 = tpu.memref_squeeze %dma_wait3A_958 : memref<1x!tpu.dma_semaphore, #tpu.memory_space<semaphore_mem>> -> memref<!tpu.dma_semaphore, #tpu.memory_space<semaphore_mem>>
    %dma_wait3A_960 = arith.constant 0 : i32
    %dma_wait3A_961 = arith.constant 0 : i32
    %dma_wait3A_962 = tpu.memref_slice %arg4[%dma_wait3A_960, %dma_wait3A_961] : memref<917504x128xf32, #tpu.memory_space<hbm>> -> memref<50x128xf32, #tpu.memory_space<hbm>>
    %dma_wait3A_963 = arith.constant 350 : i32
    %dma_wait3A_964 = arith.constant 0 : i32
    %dma_wait3A_965 = tpu.memref_slice %arg6[%dma_wait3A_949, %dma_wait3A_963, %dma_wait3A_964] : memref<2x400x128xf32, #tpu.memory_space<vmem>> -> memref<1x50x128xf32, #tpu.memory_space<vmem>>
    %dma_wait3A_966 = tpu.memref_squeeze %dma_wait3A_965 : memref<1x50x128xf32, #tpu.memory_space<vmem>> -> memref<50x128xf32, #tpu.memory_space<vmem>>
    tpu.wait_dma2 semaphore(%dma_wait3A_959 : memref<!tpu.dma_semaphore, #tpu.memory_space<semaphore_mem>>) src(%dma_wait3A_966 : memref<50x128xf32, #tpu.memory_space<vmem>>) dst(%dma_wait3A_962 : memref<50x128xf32, #tpu.memory_space<hbm>>)
    %dma_wait3A_967 = arith.constant 1 : i32
    %dma_wait3A_968 = arith.constant 1 : i32
    %dma_wait3A_969 = arith.constant 0 : i32
    %dma_wait3A_970 = arith.constant 0 : i32
    %dma_wait3A_971 = tpu.memref_slice %arg6[%dma_wait3A_967, %dma_wait3A_969, %dma_wait3A_970] : memref<2x400x128xf32, #tpu.memory_space<vmem>> -> memref<1x50x128xf32, #tpu.memory_space<vmem>>
    %dma_wait3A_972 = tpu.memref_squeeze %dma_wait3A_971 : memref<1x50x128xf32, #tpu.memory_space<vmem>> -> memref<50x128xf32, #tpu.memory_space<vmem>>
    %dma_wait3A_973 = arith.constant 0 : i32
    %dma_wait3A_974 = arith.constant 0 : i32
    %dma_wait3A_975 = tpu.memref_slice %arg4[%dma_wait3A_973, %dma_wait3A_974] : memref<917504x128xf32, #tpu.memory_space<hbm>> -> memref<50x128xf32, #tpu.memory_space<hbm>>
    %dma_wait3A_976 = tpu.memref_slice %arg9[%dma_wait3A_968] : memref<2x!tpu.dma_semaphore, #tpu.memory_space<semaphore_mem>> -> memref<1x!tpu.dma_semaphore, #tpu.memory_space<semaphore_mem>>
    %dma_wait3A_977 = tpu.memref_squeeze %dma_wait3A_976 : memref<1x!tpu.dma_semaphore, #tpu.memory_space<semaphore_mem>> -> memref<!tpu.dma_semaphore, #tpu.memory_space<semaphore_mem>>
    %dma_wait3A_978 = arith.constant 0 : i32
    %dma_wait3A_979 = arith.constant 0 : i32
    %dma_wait3A_980 = tpu.memref_slice %arg4[%dma_wait3A_978, %dma_wait3A_979] : memref<917504x128xf32, #tpu.memory_space<hbm>> -> memref<50x128xf32, #tpu.memory_space<hbm>>
    %dma_wait3A_981 = arith.constant 0 : i32
    %dma_wait3A_982 = arith.constant 0 : i32
    %dma_wait3A_983 = tpu.memref_slice %arg6[%dma_wait3A_967, %dma_wait3A_981, %dma_wait3A_982] : memref<2x400x128xf32, #tpu.memory_space<vmem>> -> memref<1x50x128xf32, #tpu.memory_space<vmem>>
    %dma_wait3A_984 = tpu.memref_squeeze %dma_wait3A_983 : memref<1x50x128xf32, #tpu.memory_space<vmem>> -> memref<50x128xf32, #tpu.memory_space<vmem>>
    tpu.wait_dma2 semaphore(%dma_wait3A_977 : memref<!tpu.dma_semaphore, #tpu.memory_space<semaphore_mem>>) src(%dma_wait3A_984 : memref<50x128xf32, #tpu.memory_space<vmem>>) dst(%dma_wait3A_980 : memref<50x128xf32, #tpu.memory_space<hbm>>)
    %dma_wait3A_985 = arith.constant 1 : i32
    %dma_wait3A_986 = arith.constant 1 : i32
    %dma_wait3A_987 = arith.constant 50 : i32
    %dma_wait3A_988 = arith.constant 0 : i32
    %dma_wait3A_989 = tpu.memref_slice %arg6[%dma_wait3A_985, %dma_wait3A_987, %dma_wait3A_988] : memref<2x400x128xf32, #tpu.memory_space<vmem>> -> memref<1x50x128xf32, #tpu.memory_space<vmem>>
    %dma_wait3A_990 = tpu.memref_squeeze %dma_wait3A_989 : memref<1x50x128xf32, #tpu.memory_space<vmem>> -> memref<50x128xf32, #tpu.memory_space<vmem>>
    %dma_wait3A_991 = arith.constant 0 : i32
    %dma_wait3A_992 = arith.constant 0 : i32
    %dma_wait3A_993 = tpu.memref_slice %arg4[%dma_wait3A_991, %dma_wait3A_992] : memref<917504x128xf32, #tpu.memory_space<hbm>> -> memref<50x128xf32, #tpu.memory_space<hbm>>
    %dma_wait3A_994 = tpu.memref_slice %arg9[%dma_wait3A_986] : memref<2x!tpu.dma_semaphore, #tpu.memory_space<semaphore_mem>> -> memref<1x!tpu.dma_semaphore, #tpu.memory_space<semaphore_mem>>
    %dma_wait3A_995 = tpu.memref_squeeze %dma_wait3A_994 : memref<1x!tpu.dma_semaphore, #tpu.memory_space<semaphore_mem>> -> memref<!tpu.dma_semaphore, #tpu.memory_space<semaphore_mem>>
    %dma_wait3A_996 = arith.constant 0 : i32
    %dma_wait3A_997 = arith.constant 0 : i32
    %dma_wait3A_998 = tpu.memref_slice %arg4[%dma_wait3A_996, %dma_wait3A_997] : memref<917504x128xf32, #tpu.memory_space<hbm>> -> memref<50x128xf32, #tpu.memory_space<hbm>>
    %dma_wait3A_999 = arith.constant 50 : i32
    %dma_wait3A_1000 = arith.constant 0 : i32
    %dma_wait3A_1001 = tpu.memref_slice %arg6[%dma_wait3A_985, %dma_wait3A_999, %dma_wait3A_1000] : memref<2x400x128xf32, #tpu.memory_space<vmem>> -> memref<1x50x128xf32, #tpu.memory_space<vmem>>
    %dma_wait3A_1002 = tpu.memref_squeeze %dma_wait3A_1001 : memref<1x50x128xf32, #tpu.memory_space<vmem>> -> memref<50x128xf32, #tpu.memory_space<vmem>>
    tpu.wait_dma2 semaphore(%dma_wait3A_995 : memref<!tpu.dma_semaphore, #tpu.memory_space<semaphore_mem>>) src(%dma_wait3A_1002 : memref<50x128xf32, #tpu.memory_space<vmem>>) dst(%dma_wait3A_998 : memref<50x128xf32, #tpu.memory_space<hbm>>)
    %dma_wait3A_1003 = arith.constant 1 : i32
    %dma_wait3A_1004 = arith.constant 1 : i32
    %dma_wait3A_1005 = arith.constant 100 : i32
    %dma_wait3A_1006 = arith.constant 0 : i32
    %dma_wait3A_1007 = tpu.memref_slice %arg6[%dma_wait3A_1003, %dma_wait3A_1005, %dma_wait3A_1006] : memref<2x400x128xf32, #tpu.memory_space<vmem>> -> memref<1x50x128xf32, #tpu.memory_space<vmem>>
    %dma_wait3A_1008 = tpu.memref_squeeze %dma_wait3A_1007 : memref<1x50x128xf32, #tpu.memory_space<vmem>> -> memref<50x128xf32, #tpu.memory_space<vmem>>
    %dma_wait3A_1009 = arith.constant 0 : i32
    %dma_wait3A_1010 = arith.constant 0 : i32
    %dma_wait3A_1011 = tpu.memref_slice %arg4[%dma_wait3A_1009, %dma_wait3A_1010] : memref<917504x128xf32, #tpu.memory_space<hbm>> -> memref<50x128xf32, #tpu.memory_space<hbm>>
    %dma_wait3A_1012 = tpu.memref_slice %arg9[%dma_wait3A_1004] : memref<2x!tpu.dma_semaphore, #tpu.memory_space<semaphore_mem>> -> memref<1x!tpu.dma_semaphore, #tpu.memory_space<semaphore_mem>>
    %dma_wait3A_1013 = tpu.memref_squeeze %dma_wait3A_1012 : memref<1x!tpu.dma_semaphore, #tpu.memory_space<semaphore_mem>> -> memref<!tpu.dma_semaphore, #tpu.memory_space<semaphore_mem>>
    %dma_wait3A_1014 = arith.constant 0 : i32
    %dma_wait3A_1015 = arith.constant 0 : i32
    %dma_wait3A_1016 = tpu.memref_slice %arg4[%dma_wait3A_1014, %dma_wait3A_1015] : memref<917504x128xf32, #tpu.memory_space<hbm>> -> memref<50x128xf32, #tpu.memory_space<hbm>>
    %dma_wait3A_1017 = arith.constant 100 : i32
    %dma_wait3A_1018 = arith.constant 0 : i32
    %dma_wait3A_1019 = tpu.memref_slice %arg6[%dma_wait3A_1003, %dma_wait3A_1017, %dma_wait3A_1018] : memref<2x400x128xf32, #tpu.memory_space<vmem>> -> memref<1x50x128xf32, #tpu.memory_space<vmem>>
    %dma_wait3A_1020 = tpu.memref_squeeze %dma_wait3A_1019 : memref<1x50x128xf32, #tpu.memory_space<vmem>> -> memref<50x128xf32, #tpu.memory_space<vmem>>
    tpu.wait_dma2 semaphore(%dma_wait3A_1013 : memref<!tpu.dma_semaphore, #tpu.memory_space<semaphore_mem>>) src(%dma_wait3A_1020 : memref<50x128xf32, #tpu.memory_space<vmem>>) dst(%dma_wait3A_1016 : memref<50x128xf32, #tpu.memory_space<hbm>>)
    %dma_wait3A_1021 = arith.constant 1 : i32
    %dma_wait3A_1022 = arith.constant 1 : i32
    %dma_wait3A_1023 = arith.constant 150 : i32
    %dma_wait3A_1024 = arith.constant 0 : i32
    %dma_wait3A_1025 = tpu.memref_slice %arg6[%dma_wait3A_1021, %dma_wait3A_1023, %dma_wait3A_1024] : memref<2x400x128xf32, #tpu.memory_space<vmem>> -> memref<1x50x128xf32, #tpu.memory_space<vmem>>
    %dma_wait3A_1026 = tpu.memref_squeeze %dma_wait3A_1025 : memref<1x50x128xf32, #tpu.memory_space<vmem>> -> memref<50x128xf32, #tpu.memory_space<vmem>>
    %dma_wait3A_1027 = arith.constant 0 : i32
    %dma_wait3A_1028 = arith.constant 0 : i32
    %dma_wait3A_1029 = tpu.memref_slice %arg4[%dma_wait3A_1027, %dma_wait3A_1028] : memref<917504x128xf32, #tpu.memory_space<hbm>> -> memref<50x128xf32, #tpu.memory_space<hbm>>
    %dma_wait3A_1030 = tpu.memref_slice %arg9[%dma_wait3A_1022] : memref<2x!tpu.dma_semaphore, #tpu.memory_space<semaphore_mem>> -> memref<1x!tpu.dma_semaphore, #tpu.memory_space<semaphore_mem>>
    %dma_wait3A_1031 = tpu.memref_squeeze %dma_wait3A_1030 : memref<1x!tpu.dma_semaphore, #tpu.memory_space<semaphore_mem>> -> memref<!tpu.dma_semaphore, #tpu.memory_space<semaphore_mem>>
    %dma_wait3A_1032 = arith.constant 0 : i32
    %dma_wait3A_1033 = arith.constant 0 : i32
    %dma_wait3A_1034 = tpu.memref_slice %arg4[%dma_wait3A_1032, %dma_wait3A_1033] : memref<917504x128xf32, #tpu.memory_space<hbm>> -> memref<50x128xf32, #tpu.memory_space<hbm>>
    %dma_wait3A_1035 = arith.constant 150 : i32
    %dma_wait3A_1036 = arith.constant 0 : i32
    %dma_wait3A_1037 = tpu.memref_slice %arg6[%dma_wait3A_1021, %dma_wait3A_1035, %dma_wait3A_1036] : memref<2x400x128xf32, #tpu.memory_space<vmem>> -> memref<1x50x128xf32, #tpu.memory_space<vmem>>
    %dma_wait3A_1038 = tpu.memref_squeeze %dma_wait3A_1037 : memref<1x50x128xf32, #tpu.memory_space<vmem>> -> memref<50x128xf32, #tpu.memory_space<vmem>>
    tpu.wait_dma2 semaphore(%dma_wait3A_1031 : memref<!tpu.dma_semaphore, #tpu.memory_space<semaphore_mem>>) src(%dma_wait3A_1038 : memref<50x128xf32, #tpu.memory_space<vmem>>) dst(%dma_wait3A_1034 : memref<50x128xf32, #tpu.memory_space<hbm>>)
    %dma_wait3A_1039 = arith.constant 1 : i32
    %dma_wait3A_1040 = arith.constant 1 : i32
    %dma_wait3A_1041 = arith.constant 200 : i32
    %dma_wait3A_1042 = arith.constant 0 : i32
    %dma_wait3A_1043 = tpu.memref_slice %arg6[%dma_wait3A_1039, %dma_wait3A_1041, %dma_wait3A_1042] : memref<2x400x128xf32, #tpu.memory_space<vmem>> -> memref<1x50x128xf32, #tpu.memory_space<vmem>>
    %dma_wait3A_1044 = tpu.memref_squeeze %dma_wait3A_1043 : memref<1x50x128xf32, #tpu.memory_space<vmem>> -> memref<50x128xf32, #tpu.memory_space<vmem>>
    %dma_wait3A_1045 = arith.constant 0 : i32
    %dma_wait3A_1046 = arith.constant 0 : i32
    %dma_wait3A_1047 = tpu.memref_slice %arg4[%dma_wait3A_1045, %dma_wait3A_1046] : memref<917504x128xf32, #tpu.memory_space<hbm>> -> memref<50x128xf32, #tpu.memory_space<hbm>>
    %dma_wait3A_1048 = tpu.memref_slice %arg9[%dma_wait3A_1040] : memref<2x!tpu.dma_semaphore, #tpu.memory_space<semaphore_mem>> -> memref<1x!tpu.dma_semaphore, #tpu.memory_space<semaphore_mem>>
    %dma_wait3A_1049 = tpu.memref_squeeze %dma_wait3A_1048 : memref<1x!tpu.dma_semaphore, #tpu.memory_space<semaphore_mem>> -> memref<!tpu.dma_semaphore, #tpu.memory_space<semaphore_mem>>
    %dma_wait3A_1050 = arith.constant 0 : i32
    %dma_wait3A_1051 = arith.constant 0 : i32
    %dma_wait3A_1052 = tpu.memref_slice %arg4[%dma_wait3A_1050, %dma_wait3A_1051] : memref<917504x128xf32, #tpu.memory_space<hbm>> -> memref<50x128xf32, #tpu.memory_space<hbm>>
    %dma_wait3A_1053 = arith.constant 200 : i32
    %dma_wait3A_1054 = arith.constant 0 : i32
    %dma_wait3A_1055 = tpu.memref_slice %arg6[%dma_wait3A_1039, %dma_wait3A_1053, %dma_wait3A_1054] : memref<2x400x128xf32, #tpu.memory_space<vmem>> -> memref<1x50x128xf32, #tpu.memory_space<vmem>>
    %dma_wait3A_1056 = tpu.memref_squeeze %dma_wait3A_1055 : memref<1x50x128xf32, #tpu.memory_space<vmem>> -> memref<50x128xf32, #tpu.memory_space<vmem>>
    tpu.wait_dma2 semaphore(%dma_wait3A_1049 : memref<!tpu.dma_semaphore, #tpu.memory_space<semaphore_mem>>) src(%dma_wait3A_1056 : memref<50x128xf32, #tpu.memory_space<vmem>>) dst(%dma_wait3A_1052 : memref<50x128xf32, #tpu.memory_space<hbm>>)
    %dma_wait3A_1057 = arith.constant 1 : i32
    %dma_wait3A_1058 = arith.constant 1 : i32
    %dma_wait3A_1059 = arith.constant 250 : i32
    %dma_wait3A_1060 = arith.constant 0 : i32
    %dma_wait3A_1061 = tpu.memref_slice %arg6[%dma_wait3A_1057, %dma_wait3A_1059, %dma_wait3A_1060] : memref<2x400x128xf32, #tpu.memory_space<vmem>> -> memref<1x50x128xf32, #tpu.memory_space<vmem>>
    %dma_wait3A_1062 = tpu.memref_squeeze %dma_wait3A_1061 : memref<1x50x128xf32, #tpu.memory_space<vmem>> -> memref<50x128xf32, #tpu.memory_space<vmem>>
    %dma_wait3A_1063 = arith.constant 0 : i32
    %dma_wait3A_1064 = arith.constant 0 : i32
    %dma_wait3A_1065 = tpu.memref_slice %arg4[%dma_wait3A_1063, %dma_wait3A_1064] : memref<917504x128xf32, #tpu.memory_space<hbm>> -> memref<50x128xf32, #tpu.memory_space<hbm>>
    %dma_wait3A_1066 = tpu.memref_slice %arg9[%dma_wait3A_1058] : memref<2x!tpu.dma_semaphore, #tpu.memory_space<semaphore_mem>> -> memref<1x!tpu.dma_semaphore, #tpu.memory_space<semaphore_mem>>
    %dma_wait3A_1067 = tpu.memref_squeeze %dma_wait3A_1066 : memref<1x!tpu.dma_semaphore, #tpu.memory_space<semaphore_mem>> -> memref<!tpu.dma_semaphore, #tpu.memory_space<semaphore_mem>>
    %dma_wait3A_1068 = arith.constant 0 : i32
    %dma_wait3A_1069 = arith.constant 0 : i32
    %dma_wait3A_1070 = tpu.memref_slice %arg4[%dma_wait3A_1068, %dma_wait3A_1069] : memref<917504x128xf32, #tpu.memory_space<hbm>> -> memref<50x128xf32, #tpu.memory_space<hbm>>
    %dma_wait3A_1071 = arith.constant 250 : i32
    %dma_wait3A_1072 = arith.constant 0 : i32
    %dma_wait3A_1073 = tpu.memref_slice %arg6[%dma_wait3A_1057, %dma_wait3A_1071, %dma_wait3A_1072] : memref<2x400x128xf32, #tpu.memory_space<vmem>> -> memref<1x50x128xf32, #tpu.memory_space<vmem>>
    %dma_wait3A_1074 = tpu.memref_squeeze %dma_wait3A_1073 : memref<1x50x128xf32, #tpu.memory_space<vmem>> -> memref<50x128xf32, #tpu.memory_space<vmem>>
    tpu.wait_dma2 semaphore(%dma_wait3A_1067 : memref<!tpu.dma_semaphore, #tpu.memory_space<semaphore_mem>>) src(%dma_wait3A_1074 : memref<50x128xf32, #tpu.memory_space<vmem>>) dst(%dma_wait3A_1070 : memref<50x128xf32, #tpu.memory_space<hbm>>)
    %dma_wait3A_1075 = arith.constant 1 : i32
    %dma_wait3A_1076 = arith.constant 1 : i32
    %dma_wait3A_1077 = arith.constant 300 : i32
    %dma_wait3A_1078 = arith.constant 0 : i32
    %dma_wait3A_1079 = tpu.memref_slice %arg6[%dma_wait3A_1075, %dma_wait3A_1077, %dma_wait3A_1078] : memref<2x400x128xf32, #tpu.memory_space<vmem>> -> memref<1x50x128xf32, #tpu.memory_space<vmem>>
    %dma_wait3A_1080 = tpu.memref_squeeze %dma_wait3A_1079 : memref<1x50x128xf32, #tpu.memory_space<vmem>> -> memref<50x128xf32, #tpu.memory_space<vmem>>
    %dma_wait3A_1081 = arith.constant 0 : i32
    %dma_wait3A_1082 = arith.constant 0 : i32
    %dma_wait3A_1083 = tpu.memref_slice %arg4[%dma_wait3A_1081, %dma_wait3A_1082] : memref<917504x128xf32, #tpu.memory_space<hbm>> -> memref<50x128xf32, #tpu.memory_space<hbm>>
    %dma_wait3A_1084 = tpu.memref_slice %arg9[%dma_wait3A_1076] : memref<2x!tpu.dma_semaphore, #tpu.memory_space<semaphore_mem>> -> memref<1x!tpu.dma_semaphore, #tpu.memory_space<semaphore_mem>>
    %dma_wait3A_1085 = tpu.memref_squeeze %dma_wait3A_1084 : memref<1x!tpu.dma_semaphore, #tpu.memory_space<semaphore_mem>> -> memref<!tpu.dma_semaphore, #tpu.memory_space<semaphore_mem>>
    %dma_wait3A_1086 = arith.constant 0 : i32
    %dma_wait3A_1087 = arith.constant 0 : i32
    %dma_wait3A_1088 = tpu.memref_slice %arg4[%dma_wait3A_1086, %dma_wait3A_1087] : memref<917504x128xf32, #tpu.memory_space<hbm>> -> memref<50x128xf32, #tpu.memory_space<hbm>>
    %dma_wait3A_1089 = arith.constant 300 : i32
    %dma_wait3A_1090 = arith.constant 0 : i32
    %dma_wait3A_1091 = tpu.memref_slice %arg6[%dma_wait3A_1075, %dma_wait3A_1089, %dma_wait3A_1090] : memref<2x400x128xf32, #tpu.memory_space<vmem>> -> memref<1x50x128xf32, #tpu.memory_space<vmem>>
    %dma_wait3A_1092 = tpu.memref_squeeze %dma_wait3A_1091 : memref<1x50x128xf32, #tpu.memory_space<vmem>> -> memref<50x128xf32, #tpu.memory_space<vmem>>
    tpu.wait_dma2 semaphore(%dma_wait3A_1085 : memref<!tpu.dma_semaphore, #tpu.memory_space<semaphore_mem>>) src(%dma_wait3A_1092 : memref<50x128xf32, #tpu.memory_space<vmem>>) dst(%dma_wait3A_1088 : memref<50x128xf32, #tpu.memory_space<hbm>>)
    %dma_wait3A_1093 = arith.constant 1 : i32
    %dma_wait3A_1094 = arith.constant 1 : i32
    %dma_wait3A_1095 = arith.constant 350 : i32
    %dma_wait3A_1096 = arith.constant 0 : i32
    %dma_wait3A_1097 = tpu.memref_slice %arg6[%dma_wait3A_1093, %dma_wait3A_1095, %dma_wait3A_1096] : memref<2x400x128xf32, #tpu.memory_space<vmem>> -> memref<1x50x128xf32, #tpu.memory_space<vmem>>
    %dma_wait3A_1098 = tpu.memref_squeeze %dma_wait3A_1097 : memref<1x50x128xf32, #tpu.memory_space<vmem>> -> memref<50x128xf32, #tpu.memory_space<vmem>>
    %dma_wait3A_1099 = arith.constant 0 : i32
    %dma_wait3A_1100 = arith.constant 0 : i32
    %dma_wait3A_1101 = tpu.memref_slice %arg4[%dma_wait3A_1099, %dma_wait3A_1100] : memref<917504x128xf32, #tpu.memory_space<hbm>> -> memref<50x128xf32, #tpu.memory_space<hbm>>
    %dma_wait3A_1102 = tpu.memref_slice %arg9[%dma_wait3A_1094] : memref<2x!tpu.dma_semaphore, #tpu.memory_space<semaphore_mem>> -> memref<1x!tpu.dma_semaphore, #tpu.memory_space<semaphore_mem>>
    %dma_wait3A_1103 = tpu.memref_squeeze %dma_wait3A_1102 : memref<1x!tpu.dma_semaphore, #tpu.memory_space<semaphore_mem>> -> memref<!tpu.dma_semaphore, #tpu.memory_space<semaphore_mem>>
    %dma_wait3A_1104 = arith.constant 0 : i32
    %dma_wait3A_1105 = arith.constant 0 : i32
    %dma_wait3A_1106 = tpu.memref_slice %arg4[%dma_wait3A_1104, %dma_wait3A_1105] : memref<917504x128xf32, #tpu.memory_space<hbm>> -> memref<50x128xf32, #tpu.memory_space<hbm>>
    %dma_wait3A_1107 = arith.constant 350 : i32
    %dma_wait3A_1108 = arith.constant 0 : i32
    %dma_wait3A_1109 = tpu.memref_slice %arg6[%dma_wait3A_1093, %dma_wait3A_1107, %dma_wait3A_1108] : memref<2x400x128xf32, #tpu.memory_space<vmem>> -> memref<1x50x128xf32, #tpu.memory_space<vmem>>
    %dma_wait3A_1110 = tpu.memref_squeeze %dma_wait3A_1109 : memref<1x50x128xf32, #tpu.memory_space<vmem>> -> memref<50x128xf32, #tpu.memory_space<vmem>>
    tpu.wait_dma2 semaphore(%dma_wait3A_1103 : memref<!tpu.dma_semaphore, #tpu.memory_space<semaphore_mem>>) src(%dma_wait3A_1110 : memref<50x128xf32, #tpu.memory_space<vmem>>) dst(%dma_wait3A_1106 : memref<50x128xf32, #tpu.memory_space<hbm>>)
    return
  }
}

</mosaic_0001>

<sc_bundles>
// kernel: kernel.3.cloned.1.call-start
scs
__scs_entry_jumppad:
0x0: {  	(pc) =	sbr.rel $0x88, $3  }
0x1: {  	(tag) =	ssettag $0x0;
	lr =	simm.s32 $0x1  }
0x2: {  	[smem:$0x3F9F] =	sst lr;
	_ =	strace $0xD0000000  }
0x3: {  	_ = 	snop  }
0x4: {  	_ = 	snop  }
0x5: {  	_ = 	snop  }
0x6: {  	_ = 	snop  }
0x7: {  	_ = 	snop  }
__scs_overlays_trampoline_lowered:
0x8: {  	[smem:$0x3FAE] =	sst s0  }
0x9: {  	[smem:$0x3FAF] =	sst s1  }
0xa: {  	[smem:$0x3FB0] =	sst s2  }
0xb: {  	[smem:$0x3FB1] =	sst s3  }
0xc: {  	[smem:$0x3FB2] =	sst s4  }
0xd: {  	[smem:$0x3FB3] =	sst s5  }
0xe: {  	[smem:$0x3FB4] =	sst s6  }
0xf: {  	[smem:$0x3FB5] =	sst s7  }
0x10: {  	[smem:$0x3FB6] =	sst s8  }
0x11: {  	[smem:$0x3FB7] =	sst s9;
	s0 =	simm.s32 @!p0 $0x0  }
0x12: {  	s1 =	sld [smem:$0x3F9D];
	s0 =	simm.s32 @p0 $0x1  }
0x13: {  	[smem:$0x3FB8] =	sst s0;
	s0 =	simm.s32 @!p1 $0x0  }
0x14: {  	s2 =	sld [smem:$0x3F9C];
	s0 =	simm.s32 @p1 $0x1  }
0x15: {  	[smem:$0x3FB9] =	sst s0;
	s0 =	simm.s32 @!p2 $0x0  }
0x16: {  	s3 =	sld [smem:$0x3FDB];
	s0 =	simm.s32 @p2 $0x1  }
0x17: {  	s4 =	simm.s32 $0x1BF5;
	[smem:$0x3FBB] =	sst s0  }
0x18: {  	s0 =	sld [smem:$0x3F9E];
	_ =	swait.ge [sflag:s4], $0x0  }
0x19: {  	s7 =	sld [smem:$0x3F9F]  }
0x1a: {  	s8 =	sadd.s32 $0xFFFFE003, lr  }
0x1b: {  	s9 =	sadd.s32 $0xFFFFFEF7, lr;
	s5 =	simm.s32 $0xFFFFFFFF;
	p2 =	slt.u32 s8, $0xFFFFF086  }
0x1c: {  	p1 =	slt.u32 s9, $0xF7A;
	s5 =	simm.s32 @!p2 $0x0  }
0x1d: {  	s5 =	simm.s32 @p1 $0x1;
	p0 =	seq.s32 s7, s2  }
0x1e: {  	s7 =	smul.u32 @!p0 $0xF7A, s2;
	p2 =	seq.s32 @!p0 s5, $0x0  }
0x1f: {  	s9 =	smul.u32 $0xF7A, s1;
	s8 =	simm.s32 @!p0 $0x1BF5;
	p2 =	por !p2, p0  }
0x20: {  	[sflag:s8] =	ssyncset.s32 @!p0 $0xFFFFF086;
	s6 =	sadd.s32 @!p0 s3, s7;
	s7 =	simm.s32 @!p0 $0x108  }
0x21: {  	s3 =	sadd.s32 s3, s9;
	s6 =	sadd.s32 @!p0 $0x88, s6;
	s7 =	simm.s32 @p2 $0x1082  }
0x22: {  	[simem:s7], [sflag:s8] =	dma.local @!p0 [hbm:s6], $0xF7A  }
0x23: {  	s9 =	sor.u32 $0xD0000000, s2;
	s6 =	simm.s32 $0x108;
	_ =	swait.ge @!p0 [sflag:s8], $0x0  }
0x24: {  	s3 =	sadd.s32 $0x88, s3;
	s6 =	simm.s32 @!p1 $0x1082;
	[sflag:s4] =	ssyncset.s32 $0xFFFFF086  }
0x25: {  	[simem:s6], [sflag:s4] =	dma.local [hbm:s3], $0xF7A  }
0x26: {  	[smem:$0x3F9F] =	sst s1;
	(tag) =	ssettag s2;
	_ =	strace s9  }
0x27: {  	s1 =	sld [smem:$0x3FAF]  }
0x28: {  	s2 =	sld [smem:$0x3FB0]  }
0x29: {  	s4 =	sld [smem:$0x3FB2]  }
0x2a: {  	p0 =	seq.s32 s5, $0x0;
	s5 =	sld [smem:$0x3FB3]  }
0x2b: {  	s6 =	sld [smem:$0x3FB4]  }
0x2c: {  	s7 =	sld [smem:$0x3FB5]  }
0x2d: {  	s3 =	simm.s32 $0x108;
	s8 =	sld [smem:$0x3FB6]  }
0x2e: {  	s3 =	simm.s32 @!p0 $0x1082;
	s9 =	sld [smem:$0x3FB7]  }
0x2f: {  	lr =	sadd.s32 s0, s3;
	s0 =	sld [smem:$0x3FAE]  }
0x30: {  	s3 =	sld [smem:$0x3FB1]  }
0x31: {  	[smem:$0x3FBA] =	sst s10  }
0x32: {  	s10 =	sld [smem:$0x3FB8];
	_ =	sdelay $0x3  }
0x33: {  	p0 =	seq.s32 s10, $0x1;
	s10 =	sld [smem:$0x3FBA];
	_ =	sdelay $0x3  }
0x34: {  	[smem:$0x3FBA] =	sst s10  }
0x35: {  	s10 =	sld [smem:$0x3FB9];
	_ =	sdelay $0x3  }
0x36: {  	p1 =	seq.s32 s10, $0x1;
	s10 =	sld [smem:$0x3FBA];
	_ =	sdelay $0x3  }
0x37: {  	[smem:$0x3FBA] =	sst s10  }
0x38: {  	s10 =	sld [smem:$0x3FBB]  }
0x39: {  	_ = 	snop;
	(pc) =	sbr.ind lr, $3  }
0x3a: {  	_ = 	snop  }
0x3b: {  	_ = 	snop  }
0x3c: {  	p2 =	seq.s32 s10, $0x1;
	s10 =	sld [smem:$0x3FBA]  }
0x3d: {  	_ =	shalt  }
0x3e: {  	_ =	shalt  }
0x3f: {  	_ =	shalt  }
0x40: {  	_ =	shalt  }
0x41: {  	_ =	shalt  }
0x42: {  	_ =	shalt  }
0x43: {  	_ =	shalt  }
0x44: {  	_ =	shalt  }
0x45: {  	_ =	shalt  }
0x46: {  	_ =	shalt  }
0x47: {  	_ =	shalt  }
0x48: {  	_ =	shalt  }
0x49: {  	_ =	shalt  }
0x4a: {  	_ =	shalt  }
0x4b: {  	_ =	shalt  }
0x4c: {  	_ =	shalt  }
0x4d: {  	_ =	shalt  }
0x4e: {  	_ =	shalt  }
0x4f: {  	_ =	shalt  }
0x50: {  	_ =	shalt  }
0x51: {  	_ =	shalt  }
0x52: {  	_ =	shalt  }
0x53: {  	_ =	shalt  }
0x54: {  	_ =	shalt  }
0x55: {  	_ =	shalt  }
0x56: {  	_ =	shalt  }
0x57: {  	_ =	shalt  }
0x58: {  	_ =	shalt  }
0x59: {  	_ =	shalt  }
0x5a: {  	_ =	shalt  }
0x5b: {  	_ =	shalt  }
0x5c: {  	_ =	shalt  }
0x5d: {  	_ =	shalt  }
0x5e: {  	_ =	shalt  }
0x5f: {  	_ =	shalt  }
0x60: {  	_ =	shalt  }
0x61: {  	_ =	shalt  }
0x62: {  	_ =	shalt  }
0x63: {  	_ =	shalt  }
0x64: {  	_ =	shalt  }
0x65: {  	_ =	shalt  }
0x66: {  	_ =	shalt  }
0x67: {  	_ =	shalt  }
0x68: {  	_ =	shalt  }
0x69: {  	_ =	shalt  }
0x6a: {  	_ =	shalt  }
0x6b: {  	_ =	shalt  }
0x6c: {  	_ =	shalt  }
0x6d: {  	_ =	shalt  }
0x6e: {  	_ =	shalt  }
0x6f: {  	_ =	shalt  }
0x70: {  	_ =	shalt  }
0x71: {  	_ =	shalt  }
0x72: {  	_ =	shalt  }
0x73: {  	_ =	shalt  }
0x74: {  	_ =	shalt  }
0x75: {  	_ =	shalt  }
0x76: {  	_ =	shalt  }
0x77: {  	_ =	shalt  }
0x78: {  	_ =	shalt  }
0x79: {  	_ =	shalt  }
0x7a: {  	_ =	shalt  }
0x7b: {  	_ =	shalt  }
0x7c: {  	_ =	shalt  }
0x7d: {  	_ =	shalt  }
0x7e: {  	_ =	shalt  }
0x7f: {  	_ =	shalt  }
0x80: {  	_ =	shalt  }
0x81: {  	_ =	shalt  }
0x82: {  	_ =	shalt  }
0x83: {  	_ =	shalt  }
0x84: {  	_ =	shalt  }
0x85: {  	_ =	shalt  }
0x86: {  	_ =	shalt  }
0x87: {  	_ =	shalt  }
.Lfunc_end0:
.L_simem_size_0:
called_computation.2_lowered:
.L_overlay_start_0:
0x88: {  	s2 =	sld [smem:$0x3FD9]  }
0x89: {  	s3 =	sld [smem:$0x3FFE];
	_ =	sdelay $0x1  }
0x8a: {  	s1 =	srdreg.scid  }
0x8b: {  	s0 =	sand.u32 $0x1, s1  }
0x8c: {  	s17 =	sshll.u32 s0, $0xA;
	s2 =	sadd.s32 s3, s2  }
0x8d: {  	s2 =	sadd.s32 s2, s17  }
0x8e: {  	[smem:$0x3FC6] =	sst s2  }
0x8f: {  	_ = 	snop  }
0x90: {  	s2 =	sld [smem:$0x3FD0];
	(tm) =	ssettm $0x1  }
0x91: {  	s18 =	sld [smem:$0x3FFB];
	_ =	sdelay $0x3  }
0x92: {  	_ =	strace s18  }
0x93: {  	s3 =	sld [smem:$0x3FFC];
	_ =	sdelay $0x3  }
0x94: {  	_ =	strace s3  }
0x95: {  	s3 =	sld [smem:$0x3FFD];
	_ =	sdelay $0x3  }
0x96: {  	_ =	strace s3  }
0x97: {  	_ =	strace $0x8FFFFFFF  }
0x98: {  	s19 =	sld [smem:$0x3FDB];
	_ =	sdelay $0x1  }
0x99: {  	s4 =	simm.s32 $_scs_section_size  }
0x9a: {  	s5 =	simm.s32 $_size__tile_overlayer_lowered;
	s6 =	simm.s32 $_tile_overlayer_lowered  }
0x9b: {  	s22 =	simm.s32 $0x1BFF;
	s21 =	sshll.u32 s6, $0x1;
	s3 =	sadd.s32 s4, s19  }
0x9c: {  	s7 =	simm.s32 $0x0;
	s20 =	sshll.u32 s5, $0x1;
	s5 =	sadd.s32 s21, s3  }
0x9d: {  	[timem:s7], [sflag:s22] =	dma.local [hbm:s5], s20  }
0x9e: {  	_ =	swait.ge [sflag:s22], s20  }
0x9f: {  	s4 =	ssub.s32 $0x0, s20;
	[sflag:s22] =	ssyncset.done $0x0  }
0xa0: {  	[sflag:s22] =	ssyncadd.s32 s4;
	_ =	sdelay $0x1  }
0xa1: {  	s23 =	simm.s32 $0x1B8B  }
0xa2: {  	_ =	swait.ge [sflag:s23], $0x1  }
0xa3: {  	[sflag:s23] =	ssyncset.done $0x0  }
0xa4: {  	s25 =	simm.s32 $0x1B8E;
	s24 =	sld [smem:$0x3FFE];
	[sflag:s23] =	ssyncadd.s32 $0xFFFFFFFF  }
0xa5: {  	s26 =	simm.s32 $execute0_lowered;
	[smem:$0x3FD2] =	sst s25  }
0xa6: {  	s5 =	sshll.u32 s26, $0x1;
	_ =	strace $0x80000049;
	[dreg:$0x1] =	wrdreg $0xFFFFFFFF  }
0xa7: {  	s28 =	simm.s32 $_size_execute0_lowered;
	s3 =	sadd.s32 s3, s5;
	[dreg:$0x0] =	wrdreg $0x0  }
0xa8: {  	s5 =	sshll.u32 s28, $0x1;
	[dreg:$0x2] =	wrdreg s3  }
0xa9: {  	[dreg:$0x3] =	wrdreg s5  }
0xaa: {  	[dreg:$0x4] =	wrdreg $0xC0  }
0xab: {  	_ =	task [dreg:s7], $0x5FFFF  }
0xac: {  	[dreg:$0x1] =	wrdreg $0xFFFFFFFF  }
0xad: {  	[dreg:$0x0] =	wrdreg $0x60  }
0xae: {  	[dreg:$0x2] =	wrdreg s2  }
0xaf: {  	[dreg:$0x3] =	wrdreg s24  }
0xb0: {  	[dreg:$0x4] =	wrdreg $0x9  }
0xb1: {  	_ =	task.clear_ibuf [dreg:s7], $0x5FFFF;
	_ =	strace $0x90000049  }
0xb2: {  	s29 =	simm.s32 $0x9;
	_ =	strace $0x8000004B  }
0xb3: {  	_ =	swait.ge [sflag:s29], $0x1  }
0xb4: {  	[sflag:s29] =	ssyncadd.s32 $0xFFFFFFFF  }
0xb5: {  	_ =	strace $0x9000004B  }
0xb6: {  	_ =	sfence  }
0xb7: {  	s30 =	sld [smem:$0x0];
	_ =	sdelay $0x2  }
0xb8: {  	s31 =	sshll.u32 s1, $0xD;
	s1 =	sshrl.u32 s1, $0x2  }
0xb9: {  	s3 =	sand.u32 $0x4000, s31;
	s1 =	sadd.s32 s1, s30  }
0xba: {  	s0 =	sor.u32 s3, s0;
	s1 =	sshll.u32 s1, $0x11  }
0xbb: {  	s0 =	sor.u32 s1, s0  }
0xbc: {  	s0 =	sadd.s32 $0x8F2B, s0  }
0xbd: {  	[sflag:s0] =	ssyncadd.remote.s32 $0x1  }
0xbe: {  	_ =	sfence.sel $0xFFFF  }
0xbf: {  	[dreg:$0x0] =	wrdreg $0xFFFFFFFF;
	(pc) =	sbr.abs _section_cstart, $3  }
0xc0: {  	[dreg:$0x1] =	wrdreg $0xFFFFFFFF  }
0xc1: {  	_ =	task.clear_ibuf [dreg:s7], $0x2FFFF;
	_ =	strace $0x9FFFFFFF  }
0xc2: {  	(tm) =	ssettm $0x7FFFFFFF  }
0xc3: {  	_ =	shalt  }
tec
execute0_lowered:
.L_overlay_start_1:
0x0: {  	(tag) =	ssettag $0x1  }
0x1: {  	s5 =	rddreg [dreg:$0x0]  }
0x2: {  	s0 =	rddreg [dreg:$0x1]  }
0x3: {  	s1 =	srdreg.scid;
	s11 =	stileid.u32  }
0x4: {  	s2 =	simm.s32 $0x0;
	s6 =	sand.u32 $0x1, s1;
	s15 =	sshll.u32 s11, $0x1  }
0x5: {  	[smem:$0x7FF] =	sst s2;
	s1 =	sor.u32 s6, s15;
	s7 =	ssub.s32 $0x2, s6  }
0x6: {  	s3 =	sadd.s32 $0xF43600, s0;
	s4 =	smul.u32 $0x6400, s1;
	s16 =	sshrl.u32 s7, $0x1  }
0x7: {  	s0 =	sadd.s32 $0xE00, s0;
	s8 =	smul.u32 $0x380000, s1;
	s1 =	ssub.s32 s7, s16  }
0x8: {  	_ =	strace $0x8000004A;
	s4 =	sshrl.u32 s4, $0x3;
	s1 =	smax.u32 s1, $0x1  }
0x9: {  	s18 =	sshrl.u32 s8, $0x3;
	s17 =	sadd.s32 s5, s4;
	[smem:$0x7FD] =	sst s1  }
0xa: {  	s4 =	sadd.s32 s0, s18;
	[dreg:$0xf] =	wrdreg s17;
	s7 =	sadd.s32 $0x32, s17  }
0xb: {  	s28 =	simm.s32 $0x80;
	s20 =	sadd.s32 $0x6C800, s4;
	[dreg:$0x10] =	wrdreg s7  }
0xc: {  	s29 =	simm.s32 $0x320;
	s21 =	sadd.s32 $0x6CB80, s4;
	[dreg:$0x11] =	wrdreg s20  }
0xd: {  	s30 =	simm.s32 $0xC320;
	s9 =	sadd.s32 $0x6CF00, s4;
	[dreg:$0x12] =	wrdreg s21  }
0xe: {  	s19 =	smul.u32 $0xC800, s11;
	s23 =	sadd.s32 $0x6D280, s4;
	[dreg:$0x13] =	wrdreg s9  }
0xf: {  	s24 =	smul.u32 $0x700000, s11;
	s10 =	sadd.s32 $0x6D600, s4;
	[dreg:$0x14] =	wrdreg s23  }
0x10: {  	s22 =	smul.u32 $0x6400, s6;
	s25 =	sadd.s32 $0x6D980, s4;
	[dreg:$0x15] =	wrdreg s10  }
0x11: {  	s26 =	smul.u32 $0x380000, s6;
	s12 =	sadd.s32 $0x6DD00, s4;
	[dreg:$0x16] =	wrdreg s25  }
0x12: {  	s6 =	smul.u32 $0x70000, s6;
	s31 =	sadd.s32 $0x6E080, s4;
	[dreg:$0x17] =	wrdreg s12  }
0x13: {  	s1 =	simm.s32 $0x10;
	s14 =	sadd.s32 $0x6E780, s4;
	[dreg:$0x18] =	wrdreg s31  }
0x14: {  	s7 =	sadd.s32 s22, s19;
	s12 =	sadd.s32 $0x6E400, s4;
	[dreg:$0x1a] =	wrdreg s14  }
0x15: {  	s9 =	sadd.s32 s26, s24;
	s26 =	smul.u32 $0xE0000, s11;
	[dreg:$0x19] =	wrdreg s12  }
0x16: {  	s13 =	sadd.s32 $0x4B0, s7;
	s15 =	sor.u32 $0x1A400, s9;
	s17 =	sor.u32 $0x18800, s9  }
0x17: {  	s7 =	sor.u32 $0x320, s7;
	s19 =	sor.u32 $0x16C00, s9;
	s21 =	sor.u32 $0x15000, s9  }
0x18: {  	s23 =	sor.u32 $0x13400, s9;
	s25 =	sor.u32 $0x11800, s9;
	s8 =	sshrl.u32 s13, $0x3  }
0x19: {  	s16 =	sshrl.u32 s15, $0x3;
	s10 =	sshrl.u32 s17, $0x3;
	s20 =	sshrl.u32 s19, $0x3  }
0x1a: {  	s7 =	sshrl.u32 s7, $0x3;
	s24 =	sshrl.u32 s23, $0x3;
	s31 =	sshrl.u32 s25, $0x3  }
0x1b: {  	s11 =	sadd.s32 s26, s0;
	s13 =	sor.u32 $0xC400, s9;
	s15 =	sor.u32 $0xA800, s9  }
0x1c: {  	s23 =	sadd.s32 $0x6F200, s4;
	s25 =	sadd.s32 $0x6F580, s4;
	s8 =	sadd.s32 s8, s5  }
0x1d: {  	s18 =	sadd.s32 s10, s0;
	s10 =	sshrl.u32 s21, $0x3;
	[dreg:$0x1f] =	wrdreg s23  }
0x1e: {  	s5 =	sadd.s32 s7, s5;
	s12 =	sadd.s32 s6, s11;
	[smem:$0x7FA] =	sst s25  }
0x1f: {  	s14 =	sshrl.u32 s13, $0x3;
	s6 =	sshrl.u32 s15, $0x3;
	[dreg:$0x1b] =	wrdreg s8  }
0x20: {  	s21 =	sadd.s32 $0x6EE80, s4;
	s25 =	simm.s32 $0x190;
	[dreg:$0x4] =	wrdreg s18  }
0x21: {  	s13 =	simm.s32 $0x4320;
	s7 =	simm.s32 $0x2;
	[dreg:$0x1c] =	wrdreg s5  }
0x22: {  	s15 =	simm.s32 $0x3;
	s23 =	simm.s32 $0x8320;
	[dreg:$0x9] =	wrdreg s12  }
0x23: {  	s8 =	sadd.s32 s16, s0;
	s22 =	sadd.s32 s10, s0;
	[dreg:$0x1e] =	wrdreg s21  }
0x24: {  	s5 =	sadd.s32 s24, s0;
	s10 =	sadd.s32 $0x6EB00, s4;
	[dreg:$0x3] =	wrdreg s8  }
0x25: {  	s16 =	sor.u32 $0x8C00, s9;
	s17 =	sadd.s32 s6, s0;
	[dreg:$0x6] =	wrdreg s22  }
0x26: {  	s24 =	sor.u32 $0x5400, s9;
	s6 =	simm.s32 $0x16120;
	[dreg:$0x7] =	wrdreg s5  }
0x27: {  	s21 =	simm.s32 $0x4320;
	s8 =	sadd.s32 s20, s0;
	[dreg:$0x1d] =	wrdreg s10  }
0x28: {  	s5 =	sadd.s32 s31, s0;
	s18 =	sshrl.u32 s16, $0x3;
	[dreg:$0xb] =	wrdreg s17  }
0x29: {  	s20 =	sor.u32 $0x7000, s9;
	s26 =	sshrl.u32 s24, $0x3;
	s31 =	sadd.s32 $0x6F900, s4  }
0x2a: {  	s4 =	sadd.s32 $0x6FC80, s4;
	s17 =	simm.s32 $0x180;
	[dreg:$0x5] =	wrdreg s8  }
0x2b: {  	s24 =	simm.s32 $0x5;
	s16 =	simm.s32 $0x4;
	[dreg:$0x8] =	wrdreg s5  }
0x2c: {  	s9 =	simm.s32 $0x17A20;
	s10 =	simm.s32 $0x0;
	[smem:$0x7FB] =	sst s31  }
0x2d: {  	s5 =	sadd.s32 s14, s0;
	s19 =	sadd.s32 s18, s0;
	[smem:$0x7FC] =	sst s4  }
0x2e: {  	s22 =	sshrl.u32 s20, $0x3;
	s14 =	simm.s32 $0x100;
	[dreg:$0xa] =	wrdreg s5  }
0x2f: {  	s18 =	simm.s32 $0x8320;
	s8 =	simm.s32 $0xCB20;
	[dreg:$0xc] =	wrdreg s19  }
0x30: {  	s5 =	sadd.s32 s22, s0;
	s0 =	sadd.s32 s26, s0;
	s26 =	simm.s32 $0x1  }
0x31: {  	s19 =	simm.s32 $0xC320;
	s22 =	simm.s32 $0x100;
	[dreg:$0xd] =	wrdreg s5  }
0x32: {  	[dreg:$0xe] =	wrdreg s0;
	s0 =	simm.s32 $0x12F20;
	s5 =	simm.s32 $0x14820  }
.LBB2_1:
0x33: {  	[smem:$0x7F9] =	sst s10  }
0x34: {  	s4 =	rddreg [dreg:$0xf]  }
0x35: {  	[tilespmem:s2], [sflag:$0x1] =	stream.linear.gather [hbm4b:s4+s2], $0x190, $0x38;
	[tilespmem:$0x19320] =	vst v63  }
0x36: {  	s10 =	rddreg [dreg:$0x10]  }
0x37: {  	[tilespmem:s25], [sflag:$0x2] =	stream.linear.gather [hbm4b:s10+s2], $0x190, $0x38;
	[tilespmem:$0x19320] =	vst v63  }
0x38: {  	_ =	swait.ge [sflag:s26], $0x190  }
0x39: {  	[sflag:s26] =	ssyncset.done $0x0  }
0x3a: {  	[sflag:s26] =	ssyncadd.s32 $0xFFFFFE70  }
0x3b: {  	[tilespmem:s29], [sflag:$0x3] =	stream.indirect.gather [hbm4b:s3+s28], $0x80, s2, s28, $0xb8;
	[tilespmem:$0x19320] =	vst v63  }
0x3c: {  	_ = 	snop  }
0x3d: {  	[tilespmem:s13], [sflag:$0x3] =	stream.indirect.gather [hbm4b:s3+s28], $0x80, s28, s28, $0xb8;
	[tilespmem:$0x19320] =	vst v63  }
0x3e: {  	_ = 	snop  }
0x3f: {  	[tilespmem:s18], [sflag:$0x3] =	stream.indirect.gather [hbm4b:s3+s28], $0x80, s14, s28, $0xb8;
	[tilespmem:$0x19320] =	vst v63  }
0x40: {  	_ = 	snop  }
0x41: {  	[tilespmem:s19], [sflag:$0x3] =	stream.indirect.gather [hbm4b:s3+s1], $0x80, s17, s1, $0xb8;
	[tilespmem:$0x19320] =	vst v63  }
0x42: {  	_ =	swait.ge [sflag:s7], $0x190  }
0x43: {  	p0 =	por $0x1, $0x1;
	[sflag:s7] =	ssyncset.done $0x0  }
0x44: {  	s4 =	simm.s32 @!p0 $0x6;
	[sflag:s7] =	ssyncadd.s32 $0xFFFFFE70  }
0x45: {  	_ =	swait.ge @!p0 [sflag:s4], $0x1900  }
0x46: {  	[sflag:s4] =	ssyncset.done @!p0 $0x0  }
0x47: {  	[sflag:s4] =	ssyncadd.s32 @!p0 $0xFFFFE700  }
0x48: {  	_ =	swait.ge @!p0 [sflag:s4], $0x1900  }
0x49: {  	[sflag:s4] =	ssyncset.done @!p0 $0x0  }
0x4a: {  	[sflag:s4] =	ssyncadd.s32 @!p0 $0xFFFFE700  }
0x4b: {  	_ =	swait.ge @!p0 [sflag:s4], $0x1900  }
0x4c: {  	[sflag:s4] =	ssyncset.done @!p0 $0x0  }
0x4d: {  	[sflag:s4] =	ssyncadd.s32 @!p0 $0xFFFFE700  }
0x4e: {  	_ =	swait.ge @!p0 [sflag:s4], $0x1900  }
0x4f: {  	[sflag:s4] =	ssyncset.done @!p0 $0x0  }
0x50: {  	[sflag:s4] =	ssyncadd.s32 @!p0 $0xFFFFE700  }
0x51: {  	_ =	swait.ge @!p0 [sflag:s4], $0x1900  }
0x52: {  	[sflag:s4] =	ssyncset.done @!p0 $0x0  }
0x53: {  	[sflag:s4] =	ssyncadd.s32 @!p0 $0xFFFFE700  }
0x54: {  	_ =	swait.ge @!p0 [sflag:s4], $0x1900  }
0x55: {  	[sflag:s4] =	ssyncset.done @!p0 $0x0  }
0x56: {  	[sflag:s4] =	ssyncadd.s32 @!p0 $0xFFFFE700  }
0x57: {  	_ =	swait.ge @!p0 [sflag:s4], $0x1900  }
0x58: {  	[sflag:s4] =	ssyncset.done @!p0 $0x0  }
0x59: {  	[sflag:s4] =	ssyncadd.s32 @!p0 $0xFFFFE700  }
0x5a: {  	_ =	swait.ge @!p0 [sflag:s4], $0x1900  }
0x5b: {  	[sflag:s4] =	ssyncset.done @!p0 $0x0  }
0x5c: {  	[sflag:s4] =	ssyncadd.s32 @!p0 $0xFFFFE700  }
0x5d: {  	[tilespmem:s8], [sflag:$0x4] =	stream.indirect.gather [hbm4b:s3+s28], $0x80, s25, s28, $0xb8;
	[tilespmem:$0x19320] =	vst v63  }
0x5e: {  	s11 =	simm.s32 $0x210;
	s12 =	simm.s32 $0x10B20  }
0x5f: {  	[tilespmem:s12], [sflag:$0x4] =	stream.indirect.gather [hbm4b:s3+s28], $0x80, s11, s28, $0xb8;
	[tilespmem:$0x19320] =	vst v63  }
0x60: {  	s20 =	simm.s32 $0x290;
	s31 =	simm.s32 $0x14B20  }
0x61: {  	[tilespmem:s31], [sflag:$0x4] =	stream.indirect.gather [hbm4b:s3+s28], $0x80, s20, s28, $0xb8;
	[tilespmem:$0x19320] =	vst v63  }
0x62: {  	s10 =	simm.s32 $0x310;
	s11 =	simm.s32 $0x18B20  }
0x63: {  	[tilespmem:s11], [sflag:$0x4] =	stream.indirect.gather [hbm4b:s3+s1], $0x80, s10, s1, $0xb8;
	[tilespmem:$0x19320] =	vst v63  }
0x64: {  	_ =	swait.ge [sflag:s15], $0x4000  }
0x65: {  	[sflag:s15] =	ssyncset.done $0x0  }
0x66: {  	[sflag:s15] =	ssyncadd.s32 $0xFFFFC000  }
0x67: {  	_ =	swait.ge [sflag:s15], $0x4000  }
0x68: {  	[sflag:s15] =	ssyncset.done $0x0  }
0x69: {  	[sflag:s15] =	ssyncadd.s32 $0xFFFFC000  }
0x6a: {  	_ =	swait.ge [sflag:s15], $0x4000  }
0x6b: {  	[sflag:s15] =	ssyncset.done $0x0  }
0x6c: {  	[sflag:s15] =	ssyncadd.s32 $0xFFFFC000  }
0x6d: {  	_ =	swait.ge [sflag:s15], $0x800  }
0x6e: {  	s12 =	rddreg [dreg:$0x9];
	[sflag:s15] =	ssyncset.done $0x0  }
0x6f: {  	[sflag:s15] =	ssyncadd.s32 $0xFFFFF800;
	s4 =	sadd.s32 $0x0, s12  }
0x70: {  	[hbm4b:s4+s2] =	stream.linear.scatter [tilespmem:s29], [sflag:$0x5], $0x1900, $0x38;
	[tilespmem:$0x19320] =	vst v63  }
0x71: {  	s12 =	simm.s32 $0x1C20;
	s20 =	sadd.s32 $0x380, s4  }
0x72: {  	[hbm4b:s20+s2] =	stream.linear.scatter [tilespmem:s12], [sflag:$0x5], $0x1900, $0x38;
	[tilespmem:$0x19320] =	vst v63  }
0x73: {  	s11 =	rddreg [dreg:$0xe];
	s31 =	sadd.s32 $0x700, s4;
	s20 =	simm.s32 $0x3520  }
0x74: {  	[hbm4b:s31+s2] =	stream.linear.scatter [tilespmem:s20], [sflag:$0x5], $0x1900, $0x38;
	[tilespmem:$0x19320] =	vst v63  }
0x75: {  	s12 =	rddreg [dreg:$0xd];
	s20 =	sadd.s32 $0x0, s11;
	s31 =	simm.s32 $0x4E20  }
0x76: {  	[hbm4b:s20+s2] =	stream.linear.scatter [tilespmem:s31], [sflag:$0x5], $0x1900, $0x38;
	[tilespmem:$0x19320] =	vst v63  }
0x77: {  	s11 =	rddreg [dreg:$0xc];
	s20 =	sadd.s32 $0x0, s12;
	s31 =	simm.s32 $0x6720  }
0x78: {  	[hbm4b:s20+s2] =	stream.linear.scatter [tilespmem:s31], [sflag:$0x5], $0x1900, $0x38;
	[tilespmem:$0x19320] =	vst v63  }
0x79: {  	s12 =	rddreg [dreg:$0xb];
	s20 =	sadd.s32 $0x0, s11;
	s31 =	simm.s32 $0x8020  }
0x7a: {  	[hbm4b:s20+s2] =	stream.linear.scatter [tilespmem:s31], [sflag:$0x5], $0x1900, $0x38;
	[tilespmem:$0x19320] =	vst v63  }
0x7b: {  	s11 =	rddreg [dreg:$0xa];
	s20 =	sadd.s32 $0x0, s12;
	s31 =	simm.s32 $0x9920  }
0x7c: {  	[hbm4b:s20+s2] =	stream.linear.scatter [tilespmem:s31], [sflag:$0x5], $0x1900, $0x38;
	[tilespmem:$0x19320] =	vst v63  }
0x7d: {  	s11 =	sadd.s32 $0x0, s11;
	s12 =	simm.s32 $0xB220  }
0x7e: {  	[hbm4b:s11+s2] =	stream.linear.scatter [tilespmem:s12], [sflag:$0x5], $0x1900, $0x38;
	[tilespmem:$0x19320] =	vst v63  }
0x7f: {  	s12 =	rddreg [dreg:$0x1c]  }
0x80: {  	[tilespmem:s2], [sflag:$0x1] =	stream.linear.gather [hbm4b:s12+s2], $0x190, $0x38;
	[tilespmem:$0x19320] =	vst v63  }
0x81: {  	_ =	swait.ge [sflag:s26], $0x190  }
0x82: {  	[sflag:s26] =	ssyncset.done $0x0  }
0x83: {  	[sflag:s26] =	ssyncadd.s32 $0xFFFFFE70  }
0x84: {  	_ =	swait.ge [sflag:s24], $0x1900  }
0x85: {  	[sflag:s24] =	ssyncset.done $0x0  }
0x86: {  	[sflag:s24] =	ssyncadd.s32 $0xFFFFE700  }
0x87: {  	_ =	swait.ge [sflag:s24], $0x1900  }
0x88: {  	[sflag:s24] =	ssyncset.done $0x0  }
0x89: {  	[sflag:s24] =	ssyncadd.s32 $0xFFFFE700  }
0x8a: {  	_ =	swait.ge [sflag:s24], $0x1900  }
0x8b: {  	[sflag:s24] =	ssyncset.done $0x0  }
0x8c: {  	[sflag:s24] =	ssyncadd.s32 $0xFFFFE700  }
0x8d: {  	_ =	swait.ge [sflag:s24], $0x1900  }
0x8e: {  	[sflag:s24] =	ssyncset.done $0x0  }
0x8f: {  	[sflag:s24] =	ssyncadd.s32 $0xFFFFE700  }
0x90: {  	_ =	swait.ge [sflag:s24], $0x1900  }
0x91: {  	[sflag:s24] =	ssyncset.done $0x0  }
0x92: {  	[sflag:s24] =	ssyncadd.s32 $0xFFFFE700  }
0x93: {  	_ =	swait.ge [sflag:s24], $0x1900  }
0x94: {  	[sflag:s24] =	ssyncset.done $0x0  }
0x95: {  	[sflag:s24] =	ssyncadd.s32 $0xFFFFE700  }
0x96: {  	_ =	swait.ge [sflag:s24], $0x1900  }
0x97: {  	[sflag:s24] =	ssyncset.done $0x0  }
0x98: {  	[sflag:s24] =	ssyncadd.s32 $0xFFFFE700  }
0x99: {  	_ =	swait.ge [sflag:s24], $0x1900  }
0x9a: {  	[sflag:s24] =	ssyncset.done $0x0  }
0x9b: {  	[sflag:s24] =	ssyncadd.s32 $0xFFFFE700  }
0x9c: {  	[tilespmem:s29], [sflag:$0x3] =	stream.indirect.gather [hbm4b:s3+s28], $0x80, s2, s28, $0xb8;
	[tilespmem:$0x19320] =	vst v63  }
0x9d: {  	_ = 	snop  }
0x9e: {  	[tilespmem:s13], [sflag:$0x3] =	stream.indirect.gather [hbm4b:s3+s28], $0x80, s28, s28, $0xb8;
	[tilespmem:$0x19320] =	vst v63  }
0x9f: {  	_ = 	snop  }
0xa0: {  	[tilespmem:s18], [sflag:$0x3] =	stream.indirect.gather [hbm4b:s3+s28], $0x80, s14, s28, $0xb8;
	[tilespmem:$0x19320] =	vst v63  }
0xa1: {  	_ = 	snop  }
0xa2: {  	[tilespmem:s19], [sflag:$0x3] =	stream.indirect.gather [hbm4b:s3+s1], $0x80, s17, s1, $0xb8;
	[tilespmem:$0x19320] =	vst v63  }
0xa3: {  	_ =	swait.ge [sflag:s16], $0x4000  }
0xa4: {  	[sflag:s16] =	ssyncset.done $0x0  }
0xa5: {  	[sflag:s16] =	ssyncadd.s32 $0xFFFFC000  }
0xa6: {  	_ =	swait.ge [sflag:s16], $0x4000  }
0xa7: {  	[sflag:s16] =	ssyncset.done $0x0  }
0xa8: {  	[sflag:s16] =	ssyncadd.s32 $0xFFFFC000  }
0xa9: {  	_ =	swait.ge [sflag:s16], $0x4000  }
0xaa: {  	[sflag:s16] =	ssyncset.done $0x0  }
0xab: {  	[sflag:s16] =	ssyncadd.s32 $0xFFFFC000  }
0xac: {  	_ =	swait.ge [sflag:s16], $0x800  }
0xad: {  	[sflag:s16] =	ssyncset.done $0x0  }
0xae: {  	s18 =	sadd.s32 $0x1C00, s4;
	s17 =	rddreg [dreg:$0x8];
	[sflag:s16] =	ssyncadd.s32 $0xFFFFF800  }
0xaf: {  	[hbm4b:s18+s2] =	stream.linear.scatter [tilespmem:s8], [sflag:$0x6], $0x1900, $0x38;
	[tilespmem:$0x19320] =	vst v63  }
0xb0: {  	s20 =	simm.s32 $0xE420;
	s4 =	sadd.s32 $0x1F80, s4;
	s19 =	rddreg [dreg:$0x7]  }
0xb1: {  	[hbm4b:s4+s2] =	stream.linear.scatter [tilespmem:s20], [sflag:$0x6], $0x1900, $0x38;
	[tilespmem:$0x19320] =	vst v63  }
0xb2: {  	s14 =	simm.s32 $0xFD20;
	s31 =	rddreg [dreg:$0x6];
	s10 =	sadd.s32 $0x0, s17  }
0xb3: {  	[hbm4b:s10+s2] =	stream.linear.scatter [tilespmem:s14], [sflag:$0x6], $0x1900, $0x38;
	[tilespmem:$0x19320] =	vst v63  }
0xb4: {  	s13 =	rddreg [dreg:$0x1b];
	s11 =	sadd.s32 $0x0, s19;
	s18 =	simm.s32 $0x11620  }
0xb5: {  	[hbm4b:s11+s2] =	stream.linear.scatter [tilespmem:s18], [sflag:$0x6], $0x1900, $0x38;
	[tilespmem:$0x19320] =	vst v63  }
0xb6: {  	s17 =	rddreg [dreg:$0x5];
	s4 =	sadd.s32 $0x0, s31  }
0xb7: {  	[hbm4b:s4+s2] =	stream.linear.scatter [tilespmem:s0], [sflag:$0x6], $0x1900, $0x38;
	[tilespmem:$0x19320] =	vst v63  }
0xb8: {  	s12 =	sadd.s32 $0x64, s12;
	s19 =	rddreg [dreg:$0x4];
	s10 =	sadd.s32 $0x0, s17  }
0xb9: {  	[hbm4b:s10+s2] =	stream.linear.scatter [tilespmem:s5], [sflag:$0x6], $0x1900, $0x38;
	[tilespmem:$0x19320] =	vst v63  }
0xba: {  	s20 =	rddreg [dreg:$0x3];
	s31 =	sadd.s32 $0x0, s19;
	s17 =	simm.s32 $0x180  }
0xbb: {  	[hbm4b:s31+s2] =	stream.linear.scatter [tilespmem:s6], [sflag:$0x6], $0x1900, $0x38;
	[tilespmem:$0x19320] =	vst v63  }
0xbc: {  	s11 =	sadd.s32 $0x64, s13;
	s4 =	sadd.s32 $0x0, s20;
	s10 =	simm.s32 $0x3800  }
0xbd: {  	[hbm4b:s4+s2] =	stream.linear.scatter [tilespmem:s9], [sflag:$0x6], $0x1900, $0x38;
	[tilespmem:$0x19320] =	vst v63  }
.LBB2_2:
0xbe: {  	[tilespmem:s25], [sflag:$0x2] =	stream.linear.gather [hbm4b:s13+s2], $0x190, $0x38;
	[tilespmem:$0x19320] =	vst v63  }
0xbf: {  	s14 =	smov.u32 s10;
	_ =	swait.ge [sflag:s7], $0x190  }
0xc0: {  	p1 =	seq.s32 s14, $0x0;
	[sflag:s7] =	ssyncset.done $0x0  }
0xc1: {  	s4 =	simm.s32 @!p1 $0x6;
	[sflag:s7] =	ssyncadd.s32 $0xFFFFFE70  }
0xc2: {  	_ =	swait.ge @!p1 [sflag:s4], $0x1900  }
0xc3: {  	[sflag:s4] =	ssyncset.done @!p1 $0x0  }
0xc4: {  	[sflag:s4] =	ssyncadd.s32 @!p1 $0xFFFFE700  }
0xc5: {  	_ =	swait.ge @!p1 [sflag:s4], $0x1900  }
0xc6: {  	[sflag:s4] =	ssyncset.done @!p1 $0x0  }
0xc7: {  	[sflag:s4] =	ssyncadd.s32 @!p1 $0xFFFFE700  }
0xc8: {  	_ =	swait.ge @!p1 [sflag:s4], $0x1900  }
0xc9: {  	[sflag:s4] =	ssyncset.done @!p1 $0x0  }
0xca: {  	[sflag:s4] =	ssyncadd.s32 @!p1 $0xFFFFE700  }
0xcb: {  	_ =	swait.ge @!p1 [sflag:s4], $0x1900  }
0xcc: {  	[sflag:s4] =	ssyncset.done @!p1 $0x0  }
0xcd: {  	[sflag:s4] =	ssyncadd.s32 @!p1 $0xFFFFE700  }
0xce: {  	_ =	swait.ge @!p1 [sflag:s4], $0x1900  }
0xcf: {  	[sflag:s4] =	ssyncset.done @!p1 $0x0  }
0xd0: {  	[sflag:s4] =	ssyncadd.s32 @!p1 $0xFFFFE700  }
0xd1: {  	_ =	swait.ge @!p1 [sflag:s4], $0x1900  }
0xd2: {  	[sflag:s4] =	ssyncset.done @!p1 $0x0  }
0xd3: {  	[sflag:s4] =	ssyncadd.s32 @!p1 $0xFFFFE700  }
0xd4: {  	_ =	swait.ge @!p1 [sflag:s4], $0x1900  }
0xd5: {  	[sflag:s4] =	ssyncset.done @!p1 $0x0  }
0xd6: {  	[sflag:s4] =	ssyncadd.s32 @!p1 $0xFFFFE700  }
0xd7: {  	_ =	swait.ge @!p1 [sflag:s4], $0x1900  }
0xd8: {  	[sflag:s4] =	ssyncset.done @!p1 $0x0  }
0xd9: {  	[sflag:s4] =	ssyncadd.s32 @!p1 $0xFFFFE700  }
0xda: {  	[tilespmem:s8], [sflag:$0x4] =	stream.indirect.gather [hbm4b:s3+s28], $0x80, s25, s28, $0xb8;
	[tilespmem:$0x19320] =	vst v63  }
0xdb: {  	s19 =	simm.s32 $0x210;
	s18 =	simm.s32 $0x10B20  }
0xdc: {  	[tilespmem:s18], [sflag:$0x4] =	stream.indirect.gather [hbm4b:s3+s28], $0x80, s19, s28, $0xb8;
	[tilespmem:$0x19320] =	vst v63  }
0xdd: {  	s20 =	simm.s32 $0x290;
	s31 =	simm.s32 $0x14B20  }
0xde: {  	[tilespmem:s31], [sflag:$0x4] =	stream.indirect.gather [hbm4b:s3+s28], $0x80, s20, s28, $0xb8;
	[tilespmem:$0x19320] =	vst v63  }
0xdf: {  	s18 =	simm.s32 $0x310;
	s19 =	simm.s32 $0x18B20  }
0xe0: {  	[tilespmem:s19], [sflag:$0x4] =	stream.indirect.gather [hbm4b:s3+s1], $0x80, s18, s1, $0xb8;
	[tilespmem:$0x19320] =	vst v63  }
0xe1: {  	_ =	swait.ge [sflag:s15], $0x4000  }
0xe2: {  	[sflag:s15] =	ssyncset.done $0x0  }
0xe3: {  	[sflag:s15] =	ssyncadd.s32 $0xFFFFC000  }
0xe4: {  	_ =	swait.ge [sflag:s15], $0x4000  }
0xe5: {  	[sflag:s15] =	ssyncset.done $0x0  }
0xe6: {  	[sflag:s15] =	ssyncadd.s32 $0xFFFFC000  }
0xe7: {  	_ =	swait.ge [sflag:s15], $0x4000  }
0xe8: {  	[sflag:s15] =	ssyncset.done $0x0  }
0xe9: {  	[sflag:s15] =	ssyncadd.s32 $0xFFFFC000  }
0xea: {  	_ =	swait.ge [sflag:s15], $0x800  }
0xeb: {  	s20 =	rddreg [dreg:$0x9];
	[sflag:s15] =	ssyncset.done $0x0  }
0xec: {  	[sflag:s15] =	ssyncadd.s32 $0xFFFFF800;
	s4 =	sadd.s32 s14, s20  }
0xed: {  	[hbm4b:s4+s2] =	stream.linear.scatter [tilespmem:s29], [sflag:$0x5], $0x1900, $0x38;
	[tilespmem:$0x19320] =	vst v63  }
0xee: {  	s20 =	simm.s32 $0x1C20;
	s31 =	sadd.s32 $0x380, s4  }
0xef: {  	[hbm4b:s31+s2] =	stream.linear.scatter [tilespmem:s20], [sflag:$0x5], $0x1900, $0x38;
	[tilespmem:$0x19320] =	vst v63  }
0xf0: {  	s19 =	rddreg [dreg:$0xe];
	s18 =	sadd.s32 $0x700, s4;
	s31 =	simm.s32 $0x3520  }
0xf1: {  	[hbm4b:s18+s2] =	stream.linear.scatter [tilespmem:s31], [sflag:$0x5], $0x1900, $0x38;
	[tilespmem:$0x19320] =	vst v63  }
0xf2: {  	s20 =	rddreg [dreg:$0xd];
	s18 =	sadd.s32 s14, s19;
	s31 =	simm.s32 $0x4E20  }
0xf3: {  	[hbm4b:s18+s2] =	stream.linear.scatter [tilespmem:s31], [sflag:$0x5], $0x1900, $0x38;
	[tilespmem:$0x19320] =	vst v63  }
0xf4: {  	s19 =	rddreg [dreg:$0xc];
	s18 =	sadd.s32 s14, s20;
	s31 =	simm.s32 $0x6720  }
0xf5: {  	[hbm4b:s18+s2] =	stream.linear.scatter [tilespmem:s31], [sflag:$0x5], $0x1900, $0x38;
	[tilespmem:$0x19320] =	vst v63  }
0xf6: {  	s20 =	rddreg [dreg:$0xb];
	s18 =	sadd.s32 s14, s19;
	s31 =	simm.s32 $0x8020  }
0xf7: {  	[hbm4b:s18+s2] =	stream.linear.scatter [tilespmem:s31], [sflag:$0x5], $0x1900, $0x38;
	[tilespmem:$0x19320] =	vst v63  }
0xf8: {  	s20 =	sadd.s32 s14, s20;
	s19 =	rddreg [dreg:$0xa];
	s31 =	simm.s32 $0x9920  }
0xf9: {  	[hbm4b:s20+s2] =	stream.linear.scatter [tilespmem:s31], [sflag:$0x5], $0x1900, $0x38;
	[tilespmem:$0x19320] =	vst v63  }
0xfa: {  	s19 =	sadd.s32 s14, s19;
	s20 =	simm.s32 $0xB220  }
0xfb: {  	[hbm4b:s19+s2] =	stream.linear.scatter [tilespmem:s20], [sflag:$0x5], $0x1900, $0x38;
	[tilespmem:$0x19320] =	vst v63  }
0xfc: {  	_ = 	snop  }
0xfd: {  	[tilespmem:s2], [sflag:$0x1] =	stream.linear.gather [hbm4b:s12+s2], $0x190, $0x38;
	[tilespmem:$0x19320] =	vst v63  }
0xfe: {  	_ =	swait.ge [sflag:s26], $0x190  }
0xff: {  	[sflag:s26] =	ssyncset.done $0x0  }
0x100: {  	[sflag:s26] =	ssyncadd.s32 $0xFFFFFE70  }
0x101: {  	_ =	swait.ge [sflag:s24], $0x1900  }
0x102: {  	[sflag:s24] =	ssyncset.done $0x0  }
0x103: {  	[sflag:s24] =	ssyncadd.s32 $0xFFFFE700  }
0x104: {  	_ =	swait.ge [sflag:s24], $0x1900  }
0x105: {  	[sflag:s24] =	ssyncset.done $0x0  }
0x106: {  	[sflag:s24] =	ssyncadd.s32 $0xFFFFE700  }
0x107: {  	_ =	swait.ge [sflag:s24], $0x1900  }
0x108: {  	[sflag:s24] =	ssyncset.done $0x0  }
0x109: {  	[sflag:s24] =	ssyncadd.s32 $0xFFFFE700  }
0x10a: {  	_ =	swait.ge [sflag:s24], $0x1900  }
0x10b: {  	[sflag:s24] =	ssyncset.done $0x0  }
0x10c: {  	[sflag:s24] =	ssyncadd.s32 $0xFFFFE700  }
0x10d: {  	_ =	swait.ge [sflag:s24], $0x1900  }
0x10e: {  	[sflag:s24] =	ssyncset.done $0x0  }
0x10f: {  	[sflag:s24] =	ssyncadd.s32 $0xFFFFE700  }
0x110: {  	_ =	swait.ge [sflag:s24], $0x1900  }
0x111: {  	[sflag:s24] =	ssyncset.done $0x0  }
0x112: {  	[sflag:s24] =	ssyncadd.s32 $0xFFFFE700  }
0x113: {  	_ =	swait.ge [sflag:s24], $0x1900  }
0x114: {  	[sflag:s24] =	ssyncset.done $0x0  }
0x115: {  	[sflag:s24] =	ssyncadd.s32 $0xFFFFE700  }
0x116: {  	_ =	swait.ge [sflag:s24], $0x1900  }
0x117: {  	[sflag:s24] =	ssyncset.done $0x0  }
0x118: {  	[sflag:s24] =	ssyncadd.s32 $0xFFFFE700  }
0x119: {  	[tilespmem:s29], [sflag:$0x3] =	stream.indirect.gather [hbm4b:s3+s28], $0x80, s2, s28, $0xb8;
	[tilespmem:$0x19320] =	vst v63  }
0x11a: {  	_ = 	snop  }
0x11b: {  	[tilespmem:s21], [sflag:$0x3] =	stream.indirect.gather [hbm4b:s3+s28], $0x80, s28, s28, $0xb8;
	[tilespmem:$0x19320] =	vst v63  }
0x11c: {  	_ = 	snop  }
0x11d: {  	[tilespmem:s23], [sflag:$0x3] =	stream.indirect.gather [hbm4b:s3+s28], $0x80, s22, s28, $0xb8;
	[tilespmem:$0x19320] =	vst v63  }
0x11e: {  	_ = 	snop  }
0x11f: {  	[tilespmem:s30], [sflag:$0x3] =	stream.indirect.gather [hbm4b:s3+s1], $0x80, s17, s1, $0xb8;
	[tilespmem:$0x19320] =	vst v63  }
0x120: {  	_ =	swait.ge [sflag:s16], $0x4000  }
0x121: {  	[sflag:s16] =	ssyncset.done $0x0  }
0x122: {  	[sflag:s16] =	ssyncadd.s32 $0xFFFFC000  }
0x123: {  	_ =	swait.ge [sflag:s16], $0x4000  }
0x124: {  	[sflag:s16] =	ssyncset.done $0x0  }
0x125: {  	[sflag:s16] =	ssyncadd.s32 $0xFFFFC000  }
0x126: {  	_ =	swait.ge [sflag:s16], $0x4000  }
0x127: {  	[sflag:s16] =	ssyncset.done $0x0  }
0x128: {  	[sflag:s16] =	ssyncadd.s32 $0xFFFFC000  }
0x129: {  	_ =	swait.ge [sflag:s16], $0x800  }
0x12a: {  	[sflag:s16] =	ssyncset.done $0x0  }
0x12b: {  	s31 =	sadd.s32 $0x1C00, s4;
	[sflag:s16] =	ssyncadd.s32 $0xFFFFF800  }
0x12c: {  	[hbm4b:s31+s2] =	stream.linear.scatter [tilespmem:s8], [sflag:$0x6], $0x1900, $0x38;
	[tilespmem:$0x19320] =	vst v63  }
0x12d: {  	s4 =	sadd.s32 $0x1F80, s4;
	s18 =	rddreg [dreg:$0x8];
	s31 =	simm.s32 $0xE420  }
0x12e: {  	[hbm4b:s4+s2] =	stream.linear.scatter [tilespmem:s31], [sflag:$0x6], $0x1900, $0x38;
	[tilespmem:$0x19320] =	vst v63  }
0x12f: {  	s20 =	rddreg [dreg:$0x7];
	s4 =	sadd.s32 s14, s18;
	s31 =	simm.s32 $0xFD20  }
0x130: {  	[hbm4b:s4+s2] =	stream.linear.scatter [tilespmem:s31], [sflag:$0x6], $0x1900, $0x38;
	[tilespmem:$0x19320] =	vst v63  }
0x131: {  	s19 =	rddreg [dreg:$0x6];
	s4 =	sadd.s32 s14, s20;
	s31 =	simm.s32 $0x11620  }
0x132: {  	[hbm4b:s4+s2] =	stream.linear.scatter [tilespmem:s31], [sflag:$0x6], $0x1900, $0x38;
	[tilespmem:$0x19320] =	vst v63  }
0x133: {  	s10 =	sadd.s32 $0x3800, s10;
	s19 =	sadd.s32 s14, s19;
	s18 =	rddreg [dreg:$0x5]  }
0x134: {  	[hbm4b:s19+s2] =	stream.linear.scatter [tilespmem:s0], [sflag:$0x6], $0x1900, $0x38;
	[tilespmem:$0x19320] =	vst v63  }
0x135: {  	p0 =	sne.s32 s10, $0x6C800;
	s18 =	sadd.s32 s14, s18  }
0x136: {  	[hbm4b:s18+s2] =	stream.linear.scatter [tilespmem:s5], [sflag:$0x6], $0x1900, $0x38;
	[tilespmem:$0x19320] =	vst v63  }
.Ltmp0:
0x137: {  	s20 =	rddreg [dreg:$0x4];
	(pc) =	sbr.rel @p0 .LBB2_2-.Ltmp0, $4  }
0x138: {  	s13 =	smov.u32 s11;
	s20 =	sadd.s32 s14, s20;
	s31 =	rddreg [dreg:$0x3]  }
0x139: {  	[hbm4b:s20+s2] =	stream.linear.scatter [tilespmem:s6], [sflag:$0x6], $0x1900, $0x38;
	[tilespmem:$0x19320] =	vst v63  }
0x13a: {  	s11 =	sadd.s32 $0x64, s11;
	s12 =	sadd.s32 $0x64, s12;
	s31 =	sadd.s32 s14, s31  }
0x13b: {  	[hbm4b:s31+s2] =	stream.linear.scatter [tilespmem:s9], [sflag:$0x6], $0x1900, $0x38;
	[tilespmem:$0x19320] =	vst v63  }
0x13c: {  	[tilespmem:s25], [sflag:$0x2] =	stream.linear.gather [hbm4b:s13+s2], $0x190, $0x38;
	[tilespmem:$0x19320] =	vst v63  }
0x13d: {  	_ =	swait.ge [sflag:s7], $0x190  }
0x13e: {  	[sflag:s7] =	ssyncset.done $0x0  }
0x13f: {  	s11 =	simm.s32 $0x6;
	[sflag:s7] =	ssyncadd.s32 $0xFFFFFE70  }
0x140: {  	_ =	swait.ge [sflag:s11], $0x1900  }
0x141: {  	[sflag:s11] =	ssyncset.done $0x0  }
0x142: {  	[sflag:s11] =	ssyncadd.s32 $0xFFFFE700  }
0x143: {  	_ =	swait.ge [sflag:s11], $0x1900  }
0x144: {  	[sflag:s11] =	ssyncset.done $0x0  }
0x145: {  	[sflag:s11] =	ssyncadd.s32 $0xFFFFE700  }
0x146: {  	_ =	swait.ge [sflag:s11], $0x1900  }
0x147: {  	[sflag:s11] =	ssyncset.done $0x0  }
0x148: {  	[sflag:s11] =	ssyncadd.s32 $0xFFFFE700  }
0x149: {  	_ =	swait.ge [sflag:s11], $0x1900  }
0x14a: {  	[sflag:s11] =	ssyncset.done $0x0  }
0x14b: {  	[sflag:s11] =	ssyncadd.s32 $0xFFFFE700  }
0x14c: {  	_ =	swait.ge [sflag:s11], $0x1900  }
0x14d: {  	[sflag:s11] =	ssyncset.done $0x0  }
0x14e: {  	[sflag:s11] =	ssyncadd.s32 $0xFFFFE700  }
0x14f: {  	_ =	swait.ge [sflag:s11], $0x1900  }
0x150: {  	[sflag:s11] =	ssyncset.done $0x0  }
0x151: {  	[sflag:s11] =	ssyncadd.s32 $0xFFFFE700  }
0x152: {  	_ =	swait.ge [sflag:s11], $0x1900  }
0x153: {  	[sflag:s11] =	ssyncset.done $0x0  }
0x154: {  	[sflag:s11] =	ssyncadd.s32 $0xFFFFE700  }
0x155: {  	_ =	swait.ge [sflag:s11], $0x1900  }
0x156: {  	[sflag:s11] =	ssyncset.done $0x0  }
0x157: {  	[sflag:s11] =	ssyncadd.s32 $0xFFFFE700  }
0x158: {  	[tilespmem:s8], [sflag:$0x4] =	stream.indirect.gather [hbm4b:s3+s28], $0x80, s25, s28, $0xb8;
	[tilespmem:$0x19320] =	vst v63  }
0x159: {  	s4 =	simm.s32 $0x210;
	s10 =	simm.s32 $0x10B20  }
0x15a: {  	[tilespmem:s10], [sflag:$0x4] =	stream.indirect.gather [hbm4b:s3+s28], $0x80, s4, s28, $0xb8;
	[tilespmem:$0x19320] =	vst v63  }
0x15b: {  	s13 =	simm.s32 $0x290;
	s14 =	simm.s32 $0x14B20  }
0x15c: {  	[tilespmem:s14], [sflag:$0x4] =	stream.indirect.gather [hbm4b:s3+s28], $0x80, s13, s28, $0xb8;
	[tilespmem:$0x19320] =	vst v63  }
0x15d: {  	s17 =	simm.s32 $0x310;
	s18 =	simm.s32 $0x18B20  }
0x15e: {  	[tilespmem:s18], [sflag:$0x4] =	stream.indirect.gather [hbm4b:s3+s1], $0x80, s17, s1, $0xb8;
	[tilespmem:$0x19320] =	vst v63  }
0x15f: {  	_ =	swait.ge [sflag:s15], $0x4000  }
0x160: {  	[sflag:s15] =	ssyncset.done $0x0  }
0x161: {  	[sflag:s15] =	ssyncadd.s32 $0xFFFFC000  }
0x162: {  	_ =	swait.ge [sflag:s15], $0x4000  }
0x163: {  	[sflag:s15] =	ssyncset.done $0x0  }
0x164: {  	[sflag:s15] =	ssyncadd.s32 $0xFFFFC000  }
0x165: {  	_ =	swait.ge [sflag:s15], $0x4000  }
0x166: {  	[sflag:s15] =	ssyncset.done $0x0  }
0x167: {  	[sflag:s15] =	ssyncadd.s32 $0xFFFFC000  }
0x168: {  	_ =	swait.ge [sflag:s15], $0x800  }
0x169: {  	[sflag:s15] =	ssyncset.done $0x0  }
0x16a: {  	s19 =	rddreg [dreg:$0x11];
	[sflag:s15] =	ssyncadd.s32 $0xFFFFF800  }
0x16b: {  	[hbm4b:s19+s2] =	stream.linear.scatter [tilespmem:s29], [sflag:$0x5], $0x1900, $0x38;
	[tilespmem:$0x19320] =	vst v63  }
0x16c: {  	s31 =	simm.s32 $0x1C20;
	s20 =	rddreg [dreg:$0x12]  }
0x16d: {  	[hbm4b:s20+s2] =	stream.linear.scatter [tilespmem:s31], [sflag:$0x5], $0x1900, $0x38;
	[tilespmem:$0x19320] =	vst v63  }
0x16e: {  	s13 =	simm.s32 $0x3520;
	s12 =	rddreg [dreg:$0x13]  }
0x16f: {  	[hbm4b:s12+s2] =	stream.linear.scatter [tilespmem:s13], [sflag:$0x5], $0x1900, $0x38;
	[tilespmem:$0x19320] =	vst v63  }
0x170: {  	s17 =	simm.s32 $0x4E20;
	s14 =	rddreg [dreg:$0x14]  }
0x171: {  	[hbm4b:s14+s2] =	stream.linear.scatter [tilespmem:s17], [sflag:$0x5], $0x1900, $0x38;
	[tilespmem:$0x19320] =	vst v63  }
0x172: {  	s18 =	rddreg [dreg:$0x15];
	s19 =	simm.s32 $0x6720  }
0x173: {  	[hbm4b:s18+s2] =	stream.linear.scatter [tilespmem:s19], [sflag:$0x5], $0x1900, $0x38;
	[tilespmem:$0x19320] =	vst v63  }
0x174: {  	s20 =	rddreg [dreg:$0x16];
	s31 =	simm.s32 $0x8020  }
0x175: {  	[hbm4b:s20+s2] =	stream.linear.scatter [tilespmem:s31], [sflag:$0x5], $0x1900, $0x38;
	[tilespmem:$0x19320] =	vst v63  }
0x176: {  	s10 =	rddreg [dreg:$0x17];
	s12 =	simm.s32 $0x9920  }
0x177: {  	[hbm4b:s10+s2] =	stream.linear.scatter [tilespmem:s12], [sflag:$0x5], $0x1900, $0x38;
	[tilespmem:$0x19320] =	vst v63  }
0x178: {  	s13 =	rddreg [dreg:$0x18];
	s14 =	simm.s32 $0xB220  }
0x179: {  	[hbm4b:s13+s2] =	stream.linear.scatter [tilespmem:s14], [sflag:$0x5], $0x1900, $0x38;
	[tilespmem:$0x19320] =	vst v63  }
0x17a: {  	_ =	swait.ge [sflag:s16], $0x4000  }
0x17b: {  	[sflag:s16] =	ssyncset.done $0x0  }
0x17c: {  	[sflag:s16] =	ssyncadd.s32 $0xFFFFC000  }
0x17d: {  	_ =	swait.ge [sflag:s16], $0x4000  }
0x17e: {  	[sflag:s16] =	ssyncset.done $0x0  }
0x17f: {  	[sflag:s16] =	ssyncadd.s32 $0xFFFFC000  }
0x180: {  	_ =	swait.ge [sflag:s16], $0x4000  }
0x181: {  	[sflag:s16] =	ssyncset.done $0x0  }
0x182: {  	[sflag:s16] =	ssyncadd.s32 $0xFFFFC000  }
0x183: {  	_ =	swait.ge [sflag:s16], $0x800  }
0x184: {  	[sflag:s16] =	ssyncset.done $0x0;
	s17 =	rddreg [dreg:$0x19]  }
0x185: {  	s18 =	rddreg [dreg:$0x1a];
	[sflag:s16] =	ssyncadd.s32 $0xFFFFF800  }
0x186: {  	[hbm4b:s17+s2] =	stream.linear.scatter [tilespmem:s8], [sflag:$0x6], $0x1900, $0x38;
	[tilespmem:$0x19320] =	vst v63  }
0x187: {  	s19 =	simm.s32 $0xE420;
	s20 =	rddreg [dreg:$0x1d]  }
0x188: {  	[hbm4b:s18+s2] =	stream.linear.scatter [tilespmem:s19], [sflag:$0x6], $0x1900, $0x38;
	[tilespmem:$0x19320] =	vst v63  }
0x189: {  	s31 =	simm.s32 $0xFD20;
	s12 =	rddreg [dreg:$0x1e]  }
0x18a: {  	[hbm4b:s20+s2] =	stream.linear.scatter [tilespmem:s31], [sflag:$0x6], $0x1900, $0x38;
	[tilespmem:$0x19320] =	vst v63  }
0x18b: {  	s13 =	simm.s32 $0x11620;
	s14 =	rddreg [dreg:$0x1f]  }
0x18c: {  	[hbm4b:s12+s2] =	stream.linear.scatter [tilespmem:s13], [sflag:$0x6], $0x1900, $0x38;
	[tilespmem:$0x19320] =	vst v63  }
0x18d: {  	s17 =	sld [smem:$0x7FA]  }
0x18e: {  	[hbm4b:s14+s2] =	stream.linear.scatter [tilespmem:s0], [sflag:$0x6], $0x1900, $0x38;
	[tilespmem:$0x19320] =	vst v63  }
0x18f: {  	s18 =	sld [smem:$0x7FB]  }
0x190: {  	[hbm4b:s17+s2] =	stream.linear.scatter [tilespmem:s5], [sflag:$0x6], $0x1900, $0x38;
	[tilespmem:$0x19320] =	vst v63  }
0x191: {  	s19 =	sld [smem:$0x7FC]  }
0x192: {  	[hbm4b:s18+s2] =	stream.linear.scatter [tilespmem:s6], [sflag:$0x6], $0x1900, $0x38;
	[tilespmem:$0x19320] =	vst v63  }
0x193: {  	_ = 	snop  }
0x194: {  	[hbm4b:s19+s2] =	stream.linear.scatter [tilespmem:s9], [sflag:$0x6], $0x1900, $0x38;
	[tilespmem:$0x19320] =	vst v63  }
0x195: {  	_ =	swait.ge [sflag:s24], $0x1900  }
0x196: {  	[sflag:s24] =	ssyncset.done $0x0  }
0x197: {  	[sflag:s24] =	ssyncadd.s32 $0xFFFFE700  }
0x198: {  	_ =	swait.ge [sflag:s24], $0x1900  }
0x199: {  	[sflag:s24] =	ssyncset.done $0x0  }
0x19a: {  	[sflag:s24] =	ssyncadd.s32 $0xFFFFE700  }
0x19b: {  	_ =	swait.ge [sflag:s24], $0x1900  }
0x19c: {  	[sflag:s24] =	ssyncset.done $0x0  }
0x19d: {  	[sflag:s24] =	ssyncadd.s32 $0xFFFFE700  }
0x19e: {  	_ =	swait.ge [sflag:s24], $0x1900  }
0x19f: {  	[sflag:s24] =	ssyncset.done $0x0  }
0x1a0: {  	[sflag:s24] =	ssyncadd.s32 $0xFFFFE700  }
0x1a1: {  	_ =	swait.ge [sflag:s24], $0x1900  }
0x1a2: {  	[sflag:s24] =	ssyncset.done $0x0  }
0x1a3: {  	[sflag:s24] =	ssyncadd.s32 $0xFFFFE700  }
0x1a4: {  	_ =	swait.ge [sflag:s24], $0x1900  }
0x1a5: {  	[sflag:s24] =	ssyncset.done $0x0  }
0x1a6: {  	[sflag:s24] =	ssyncadd.s32 $0xFFFFE700  }
0x1a7: {  	_ =	swait.ge [sflag:s24], $0x1900  }
0x1a8: {  	[sflag:s24] =	ssyncset.done $0x0  }
0x1a9: {  	[sflag:s24] =	ssyncadd.s32 $0xFFFFE700  }
0x1aa: {  	_ =	swait.ge [sflag:s24], $0x1900  }
0x1ab: {  	[sflag:s24] =	ssyncset.done $0x0  }
0x1ac: {  	[sflag:s24] =	ssyncadd.s32 $0xFFFFE700  }
0x1ad: {  	_ =	swait.ge [sflag:s11], $0x1900  }
0x1ae: {  	[sflag:s11] =	ssyncset.done $0x0  }
0x1af: {  	[sflag:s11] =	ssyncadd.s32 $0xFFFFE700  }
0x1b0: {  	_ =	swait.ge [sflag:s11], $0x1900  }
0x1b1: {  	[sflag:s11] =	ssyncset.done $0x0  }
0x1b2: {  	[sflag:s11] =	ssyncadd.s32 $0xFFFFE700  }
0x1b3: {  	_ =	swait.ge [sflag:s11], $0x1900  }
0x1b4: {  	[sflag:s11] =	ssyncset.done $0x0  }
0x1b5: {  	[sflag:s11] =	ssyncadd.s32 $0xFFFFE700  }
0x1b6: {  	_ =	swait.ge [sflag:s11], $0x1900  }
0x1b7: {  	[sflag:s11] =	ssyncset.done $0x0  }
0x1b8: {  	[sflag:s11] =	ssyncadd.s32 $0xFFFFE700  }
0x1b9: {  	_ =	swait.ge [sflag:s11], $0x1900  }
0x1ba: {  	[sflag:s11] =	ssyncset.done $0x0  }
0x1bb: {  	[sflag:s11] =	ssyncadd.s32 $0xFFFFE700  }
0x1bc: {  	_ =	swait.ge [sflag:s11], $0x1900  }
0x1bd: {  	[sflag:s11] =	ssyncset.done $0x0  }
0x1be: {  	[sflag:s11] =	ssyncadd.s32 $0xFFFFE700  }
0x1bf: {  	_ =	swait.ge [sflag:s11], $0x1900  }
0x1c0: {  	[sflag:s11] =	ssyncset.done $0x0  }
0x1c1: {  	[sflag:s11] =	ssyncadd.s32 $0xFFFFE700  }
0x1c2: {  	_ =	swait.ge [sflag:s11], $0x1900  }
0x1c3: {  	s20 =	sld [smem:$0x7F9]  }
0x1c4: {  	s31 =	sld [smem:$0x7FD];
	_ =	sdelay $0x1  }
0x1c5: {  	s10 =	sadd.s32 $0x1, s20  }
0x1c6: {  	p0 =	sne.s32 s10, s31  }
.Ltmp1:
0x1c7: {  	_ = 	snop;
	(pc) =	sbr.rel @p0 .LBB2_1-.Ltmp1, $4  }
0x1c8: {  	_ = 	snop  }
0x1c9: {  	s13 =	simm.s32 $0x4320  }
0x1ca: {  	s14 =	simm.s32 $0x100;
	s17 =	simm.s32 $0x180;
	[sflag:s11] =	ssyncset.done $0x0  }
0x1cb: {  	s18 =	simm.s32 $0x8320;
	s19 =	simm.s32 $0xC320;
	[sflag:s11] =	ssyncadd.s32 $0xFFFFE700  }
0x1cc: {  	_ =	sfence.sel $0x180000  }
0x1cd: {  	[bflag:$0x0] =	sbarrier.arrive $0xFFFF  }
0x1ce: {  	_ =	strace $0x9000004A  }
0x1cf: {  	s0 =	stileid.u32;
	[bflag:$0x2] =	sbarrier.arrive $0xFFFF  }
0x1d0: {  	p0 =	sne.s32 s0, $0x0;
	s0 =	rddreg [dreg:$0x2]  }
0x1d1: {  	s0 =	sadd.s32 @!p0 $0x100000, s0  }
0x1d2: {  	[sflag:s0] =	ssyncadd.tile.s32 @!p0 $0x1;
	_ =	shalt  }
.Lfunc_end2:
_tile_overlayer_lowered:
.L_overlay_start_2:
0x1d3: {  	(tag) =	ssettag $0x2  }
0x1d4: {  	s0 =	rddreg [dreg:$0x0];
	s2 =	stileid.u32  }
0x1d5: {  	s1 =	rddreg [dreg:$0x1];
	p0 =	sne.s32 s2, $0x0  }
0x1d6: {  	s3 =	rddreg [dreg:$0x2];
	[bflag:$0x3] =	sbarrier.arrive $0xFFFF;
	s2 =	simm.s32 @!p0 $0x1C07  }
0x1d7: {  	[timem:s3], [sflag:s2] =	dma.local @!p0 [hbm:s0], s1  }
0x1d8: {  	s0 =	simm.s32 @!p0 $0x7  }
0x1d9: {  	_ =	swait.ge @!p0 [sflag:s0], s1  }
0x1da: {  	s1 =	ssub.s32 @!p0 $0x0, s1;
	[sflag:s0] =	ssyncset.done @!p0 $0x0  }
0x1db: {  	[sflag:s0] =	ssyncadd.s32 @!p0 s1  }
0x1dc: {  	[bflag:$0x3] =	sbarrier.arrive $0xFFFF  }
0x1dd: {  	_ =	shalt  }

// kernel: sparse-core-data-format-call.1.cloned.1.call-start
scs
called_computation.1_lowered:
.L_overlay_start_0:
0x0: {  	s1 =	sld [smem:$0x3FD9]  }
0x1: {  	s2 =	sld [smem:$0x3FFE];
	_ =	sdelay $0x1  }
0x2: {  	s3 =	srdreg.scid  }
0x3: {  	s0 =	sand.u32 $0x1, s3  }
0x4: {  	s17 =	sshll.u32 s0, $0xA;
	s1 =	sadd.s32 s2, s1  }
0x5: {  	s1 =	sadd.s32 s1, s17  }
0x6: {  	[smem:$0x3FC6] =	sst s1  }
0x7: {  	_ = 	snop  }
0x8: {  	(tm) =	ssettm $0x1  }
0x9: {  	s18 =	sld [smem:$0x3FFB];
	_ =	sdelay $0x3  }
0xa: {  	_ =	strace s18  }
0xb: {  	s1 =	sld [smem:$0x3FFC];
	_ =	sdelay $0x3  }
0xc: {  	_ =	strace s1  }
0xd: {  	s1 =	sld [smem:$0x3FFD];
	_ =	sdelay $0x3  }
0xe: {  	_ =	strace s1  }
0xf: {  	_ =	strace $0x8FFFFFFF  }
0x10: {  	s19 =	sld [smem:$0x3FDB];
	_ =	sdelay $0x1  }
0x11: {  	s20 =	simm.s32 $_scs_section_size  }
0x12: {  	s4 =	simm.s32 $_size__tile_overlayer_lowered;
	s5 =	simm.s32 $_tile_overlayer_lowered  }
0x13: {  	s23 =	simm.s32 $0x1BFF;
	s22 =	sshll.u32 s5, $0x1;
	s1 =	sadd.s32 s20, s19  }
0x14: {  	s6 =	simm.s32 $0x0;
	s21 =	sshll.u32 s4, $0x1;
	s4 =	sadd.s32 s22, s1  }
0x15: {  	[timem:s6], [sflag:s23] =	dma.local [hbm:s4], s21  }
0x16: {  	_ =	swait.ge [sflag:s23], s21  }
0x17: {  	s2 =	ssub.s32 $0x0, s21;
	[sflag:s23] =	ssyncset.done $0x0  }
0x18: {  	[sflag:s23] =	ssyncadd.s32 s2;
	_ =	sdelay $0x1  }
0x19: {  	s24 =	simm.s32 $0x1B8B  }
0x1a: {  	_ =	swait.ge [sflag:s24], $0x1  }
0x1b: {  	[sflag:s24] =	ssyncset.done $0x0  }
0x1c: {  	s26 =	simm.s32 $0x1B8E;
	s25 =	sld [smem:$0x3FFE];
	[sflag:s24] =	ssyncadd.s32 $0xFFFFFFFF  }
0x1d: {  	s27 =	simm.s32 $execute0_lowered;
	[smem:$0x3FD2] =	sst s26  }
0x1e: {  	s4 =	sshll.u32 s27, $0x1;
	_ =	strace $0x80000046;
	[dreg:$0x1] =	wrdreg $0xFFFFFFFF  }
0x1f: {  	s28 =	simm.s32 $_size_execute0_lowered;
	s1 =	sadd.s32 s1, s4;
	[dreg:$0x0] =	wrdreg $0x0  }
0x20: {  	s4 =	sshll.u32 s28, $0x1;
	[dreg:$0x2] =	wrdreg s1  }
0x21: {  	[dreg:$0x3] =	wrdreg s4  }
0x22: {  	[dreg:$0x4] =	wrdreg $0xC0  }
0x23: {  	_ =	task [dreg:s6], $0x5FFFF  }
0x24: {  	[dreg:$0x1] =	wrdreg $0xFFFFFFFF  }
0x25: {  	[dreg:$0x0] =	wrdreg $0x60  }
0x26: {  	[dreg:$0x2] =	wrdreg s25  }
0x27: {  	[dreg:$0x3] =	wrdreg $0x9  }
0x28: {  	_ =	task.clear_ibuf [dreg:s6], $0x4FFFF;
	_ =	strace $0x90000046  }
0x29: {  	s29 =	simm.s32 $0x9;
	_ =	strace $0x80000048  }
0x2a: {  	_ =	swait.ge [sflag:s29], $0x1  }
0x2b: {  	[sflag:s29] =	ssyncadd.s32 $0xFFFFFFFF  }
0x2c: {  	_ =	strace $0x90000048  }
0x2d: {  	_ =	sfence  }
0x2e: {  	s30 =	sld [smem:$0x0];
	_ =	sdelay $0x2  }
0x2f: {  	s31 =	sshll.u32 s3, $0xD;
	s3 =	sshrl.u32 s3, $0x2  }
0x30: {  	s2 =	sand.u32 $0x4000, s31;
	s1 =	sadd.s32 s3, s30  }
0x31: {  	s0 =	sor.u32 s2, s0;
	s1 =	sshll.u32 s1, $0x11  }
0x32: {  	s0 =	sor.u32 s1, s0  }
0x33: {  	s0 =	sadd.s32 $0x8F2B, s0  }
0x34: {  	[sflag:s0] =	ssyncadd.remote.s32 $0x1  }
0x35: {  	_ =	sfence.sel $0xFFFF  }
0x36: {  	[dreg:$0x0] =	wrdreg $0xFFFFFFFF;
	(pc) =	sbr.abs _section_cstart, $3  }
0x37: {  	[dreg:$0x1] =	wrdreg $0xFFFFFFFF  }
0x38: {  	_ =	task.clear_ibuf [dreg:s6], $0x2FFFF;
	_ =	strace $0x9FFFFFFF  }
0x39: {  	(tm) =	ssettm $0x7FFFFFFF  }
tec
execute0_lowered:
.L_overlay_start_1:
0x0: {  	(tag) =	ssettag $0x1  }
0x1: {  	s0 =	srdreg.scid  }
0x2: {  	s4 =	rddreg [dreg:$0x0];
	s1 =	stileid.u32  }
0x3: {  	s5 =	simm.s32 $0x1;
	s7 =	simm.s32 $0x2;
	s14 =	simm.s32 $0x0  }
0x4: {  	p0 =	por $0x0, $0x0;
	s13 =	simm.s32 $0x0;
	s0 =	sshll.u32 s0, $0x4  }
0x5: {  	s8 =	simm.s32 $0x0;
	s9 =	simm.s32 $0x0;
	s2 =	sand.u32 $0x10, s0  }
.Ltmp0:
0x6: {  	s11 =	simm.s32 $0x0;
	s3 =	sor.u32 s1, s2;
	(pc) =	sbr.rel .LBB1_1-.Ltmp0, $4  }
0x7: {  	s12 =	simm.s32 $0x0;
	s0 =	rddreg [dreg:$0x1];
	s3 =	sshll.u32 s3, $0x7  }
0x8: {  	_ =	strace $0x80000047;
	s2 =	sadd.s32 $0xE00, s4;
	s6 =	ssub.s32 $0xF4200, s3  }
0x9: {  	s4 =	sadd.s32 $0xF43600, s4;
	[sflag:s5] =	ssyncpa.u1 $0x0;
	s6 =	sshrl.u32 s6, $0xC  }
0xa: {  	[sflag:s7] =	ssyncpa.u1 $0x0;
	s10 =	smov.u32 s3;
	s7 =	sadd.s32 $0x2, s6  }
.LBB1_5:
0xb: {  	p1 =	slt.u32 s12, $0x2  }
0xc: {  	p2 =	sgt.s32 @!p1 s14, $0xF41C0  }
0xd: {  	s15 =	smov.u32 s14;
	s16 =	sshra.s32 @!p1 s14, $0x1F;
	p2 =	por !p2, p1  }
0xe: {  	s14 =	sand.u32 @!p1 s16, s14;
	s15 =	simm.s32 @p2 $0xF41C0  }
0xf: {  	s14 =	ssub.s32 @!p1 s15, s14;
	s15 =	ssub.s32 @!p1 $0x0, s13  }
0x10: {  	s17 =	smov.u32 s11;
	s16 =	sadd.s32 @!p1 $0xFFF0BE40, s14;
	s13 =	smin.u32 @!p1 s13, s15  }
0x11: {  	s14 =	ssub.s32 @!p1 $0xF4240, s14;
	p2 =	sgt.s32 @!p1 s16, $0x7F;
	p3 =	sgt.s32 @!p1 s13, $0x7F  }
0x12: {  	s13 =	ssub.s32 @!p1 $0x80, s13;
	p2 =	por !p2, p1;
	p3 =	por !p3, p1  }
0x13: {  	s15 =	sadd.s32 $0x1000, s10;
	s14 =	simm.s32 @!p2 $0x0;
	s13 =	simm.s32 @!p3 $0x0  }
0x14: {  	p2 =	sgt.s32 s15, $0xF423F;
	s13 =	smul.u32 @!p1 s13, s14;
	s14 =	sadd.s32 $0x80, s11  }
0x15: {  	s17 =	smov.u32 @p2 s14  }
0x16: {  	s15 =	smov.u32 @p2 s3;
	p2 =	sgt.s32 s17, $0x7F  }
0x17: {  	s17 =	simm.s32 @p2 $0x0;
	p2 =	sne.s32 s12, s7  }
.Ltmp1:
0x18: {  	p0 =	por !p0, !p0;
	s16 =	simm.s32 @!p1 $0x2;
	(pc) =	sbr.rel @!p2 .LBB1_6-.Ltmp1, $4  }
0x19: {  	s14 =	smov.u32 s8;
	s8 =	smov.u32 s10;
	s13 =	sand.u32 @!p1 $0x3FFFFFFF, s13  }
0x1a: {  	s10 =	smov.u32 s15;
	_ =	swait.ge @!p1 [sflag:s16], s13;
	s18 =	ssub.s32 @!p1 $0x0, s13  }
0x1b: {  	s13 =	smov.u32 s9;
	s12 =	sadd.s32 $0x1, s12;
	[sflag:s16] =	ssyncset.done @!p1 $0x0  }
0x1c: {  	s9 =	smov.u32 s11;
	s11 =	smov.u32 s17;
	[sflag:s16] =	ssyncadd.s32 @!p1 s18  }
.LBB1_1:
0x1d: {  	p1 =	sgt.u32 s12, s6  }
0x1e: {  	s15 =	sshrl.u32 @!p1 s11, $0x3  }
0x1f: {  	s16 =	sshll.u32 @!p1 s10, $0x3;
	s15 =	smul.u32 @!p1 $0x7A1400, s15  }
0x20: {  	s17 =	sshll.u32 @!p1 s11, $0x7;
	s16 =	sand.u32 @!p1 $0xFFFFFC00, s16  }
0x21: {  	s15 =	sadd.s32 @!p1 s15, s16;
	s16 =	sand.u32 @!p1 $0x380, s17  }
0x22: {  	s17 =	sand.u32 @!p1 $0x7F, s10;
	s15 =	sor.u32 @!p1 s16, s15  }
0x23: {  	s16 =	sor.u32 @!p1 s17, s15  }
0x24: {  	s17 =	smulhi.u32 @!p1 $0x218D6287, s16;
	_ =	sdelay $0x1  }
0x25: {  	s15 =	smulhi.u32 @!p1 $0x218D6287, s15;
	s17 =	sshrl.u32 @!p1 s17, $0x11  }
0x26: {  	s17 =	smul.u32 @!p1 $0xF4280, s17  }
0x27: {  	s18 =	sxor.u32 @!p1 $0xFFFFFFFF, s12;
	s15 =	sshrl.u32 @!p1 s15, $0x11  }
0x28: {  	s18 =	sshll.u32 @!p1 s18, $0xE;
	s15 =	sand.u32 @!p1 $0x7F, s15;
	s16 =	ssub.s32 @!p1 s16, s17  }
0x29: {  	s15 =	smul.u32 @!p1 $0x1E850, s15;
	s17 =	sshrl.u32 @!p1 s16, $0x3;
	s16 =	sand.u32 @!p1 $0x7, s16  }
0x2a: {  	s18 =	sand.u32 @!p1 $0x4000, s18;
	s17 =	sadd.s32 @!p1 s2, s17;
	s16 =	sshll.u32 @!p1 s16, $0x12  }
0x2b: {  	s15 =	sadd.s32 @!p1 s15, s17;
	s16 =	sor.u32 @!p1 $0x400, s16;
	s17 =	simm.s32 @!p1 $0x7A1400  }
0x2c: {  	[tilespmem:s18], [sflag:$0x1] =	stream.strided.gather @!p1 [hbm4b:s15+s16], $0x4000, s17, s16, $0x38;
	[tilespmem:$0x10100] =	vst v63  }
0x2d: {  	p1 =	seq.s32 s12, $0x0  }
0x2e: {  	p2 =	sge.u32 @!p1 s12, s7  }
0x2f: {  	p1 =	por p1, p2  }
.Ltmp2:
0x30: {  	_ = 	snop;
	(pc) =	sbr.rel @p1 .LBB1_5-.Ltmp2, $1  }
0x31: {  	_ =	sdelay $0x3  }
0x32: {  	s15 =	simm.s32 $0x1  }
0x33: {  	_ =	swait.ge [sflag:s5], $0x4000;
	s15 =	simm.s32 @!p0 $0x0  }
0x34: {  	[sflag:s5] =	ssyncset.done $0x0;
	s16 =	sshll.u32 s15, $0xE  }
0x35: {  	[sflag:s5] =	ssyncadd.s32 $0xFFFFC000;
	s16 =	sor.u32 $0x40, s16  }
0x36: {  	s15 =	smul.u32 $0x10200, s15;
	v0 =	vld [tilespmem:s16+$0x30]  }
0x37: {  	v1 =	vld [tilespmem:s16+$0xFFFFFFD0]  }
0x38: {  	s15 =	sshrl.u32 s15, $0x2;
	v5 =	vld [tilespmem:s16+$0xFFFFFFE0]  }
0x39: {  	v6 =	vld [tilespmem:s16+$0xFFFFFFF0];
	s18 =	sor.u32 $0x8000, s15  }
0x3a: {  	s31 =	sand.u32 $0x1, s12;
	v4 =	vld [tilespmem:s16+$0x0];
	s17 =	sadd.s32 $0x0, s18  }
0x3b: {  	v3 =	vld [tilespmem:s16+$0x10];
	s15 =	smul.u32 $0x10200, s31;
	[tilespmem:s17+$0x3870 ss:$0x81] =	vst.msk $0xffff, v0  }
0x3c: {  	v2 =	vld [tilespmem:s16+$0x20];
	[tilespmem:s17+$0x810 ss:$0x81] =	vst.msk $0xffff, v1  }
0x3d: {  	s15 =	sshrl.u32 s15, $0x2;
	v0 =	vld [tilespmem:s16+$0xFFFFFFC0];
	[tilespmem:s17+$0x1020 ss:$0x81] =	vst.msk $0xffff, v5;
	s16 =	sadd.s32 $0x80, s16  }
0x3e: {  	s19 =	simm.s32 $0x4;
	s20 =	simm.s32 $0x8;
	s15 =	sor.u32 $0x8000, s15;
	[tilespmem:s17+$0x1830 ss:$0x81] =	vst.msk $0xffff, v6;
	v1 =	vld [tilespmem:s16+$0x30]  }
.LBB1_3:
0x3f: {  	p1 =	sne.s32 s20, $0x1FC;
	v5 =	vld [tilespmem:s16+$0xFFFFFFD0];
	[tilespmem:s17+$0x2040 ss:$0x81] =	vst.msk $0xffff, v4  }
0x40: {  	v6 =	vld [tilespmem:s16+$0xFFFFFFE0];
	[tilespmem:s17+$0x2850 ss:$0x81] =	vst.msk $0xffff, v3  }
0x41: {  	s21 =	sshra.s32 s19, $0x2;
	s19 =	smov.u32 s20;
	v7 =	vld [tilespmem:s16+$0xFFFFFFF0];
	[tilespmem:s17+$0x3060 ss:$0x81] =	vst.msk $0xffff, v2  }
.Ltmp3:
0x42: {  	v4 =	vld [tilespmem:s16+$0x0];
	[tilespmem:s17+$0x0 ss:$0x81] =	vst.msk $0xffff, v0;
	s17 =	sadd.s32 s21, s18;
	(pc) =	sbr.rel @p1 .LBB1_3-.Ltmp3, $4  }
0x43: {  	v3 =	vld [tilespmem:s16+$0x10];
	[tilespmem:s17+$0x3870 ss:$0x81] =	vst.msk $0xffff, v1  }
0x44: {  	[tilespmem:s17+$0x810 ss:$0x81] =	vst.msk $0xffff, v5;
	v2 =	vld [tilespmem:s16+$0x20]  }
0x45: {  	v0 =	vld [tilespmem:s16+$0xFFFFFFC0];
	[tilespmem:s17+$0x1020 ss:$0x81] =	vst.msk $0xffff, v6;
	s16 =	sadd.s32 $0x80, s16  }
0x46: {  	s20 =	sadd.s32 $0x4, s20;
	v1 =	vld [tilespmem:s16+$0x30];
	[tilespmem:s17+$0x1830 ss:$0x81] =	vst.msk $0xffff, v7  }
0x47: {  	s20 =	sshll.u32 s8, $0x7;
	s21 =	sshll.u32 s9, $0x3;
	s19 =	sshra.s32 s19, $0x2  }
0x48: {  	v5 =	vld [tilespmem:s16+$0xFFFFFFD0];
	[tilespmem:s17+$0x2040 ss:$0x81] =	vst.msk $0xffff, v4;
	p1 =	sgt.s32 s8, $0xF41C0;
	s22 =	sand.u32 $0xFFFFFC00, s20;
	s21 =	sand.u32 $0xFFFFFC00, s21  }
0x49: {  	v58 =	vld [tilespmem:s16+$0xFFFFFFE0];
	s24 =	sshra.s32 s8, $0x1F;
	s20 =	sand.u32 $0x380, s20;
	[tilespmem:s17+$0x2850 ss:$0x81] =	vst.msk $0xffff, v3;
	s21 =	sadd.s32 s21, s22  }
0x4a: {  	v59 =	vld [tilespmem:s16+$0xFFFFFFF0];
	s26 =	ssub.s32 $0x0, s9;
	s18 =	sadd.s32 s19, s18;
	[tilespmem:s17+$0x3060 ss:$0x81] =	vst.msk $0xffff, v2;
	s23 =	sor.u32 s20, s21  }
0x4b: {  	v60 =	vld [tilespmem:s16+$0x0];
	s28 =	smin.u32 s9, s26;
	s20 =	smov.u32 s8;
	[tilespmem:s17+$0x0 ss:$0x81] =	vst.msk $0xffff, v0;
	s19 =	sshrl.u32 s23, $0x7  }
0x4c: {  	v61 =	vld [tilespmem:s16+$0x10];
	s21 =	sand.u32 s24, s8;
	s20 =	simm.s32 @!p1 $0xF41C0;
	[tilespmem:s18+$0x3870 ss:$0x81] =	vst.msk $0xffff, v1;
	s25 =	smulhi.u32 $0x218DEF5, s19  }
0x4d: {  	v62 =	vld [tilespmem:s16+$0x20];
	s29 =	sshrl.u32 s9, $0x3;
	p2 =	sgt.s32 s28, $0x7F;
	s20 =	ssub.s32 s20, s21;
	[tilespmem:s18+$0x810 ss:$0x81] =	vst.msk $0xffff, v5  }
0x4e: {  	v63 =	vld [tilespmem:s16+$0xFFFFFFC0];
	[tilespmem:s18+$0x1020 ss:$0x81] =	vst.msk $0xffff, v58;
	s21 =	sadd.s32 $0xFFF0BE40, s20;
	s20 =	ssub.s32 $0xF4240, s20;
	s17 =	sshrl.u32 s25, $0xD  }
0x4f: {  	[tilespmem:s18+$0x1830 ss:$0x81] =	vst.msk $0xffff, v59;
	p1 =	sgt.s32 s21, $0x7F;
	s27 =	smul.u32 $0xF4240, s17;
	s17 =	ssub.s32 $0x80, s28  }
.Ltmp4:
0x50: {  	[tilespmem:s18+$0x2040 ss:$0x81] =	vst.msk $0xffff, v60;
	s20 =	simm.s32 @p1 $0x0;
	s17 =	simm.s32 @p2 $0x0;
	(pc) =	sbr.rel .LBB1_5-.Ltmp4, $4  }
0x51: {  	s30 =	sand.u32 $0xF, s29;
	[tilespmem:s18+$0x2850 ss:$0x81] =	vst.msk $0xffff, v61;
	s16 =	ssub.s32 s19, s27;
	s17 =	smul.u32 s17, s20  }
0x52: {  	[tilespmem:s18+$0x3060 ss:$0x81] =	vst.msk $0xffff, v62;
	s19 =	sadd.s32 s4, s30;
	s16 =	sshll.u32 s16, $0x4  }
0x53: {  	s31 =	sand.u32 $0x7, s9;
	[tilespmem:s18+$0x0 ss:$0x81] =	vst.msk $0xffff, v63;
	s17 =	sand.u32 $0x3FFFFFFF, s17;
	s16 =	sadd.s32 s16, s19  }
0x54: {  	[hbm4b:s16+s31] =	stream.linear.scatter [tilespmem:s15], [sflag:$0x2], s17, $0x20;
	[tilespmem:$0x10100] =	vst v63  }
.LBB1_6:
0x55: {  	_ =	sfence.sel $0x180000  }
0x56: {  	s2 =	simm.s32 $0x1;
	[bflag:$0x0] =	sbarrier.arrive $0xFFFF  }
0x57: {  	s31 =	simm.s32 $0x2;
	[sflag:s2] =	ssyncpa.u1 $0x1  }
0x58: {  	[sflag:s31] =	ssyncpa.u1 $0x1  }
0x59: {  	p0 =	sne.s32 s1, $0x0;
	_ =	strace $0x90000047  }
0x5a: {  	s0 =	sadd.s32 @!p0 $0x100000, s0;
	[bflag:$0x2] =	sbarrier.arrive $0xFFFF  }
0x5b: {  	[sflag:s0] =	ssyncadd.tile.s32 @!p0 $0x1;
	_ =	shalt  }
.Lfunc_end1:
_tile_overlayer_lowered:
.L_overlay_start_2:
0x5c: {  	(tag) =	ssettag $0x2  }
0x5d: {  	s0 =	rddreg [dreg:$0x0];
	s2 =	stileid.u32  }
0x5e: {  	s1 =	rddreg [dreg:$0x1];
	p0 =	sne.s32 s2, $0x0  }
0x5f: {  	s3 =	rddreg [dreg:$0x2];
	[bflag:$0x3] =	sbarrier.arrive $0xFFFF;
	s2 =	simm.s32 @!p0 $0x1C01  }
0x60: {  	[timem:s3], [sflag:s2] =	dma.local @!p0 [hbm:s0], s1  }
0x61: {  	s0 =	simm.s32 @!p0 $0x1  }
0x62: {  	_ =	swait.ge @!p0 [sflag:s0], s1  }
0x63: {  	s1 =	ssub.s32 @!p0 $0x0, s1;
	[sflag:s0] =	ssyncset.done @!p0 $0x0  }
0x64: {  	[sflag:s0] =	ssyncadd.s32 @!p0 s1  }
0x65: {  	[bflag:$0x3] =	sbarrier.arrive $0xFFFF  }
0x66: {  	_ =	shalt  }

// kernel: sparse-core-data-format-call.cloned.1.call-start
scs
called_computation_lowered:
.L_overlay_start_0:
0x0: {  	s2 =	sld [smem:$0x3FD9]  }
0x1: {  	s3 =	sld [smem:$0x3FFE];
	_ =	sdelay $0x1  }
0x2: {  	s1 =	srdreg.scid  }
0x3: {  	s0 =	sand.u32 $0x1, s1  }
0x4: {  	s18 =	sshll.u32 s0, $0xA;
	s2 =	sadd.s32 s3, s2  }
0x5: {  	s2 =	sadd.s32 s2, s18  }
0x6: {  	[smem:$0x3FC6] =	sst s2  }
0x7: {  	_ = 	snop  }
0x8: {  	s2 =	sld [smem:$0x3FD0];
	(tm) =	ssettm $0x1  }
0x9: {  	s19 =	sld [smem:$0x3FFB];
	_ =	sdelay $0x3  }
0xa: {  	_ =	strace s19  }
0xb: {  	s3 =	sld [smem:$0x3FFC];
	_ =	sdelay $0x3  }
0xc: {  	_ =	strace s3  }
0xd: {  	s3 =	sld [smem:$0x3FFD];
	_ =	sdelay $0x3  }
0xe: {  	_ =	strace s3  }
0xf: {  	_ =	strace $0x8FFFFFFF  }
0x10: {  	s20 =	sld [smem:$0x3FDB];
	_ =	sdelay $0x1  }
0x11: {  	s4 =	simm.s32 $_scs_section_size  }
0x12: {  	s5 =	simm.s32 $_size__tile_overlayer_lowered;
	s6 =	simm.s32 $_tile_overlayer_lowered  }
0x13: {  	s23 =	simm.s32 $0x1BFF;
	s22 =	sshll.u32 s6, $0x1;
	s3 =	sadd.s32 s4, s20  }
0x14: {  	s7 =	simm.s32 $0x0;
	s21 =	sshll.u32 s5, $0x1;
	s5 =	sadd.s32 s22, s3  }
0x15: {  	[timem:s7], [sflag:s23] =	dma.local [hbm:s5], s21  }
0x16: {  	_ =	swait.ge [sflag:s23], s21  }
0x17: {  	s4 =	ssub.s32 $0x0, s21;
	[sflag:s23] =	ssyncset.done $0x0  }
0x18: {  	[sflag:s23] =	ssyncadd.s32 s4;
	_ =	sdelay $0x1  }
0x19: {  	s24 =	simm.s32 $0x1B8B  }
0x1a: {  	_ =	swait.ge [sflag:s24], $0x1  }
0x1b: {  	[sflag:s24] =	ssyncset.done $0x0  }
0x1c: {  	s26 =	simm.s32 $0x1B8E;
	s25 =	sld [smem:$0x3FFE];
	[sflag:s24] =	ssyncadd.s32 $0xFFFFFFFF  }
0x1d: {  	s27 =	simm.s32 $execute0_lowered;
	[smem:$0x3FD2] =	sst s26  }
0x1e: {  	s5 =	sshll.u32 s27, $0x1;
	_ =	strace $0x8000004C;
	[dreg:$0x1] =	wrdreg $0xFFFFFFFF  }
0x1f: {  	s28 =	simm.s32 $_size_execute0_lowered;
	s3 =	sadd.s32 s3, s5;
	[dreg:$0x0] =	wrdreg $0x0  }
0x20: {  	s5 =	sshll.u32 s28, $0x1;
	[dreg:$0x2] =	wrdreg s3  }
0x21: {  	[dreg:$0x3] =	wrdreg s5  }
0x22: {  	[dreg:$0x4] =	wrdreg $0xC0  }
0x23: {  	_ =	task [dreg:s7], $0x5FFFF  }
0x24: {  	[dreg:$0x1] =	wrdreg $0xFFFFFFFF  }
0x25: {  	[dreg:$0x0] =	wrdreg $0x60  }
0x26: {  	[dreg:$0x2] =	wrdreg s25  }
0x27: {  	[dreg:$0x3] =	wrdreg s2  }
0x28: {  	[dreg:$0x4] =	wrdreg $0x9  }
0x29: {  	_ =	task.clear_ibuf [dreg:s7], $0x5FFFF;
	_ =	strace $0x9000004C  }
0x2a: {  	s29 =	simm.s32 $0x9;
	_ =	strace $0x8000004E  }
0x2b: {  	_ =	swait.ge [sflag:s29], $0x1  }
0x2c: {  	[sflag:s29] =	ssyncadd.s32 $0xFFFFFFFF  }
0x2d: {  	_ =	strace $0x9000004E  }
0x2e: {  	_ =	sfence  }
0x2f: {  	s30 =	sld [smem:$0x0];
	_ =	sdelay $0x2  }
0x30: {  	s31 =	sshll.u32 s1, $0xD;
	s1 =	sshrl.u32 s1, $0x2  }
0x31: {  	s3 =	sand.u32 $0x4000, s31;
	s1 =	sadd.s32 s1, s30  }
0x32: {  	s0 =	sor.u32 s3, s0;
	s1 =	sshll.u32 s1, $0x11  }
0x33: {  	s0 =	sor.u32 s1, s0  }
0x34: {  	s0 =	sadd.s32 $0x8F2B, s0  }
0x35: {  	[sflag:s0] =	ssyncadd.remote.s32 $0x1  }
0x36: {  	_ =	sfence.sel $0xFFFF  }
0x37: {  	[dreg:$0x0] =	wrdreg $0xFFFFFFFF;
	(pc) =	sbr.abs _section_cstart, $3  }
0x38: {  	[dreg:$0x1] =	wrdreg $0xFFFFFFFF  }
0x39: {  	_ =	task.clear_ibuf [dreg:s7], $0x2FFFF;
	_ =	strace $0x9FFFFFFF  }
0x3a: {  	(tm) =	ssettm $0x7FFFFFFF  }
0x3b: {  	_ =	shalt  }
tec
execute0_lowered:
.L_overlay_start_1:
0x0: {  	(tag) =	ssettag $0x1  }
0x1: {  	s0 =	srdreg.scid  }
0x2: {  	s1 =	sshll.u32 s0, $0x4  }
0x3: {  	s0 =	stileid.u32;
	s1 =	sand.u32 $0x10, s1  }
0x4: {  	s1 =	sor.u32 s0, s1  }
0x5: {  	s6 =	rddreg [dreg:$0x0];
	s4 =	simm.s32 $0x1;
	s2 =	sshll.u32 s1, $0x7  }
0x6: {  	s7 =	simm.s32 $0x2;
	s12 =	simm.s32 $0x0;
	s1 =	ssub.s32 $0x4000, s2  }
0x7: {  	s8 =	simm.s32 $0x20000;
	s13 =	simm.s32 $0x0;
	s3 =	sand.u32 $0xF80, s1  }
0x8: {  	s9 =	simm.s32 $0x0;
	s5 =	sshrl.u32 s1, $0xC;
	p0 =	sne.s32 s3, $0x0  }
.Ltmp0:
0x9: {  	s1 =	rddreg [dreg:$0x2];
	s4 =	simm.s32 @!p0 $0x0;
	(pc) =	sbr.rel .LBB1_1-.Ltmp0, $4  }
0xa: {  	s11 =	simm.s32 $0x0;
	s3 =	rddreg [dreg:$0x1];
	s5 =	sadd.s32 s4, s5  }
0xb: {  	_ =	strace $0x8000004D;
	s4 =	simm.s32 $0x1;
	s5 =	smul.u32 $0x32, s5  }
0xc: {  	s6 =	sadd.s32 $0xE00, s6;
	s10 =	smov.u32 s2;
	[sflag:s4] =	ssyncpa.u1 $0x0  }
0xd: {  	p0 =	por $0x0, $0x0;
	[sflag:s7] =	ssyncpa.u1 $0x0;
	s7 =	sor.u32 $0x1, s5  }
.LBB1_4:
0xe: {  	s16 =	sshll.u32 s13, $0x3;
	s17 =	sand.u32 $0x78, s13  }
0xf: {  	s30 =	sand.u32 $0x1F800, s13;
	s12 =	sshll.u32 s12, $0x11;
	s16 =	sand.u32 $0x3C00, s16  }
0x10: {  	[tilespmem:s15+$0x810 ss:$0x81] =	vst.msk $0xffff, v2;
	s31 =	sand.u32 $0x7, s13;
	s16 =	sor.u32 s17, s16;
	s17 =	sadd.s32 s3, s30  }
0x11: {  	[tilespmem:s15+$0x1020 ss:$0x81] =	vst.msk $0xffff, v0;
	s13 =	sshll.u32 s31, $0x12;
	s12 =	sadd.s32 s12, s17;
	s16 =	sshrl.u32 s16, $0x3  }
0x12: {  	[tilespmem:s15+$0x0 ss:$0x81] =	vst.msk $0xffff, v1;
	s13 =	sor.u32 $0x400, s13;
	s12 =	sadd.s32 s16, s12  }
0x13: {  	[hbm4b:s12+s13] =	stream.strided.scatter [tilespmem:s14], [sflag:$0x2], $0x2000, s8, s13, $0x20;
	[tilespmem:$0x8080] =	vst v63  }
.LBB1_5:
0x14: {  	s14 =	sadd.s32 $0x1, s9  }
0x15: {  	s12 =	sadd.s32 $0x1000, s10;
	s16 =	smov.u32 s10;
	p2 =	sgt.s32 s14, $0x31  }
0x16: {  	s16 =	smov.u32 @p2 s12  }
0x17: {  	s14 =	simm.s32 @p2 $0x0;
	p2 =	sgt.s32 s16, $0x3FFF  }
0x18: {  	s16 =	smov.u32 @p2 s2;
	p2 =	sne.s32 s11, s7  }
.Ltmp1:
0x19: {  	p1 =	slt.u32 s11, $0x2;
	(pc) =	sbr.rel @!p2 .LBB1_6-.Ltmp1, $4  }
0x1a: {  	s15 =	simm.s32 @!p1 $0x2  }
0x1b: {  	s13 =	smov.u32 s10;
	p0 =	por !p0, !p0;
	_ =	swait.ge @!p1 [sflag:s15], $0x2000  }
0x1c: {  	s12 =	smov.u32 s9;
	[sflag:s15] =	ssyncset.done @!p1 $0x0;
	s9 =	smov.u32 s14  }
0x1d: {  	s11 =	sadd.s32 $0x1, s11;
	[sflag:s15] =	ssyncadd.s32 @!p1 $0xFFFFE000;
	s10 =	smov.u32 s16  }
.LBB1_1:
0x1e: {  	p1 =	sge.u32 s11, s5  }
0x1f: {  	s14 =	sand.u32 @!p1 $0x1FFFFFF, s9  }
0x20: {  	s15 =	smulhi.u32 @!p1 $0x4924925, s14;
	_ =	sdelay $0x1  }
0x21: {  	s15 =	smul.u32 @!p1 $0x38, s15  }
0x22: {  	s16 =	sxor.u32 @!p1 $0xFFFFFFFF, s11;
	s17 =	smul.u32 @!p1 $0x380, s10  }
0x23: {  	s31 =	sadd.s32 $0xFFFFFFFF, s11;
	s16 =	sshll.u32 @!p1 s16, $0xD;
	s14 =	ssub.s32 @!p1 s14, s15  }
0x24: {  	s15 =	sand.u32 @!p1 $0x2000, s16;
	s16 =	sadd.s32 @!p1 s6, s17;
	s14 =	sshll.u32 @!p1 s14, $0x4  }
0x25: {  	s17 =	simm.s32 @!p1 $0x1C00;
	s14 =	sadd.s32 @!p1 s14, s16;
	s16 =	simm.s32 @!p1 $0x40  }
0x26: {  	[tilespmem:s15], [sflag:$0x1] =	stream.strided.gather @!p1 [hbm4b:s14+s16], $0x2000, s17, s16, $0x38;
	[tilespmem:$0x8080] =	vst v63  }
0x27: {  	p1 =	sge.u32 s31, s5  }
.Ltmp2:
0x28: {  	_ = 	snop;
	(pc) =	sbr.rel @p1 .LBB1_5-.Ltmp2, $1  }
0x29: {  	_ =	sdelay $0x3  }
0x2a: {  	s14 =	simm.s32 $0x1  }
0x2b: {  	_ =	swait.ge [sflag:s4], $0x2000;
	s14 =	simm.s32 @!p0 $0x0  }
0x2c: {  	[sflag:s4] =	ssyncset.done $0x0;
	s15 =	sshll.u32 s14, $0xD  }
0x2d: {  	[sflag:s4] =	ssyncadd.s32 $0xFFFFE000;
	s18 =	sor.u32 $0x20, s15  }
0x2e: {  	s14 =	smul.u32 $0x8100, s14;
	v3 =	vld [tilespmem:s18+$0x10]  }
0x2f: {  	s30 =	sand.u32 $0x1, s11;
	v2 =	vld [tilespmem:s18+$0xFFFFFFF0]  }
0x30: {  	s15 =	smul.u32 $0x8100, s30;
	s14 =	sshrl.u32 s14, $0x2;
	v0 =	vld [tilespmem:s18+$0x0]  }
0x31: {  	v1 =	vld [tilespmem:s18+$0xFFFFFFE0];
	s16 =	sor.u32 $0x4000, s14  }
0x32: {  	s31 =	sshrl.u32 s15, $0x2;
	s15 =	sadd.s32 $0x0, s16  }
0x33: {  	s17 =	simm.s32 $0x4;
	s18 =	sadd.s32 $0x40, s18;
	s14 =	sor.u32 $0x4000, s31;
	[tilespmem:s15+$0x1830 ss:$0x81] =	vst.msk $0xffff, v3  }
.LBB1_3:
0x34: {  	v3 =	vld [tilespmem:s18+$0x10];
	p1 =	sne.s32 s17, $0x1FC;
	[tilespmem:s15+$0x810 ss:$0x81] =	vst.msk $0xffff, v2;
	s19 =	smov.u32 s17;
	s17 =	sadd.s32 $0x4, s17  }
.Ltmp3:
0x35: {  	v2 =	vld [tilespmem:s18+$0xFFFFFFF0];
	[tilespmem:s15+$0x1020 ss:$0x81] =	vst.msk $0xffff, v0;
	(pc) =	sbr.rel @p1 .LBB1_3-.Ltmp3, $4  }
0x36: {  	v0 =	vld [tilespmem:s18+$0x0];
	[tilespmem:s15+$0x0 ss:$0x81] =	vst.msk $0xffff, v1  }
0x37: {  	s15 =	sshra.s32 s19, $0x2;
	v1 =	vld [tilespmem:s18+$0xFFFFFFE0]  }
0x38: {  	s15 =	sadd.s32 s15, s16  }
0x39: {  	s18 =	sadd.s32 $0x40, s18;
	[tilespmem:s15+$0x1830 ss:$0x81] =	vst.msk $0xffff, v3  }
.Ltmp4:
0x3a: {  	_ = 	snop;
	(pc) =	sbr.rel .LBB1_4-.Ltmp4, $1  }
0x3b: {  	_ =	sdelay $0x3  }
.LBB1_6:
0x3c: {  	_ =	sfence.sel $0x180000  }
0x3d: {  	s2 =	simm.s32 $0x1;
	[bflag:$0x0] =	sbarrier.arrive $0xFFFF  }
0x3e: {  	s31 =	simm.s32 $0x2;
	[sflag:s2] =	ssyncpa.u1 $0x1  }
0x3f: {  	[sflag:s31] =	ssyncpa.u1 $0x1  }
0x40: {  	p0 =	sne.s32 s0, $0x0;
	_ =	strace $0x9000004D  }
0x41: {  	s0 =	sadd.s32 @!p0 $0x100000, s1;
	[bflag:$0x2] =	sbarrier.arrive $0xFFFF  }
0x42: {  	[sflag:s0] =	ssyncadd.tile.s32 @!p0 $0x1;
	_ =	shalt  }
.Lfunc_end1:
_tile_overlayer_lowered:
.L_overlay_start_2:
0x43: {  	(tag) =	ssettag $0x2  }
0x44: {  	s0 =	rddreg [dreg:$0x0];
	s2 =	stileid.u32  }
0x45: {  	s1 =	rddreg [dreg:$0x1];
	p0 =	sne.s32 s2, $0x0  }
0x46: {  	s3 =	rddreg [dreg:$0x2];
	[bflag:$0x3] =	sbarrier.arrive $0xFFFF;
	s2 =	simm.s32 @!p0 $0x1C01  }
0x47: {  	[timem:s3], [sflag:s2] =	dma.local @!p0 [hbm:s0], s1  }
0x48: {  	s0 =	simm.s32 @!p0 $0x1  }
0x49: {  	_ =	swait.ge @!p0 [sflag:s0], s1  }
0x4a: {  	s1 =	ssub.s32 @!p0 $0x0, s1;
	[sflag:s0] =	ssyncset.done @!p0 $0x0  }
0x4b: {  	[sflag:s0] =	ssyncadd.s32 @!p0 s1  }
0x4c: {  	[bflag:$0x3] =	sbarrier.arrive $0xFFFF  }
0x4d: {  	_ =	shalt  }

</sc_bundles>
